<compile_context>
chip_gen: v7x
topology: tpu7x:2x2x1
jax: 0.10.2.dev20260603
libtpu: 0.0.44.dev20260713+nightly
codegen_flags: <defaults>
</compile_context>

<pallas_src>
import functools

import jax
import jax.numpy as jnp
from jax import lax
from jax.experimental import pallas as pl
from jax.experimental.pallas import tpu as pltpu
from jax.experimental.pallas import tpu_sc as plsc

_NC = 2
_NS = 16
_K = 125
_INNER = 20


def _pad_n(n):
    return ((n + _NS - 1) // _NS) * _NS


def _dotT(a, b):
    return lax.dot_general(a, b, (((1,), (1,)), ((), ())),
                           precision=lax.Precision.HIGHEST,
                           preferred_element_type=jnp.float32)


@functools.lru_cache(maxsize=None)
def _sc_gather_g(n, e, d):
    nw = _NC * _NS
    ew = e // nw
    npad = _pad_n(n)
    rows_per_tile = npad // _NS
    outer = ew // (_INNER * _K)
    idx_rows_per_worker = ew // _K

    mesh = plsc.VectorSubcoreMesh(core_axis_name="c", subcore_axis_name="s")

    @functools.partial(
        pl.kernel,
        mesh=mesh,
        compiler_params=pltpu.CompilerParams(use_tc_tiling_on_sc=False),
        out_type=[jax.ShapeDtypeStruct((_NC, npad, d), jnp.float32)],
        scratch_types=[
            pltpu.VMEM((2, _K, d), jnp.float32),
            pltpu.VMEM((_INNER, _K), jnp.int32),
            pltpu.VMEM((_INNER, _K), jnp.int32),
            pltpu.VMEM_SHARED((npad, d), jnp.float32),
            pltpu.SemaphoreType.DMA,
            pltpu.SemaphoreType.DMA,
        ],
    )
    def g_kernel(atom_hbm, sidx_hbm, nidx_hbm, zd_hbm, g2_out,
                 rows_v, sidx_v, nidx_v, gacc, sem0, sem1):
        cid = lax.axis_index("c")
        sid = lax.axis_index("s")
        wid = sid * _NC + cid
        r0 = sid * rows_per_tile
        pltpu.sync_copy(zd_hbm.at[pl.ds(r0, rows_per_tile), :],
                        gacc.at[pl.ds(r0, rows_per_tile), :])
        plsc.subcore_barrier()

        base_row = wid * idx_rows_per_worker
        sems = (sem0, sem1)

        def body(o, carry):
            pltpu.sync_copy(sidx_hbm.at[pl.ds(base_row + o * _INNER,
                                              _INNER), :], sidx_v)
            pltpu.sync_copy(nidx_hbm.at[pl.ds(base_row + o * _INNER,
                                              _INNER), :], nidx_v)
            pending = pltpu.async_copy(atom_hbm.at[nidx_v.at[0]],
                                       rows_v.at[0], sems[0])
            for j in range(_INNER):
                b = j & 1
                pending.wait()
                if j + 1 < _INNER:
                    pending = pltpu.async_copy(atom_hbm.at[nidx_v.at[j + 1]],
                                               rows_v.at[1 - b],
                                               sems[1 - b])
                pltpu.sync_copy(rows_v.at[b], gacc.at[sidx_v.at[j]],
                                add=True)
            return carry

        lax.fori_loop(0, outer, body, 0)
        plsc.subcore_barrier()
        pltpu.sync_copy(gacc.at[pl.ds(r0, rows_per_tile), :],
                        g2_out.at[cid, pl.ds(r0, rows_per_tile), :])

    return g_kernel


_KB = 200
_INNERB = 10


@functools.lru_cache(maxsize=None)
def _sc_scatter_dr(n, e, de):
    nw = _NC * _NS
    ew = e // nw
    npad = _pad_n(n)
    rows_per_tile = npad // _NS
    chunk = _INNERB * _KB
    outer = ew // chunk
    w = 2 * de

    mesh = plsc.VectorSubcoreMesh(core_axis_name="c", subcore_axis_name="s")

    @functools.partial(
        pl.kernel,
        mesh=mesh,
        compiler_params=pltpu.CompilerParams(use_tc_tiling_on_sc=False),
        out_type=[
            jax.ShapeDtypeStruct((_NC, npad, w), jnp.float32),
            jax.ShapeDtypeStruct((_NC, npad, w), jnp.float32),
        ],
        scratch_types=[
            pltpu.VMEM((2, _KB, w), jnp.float32),
            pltpu.VMEM((chunk,), jnp.int32),
            pltpu.VMEM((chunk,), jnp.int32),
            pltpu.VMEM_SHARED((npad, w), jnp.float32),
            pltpu.VMEM_SHARED((npad, w), jnp.float32),
            pltpu.SemaphoreType.DMA,
            pltpu.SemaphoreType.DMA,
            pltpu.SemaphoreType.DMA,
            pltpu.SemaphoreType.DMA,
        ],
    )
    def dr_kernel(dist_hbm, sidx_hbm, nidx_hbm, zw_hbm, dc2_out, rc2_out,
                  d32_v, sidx_v, nidx_v, dacc, racc, sem0, sem1, ssem1,
                  ssem2):
        cid = lax.axis_index("c")
        sid = lax.axis_index("s")
        wid = sid * _NC + cid
        r0 = sid * rows_per_tile
        pltpu.sync_copy(zw_hbm.at[pl.ds(r0, rows_per_tile), :],
                        dacc.at[pl.ds(r0, rows_per_tile), :])
        pltpu.sync_copy(zw_hbm.at[pl.ds(r0, rows_per_tile), :],
                        racc.at[pl.ds(r0, rows_per_tile), :])
        onev = jnp.where(lax.iota(jnp.int32, de) == 0,
                         jnp.float32(1.0), jnp.float32(0.0))

        def _setone(r, carry):
            d32_v[0, r, pl.ds(de, de)] = onev
            d32_v[1, r, pl.ds(de, de)] = onev
            return carry

        lax.fori_loop(0, _KB, _setone, 0)
        plsc.subcore_barrier()

        edge_base = wid * ew
        sems = (sem0, sem1)

        def body(o, carry):
            eb = edge_base + o * chunk
            pltpu.sync_copy(sidx_hbm.at[pl.ds(eb, chunk)], sidx_v)
            pltpu.sync_copy(nidx_hbm.at[pl.ds(eb, chunk)], nidx_v)
            pending = pltpu.async_copy(
                dist_hbm.at[pl.ds(eb, _KB), :],
                d32_v.at[0, :, pl.ds(0, de)], sems[0])
            for j in range(_INNERB):
                b = j & 1
                pending.wait()
                if j + 1 < _INNERB:
                    pending = pltpu.async_copy(
                        dist_hbm.at[pl.ds(eb + (j + 1) * _KB, _KB), :],
                        d32_v.at[1 - b, :, pl.ds(0, de)], sems[1 - b])
                s1 = pltpu.async_copy(
                    d32_v.at[b], dacc.at[sidx_v.at[pl.ds(j * _KB, _KB)]],
                    ssem1, add=True)
                s2 = pltpu.async_copy(
                    d32_v.at[b], racc.at[nidx_v.at[pl.ds(j * _KB, _KB)]],
                    ssem2, add=True)
                s1.wait()
                s2.wait()
            return carry

        lax.fori_loop(0, outer, body, 0)
        plsc.subcore_barrier()
        pltpu.sync_copy(dacc.at[pl.ds(r0, rows_per_tile), :],
                        dc2_out.at[cid, pl.ds(r0, rows_per_tile), :])
        pltpu.sync_copy(racc.at[pl.ds(r0, rows_per_tile), :],
                        rc2_out.at[cid, pl.ds(r0, rows_per_tile), :])

    return dr_kernel


def _xtx_body(x_ref, o_ref):
    @pl.when(pl.program_id(0) == 0)
    def _init():
        o_ref[...] = jnp.zeros_like(o_ref)

    x = x_ref[...]
    o_ref[...] += lax.dot_general(x, x, (((0,), (0,)), ((), ())),
                                  precision=lax.Precision.HIGHEST,
                                  preferred_element_type=jnp.float32)


def _xtx(x):
    rows = x.shape[0]
    blk = 4000
    grid = rows // blk
    return pl.pallas_call(
        _xtx_body,
        grid=(grid,),
        in_specs=[pl.BlockSpec((blk, 128), lambda i: (i, 0))],
        out_specs=pl.BlockSpec((128, 128), lambda i: (0, 0)),
        out_shape=jax.ShapeDtypeStruct((128, 128), jnp.float32),
    )(x)


def _stats_body(de, g2_ref, dc2_ref, rc2_ref, atom_ref, w1_ref, w2_ref,
                b2_ref, s6_ref, sd_ref):
    i = pl.program_id(0)
    G = g2_ref[0] + g2_ref[1]
    DC = dc2_ref[0] + dc2_ref[1]
    RC = rc2_ref[0] + rc2_ref[1]
    cnt = DC[:, de:de + 1]
    atom = atom_ref[...]
    d = atom.shape[1]
    W1 = w1_ref[...]
    W1a = W1[:, :d]
    W1b = W1[:, d:]
    safe = cnt > 0.5
    node = _dotT(jnp.where(safe, atom, 0.0), w2_ref[...]) + b2_ref[...]
    c = RC[:, de:de + 1]
    R = RC[:, :de]
    z = _dotT(atom, W1a)
    tR = _dotT(R, W1b)
    s = lambda x: jnp.sum(x, axis=0, keepdims=True)
    blk = jnp.concatenate(
        [s(G), s(c * z * z), s(z * tR), s(c * z), s(node),
         s(node * node)], axis=0)

    @pl.when(i == 0)
    def _():
        s6_ref[...] = blk
        sd_ref[...] = s(DC)

    @pl.when(i != 0)
    def _():
        s6_ref[...] += blk
        sd_ref[...] += s(DC)


def _apply_body(e_edges, n_nodes, de, g2_ref, dc2_ref, atom_ref, xtx_ref,
                s6_ref, sd_ref, w1_ref, b1_ref, g1_ref, be1_ref, w2_ref,
                b2_ref, g2v_ref, be2_ref, out_ref):
    ef = jnp.float32(e_edges)
    G = g2_ref[0] + g2_ref[1]
    DC = dc2_ref[0] + dc2_ref[1]
    cnt = DC[:, de:de + 1]
    atom = atom_ref[...]
    d = atom.shape[1]
    W1 = w1_ref[...]
    W1a = W1[:, :d]
    W1b = W1[:, d:]
    b1 = b1_ref[...]
    g1 = g1_ref[...]
    be1 = be1_ref[...]
    g2v = g2v_ref[...]
    be2 = be2_ref[...]
    safe = cnt > 0.5
    node = _dotT(jnp.where(safe, atom, 0.0), w2_ref[...]) + b2_ref[...]

    Gs = s6_ref[0:1, :]
    Ds = sd_ref[:, :de]
    rdot = lambda v, W: jnp.sum(W * v, axis=1)[None, :]
    m1 = (rdot(Gs, W1a) + rdot(Ds, W1b)) / ef + b1

    xtx = xtx_ref[...]
    dd = jnp.zeros((de, de), jnp.float32)
    for k in range(128 // de):
        dd = dd + xtx[k * de:(k + 1) * de, k * de:(k + 1) * de]
    Wdd = jnp.dot(W1b, dd, precision=lax.Precision.HIGHEST,
                  preferred_element_type=jnp.float32)
    tt = jnp.sum(Wdd * W1b, axis=1)[None, :]

    q = (s6_ref[1:2, :]
         + 2.0 * s6_ref[2:3, :]
         + 2.0 * b1 * s6_ref[3:4, :]
         + tt
         + 2.0 * b1 * rdot(Ds, W1b)
         + ef * b1 * b1)
    v1 = q / ef - m1 * m1
    scale1 = g1 * lax.rsqrt(v1 + 1e-5)

    Dsum = DC[:, :de]
    inv = 1.0 / jnp.maximum(cnt, 1.0)
    M1 = _dotT(G * inv, W1a) + _dotT(Dsum * inv, W1b) + b1
    fea = jnp.where(safe, (M1 - m1) * scale1 + be1, 0.0)

    nf = jnp.float32(n_nodes)
    m2 = s6_ref[4:5, :] / nf
    v2 = s6_ref[5:6, :] / nf - m2 * m2
    nb = (node - m2) * (g2v * lax.rsqrt(v2 + 1e-5)) + be2

    x = nb + fea
    out_ref[...] = jnp.maximum(x, 0.0) + jnp.log(
        1.0 + jnp.exp(-jnp.abs(x)))


def _finish(e_edges, de, g2, dc2, rc2, atom, xtx, W1, b1, g1, be1, W2, b2,
            g2v, be2):
    n, d = atom.shape
    bn = 2000
    nb = n // bn
    full = lambda shape: pl.BlockSpec(shape, lambda i: tuple(
        0 for _ in shape))
    blk3 = lambda w: pl.BlockSpec((2, bn, w), lambda i: (0, i, 0))
    rowblk = pl.BlockSpec((bn, d), lambda i: (i, 0))
    s6, sd = pl.pallas_call(
        functools.partial(_stats_body, de),
        grid=(nb,),
        in_specs=[blk3(d), blk3(2 * de), blk3(2 * de), rowblk,
                  full((d, d + de)), full((d, d)), full((1, d))],
        out_specs=[pl.BlockSpec((6, d), lambda i: (0, 0)),
                   pl.BlockSpec((1, 2 * de), lambda i: (0, 0))],
        out_shape=[jax.ShapeDtypeStruct((6, d), jnp.float32),
                   jax.ShapeDtypeStruct((1, 2 * de), jnp.float32)],
    )(g2, dc2, rc2, atom, W1, W2, b2)
    return pl.pallas_call(
        functools.partial(_apply_body, e_edges, n, de),
        grid=(nb,),
        in_specs=[
            blk3(d), blk3(2 * de), rowblk,
            full((128, 128)), full((6, d)), full((1, 2 * de)),
            full((d, d + de)), full((1, d)), full((1, d)), full((1, d)),
            full((d, d)), full((1, d)), full((1, d)), full((1, d)),
        ],
        out_specs=rowblk,
        out_shape=jax.ShapeDtypeStruct((n, d), jnp.float32),
    )(g2, dc2, atom, xtx, s6, sd, W1, b1, g1, be1, W2, b2, g2v, be2)


def kernel(atom_fea, nbr_dist_fea, nbr_adj_value, nbr_bond_type,
           self_fea_idx, nbr_fea_idx, ads_atom_idx,
           W1, b1, g1, be1, W2, b2, g2, be2):
    n, d = atom_fea.shape
    e, de = nbr_dist_fea.shape

    npad = _pad_n(n)
    sidx2 = self_fea_idx.reshape(e // _K, _K)
    nidx2 = nbr_fea_idx.reshape(e // _K, _K)
    zd = jnp.zeros((npad, d), jnp.float32)
    zw = jnp.zeros((npad, 2 * de), jnp.float32)

    (g2p,) = _sc_gather_g(n, e, d)(atom_fea, sidx2, nidx2, zd)
    dc2p, rc2p = _sc_scatter_dr(n, e, de)(
        nbr_dist_fea, self_fea_idx, nbr_fea_idx, zw)

    xtx = _xtx(nbr_dist_fea.reshape(e // 8, 8 * de))

    row = lambda v: v.reshape(1, d)
    return _finish(e, de, g2p, dc2p, rc2p, atom_fea, xtx, W1, row(b1),
                   row(g1), row(be1), W2, row(b2), row(g2), row(be2))

# --- scband reference (transcript-rebuilt; emitter-appended) ---
"""Pipeline reference for scband-conv-layer-6777458393320 (READ-ONLY COPY).

The authoritative reference and input builder live on the scoring server;
editing this copy changes nothing except your own understanding.
"""

import jax, jax.numpy as jnp
import numpy as np

N = 10000
E = 320000
D = 128
DE = 16


def _scatter_mean(data, idx, n):
    sums = jax.ops.segment_sum(data, idx, num_segments=n)
    cnt = jax.ops.segment_sum(jnp.ones((data.shape[0], 1), dtype=data.dtype), idx, num_segments=n)
    return sums / jnp.clip(cnt, 1.0)


def _batchnorm(x, gamma, beta, eps=1e-5):
    m = jnp.mean(x, axis=0)
    v = jnp.var(x, axis=0)
    return (x - m) / jnp.sqrt(v + eps) * gamma + beta


def setup_inputs(seed: int = 0) -> dict:
    key = jax.random.key(seed)
    ks = [jax.random.fold_in(key, i) for i in range(16)]
    atom_fea = jax.random.normal(ks[0], (N, D), dtype=jnp.float32)
    nbr_dist_fea = jax.random.normal(ks[1], (E, DE), dtype=jnp.float32)
    nbr_adj_value = jax.random.uniform(ks[2], (E,), dtype=jnp.float32)
    nbr_bond_type = jax.random.randint(ks[3], (N,), 0, 4, dtype=jnp.int64) if jax.config.jax_enable_x64 else jax.random.randint(ks[3], (N,), 0, 4, dtype=jnp.int32)
    self_fea_idx = jnp.sort(jax.random.randint(ks[4], (E,), 0, N, dtype=jnp.int32))
    nbr_fea_idx = jax.random.randint(ks[5], (E,), 0, N, dtype=jnp.int32)
    ads_atom_idx = jax.random.randint(ks[6], (N,), 0, N, dtype=jnp.int32)
    W1 = jax.random.normal(ks[7], (D, D + DE), dtype=jnp.float32) * 0.05
    b1 = jnp.zeros((D,), dtype=jnp.float32)
    W2 = jax.random.normal(ks[8], (D, D), dtype=jnp.float32) * 0.05
    b2 = jnp.zeros((D,), dtype=jnp.float32)
    g1 = jnp.ones((D,), dtype=jnp.float32)
    be1 = jnp.zeros((D,), dtype=jnp.float32)
    g2 = jnp.ones((D,), dtype=jnp.float32)
    be2 = jnp.zeros((D,), dtype=jnp.float32)
    return {
        "atom_fea": atom_fea,
        "nbr_dist_fea": nbr_dist_fea,
        "nbr_adj_value": nbr_adj_value,
        "nbr_bond_type": nbr_bond_type,
        "self_fea_idx": self_fea_idx,
        "nbr_fea_idx": nbr_fea_idx,
        "ads_atom_idx": ads_atom_idx,
        "W1": W1, "b1": b1, "g1": g1, "be1": be1,
        "W2": W2, "b2": b2, "g2": g2, "be2": be2,
    }


def reference(atom_fea, nbr_dist_fea, nbr_adj_value, nbr_bond_type, self_fea_idx, nbr_fea_idx, ads_atom_idx, W1, b1, g1, be1, W2, b2, g2, be2):
    # gather self and neighbor node features per edge
    atom_self_fea = atom_fea[self_fea_idx, :]
    atom_nbr_fea = atom_fea[nbr_fea_idx, :]
    # faithful to original: computed but unused downstream
    atom_bond_type = nbr_bond_type.reshape(-1, 1)[nbr_fea_idx, :].astype(jnp.float64) if jax.config.jax_enable_x64 else nbr_bond_type.reshape(-1, 1)[nbr_fea_idx, :].astype(jnp.float32)
    del atom_bond_type
    total_fea = jnp.concatenate([atom_nbr_fea, nbr_dist_fea], axis=1)
    total_fea = total_fea @ W1.T + b1
    total_fea = _batchnorm(total_fea, g1, be1)
    # computed but unused in original forward
    nbr_fea_mean = _scatter_mean(atom_nbr_fea, self_fea_idx, N)
    del nbr_fea_mean
    fea_summed = _scatter_mean(total_fea, self_fea_idx, N)
    node_summed = _scatter_mean(atom_self_fea, self_fea_idx, N)
    node_summed = node_summed @ W2.T + b2
    node_summed = _batchnorm(node_summed, g2, be2)
    out = jax.nn.softplus(node_summed + fea_summed)
    return out

if __name__ == "__main__":
    import jax
    _d = setup_inputs()
    print(jax.jit(kernel)(*tuple(_d.values())))

</pallas_src>

<mosaic_0001>
#map = affine_map<(d0, d1) -> (0, 0)>
#map1 = affine_map<(d0, d1) -> (0, 0, 0)>
module attributes {stable_mosaic.version = 14 : i64} {
  func.func @g_kernel(%arg0: i32, %arg1: i32, %arg2: memref<10000x128xf32, #tpu.memory_space<hbm>>, %arg3: memref<2560x125xi32, #tpu.memory_space<hbm>>, %arg4: memref<2560x125xi32, #tpu.memory_space<hbm>>, %arg5: memref<10000x128xf32, #tpu.memory_space<hbm>>, %arg6: memref<2x10000x128xf32, #tpu.memory_space<hbm>>, %arg7: memref<2x125x128xf32, #tpu.memory_space<vmem>>, %arg8: memref<20x125xi32, #tpu.memory_space<vmem>>, %arg9: memref<20x125xi32, #tpu.memory_space<vmem>>, %arg10: memref<10000x128xf32, #tpu.memory_space<vmem_shared>>, %arg11: memref<!tpu.dma_semaphore, #tpu.memory_space<semaphore_mem>>, %arg12: memref<!tpu.dma_semaphore, #tpu.memory_space<semaphore_mem>>) attributes {dimension_semantics = [#tpu.dimension_semantics<core_parallel>, #tpu.dimension_semantics<subcore_parallel>], iteration_bounds = array<i64: 2, 16>, scalar_prefetch = 0 : i64, scratch_operands = 6 : i64, tpu.core_type = #tpu.core_type<sc_vector_subcore>, window_params = [{transform_indices = #map}, {transform_indices = #map}, {transform_indices = #map}, {transform_indices = #map}, {transform_indices = #map1}]} {
    %mul3A = arith.constant 2 : i32
    %mul3A_0 = arith.muli %arg1, %mul3A : i32
    %add3A = arith.addi %mul3A_0, %arg0 : i32
    %mul3A_1 = arith.constant 625 : i32
    %mul3A_2 = arith.muli %arg1, %mul3A_1 : i32
    "tpu.region"() ({
      %run_scoped3A = tpu.sem_alloc : memref<!tpu.dma_semaphore, #tpu.memory_space<semaphore_mem>>
      %dma_start3A = arith.constant 0 : i32
      %dma_start3A_11 = tpu.memref_slice %arg10[%mul3A_2, %dma_start3A] : memref<10000x128xf32, #tpu.memory_space<vmem_shared>> -> memref<625x128xf32, #tpu.memory_space<vmem_shared>>
      %dma_start3A_12 = arith.constant 0 : i32
      %dma_start3A_13 = tpu.memref_slice %arg5[%mul3A_2, %dma_start3A_12] : memref<10000x128xf32, #tpu.memory_space<hbm>> -> memref<625x128xf32, #tpu.memory_space<hbm>>
      tpu.enqueue_dma source(%dma_start3A_13 : memref<625x128xf32, #tpu.memory_space<hbm>>) target(%dma_start3A_11 : memref<625x128xf32, #tpu.memory_space<vmem_shared>>) target_semaphore(%run_scoped3A : memref<!tpu.dma_semaphore, #tpu.memory_space<semaphore_mem>>)
      %dma_wait3A = arith.constant 0 : i32
      %dma_wait3A_14 = tpu.memref_slice %arg10[%mul3A_2, %dma_wait3A] : memref<10000x128xf32, #tpu.memory_space<vmem_shared>> -> memref<625x128xf32, #tpu.memory_space<vmem_shared>>
      %dma_wait3A_15 = arith.constant 0 : i32
      %dma_wait3A_16 = tpu.memref_slice %arg5[%mul3A_2, %dma_wait3A_15] : memref<10000x128xf32, #tpu.memory_space<hbm>> -> memref<625x128xf32, #tpu.memory_space<hbm>>
      tpu.wait_dma2 semaphore(%run_scoped3A : memref<!tpu.dma_semaphore, #tpu.memory_space<semaphore_mem>>) src(%dma_wait3A_16 : memref<625x128xf32, #tpu.memory_space<hbm>>) dst(%dma_wait3A_14 : memref<625x128xf32, #tpu.memory_space<vmem_shared>>)
      tpu.yield
    }) : () -> ()
    %barrier3A = arith.constant 0 : index
    tpu.barrier barrier_id(%barrier3A)
    %mul3A_3 = arith.constant 80 : i32
    %mul3A_4 = arith.muli %add3A, %mul3A_3 : i32
    %scan3A = arith.constant 0 : i32
    %scan3A_5 = arith.constant 0 : i32
    %scan3A_6 = arith.constant 4 : i32
    %scan3A_7 = arith.addi %scan3A_5, %scan3A_6 : i32
    %scan3A_8 = arith.constant 1 : i32
    scf.for %scan3A_11 = %scan3A_5 to %scan3A_7 step %scan3A_8  : i32 {
      %mul3A_12 = arith.constant 20 : i32
      %mul3A_13 = arith.muli %scan3A_11, %mul3A_12 : i32
      %add3A_14 = arith.addi %mul3A_4, %mul3A_13 : i32
      "tpu.region"() ({
        %run_scoped3A_535 = tpu.sem_alloc : memref<!tpu.dma_semaphore, #tpu.memory_space<semaphore_mem>>
        %dma_start3A_536 = arith.constant 0 : i32
        %dma_start3A_537 = tpu.memref_slice %arg3[%add3A_14, %dma_start3A_536] : memref<2560x125xi32, #tpu.memory_space<hbm>> -> memref<20x125xi32, #tpu.memory_space<hbm>>
        %dma_start3A_538 = arith.constant 0 : i32
        %dma_start3A_539 = tpu.memref_slice %arg3[%add3A_14, %dma_start3A_538] : memref<2560x125xi32, #tpu.memory_space<hbm>> -> memref<20x125xi32, #tpu.memory_space<hbm>>
        tpu.enqueue_dma source(%dma_start3A_539 : memref<20x125xi32, #tpu.memory_space<hbm>>) target(%arg8 : memref<20x125xi32, #tpu.memory_space<vmem>>) target_semaphore(%run_scoped3A_535 : memref<!tpu.dma_semaphore, #tpu.memory_space<semaphore_mem>>)
        %dma_wait3A_540 = arith.constant 0 : i32
        %dma_wait3A_541 = tpu.memref_slice %arg3[%add3A_14, %dma_wait3A_540] : memref<2560x125xi32, #tpu.memory_space<hbm>> -> memref<20x125xi32, #tpu.memory_space<hbm>>
        %dma_wait3A_542 = arith.constant 0 : i32
        %dma_wait3A_543 = tpu.memref_slice %arg3[%add3A_14, %dma_wait3A_542] : memref<2560x125xi32, #tpu.memory_space<hbm>> -> memref<20x125xi32, #tpu.memory_space<hbm>>
        tpu.wait_dma2 semaphore(%run_scoped3A_535 : memref<!tpu.dma_semaphore, #tpu.memory_space<semaphore_mem>>) src(%dma_wait3A_543 : memref<20x125xi32, #tpu.memory_space<hbm>>) dst(%arg8 : memref<20x125xi32, #tpu.memory_space<vmem>>)
        tpu.yield
      }) : () -> ()
      %mul3A_15 = arith.constant 20 : i32
      %mul3A_16 = arith.muli %scan3A_11, %mul3A_15 : i32
      %add3A_17 = arith.addi %mul3A_4, %mul3A_16 : i32
      "tpu.region"() ({
        %run_scoped3A_535 = tpu.sem_alloc : memref<!tpu.dma_semaphore, #tpu.memory_space<semaphore_mem>>
        %dma_start3A_536 = arith.constant 0 : i32
        %dma_start3A_537 = tpu.memref_slice %arg4[%add3A_17, %dma_start3A_536] : memref<2560x125xi32, #tpu.memory_space<hbm>> -> memref<20x125xi32, #tpu.memory_space<hbm>>
        %dma_start3A_538 = arith.constant 0 : i32
        %dma_start3A_539 = tpu.memref_slice %arg4[%add3A_17, %dma_start3A_538] : memref<2560x125xi32, #tpu.memory_space<hbm>> -> memref<20x125xi32, #tpu.memory_space<hbm>>
        tpu.enqueue_dma source(%dma_start3A_539 : memref<20x125xi32, #tpu.memory_space<hbm>>) target(%arg9 : memref<20x125xi32, #tpu.memory_space<vmem>>) target_semaphore(%run_scoped3A_535 : memref<!tpu.dma_semaphore, #tpu.memory_space<semaphore_mem>>)
        %dma_wait3A_540 = arith.constant 0 : i32
        %dma_wait3A_541 = tpu.memref_slice %arg4[%add3A_17, %dma_wait3A_540] : memref<2560x125xi32, #tpu.memory_space<hbm>> -> memref<20x125xi32, #tpu.memory_space<hbm>>
        %dma_wait3A_542 = arith.constant 0 : i32
        %dma_wait3A_543 = tpu.memref_slice %arg4[%add3A_17, %dma_wait3A_542] : memref<2560x125xi32, #tpu.memory_space<hbm>> -> memref<20x125xi32, #tpu.memory_space<hbm>>
        tpu.wait_dma2 semaphore(%run_scoped3A_535 : memref<!tpu.dma_semaphore, #tpu.memory_space<semaphore_mem>>) src(%dma_wait3A_543 : memref<20x125xi32, #tpu.memory_space<hbm>>) dst(%arg9 : memref<20x125xi32, #tpu.memory_space<vmem>>)
        tpu.yield
      }) : () -> ()
      %dma_start3A = arith.constant 0 : i32
      %dma_start3A_18 = arith.constant 0 : i32
      %dma_start3A_19 = arith.constant 0 : i32
      %dma_start3A_20 = arith.constant 0 : i32
      %dma_start3A_21 = tpu.memref_slice %arg7[%dma_start3A_18, %dma_start3A_19, %dma_start3A_20] : memref<2x125x128xf32, #tpu.memory_space<vmem>> -> memref<1x125x128xf32, #tpu.memory_space<vmem>>
      %dma_start3A_22 = tpu.memref_squeeze %dma_start3A_21 : memref<1x125x128xf32, #tpu.memory_space<vmem>> -> memref<125x128xf32, #tpu.memory_space<vmem>>
      %dma_start3A_23 = arith.constant 0 : i32
      %dma_start3A_24 = tpu.memref_slice %arg9[%dma_start3A, %dma_start3A_23] : memref<20x125xi32, #tpu.memory_space<vmem>> -> memref<1x125xi32, #tpu.memory_space<vmem>>
      %dma_start3A_25 = tpu.memref_squeeze %dma_start3A_24 : memref<1x125xi32, #tpu.memory_space<vmem>> -> memref<125xi32, #tpu.memory_space<vmem>>
      %dma_start3A_26 = arith.constant 0 : i32
      %dma_start3A_27 = arith.constant 0 : i32
      %dma_start3A_28 = tpu.memref_slice %arg2[%dma_start3A_26, %dma_start3A_27] : memref<10000x128xf32, #tpu.memory_space<hbm>> -> memref<10000x128xf32, #tpu.memory_space<hbm>>
      tpu.enqueue_indirect_dma source(%dma_start3A_28 : memref<10000x128xf32, #tpu.memory_space<hbm>>) target(%dma_start3A_22 : memref<125x128xf32, #tpu.memory_space<vmem>>) offsets(%dma_start3A_25 : memref<125xi32, #tpu.memory_space<vmem>>) semaphore(%arg11 : memref<!tpu.dma_semaphore, #tpu.memory_space<semaphore_mem>>)
      %dma_wait3A = arith.constant 0 : i32
      %dma_wait3A_29 = arith.constant 0 : i32
      %dma_wait3A_30 = arith.constant 0 : i32
      %dma_wait3A_31 = arith.constant 0 : i32
      %dma_wait3A_32 = tpu.memref_slice %arg7[%dma_wait3A_29, %dma_wait3A_30, %dma_wait3A_31] : memref<2x125x128xf32, #tpu.memory_space<vmem>> -> memref<1x125x128xf32, #tpu.memory_space<vmem>>
      %dma_wait3A_33 = tpu.memref_squeeze %dma_wait3A_32 : memref<1x125x128xf32, #tpu.memory_space<vmem>> -> memref<125x128xf32, #tpu.memory_space<vmem>>
      %dma_wait3A_34 = arith.constant 0 : i32
      %dma_wait3A_35 = tpu.memref_slice %arg9[%dma_wait3A, %dma_wait3A_34] : memref<20x125xi32, #tpu.memory_space<vmem>> -> memref<1x125xi32, #tpu.memory_space<vmem>>
      %dma_wait3A_36 = tpu.memref_squeeze %dma_wait3A_35 : memref<1x125xi32, #tpu.memory_space<vmem>> -> memref<125xi32, #tpu.memory_space<vmem>>
      %dma_wait3A_37 = arith.constant 0 : i32
      %dma_wait3A_38 = arith.constant 0 : i32
      %dma_wait3A_39 = tpu.memref_slice %arg2[%dma_wait3A_37, %dma_wait3A_38] : memref<10000x128xf32, #tpu.memory_space<hbm>> -> memref<10000x128xf32, #tpu.memory_space<hbm>>
      tpu.wait_indirect_dma semaphore(%arg11 : memref<!tpu.dma_semaphore, #tpu.memory_space<semaphore_mem>>) src(%dma_wait3A_39 : memref<10000x128xf32, #tpu.memory_space<hbm>>) dst(%dma_wait3A_33 : memref<125x128xf32, #tpu.memory_space<vmem>>)
      %dma_start3A_40 = arith.constant 1 : i32
      %dma_start3A_41 = arith.constant 1 : i32
      %dma_start3A_42 = arith.constant 0 : i32
      %dma_start3A_43 = arith.constant 0 : i32
      %dma_start3A_44 = tpu.memref_slice %arg7[%dma_start3A_41, %dma_start3A_42, %dma_start3A_43] : memref<2x125x128xf32, #tpu.memory_space<vmem>> -> memref<1x125x128xf32, #tpu.memory_space<vmem>>
      %dma_start3A_45 = tpu.memref_squeeze %dma_start3A_44 : memref<1x125x128xf32, #tpu.memory_space<vmem>> -> memref<125x128xf32, #tpu.memory_space<vmem>>
      %dma_start3A_46 = arith.constant 0 : i32
      %dma_start3A_47 = tpu.memref_slice %arg9[%dma_start3A_40, %dma_start3A_46] : memref<20x125xi32, #tpu.memory_space<vmem>> -> memref<1x125xi32, #tpu.memory_space<vmem>>
      %dma_start3A_48 = tpu.memref_squeeze %dma_start3A_47 : memref<1x125xi32, #tpu.memory_space<vmem>> -> memref<125xi32, #tpu.memory_space<vmem>>
      %dma_start3A_49 = arith.constant 0 : i32
      %dma_start3A_50 = arith.constant 0 : i32
      %dma_start3A_51 = tpu.memref_slice %arg2[%dma_start3A_49, %dma_start3A_50] : memref<10000x128xf32, #tpu.memory_space<hbm>> -> memref<10000x128xf32, #tpu.memory_space<hbm>>
      tpu.enqueue_indirect_dma source(%dma_start3A_51 : memref<10000x128xf32, #tpu.memory_space<hbm>>) target(%dma_start3A_45 : memref<125x128xf32, #tpu.memory_space<vmem>>) offsets(%dma_start3A_48 : memref<125xi32, #tpu.memory_space<vmem>>) semaphore(%arg12 : memref<!tpu.dma_semaphore, #tpu.memory_space<semaphore_mem>>)
      %run_scoped3A = arith.constant 0 : i32
      %run_scoped3A_52 = arith.constant 0 : i32
      "tpu.region"() ({
        %run_scoped3A_535 = tpu.sem_alloc : memref<!tpu.dma_semaphore, #tpu.memory_space<semaphore_mem>>
        %dma_start3A_536 = arith.constant 0 : i32
        %dma_start3A_537 = arith.constant 0 : i32
        %dma_start3A_538 = tpu.memref_slice %arg7[%run_scoped3A, %dma_start3A_536, %dma_start3A_537] : memref<2x125x128xf32, #tpu.memory_space<vmem>> -> memref<1x125x128xf32, #tpu.memory_space<vmem>>
        %dma_start3A_539 = tpu.memref_squeeze %dma_start3A_538 : memref<1x125x128xf32, #tpu.memory_space<vmem>> -> memref<125x128xf32, #tpu.memory_space<vmem>>
        %dma_start3A_540 = arith.constant 0 : i32
        %dma_start3A_541 = tpu.memref_slice %arg8[%run_scoped3A_52, %dma_start3A_540] : memref<20x125xi32, #tpu.memory_space<vmem>> -> memref<1x125xi32, #tpu.memory_space<vmem>>
        %dma_start3A_542 = tpu.memref_squeeze %dma_start3A_541 : memref<1x125xi32, #tpu.memory_space<vmem>> -> memref<125xi32, #tpu.memory_space<vmem>>
        %dma_start3A_543 = arith.constant 0 : i32
        %dma_start3A_544 = arith.constant 0 : i32
        %dma_start3A_545 = tpu.memref_slice %arg10[%dma_start3A_543, %dma_start3A_544] : memref<10000x128xf32, #tpu.memory_space<vmem_shared>> -> memref<10000x128xf32, #tpu.memory_space<vmem_shared>>
        tpu.enqueue_indirect_dma source(%dma_start3A_539 : memref<125x128xf32, #tpu.memory_space<vmem>>) target(%dma_start3A_545 : memref<10000x128xf32, #tpu.memory_space<vmem_shared>>) offsets(%dma_start3A_542 : memref<125xi32, #tpu.memory_space<vmem>>) semaphore(%run_scoped3A_535 : memref<!tpu.dma_semaphore, #tpu.memory_space<semaphore_mem>>) {add = true}
        %dma_wait3A_546 = arith.constant 0 : i32
        %dma_wait3A_547 = arith.constant 0 : i32
        %dma_wait3A_548 = tpu.memref_slice %arg7[%run_scoped3A, %dma_wait3A_546, %dma_wait3A_547] : memref<2x125x128xf32, #tpu.memory_space<vmem>> -> memref<1x125x128xf32, #tpu.memory_space<vmem>>
        %dma_wait3A_549 = tpu.memref_squeeze %dma_wait3A_548 : memref<1x125x128xf32, #tpu.memory_space<vmem>> -> memref<125x128xf32, #tpu.memory_space<vmem>>
        %dma_wait3A_550 = arith.constant 0 : i32
        %dma_wait3A_551 = tpu.memref_slice %arg8[%run_scoped3A_52, %dma_wait3A_550] : memref<20x125xi32, #tpu.memory_space<vmem>> -> memref<1x125xi32, #tpu.memory_space<vmem>>
        %dma_wait3A_552 = tpu.memref_squeeze %dma_wait3A_551 : memref<1x125xi32, #tpu.memory_space<vmem>> -> memref<125xi32, #tpu.memory_space<vmem>>
        %dma_wait3A_553 = arith.constant 0 : i32
        %dma_wait3A_554 = arith.constant 0 : i32
        %dma_wait3A_555 = tpu.memref_slice %arg10[%dma_wait3A_553, %dma_wait3A_554] : memref<10000x128xf32, #tpu.memory_space<vmem_shared>> -> memref<10000x128xf32, #tpu.memory_space<vmem_shared>>
        tpu.wait_indirect_dma semaphore(%run_scoped3A_535 : memref<!tpu.dma_semaphore, #tpu.memory_space<semaphore_mem>>) src(%dma_wait3A_549 : memref<125x128xf32, #tpu.memory_space<vmem>>) dst(%dma_wait3A_555 : memref<10000x128xf32, #tpu.memory_space<vmem_shared>>)
        tpu.yield
      }) : () -> ()
      %dma_wait3A_53 = arith.constant 1 : i32
      %dma_wait3A_54 = arith.constant 1 : i32
      %dma_wait3A_55 = arith.constant 0 : i32
      %dma_wait3A_56 = arith.constant 0 : i32
      %dma_wait3A_57 = tpu.memref_slice %arg7[%dma_wait3A_54, %dma_wait3A_55, %dma_wait3A_56] : memref<2x125x128xf32, #tpu.memory_space<vmem>> -> memref<1x125x128xf32, #tpu.memory_space<vmem>>
      %dma_wait3A_58 = tpu.memref_squeeze %dma_wait3A_57 : memref<1x125x128xf32, #tpu.memory_space<vmem>> -> memref<125x128xf32, #tpu.memory_space<vmem>>
      %dma_wait3A_59 = arith.constant 0 : i32
      %dma_wait3A_60 = tpu.memref_slice %arg9[%dma_wait3A_53, %dma_wait3A_59] : memref<20x125xi32, #tpu.memory_space<vmem>> -> memref<1x125xi32, #tpu.memory_space<vmem>>
      %dma_wait3A_61 = tpu.memref_squeeze %dma_wait3A_60 : memref<1x125xi32, #tpu.memory_space<vmem>> -> memref<125xi32, #tpu.memory_space<vmem>>
      %dma_wait3A_62 = arith.constant 0 : i32
      %dma_wait3A_63 = arith.constant 0 : i32
      %dma_wait3A_64 = tpu.memref_slice %arg2[%dma_wait3A_62, %dma_wait3A_63] : memref<10000x128xf32, #tpu.memory_space<hbm>> -> memref<10000x128xf32, #tpu.memory_space<hbm>>
      tpu.wait_indirect_dma semaphore(%arg12 : memref<!tpu.dma_semaphore, #tpu.memory_space<semaphore_mem>>) src(%dma_wait3A_64 : memref<10000x128xf32, #tpu.memory_space<hbm>>) dst(%dma_wait3A_58 : memref<125x128xf32, #tpu.memory_space<vmem>>)
      %dma_start3A_65 = arith.constant 2 : i32
      %dma_start3A_66 = arith.constant 0 : i32
      %dma_start3A_67 = arith.constant 0 : i32
      %dma_start3A_68 = arith.constant 0 : i32
      %dma_start3A_69 = tpu.memref_slice %arg7[%dma_start3A_66, %dma_start3A_67, %dma_start3A_68] : memref<2x125x128xf32, #tpu.memory_space<vmem>> -> memref<1x125x128xf32, #tpu.memory_space<vmem>>
      %dma_start3A_70 = tpu.memref_squeeze %dma_start3A_69 : memref<1x125x128xf32, #tpu.memory_space<vmem>> -> memref<125x128xf32, #tpu.memory_space<vmem>>
      %dma_start3A_71 = arith.constant 0 : i32
      %dma_start3A_72 = tpu.memref_slice %arg9[%dma_start3A_65, %dma_start3A_71] : memref<20x125xi32, #tpu.memory_space<vmem>> -> memref<1x125xi32, #tpu.memory_space<vmem>>
      %dma_start3A_73 = tpu.memref_squeeze %dma_start3A_72 : memref<1x125xi32, #tpu.memory_space<vmem>> -> memref<125xi32, #tpu.memory_space<vmem>>
      %dma_start3A_74 = arith.constant 0 : i32
      %dma_start3A_75 = arith.constant 0 : i32
      %dma_start3A_76 = tpu.memref_slice %arg2[%dma_start3A_74, %dma_start3A_75] : memref<10000x128xf32, #tpu.memory_space<hbm>> -> memref<10000x128xf32, #tpu.memory_space<hbm>>
      tpu.enqueue_indirect_dma source(%dma_start3A_76 : memref<10000x128xf32, #tpu.memory_space<hbm>>) target(%dma_start3A_70 : memref<125x128xf32, #tpu.memory_space<vmem>>) offsets(%dma_start3A_73 : memref<125xi32, #tpu.memory_space<vmem>>) semaphore(%arg11 : memref<!tpu.dma_semaphore, #tpu.memory_space<semaphore_mem>>)
      %run_scoped3A_77 = arith.constant 1 : i32
      %run_scoped3A_78 = arith.constant 1 : i32
      "tpu.region"() ({
        %run_scoped3A_535 = tpu.sem_alloc : memref<!tpu.dma_semaphore, #tpu.memory_space<semaphore_mem>>
        %dma_start3A_536 = arith.constant 0 : i32
        %dma_start3A_537 = arith.constant 0 : i32
        %dma_start3A_538 = tpu.memref_slice %arg7[%run_scoped3A_77, %dma_start3A_536, %dma_start3A_537] : memref<2x125x128xf32, #tpu.memory_space<vmem>> -> memref<1x125x128xf32, #tpu.memory_space<vmem>>
        %dma_start3A_539 = tpu.memref_squeeze %dma_start3A_538 : memref<1x125x128xf32, #tpu.memory_space<vmem>> -> memref<125x128xf32, #tpu.memory_space<vmem>>
        %dma_start3A_540 = arith.constant 0 : i32
        %dma_start3A_541 = tpu.memref_slice %arg8[%run_scoped3A_78, %dma_start3A_540] : memref<20x125xi32, #tpu.memory_space<vmem>> -> memref<1x125xi32, #tpu.memory_space<vmem>>
        %dma_start3A_542 = tpu.memref_squeeze %dma_start3A_541 : memref<1x125xi32, #tpu.memory_space<vmem>> -> memref<125xi32, #tpu.memory_space<vmem>>
        %dma_start3A_543 = arith.constant 0 : i32
        %dma_start3A_544 = arith.constant 0 : i32
        %dma_start3A_545 = tpu.memref_slice %arg10[%dma_start3A_543, %dma_start3A_544] : memref<10000x128xf32, #tpu.memory_space<vmem_shared>> -> memref<10000x128xf32, #tpu.memory_space<vmem_shared>>
        tpu.enqueue_indirect_dma source(%dma_start3A_539 : memref<125x128xf32, #tpu.memory_space<vmem>>) target(%dma_start3A_545 : memref<10000x128xf32, #tpu.memory_space<vmem_shared>>) offsets(%dma_start3A_542 : memref<125xi32, #tpu.memory_space<vmem>>) semaphore(%run_scoped3A_535 : memref<!tpu.dma_semaphore, #tpu.memory_space<semaphore_mem>>) {add = true}
        %dma_wait3A_546 = arith.constant 0 : i32
        %dma_wait3A_547 = arith.constant 0 : i32
        %dma_wait3A_548 = tpu.memref_slice %arg7[%run_scoped3A_77, %dma_wait3A_546, %dma_wait3A_547] : memref<2x125x128xf32, #tpu.memory_space<vmem>> -> memref<1x125x128xf32, #tpu.memory_space<vmem>>
        %dma_wait3A_549 = tpu.memref_squeeze %dma_wait3A_548 : memref<1x125x128xf32, #tpu.memory_space<vmem>> -> memref<125x128xf32, #tpu.memory_space<vmem>>
        %dma_wait3A_550 = arith.constant 0 : i32
        %dma_wait3A_551 = tpu.memref_slice %arg8[%run_scoped3A_78, %dma_wait3A_550] : memref<20x125xi32, #tpu.memory_space<vmem>> -> memref<1x125xi32, #tpu.memory_space<vmem>>
        %dma_wait3A_552 = tpu.memref_squeeze %dma_wait3A_551 : memref<1x125xi32, #tpu.memory_space<vmem>> -> memref<125xi32, #tpu.memory_space<vmem>>
        %dma_wait3A_553 = arith.constant 0 : i32
        %dma_wait3A_554 = arith.constant 0 : i32
        %dma_wait3A_555 = tpu.memref_slice %arg10[%dma_wait3A_553, %dma_wait3A_554] : memref<10000x128xf32, #tpu.memory_space<vmem_shared>> -> memref<10000x128xf32, #tpu.memory_space<vmem_shared>>
        tpu.wait_indirect_dma semaphore(%run_scoped3A_535 : memref<!tpu.dma_semaphore, #tpu.memory_space<semaphore_mem>>) src(%dma_wait3A_549 : memref<125x128xf32, #tpu.memory_space<vmem>>) dst(%dma_wait3A_555 : memref<10000x128xf32, #tpu.memory_space<vmem_shared>>)
        tpu.yield
      }) : () -> ()
      %dma_wait3A_79 = arith.constant 2 : i32
      %dma_wait3A_80 = arith.constant 0 : i32
      %dma_wait3A_81 = arith.constant 0 : i32
      %dma_wait3A_82 = arith.constant 0 : i32
      %dma_wait3A_83 = tpu.memref_slice %arg7[%dma_wait3A_80, %dma_wait3A_81, %dma_wait3A_82] : memref<2x125x128xf32, #tpu.memory_space<vmem>> -> memref<1x125x128xf32, #tpu.memory_space<vmem>>
      %dma_wait3A_84 = tpu.memref_squeeze %dma_wait3A_83 : memref<1x125x128xf32, #tpu.memory_space<vmem>> -> memref<125x128xf32, #tpu.memory_space<vmem>>
      %dma_wait3A_85 = arith.constant 0 : i32
      %dma_wait3A_86 = tpu.memref_slice %arg9[%dma_wait3A_79, %dma_wait3A_85] : memref<20x125xi32, #tpu.memory_space<vmem>> -> memref<1x125xi32, #tpu.memory_space<vmem>>
      %dma_wait3A_87 = tpu.memref_squeeze %dma_wait3A_86 : memref<1x125xi32, #tpu.memory_space<vmem>> -> memref<125xi32, #tpu.memory_space<vmem>>
      %dma_wait3A_88 = arith.constant 0 : i32
      %dma_wait3A_89 = arith.constant 0 : i32
      %dma_wait3A_90 = tpu.memref_slice %arg2[%dma_wait3A_88, %dma_wait3A_89] : memref<10000x128xf32, #tpu.memory_space<hbm>> -> memref<10000x128xf32, #tpu.memory_space<hbm>>
      tpu.wait_indirect_dma semaphore(%arg11 : memref<!tpu.dma_semaphore, #tpu.memory_space<semaphore_mem>>) src(%dma_wait3A_90 : memref<10000x128xf32, #tpu.memory_space<hbm>>) dst(%dma_wait3A_84 : memref<125x128xf32, #tpu.memory_space<vmem>>)
      %dma_start3A_91 = arith.constant 3 : i32
      %dma_start3A_92 = arith.constant 1 : i32
      %dma_start3A_93 = arith.constant 0 : i32
      %dma_start3A_94 = arith.constant 0 : i32
      %dma_start3A_95 = tpu.memref_slice %arg7[%dma_start3A_92, %dma_start3A_93, %dma_start3A_94] : memref<2x125x128xf32, #tpu.memory_space<vmem>> -> memref<1x125x128xf32, #tpu.memory_space<vmem>>
      %dma_start3A_96 = tpu.memref_squeeze %dma_start3A_95 : memref<1x125x128xf32, #tpu.memory_space<vmem>> -> memref<125x128xf32, #tpu.memory_space<vmem>>
      %dma_start3A_97 = arith.constant 0 : i32
      %dma_start3A_98 = tpu.memref_slice %arg9[%dma_start3A_91, %dma_start3A_97] : memref<20x125xi32, #tpu.memory_space<vmem>> -> memref<1x125xi32, #tpu.memory_space<vmem>>
      %dma_start3A_99 = tpu.memref_squeeze %dma_start3A_98 : memref<1x125xi32, #tpu.memory_space<vmem>> -> memref<125xi32, #tpu.memory_space<vmem>>
      %dma_start3A_100 = arith.constant 0 : i32
      %dma_start3A_101 = arith.constant 0 : i32
      %dma_start3A_102 = tpu.memref_slice %arg2[%dma_start3A_100, %dma_start3A_101] : memref<10000x128xf32, #tpu.memory_space<hbm>> -> memref<10000x128xf32, #tpu.memory_space<hbm>>
      tpu.enqueue_indirect_dma source(%dma_start3A_102 : memref<10000x128xf32, #tpu.memory_space<hbm>>) target(%dma_start3A_96 : memref<125x128xf32, #tpu.memory_space<vmem>>) offsets(%dma_start3A_99 : memref<125xi32, #tpu.memory_space<vmem>>) semaphore(%arg12 : memref<!tpu.dma_semaphore, #tpu.memory_space<semaphore_mem>>)
      %run_scoped3A_103 = arith.constant 0 : i32
      %run_scoped3A_104 = arith.constant 2 : i32
      "tpu.region"() ({
        %run_scoped3A_535 = tpu.sem_alloc : memref<!tpu.dma_semaphore, #tpu.memory_space<semaphore_mem>>
        %dma_start3A_536 = arith.constant 0 : i32
        %dma_start3A_537 = arith.constant 0 : i32
        %dma_start3A_538 = tpu.memref_slice %arg7[%run_scoped3A_103, %dma_start3A_536, %dma_start3A_537] : memref<2x125x128xf32, #tpu.memory_space<vmem>> -> memref<1x125x128xf32, #tpu.memory_space<vmem>>
        %dma_start3A_539 = tpu.memref_squeeze %dma_start3A_538 : memref<1x125x128xf32, #tpu.memory_space<vmem>> -> memref<125x128xf32, #tpu.memory_space<vmem>>
        %dma_start3A_540 = arith.constant 0 : i32
        %dma_start3A_541 = tpu.memref_slice %arg8[%run_scoped3A_104, %dma_start3A_540] : memref<20x125xi32, #tpu.memory_space<vmem>> -> memref<1x125xi32, #tpu.memory_space<vmem>>
        %dma_start3A_542 = tpu.memref_squeeze %dma_start3A_541 : memref<1x125xi32, #tpu.memory_space<vmem>> -> memref<125xi32, #tpu.memory_space<vmem>>
        %dma_start3A_543 = arith.constant 0 : i32
        %dma_start3A_544 = arith.constant 0 : i32
        %dma_start3A_545 = tpu.memref_slice %arg10[%dma_start3A_543, %dma_start3A_544] : memref<10000x128xf32, #tpu.memory_space<vmem_shared>> -> memref<10000x128xf32, #tpu.memory_space<vmem_shared>>
        tpu.enqueue_indirect_dma source(%dma_start3A_539 : memref<125x128xf32, #tpu.memory_space<vmem>>) target(%dma_start3A_545 : memref<10000x128xf32, #tpu.memory_space<vmem_shared>>) offsets(%dma_start3A_542 : memref<125xi32, #tpu.memory_space<vmem>>) semaphore(%run_scoped3A_535 : memref<!tpu.dma_semaphore, #tpu.memory_space<semaphore_mem>>) {add = true}
        %dma_wait3A_546 = arith.constant 0 : i32
        %dma_wait3A_547 = arith.constant 0 : i32
        %dma_wait3A_548 = tpu.memref_slice %arg7[%run_scoped3A_103, %dma_wait3A_546, %dma_wait3A_547] : memref<2x125x128xf32, #tpu.memory_space<vmem>> -> memref<1x125x128xf32, #tpu.memory_space<vmem>>
        %dma_wait3A_549 = tpu.memref_squeeze %dma_wait3A_548 : memref<1x125x128xf32, #tpu.memory_space<vmem>> -> memref<125x128xf32, #tpu.memory_space<vmem>>
        %dma_wait3A_550 = arith.constant 0 : i32
        %dma_wait3A_551 = tpu.memref_slice %arg8[%run_scoped3A_104, %dma_wait3A_550] : memref<20x125xi32, #tpu.memory_space<vmem>> -> memref<1x125xi32, #tpu.memory_space<vmem>>
        %dma_wait3A_552 = tpu.memref_squeeze %dma_wait3A_551 : memref<1x125xi32, #tpu.memory_space<vmem>> -> memref<125xi32, #tpu.memory_space<vmem>>
        %dma_wait3A_553 = arith.constant 0 : i32
        %dma_wait3A_554 = arith.constant 0 : i32
        %dma_wait3A_555 = tpu.memref_slice %arg10[%dma_wait3A_553, %dma_wait3A_554] : memref<10000x128xf32, #tpu.memory_space<vmem_shared>> -> memref<10000x128xf32, #tpu.memory_space<vmem_shared>>
        tpu.wait_indirect_dma semaphore(%run_scoped3A_535 : memref<!tpu.dma_semaphore, #tpu.memory_space<semaphore_mem>>) src(%dma_wait3A_549 : memref<125x128xf32, #tpu.memory_space<vmem>>) dst(%dma_wait3A_555 : memref<10000x128xf32, #tpu.memory_space<vmem_shared>>)
        tpu.yield
      }) : () -> ()
      %dma_wait3A_105 = arith.constant 3 : i32
      %dma_wait3A_106 = arith.constant 1 : i32
      %dma_wait3A_107 = arith.constant 0 : i32
      %dma_wait3A_108 = arith.constant 0 : i32
      %dma_wait3A_109 = tpu.memref_slice %arg7[%dma_wait3A_106, %dma_wait3A_107, %dma_wait3A_108] : memref<2x125x128xf32, #tpu.memory_space<vmem>> -> memref<1x125x128xf32, #tpu.memory_space<vmem>>
      %dma_wait3A_110 = tpu.memref_squeeze %dma_wait3A_109 : memref<1x125x128xf32, #tpu.memory_space<vmem>> -> memref<125x128xf32, #tpu.memory_space<vmem>>
      %dma_wait3A_111 = arith.constant 0 : i32
      %dma_wait3A_112 = tpu.memref_slice %arg9[%dma_wait3A_105, %dma_wait3A_111] : memref<20x125xi32, #tpu.memory_space<vmem>> -> memref<1x125xi32, #tpu.memory_space<vmem>>
      %dma_wait3A_113 = tpu.memref_squeeze %dma_wait3A_112 : memref<1x125xi32, #tpu.memory_space<vmem>> -> memref<125xi32, #tpu.memory_space<vmem>>
      %dma_wait3A_114 = arith.constant 0 : i32
      %dma_wait3A_115 = arith.constant 0 : i32
      %dma_wait3A_116 = tpu.memref_slice %arg2[%dma_wait3A_114, %dma_wait3A_115] : memref<10000x128xf32, #tpu.memory_space<hbm>> -> memref<10000x128xf32, #tpu.memory_space<hbm>>
      tpu.wait_indirect_dma semaphore(%arg12 : memref<!tpu.dma_semaphore, #tpu.memory_space<semaphore_mem>>) src(%dma_wait3A_116 : memref<10000x128xf32, #tpu.memory_space<hbm>>) dst(%dma_wait3A_110 : memref<125x128xf32, #tpu.memory_space<vmem>>)
      %dma_start3A_117 = arith.constant 4 : i32
      %dma_start3A_118 = arith.constant 0 : i32
      %dma_start3A_119 = arith.constant 0 : i32
      %dma_start3A_120 = arith.constant 0 : i32
      %dma_start3A_121 = tpu.memref_slice %arg7[%dma_start3A_118, %dma_start3A_119, %dma_start3A_120] : memref<2x125x128xf32, #tpu.memory_space<vmem>> -> memref<1x125x128xf32, #tpu.memory_space<vmem>>
      %dma_start3A_122 = tpu.memref_squeeze %dma_start3A_121 : memref<1x125x128xf32, #tpu.memory_space<vmem>> -> memref<125x128xf32, #tpu.memory_space<vmem>>
      %dma_start3A_123 = arith.constant 0 : i32
      %dma_start3A_124 = tpu.memref_slice %arg9[%dma_start3A_117, %dma_start3A_123] : memref<20x125xi32, #tpu.memory_space<vmem>> -> memref<1x125xi32, #tpu.memory_space<vmem>>
      %dma_start3A_125 = tpu.memref_squeeze %dma_start3A_124 : memref<1x125xi32, #tpu.memory_space<vmem>> -> memref<125xi32, #tpu.memory_space<vmem>>
      %dma_start3A_126 = arith.constant 0 : i32
      %dma_start3A_127 = arith.constant 0 : i32
      %dma_start3A_128 = tpu.memref_slice %arg2[%dma_start3A_126, %dma_start3A_127] : memref<10000x128xf32, #tpu.memory_space<hbm>> -> memref<10000x128xf32, #tpu.memory_space<hbm>>
      tpu.enqueue_indirect_dma source(%dma_start3A_128 : memref<10000x128xf32, #tpu.memory_space<hbm>>) target(%dma_start3A_122 : memref<125x128xf32, #tpu.memory_space<vmem>>) offsets(%dma_start3A_125 : memref<125xi32, #tpu.memory_space<vmem>>) semaphore(%arg11 : memref<!tpu.dma_semaphore, #tpu.memory_space<semaphore_mem>>)
      %run_scoped3A_129 = arith.constant 1 : i32
      %run_scoped3A_130 = arith.constant 3 : i32
      "tpu.region"() ({
        %run_scoped3A_535 = tpu.sem_alloc : memref<!tpu.dma_semaphore, #tpu.memory_space<semaphore_mem>>
        %dma_start3A_536 = arith.constant 0 : i32
        %dma_start3A_537 = arith.constant 0 : i32
        %dma_start3A_538 = tpu.memref_slice %arg7[%run_scoped3A_129, %dma_start3A_536, %dma_start3A_537] : memref<2x125x128xf32, #tpu.memory_space<vmem>> -> memref<1x125x128xf32, #tpu.memory_space<vmem>>
        %dma_start3A_539 = tpu.memref_squeeze %dma_start3A_538 : memref<1x125x128xf32, #tpu.memory_space<vmem>> -> memref<125x128xf32, #tpu.memory_space<vmem>>
        %dma_start3A_540 = arith.constant 0 : i32
        %dma_start3A_541 = tpu.memref_slice %arg8[%run_scoped3A_130, %dma_start3A_540] : memref<20x125xi32, #tpu.memory_space<vmem>> -> memref<1x125xi32, #tpu.memory_space<vmem>>
        %dma_start3A_542 = tpu.memref_squeeze %dma_start3A_541 : memref<1x125xi32, #tpu.memory_space<vmem>> -> memref<125xi32, #tpu.memory_space<vmem>>
        %dma_start3A_543 = arith.constant 0 : i32
        %dma_start3A_544 = arith.constant 0 : i32
        %dma_start3A_545 = tpu.memref_slice %arg10[%dma_start3A_543, %dma_start3A_544] : memref<10000x128xf32, #tpu.memory_space<vmem_shared>> -> memref<10000x128xf32, #tpu.memory_space<vmem_shared>>
        tpu.enqueue_indirect_dma source(%dma_start3A_539 : memref<125x128xf32, #tpu.memory_space<vmem>>) target(%dma_start3A_545 : memref<10000x128xf32, #tpu.memory_space<vmem_shared>>) offsets(%dma_start3A_542 : memref<125xi32, #tpu.memory_space<vmem>>) semaphore(%run_scoped3A_535 : memref<!tpu.dma_semaphore, #tpu.memory_space<semaphore_mem>>) {add = true}
        %dma_wait3A_546 = arith.constant 0 : i32
        %dma_wait3A_547 = arith.constant 0 : i32
        %dma_wait3A_548 = tpu.memref_slice %arg7[%run_scoped3A_129, %dma_wait3A_546, %dma_wait3A_547] : memref<2x125x128xf32, #tpu.memory_space<vmem>> -> memref<1x125x128xf32, #tpu.memory_space<vmem>>
        %dma_wait3A_549 = tpu.memref_squeeze %dma_wait3A_548 : memref<1x125x128xf32, #tpu.memory_space<vmem>> -> memref<125x128xf32, #tpu.memory_space<vmem>>
        %dma_wait3A_550 = arith.constant 0 : i32
        %dma_wait3A_551 = tpu.memref_slice %arg8[%run_scoped3A_130, %dma_wait3A_550] : memref<20x125xi32, #tpu.memory_space<vmem>> -> memref<1x125xi32, #tpu.memory_space<vmem>>
        %dma_wait3A_552 = tpu.memref_squeeze %dma_wait3A_551 : memref<1x125xi32, #tpu.memory_space<vmem>> -> memref<125xi32, #tpu.memory_space<vmem>>
        %dma_wait3A_553 = arith.constant 0 : i32
        %dma_wait3A_554 = arith.constant 0 : i32
        %dma_wait3A_555 = tpu.memref_slice %arg10[%dma_wait3A_553, %dma_wait3A_554] : memref<10000x128xf32, #tpu.memory_space<vmem_shared>> -> memref<10000x128xf32, #tpu.memory_space<vmem_shared>>
        tpu.wait_indirect_dma semaphore(%run_scoped3A_535 : memref<!tpu.dma_semaphore, #tpu.memory_space<semaphore_mem>>) src(%dma_wait3A_549 : memref<125x128xf32, #tpu.memory_space<vmem>>) dst(%dma_wait3A_555 : memref<10000x128xf32, #tpu.memory_space<vmem_shared>>)
        tpu.yield
      }) : () -> ()
      %dma_wait3A_131 = arith.constant 4 : i32
      %dma_wait3A_132 = arith.constant 0 : i32
      %dma_wait3A_133 = arith.constant 0 : i32
      %dma_wait3A_134 = arith.constant 0 : i32
      %dma_wait3A_135 = tpu.memref_slice %arg7[%dma_wait3A_132, %dma_wait3A_133, %dma_wait3A_134] : memref<2x125x128xf32, #tpu.memory_space<vmem>> -> memref<1x125x128xf32, #tpu.memory_space<vmem>>
      %dma_wait3A_136 = tpu.memref_squeeze %dma_wait3A_135 : memref<1x125x128xf32, #tpu.memory_space<vmem>> -> memref<125x128xf32, #tpu.memory_space<vmem>>
      %dma_wait3A_137 = arith.constant 0 : i32
      %dma_wait3A_138 = tpu.memref_slice %arg9[%dma_wait3A_131, %dma_wait3A_137] : memref<20x125xi32, #tpu.memory_space<vmem>> -> memref<1x125xi32, #tpu.memory_space<vmem>>
      %dma_wait3A_139 = tpu.memref_squeeze %dma_wait3A_138 : memref<1x125xi32, #tpu.memory_space<vmem>> -> memref<125xi32, #tpu.memory_space<vmem>>
      %dma_wait3A_140 = arith.constant 0 : i32
      %dma_wait3A_141 = arith.constant 0 : i32
      %dma_wait3A_142 = tpu.memref_slice %arg2[%dma_wait3A_140, %dma_wait3A_141] : memref<10000x128xf32, #tpu.memory_space<hbm>> -> memref<10000x128xf32, #tpu.memory_space<hbm>>
      tpu.wait_indirect_dma semaphore(%arg11 : memref<!tpu.dma_semaphore, #tpu.memory_space<semaphore_mem>>) src(%dma_wait3A_142 : memref<10000x128xf32, #tpu.memory_space<hbm>>) dst(%dma_wait3A_136 : memref<125x128xf32, #tpu.memory_space<vmem>>)
      %dma_start3A_143 = arith.constant 5 : i32
      %dma_start3A_144 = arith.constant 1 : i32
      %dma_start3A_145 = arith.constant 0 : i32
      %dma_start3A_146 = arith.constant 0 : i32
      %dma_start3A_147 = tpu.memref_slice %arg7[%dma_start3A_144, %dma_start3A_145, %dma_start3A_146] : memref<2x125x128xf32, #tpu.memory_space<vmem>> -> memref<1x125x128xf32, #tpu.memory_space<vmem>>
      %dma_start3A_148 = tpu.memref_squeeze %dma_start3A_147 : memref<1x125x128xf32, #tpu.memory_space<vmem>> -> memref<125x128xf32, #tpu.memory_space<vmem>>
      %dma_start3A_149 = arith.constant 0 : i32
      %dma_start3A_150 = tpu.memref_slice %arg9[%dma_start3A_143, %dma_start3A_149] : memref<20x125xi32, #tpu.memory_space<vmem>> -> memref<1x125xi32, #tpu.memory_space<vmem>>
      %dma_start3A_151 = tpu.memref_squeeze %dma_start3A_150 : memref<1x125xi32, #tpu.memory_space<vmem>> -> memref<125xi32, #tpu.memory_space<vmem>>
      %dma_start3A_152 = arith.constant 0 : i32
      %dma_start3A_153 = arith.constant 0 : i32
      %dma_start3A_154 = tpu.memref_slice %arg2[%dma_start3A_152, %dma_start3A_153] : memref<10000x128xf32, #tpu.memory_space<hbm>> -> memref<10000x128xf32, #tpu.memory_space<hbm>>
      tpu.enqueue_indirect_dma source(%dma_start3A_154 : memref<10000x128xf32, #tpu.memory_space<hbm>>) target(%dma_start3A_148 : memref<125x128xf32, #tpu.memory_space<vmem>>) offsets(%dma_start3A_151 : memref<125xi32, #tpu.memory_space<vmem>>) semaphore(%arg12 : memref<!tpu.dma_semaphore, #tpu.memory_space<semaphore_mem>>)
      %run_scoped3A_155 = arith.constant 0 : i32
      %run_scoped3A_156 = arith.constant 4 : i32
      "tpu.region"() ({
        %run_scoped3A_535 = tpu.sem_alloc : memref<!tpu.dma_semaphore, #tpu.memory_space<semaphore_mem>>
        %dma_start3A_536 = arith.constant 0 : i32
        %dma_start3A_537 = arith.constant 0 : i32
        %dma_start3A_538 = tpu.memref_slice %arg7[%run_scoped3A_155, %dma_start3A_536, %dma_start3A_537] : memref<2x125x128xf32, #tpu.memory_space<vmem>> -> memref<1x125x128xf32, #tpu.memory_space<vmem>>
        %dma_start3A_539 = tpu.memref_squeeze %dma_start3A_538 : memref<1x125x128xf32, #tpu.memory_space<vmem>> -> memref<125x128xf32, #tpu.memory_space<vmem>>
        %dma_start3A_540 = arith.constant 0 : i32
        %dma_start3A_541 = tpu.memref_slice %arg8[%run_scoped3A_156, %dma_start3A_540] : memref<20x125xi32, #tpu.memory_space<vmem>> -> memref<1x125xi32, #tpu.memory_space<vmem>>
        %dma_start3A_542 = tpu.memref_squeeze %dma_start3A_541 : memref<1x125xi32, #tpu.memory_space<vmem>> -> memref<125xi32, #tpu.memory_space<vmem>>
        %dma_start3A_543 = arith.constant 0 : i32
        %dma_start3A_544 = arith.constant 0 : i32
        %dma_start3A_545 = tpu.memref_slice %arg10[%dma_start3A_543, %dma_start3A_544] : memref<10000x128xf32, #tpu.memory_space<vmem_shared>> -> memref<10000x128xf32, #tpu.memory_space<vmem_shared>>
        tpu.enqueue_indirect_dma source(%dma_start3A_539 : memref<125x128xf32, #tpu.memory_space<vmem>>) target(%dma_start3A_545 : memref<10000x128xf32, #tpu.memory_space<vmem_shared>>) offsets(%dma_start3A_542 : memref<125xi32, #tpu.memory_space<vmem>>) semaphore(%run_scoped3A_535 : memref<!tpu.dma_semaphore, #tpu.memory_space<semaphore_mem>>) {add = true}
        %dma_wait3A_546 = arith.constant 0 : i32
        %dma_wait3A_547 = arith.constant 0 : i32
        %dma_wait3A_548 = tpu.memref_slice %arg7[%run_scoped3A_155, %dma_wait3A_546, %dma_wait3A_547] : memref<2x125x128xf32, #tpu.memory_space<vmem>> -> memref<1x125x128xf32, #tpu.memory_space<vmem>>
        %dma_wait3A_549 = tpu.memref_squeeze %dma_wait3A_548 : memref<1x125x128xf32, #tpu.memory_space<vmem>> -> memref<125x128xf32, #tpu.memory_space<vmem>>
        %dma_wait3A_550 = arith.constant 0 : i32
        %dma_wait3A_551 = tpu.memref_slice %arg8[%run_scoped3A_156, %dma_wait3A_550] : memref<20x125xi32, #tpu.memory_space<vmem>> -> memref<1x125xi32, #tpu.memory_space<vmem>>
        %dma_wait3A_552 = tpu.memref_squeeze %dma_wait3A_551 : memref<1x125xi32, #tpu.memory_space<vmem>> -> memref<125xi32, #tpu.memory_space<vmem>>
        %dma_wait3A_553 = arith.constant 0 : i32
        %dma_wait3A_554 = arith.constant 0 : i32
        %dma_wait3A_555 = tpu.memref_slice %arg10[%dma_wait3A_553, %dma_wait3A_554] : memref<10000x128xf32, #tpu.memory_space<vmem_shared>> -> memref<10000x128xf32, #tpu.memory_space<vmem_shared>>
        tpu.wait_indirect_dma semaphore(%run_scoped3A_535 : memref<!tpu.dma_semaphore, #tpu.memory_space<semaphore_mem>>) src(%dma_wait3A_549 : memref<125x128xf32, #tpu.memory_space<vmem>>) dst(%dma_wait3A_555 : memref<10000x128xf32, #tpu.memory_space<vmem_shared>>)
        tpu.yield
      }) : () -> ()
      %dma_wait3A_157 = arith.constant 5 : i32
      %dma_wait3A_158 = arith.constant 1 : i32
      %dma_wait3A_159 = arith.constant 0 : i32
      %dma_wait3A_160 = arith.constant 0 : i32
      %dma_wait3A_161 = tpu.memref_slice %arg7[%dma_wait3A_158, %dma_wait3A_159, %dma_wait3A_160] : memref<2x125x128xf32, #tpu.memory_space<vmem>> -> memref<1x125x128xf32, #tpu.memory_space<vmem>>
      %dma_wait3A_162 = tpu.memref_squeeze %dma_wait3A_161 : memref<1x125x128xf32, #tpu.memory_space<vmem>> -> memref<125x128xf32, #tpu.memory_space<vmem>>
      %dma_wait3A_163 = arith.constant 0 : i32
      %dma_wait3A_164 = tpu.memref_slice %arg9[%dma_wait3A_157, %dma_wait3A_163] : memref<20x125xi32, #tpu.memory_space<vmem>> -> memref<1x125xi32, #tpu.memory_space<vmem>>
      %dma_wait3A_165 = tpu.memref_squeeze %dma_wait3A_164 : memref<1x125xi32, #tpu.memory_space<vmem>> -> memref<125xi32, #tpu.memory_space<vmem>>
      %dma_wait3A_166 = arith.constant 0 : i32
      %dma_wait3A_167 = arith.constant 0 : i32
      %dma_wait3A_168 = tpu.memref_slice %arg2[%dma_wait3A_166, %dma_wait3A_167] : memref<10000x128xf32, #tpu.memory_space<hbm>> -> memref<10000x128xf32, #tpu.memory_space<hbm>>
      tpu.wait_indirect_dma semaphore(%arg12 : memref<!tpu.dma_semaphore, #tpu.memory_space<semaphore_mem>>) src(%dma_wait3A_168 : memref<10000x128xf32, #tpu.memory_space<hbm>>) dst(%dma_wait3A_162 : memref<125x128xf32, #tpu.memory_space<vmem>>)
      %dma_start3A_169 = arith.constant 6 : i32
      %dma_start3A_170 = arith.constant 0 : i32
      %dma_start3A_171 = arith.constant 0 : i32
      %dma_start3A_172 = arith.constant 0 : i32
      %dma_start3A_173 = tpu.memref_slice %arg7[%dma_start3A_170, %dma_start3A_171, %dma_start3A_172] : memref<2x125x128xf32, #tpu.memory_space<vmem>> -> memref<1x125x128xf32, #tpu.memory_space<vmem>>
      %dma_start3A_174 = tpu.memref_squeeze %dma_start3A_173 : memref<1x125x128xf32, #tpu.memory_space<vmem>> -> memref<125x128xf32, #tpu.memory_space<vmem>>
      %dma_start3A_175 = arith.constant 0 : i32
      %dma_start3A_176 = tpu.memref_slice %arg9[%dma_start3A_169, %dma_start3A_175] : memref<20x125xi32, #tpu.memory_space<vmem>> -> memref<1x125xi32, #tpu.memory_space<vmem>>
      %dma_start3A_177 = tpu.memref_squeeze %dma_start3A_176 : memref<1x125xi32, #tpu.memory_space<vmem>> -> memref<125xi32, #tpu.memory_space<vmem>>
      %dma_start3A_178 = arith.constant 0 : i32
      %dma_start3A_179 = arith.constant 0 : i32
      %dma_start3A_180 = tpu.memref_slice %arg2[%dma_start3A_178, %dma_start3A_179] : memref<10000x128xf32, #tpu.memory_space<hbm>> -> memref<10000x128xf32, #tpu.memory_space<hbm>>
      tpu.enqueue_indirect_dma source(%dma_start3A_180 : memref<10000x128xf32, #tpu.memory_space<hbm>>) target(%dma_start3A_174 : memref<125x128xf32, #tpu.memory_space<vmem>>) offsets(%dma_start3A_177 : memref<125xi32, #tpu.memory_space<vmem>>) semaphore(%arg11 : memref<!tpu.dma_semaphore, #tpu.memory_space<semaphore_mem>>)
      %run_scoped3A_181 = arith.constant 1 : i32
      %run_scoped3A_182 = arith.constant 5 : i32
      "tpu.region"() ({
        %run_scoped3A_535 = tpu.sem_alloc : memref<!tpu.dma_semaphore, #tpu.memory_space<semaphore_mem>>
        %dma_start3A_536 = arith.constant 0 : i32
        %dma_start3A_537 = arith.constant 0 : i32
        %dma_start3A_538 = tpu.memref_slice %arg7[%run_scoped3A_181, %dma_start3A_536, %dma_start3A_537] : memref<2x125x128xf32, #tpu.memory_space<vmem>> -> memref<1x125x128xf32, #tpu.memory_space<vmem>>
        %dma_start3A_539 = tpu.memref_squeeze %dma_start3A_538 : memref<1x125x128xf32, #tpu.memory_space<vmem>> -> memref<125x128xf32, #tpu.memory_space<vmem>>
        %dma_start3A_540 = arith.constant 0 : i32
        %dma_start3A_541 = tpu.memref_slice %arg8[%run_scoped3A_182, %dma_start3A_540] : memref<20x125xi32, #tpu.memory_space<vmem>> -> memref<1x125xi32, #tpu.memory_space<vmem>>
        %dma_start3A_542 = tpu.memref_squeeze %dma_start3A_541 : memref<1x125xi32, #tpu.memory_space<vmem>> -> memref<125xi32, #tpu.memory_space<vmem>>
        %dma_start3A_543 = arith.constant 0 : i32
        %dma_start3A_544 = arith.constant 0 : i32
        %dma_start3A_545 = tpu.memref_slice %arg10[%dma_start3A_543, %dma_start3A_544] : memref<10000x128xf32, #tpu.memory_space<vmem_shared>> -> memref<10000x128xf32, #tpu.memory_space<vmem_shared>>
        tpu.enqueue_indirect_dma source(%dma_start3A_539 : memref<125x128xf32, #tpu.memory_space<vmem>>) target(%dma_start3A_545 : memref<10000x128xf32, #tpu.memory_space<vmem_shared>>) offsets(%dma_start3A_542 : memref<125xi32, #tpu.memory_space<vmem>>) semaphore(%run_scoped3A_535 : memref<!tpu.dma_semaphore, #tpu.memory_space<semaphore_mem>>) {add = true}
        %dma_wait3A_546 = arith.constant 0 : i32
        %dma_wait3A_547 = arith.constant 0 : i32
        %dma_wait3A_548 = tpu.memref_slice %arg7[%run_scoped3A_181, %dma_wait3A_546, %dma_wait3A_547] : memref<2x125x128xf32, #tpu.memory_space<vmem>> -> memref<1x125x128xf32, #tpu.memory_space<vmem>>
        %dma_wait3A_549 = tpu.memref_squeeze %dma_wait3A_548 : memref<1x125x128xf32, #tpu.memory_space<vmem>> -> memref<125x128xf32, #tpu.memory_space<vmem>>
        %dma_wait3A_550 = arith.constant 0 : i32
        %dma_wait3A_551 = tpu.memref_slice %arg8[%run_scoped3A_182, %dma_wait3A_550] : memref<20x125xi32, #tpu.memory_space<vmem>> -> memref<1x125xi32, #tpu.memory_space<vmem>>
        %dma_wait3A_552 = tpu.memref_squeeze %dma_wait3A_551 : memref<1x125xi32, #tpu.memory_space<vmem>> -> memref<125xi32, #tpu.memory_space<vmem>>
        %dma_wait3A_553 = arith.constant 0 : i32
        %dma_wait3A_554 = arith.constant 0 : i32
        %dma_wait3A_555 = tpu.memref_slice %arg10[%dma_wait3A_553, %dma_wait3A_554] : memref<10000x128xf32, #tpu.memory_space<vmem_shared>> -> memref<10000x128xf32, #tpu.memory_space<vmem_shared>>
        tpu.wait_indirect_dma semaphore(%run_scoped3A_535 : memref<!tpu.dma_semaphore, #tpu.memory_space<semaphore_mem>>) src(%dma_wait3A_549 : memref<125x128xf32, #tpu.memory_space<vmem>>) dst(%dma_wait3A_555 : memref<10000x128xf32, #tpu.memory_space<vmem_shared>>)
        tpu.yield
      }) : () -> ()
      %dma_wait3A_183 = arith.constant 6 : i32
      %dma_wait3A_184 = arith.constant 0 : i32
      %dma_wait3A_185 = arith.constant 0 : i32
      %dma_wait3A_186 = arith.constant 0 : i32
      %dma_wait3A_187 = tpu.memref_slice %arg7[%dma_wait3A_184, %dma_wait3A_185, %dma_wait3A_186] : memref<2x125x128xf32, #tpu.memory_space<vmem>> -> memref<1x125x128xf32, #tpu.memory_space<vmem>>
      %dma_wait3A_188 = tpu.memref_squeeze %dma_wait3A_187 : memref<1x125x128xf32, #tpu.memory_space<vmem>> -> memref<125x128xf32, #tpu.memory_space<vmem>>
      %dma_wait3A_189 = arith.constant 0 : i32
      %dma_wait3A_190 = tpu.memref_slice %arg9[%dma_wait3A_183, %dma_wait3A_189] : memref<20x125xi32, #tpu.memory_space<vmem>> -> memref<1x125xi32, #tpu.memory_space<vmem>>
      %dma_wait3A_191 = tpu.memref_squeeze %dma_wait3A_190 : memref<1x125xi32, #tpu.memory_space<vmem>> -> memref<125xi32, #tpu.memory_space<vmem>>
      %dma_wait3A_192 = arith.constant 0 : i32
      %dma_wait3A_193 = arith.constant 0 : i32
      %dma_wait3A_194 = tpu.memref_slice %arg2[%dma_wait3A_192, %dma_wait3A_193] : memref<10000x128xf32, #tpu.memory_space<hbm>> -> memref<10000x128xf32, #tpu.memory_space<hbm>>
      tpu.wait_indirect_dma semaphore(%arg11 : memref<!tpu.dma_semaphore, #tpu.memory_space<semaphore_mem>>) src(%dma_wait3A_194 : memref<10000x128xf32, #tpu.memory_space<hbm>>) dst(%dma_wait3A_188 : memref<125x128xf32, #tpu.memory_space<vmem>>)
      %dma_start3A_195 = arith.constant 7 : i32
      %dma_start3A_196 = arith.constant 1 : i32
      %dma_start3A_197 = arith.constant 0 : i32
      %dma_start3A_198 = arith.constant 0 : i32
      %dma_start3A_199 = tpu.memref_slice %arg7[%dma_start3A_196, %dma_start3A_197, %dma_start3A_198] : memref<2x125x128xf32, #tpu.memory_space<vmem>> -> memref<1x125x128xf32, #tpu.memory_space<vmem>>
      %dma_start3A_200 = tpu.memref_squeeze %dma_start3A_199 : memref<1x125x128xf32, #tpu.memory_space<vmem>> -> memref<125x128xf32, #tpu.memory_space<vmem>>
      %dma_start3A_201 = arith.constant 0 : i32
      %dma_start3A_202 = tpu.memref_slice %arg9[%dma_start3A_195, %dma_start3A_201] : memref<20x125xi32, #tpu.memory_space<vmem>> -> memref<1x125xi32, #tpu.memory_space<vmem>>
      %dma_start3A_203 = tpu.memref_squeeze %dma_start3A_202 : memref<1x125xi32, #tpu.memory_space<vmem>> -> memref<125xi32, #tpu.memory_space<vmem>>
      %dma_start3A_204 = arith.constant 0 : i32
      %dma_start3A_205 = arith.constant 0 : i32
      %dma_start3A_206 = tpu.memref_slice %arg2[%dma_start3A_204, %dma_start3A_205] : memref<10000x128xf32, #tpu.memory_space<hbm>> -> memref<10000x128xf32, #tpu.memory_space<hbm>>
      tpu.enqueue_indirect_dma source(%dma_start3A_206 : memref<10000x128xf32, #tpu.memory_space<hbm>>) target(%dma_start3A_200 : memref<125x128xf32, #tpu.memory_space<vmem>>) offsets(%dma_start3A_203 : memref<125xi32, #tpu.memory_space<vmem>>) semaphore(%arg12 : memref<!tpu.dma_semaphore, #tpu.memory_space<semaphore_mem>>)
      %run_scoped3A_207 = arith.constant 0 : i32
      %run_scoped3A_208 = arith.constant 6 : i32
      "tpu.region"() ({
        %run_scoped3A_535 = tpu.sem_alloc : memref<!tpu.dma_semaphore, #tpu.memory_space<semaphore_mem>>
        %dma_start3A_536 = arith.constant 0 : i32
        %dma_start3A_537 = arith.constant 0 : i32
        %dma_start3A_538 = tpu.memref_slice %arg7[%run_scoped3A_207, %dma_start3A_536, %dma_start3A_537] : memref<2x125x128xf32, #tpu.memory_space<vmem>> -> memref<1x125x128xf32, #tpu.memory_space<vmem>>
        %dma_start3A_539 = tpu.memref_squeeze %dma_start3A_538 : memref<1x125x128xf32, #tpu.memory_space<vmem>> -> memref<125x128xf32, #tpu.memory_space<vmem>>
        %dma_start3A_540 = arith.constant 0 : i32
        %dma_start3A_541 = tpu.memref_slice %arg8[%run_scoped3A_208, %dma_start3A_540] : memref<20x125xi32, #tpu.memory_space<vmem>> -> memref<1x125xi32, #tpu.memory_space<vmem>>
        %dma_start3A_542 = tpu.memref_squeeze %dma_start3A_541 : memref<1x125xi32, #tpu.memory_space<vmem>> -> memref<125xi32, #tpu.memory_space<vmem>>
        %dma_start3A_543 = arith.constant 0 : i32
        %dma_start3A_544 = arith.constant 0 : i32
        %dma_start3A_545 = tpu.memref_slice %arg10[%dma_start3A_543, %dma_start3A_544] : memref<10000x128xf32, #tpu.memory_space<vmem_shared>> -> memref<10000x128xf32, #tpu.memory_space<vmem_shared>>
        tpu.enqueue_indirect_dma source(%dma_start3A_539 : memref<125x128xf32, #tpu.memory_space<vmem>>) target(%dma_start3A_545 : memref<10000x128xf32, #tpu.memory_space<vmem_shared>>) offsets(%dma_start3A_542 : memref<125xi32, #tpu.memory_space<vmem>>) semaphore(%run_scoped3A_535 : memref<!tpu.dma_semaphore, #tpu.memory_space<semaphore_mem>>) {add = true}
        %dma_wait3A_546 = arith.constant 0 : i32
        %dma_wait3A_547 = arith.constant 0 : i32
        %dma_wait3A_548 = tpu.memref_slice %arg7[%run_scoped3A_207, %dma_wait3A_546, %dma_wait3A_547] : memref<2x125x128xf32, #tpu.memory_space<vmem>> -> memref<1x125x128xf32, #tpu.memory_space<vmem>>
        %dma_wait3A_549 = tpu.memref_squeeze %dma_wait3A_548 : memref<1x125x128xf32, #tpu.memory_space<vmem>> -> memref<125x128xf32, #tpu.memory_space<vmem>>
        %dma_wait3A_550 = arith.constant 0 : i32
        %dma_wait3A_551 = tpu.memref_slice %arg8[%run_scoped3A_208, %dma_wait3A_550] : memref<20x125xi32, #tpu.memory_space<vmem>> -> memref<1x125xi32, #tpu.memory_space<vmem>>
        %dma_wait3A_552 = tpu.memref_squeeze %dma_wait3A_551 : memref<1x125xi32, #tpu.memory_space<vmem>> -> memref<125xi32, #tpu.memory_space<vmem>>
        %dma_wait3A_553 = arith.constant 0 : i32
        %dma_wait3A_554 = arith.constant 0 : i32
        %dma_wait3A_555 = tpu.memref_slice %arg10[%dma_wait3A_553, %dma_wait3A_554] : memref<10000x128xf32, #tpu.memory_space<vmem_shared>> -> memref<10000x128xf32, #tpu.memory_space<vmem_shared>>
        tpu.wait_indirect_dma semaphore(%run_scoped3A_535 : memref<!tpu.dma_semaphore, #tpu.memory_space<semaphore_mem>>) src(%dma_wait3A_549 : memref<125x128xf32, #tpu.memory_space<vmem>>) dst(%dma_wait3A_555 : memref<10000x128xf32, #tpu.memory_space<vmem_shared>>)
        tpu.yield
      }) : () -> ()
      %dma_wait3A_209 = arith.constant 7 : i32
      %dma_wait3A_210 = arith.constant 1 : i32
      %dma_wait3A_211 = arith.constant 0 : i32
      %dma_wait3A_212 = arith.constant 0 : i32
      %dma_wait3A_213 = tpu.memref_slice %arg7[%dma_wait3A_210, %dma_wait3A_211, %dma_wait3A_212] : memref<2x125x128xf32, #tpu.memory_space<vmem>> -> memref<1x125x128xf32, #tpu.memory_space<vmem>>
      %dma_wait3A_214 = tpu.memref_squeeze %dma_wait3A_213 : memref<1x125x128xf32, #tpu.memory_space<vmem>> -> memref<125x128xf32, #tpu.memory_space<vmem>>
      %dma_wait3A_215 = arith.constant 0 : i32
      %dma_wait3A_216 = tpu.memref_slice %arg9[%dma_wait3A_209, %dma_wait3A_215] : memref<20x125xi32, #tpu.memory_space<vmem>> -> memref<1x125xi32, #tpu.memory_space<vmem>>
      %dma_wait3A_217 = tpu.memref_squeeze %dma_wait3A_216 : memref<1x125xi32, #tpu.memory_space<vmem>> -> memref<125xi32, #tpu.memory_space<vmem>>
      %dma_wait3A_218 = arith.constant 0 : i32
      %dma_wait3A_219 = arith.constant 0 : i32
      %dma_wait3A_220 = tpu.memref_slice %arg2[%dma_wait3A_218, %dma_wait3A_219] : memref<10000x128xf32, #tpu.memory_space<hbm>> -> memref<10000x128xf32, #tpu.memory_space<hbm>>
      tpu.wait_indirect_dma semaphore(%arg12 : memref<!tpu.dma_semaphore, #tpu.memory_space<semaphore_mem>>) src(%dma_wait3A_220 : memref<10000x128xf32, #tpu.memory_space<hbm>>) dst(%dma_wait3A_214 : memref<125x128xf32, #tpu.memory_space<vmem>>)
      %dma_start3A_221 = arith.constant 8 : i32
      %dma_start3A_222 = arith.constant 0 : i32
      %dma_start3A_223 = arith.constant 0 : i32
      %dma_start3A_224 = arith.constant 0 : i32
      %dma_start3A_225 = tpu.memref_slice %arg7[%dma_start3A_222, %dma_start3A_223, %dma_start3A_224] : memref<2x125x128xf32, #tpu.memory_space<vmem>> -> memref<1x125x128xf32, #tpu.memory_space<vmem>>
      %dma_start3A_226 = tpu.memref_squeeze %dma_start3A_225 : memref<1x125x128xf32, #tpu.memory_space<vmem>> -> memref<125x128xf32, #tpu.memory_space<vmem>>
      %dma_start3A_227 = arith.constant 0 : i32
      %dma_start3A_228 = tpu.memref_slice %arg9[%dma_start3A_221, %dma_start3A_227] : memref<20x125xi32, #tpu.memory_space<vmem>> -> memref<1x125xi32, #tpu.memory_space<vmem>>
      %dma_start3A_229 = tpu.memref_squeeze %dma_start3A_228 : memref<1x125xi32, #tpu.memory_space<vmem>> -> memref<125xi32, #tpu.memory_space<vmem>>
      %dma_start3A_230 = arith.constant 0 : i32
      %dma_start3A_231 = arith.constant 0 : i32
      %dma_start3A_232 = tpu.memref_slice %arg2[%dma_start3A_230, %dma_start3A_231] : memref<10000x128xf32, #tpu.memory_space<hbm>> -> memref<10000x128xf32, #tpu.memory_space<hbm>>
      tpu.enqueue_indirect_dma source(%dma_start3A_232 : memref<10000x128xf32, #tpu.memory_space<hbm>>) target(%dma_start3A_226 : memref<125x128xf32, #tpu.memory_space<vmem>>) offsets(%dma_start3A_229 : memref<125xi32, #tpu.memory_space<vmem>>) semaphore(%arg11 : memref<!tpu.dma_semaphore, #tpu.memory_space<semaphore_mem>>)
      %run_scoped3A_233 = arith.constant 1 : i32
      %run_scoped3A_234 = arith.constant 7 : i32
      "tpu.region"() ({
        %run_scoped3A_535 = tpu.sem_alloc : memref<!tpu.dma_semaphore, #tpu.memory_space<semaphore_mem>>
        %dma_start3A_536 = arith.constant 0 : i32
        %dma_start3A_537 = arith.constant 0 : i32
        %dma_start3A_538 = tpu.memref_slice %arg7[%run_scoped3A_233, %dma_start3A_536, %dma_start3A_537] : memref<2x125x128xf32, #tpu.memory_space<vmem>> -> memref<1x125x128xf32, #tpu.memory_space<vmem>>
        %dma_start3A_539 = tpu.memref_squeeze %dma_start3A_538 : memref<1x125x128xf32, #tpu.memory_space<vmem>> -> memref<125x128xf32, #tpu.memory_space<vmem>>
        %dma_start3A_540 = arith.constant 0 : i32
        %dma_start3A_541 = tpu.memref_slice %arg8[%run_scoped3A_234, %dma_start3A_540] : memref<20x125xi32, #tpu.memory_space<vmem>> -> memref<1x125xi32, #tpu.memory_space<vmem>>
        %dma_start3A_542 = tpu.memref_squeeze %dma_start3A_541 : memref<1x125xi32, #tpu.memory_space<vmem>> -> memref<125xi32, #tpu.memory_space<vmem>>
        %dma_start3A_543 = arith.constant 0 : i32
        %dma_start3A_544 = arith.constant 0 : i32
        %dma_start3A_545 = tpu.memref_slice %arg10[%dma_start3A_543, %dma_start3A_544] : memref<10000x128xf32, #tpu.memory_space<vmem_shared>> -> memref<10000x128xf32, #tpu.memory_space<vmem_shared>>
        tpu.enqueue_indirect_dma source(%dma_start3A_539 : memref<125x128xf32, #tpu.memory_space<vmem>>) target(%dma_start3A_545 : memref<10000x128xf32, #tpu.memory_space<vmem_shared>>) offsets(%dma_start3A_542 : memref<125xi32, #tpu.memory_space<vmem>>) semaphore(%run_scoped3A_535 : memref<!tpu.dma_semaphore, #tpu.memory_space<semaphore_mem>>) {add = true}
        %dma_wait3A_546 = arith.constant 0 : i32
        %dma_wait3A_547 = arith.constant 0 : i32
        %dma_wait3A_548 = tpu.memref_slice %arg7[%run_scoped3A_233, %dma_wait3A_546, %dma_wait3A_547] : memref<2x125x128xf32, #tpu.memory_space<vmem>> -> memref<1x125x128xf32, #tpu.memory_space<vmem>>
        %dma_wait3A_549 = tpu.memref_squeeze %dma_wait3A_548 : memref<1x125x128xf32, #tpu.memory_space<vmem>> -> memref<125x128xf32, #tpu.memory_space<vmem>>
        %dma_wait3A_550 = arith.constant 0 : i32
        %dma_wait3A_551 = tpu.memref_slice %arg8[%run_scoped3A_234, %dma_wait3A_550] : memref<20x125xi32, #tpu.memory_space<vmem>> -> memref<1x125xi32, #tpu.memory_space<vmem>>
        %dma_wait3A_552 = tpu.memref_squeeze %dma_wait3A_551 : memref<1x125xi32, #tpu.memory_space<vmem>> -> memref<125xi32, #tpu.memory_space<vmem>>
        %dma_wait3A_553 = arith.constant 0 : i32
        %dma_wait3A_554 = arith.constant 0 : i32
        %dma_wait3A_555 = tpu.memref_slice %arg10[%dma_wait3A_553, %dma_wait3A_554] : memref<10000x128xf32, #tpu.memory_space<vmem_shared>> -> memref<10000x128xf32, #tpu.memory_space<vmem_shared>>
        tpu.wait_indirect_dma semaphore(%run_scoped3A_535 : memref<!tpu.dma_semaphore, #tpu.memory_space<semaphore_mem>>) src(%dma_wait3A_549 : memref<125x128xf32, #tpu.memory_space<vmem>>) dst(%dma_wait3A_555 : memref<10000x128xf32, #tpu.memory_space<vmem_shared>>)
        tpu.yield
      }) : () -> ()
      %dma_wait3A_235 = arith.constant 8 : i32
      %dma_wait3A_236 = arith.constant 0 : i32
      %dma_wait3A_237 = arith.constant 0 : i32
      %dma_wait3A_238 = arith.constant 0 : i32
      %dma_wait3A_239 = tpu.memref_slice %arg7[%dma_wait3A_236, %dma_wait3A_237, %dma_wait3A_238] : memref<2x125x128xf32, #tpu.memory_space<vmem>> -> memref<1x125x128xf32, #tpu.memory_space<vmem>>
      %dma_wait3A_240 = tpu.memref_squeeze %dma_wait3A_239 : memref<1x125x128xf32, #tpu.memory_space<vmem>> -> memref<125x128xf32, #tpu.memory_space<vmem>>
      %dma_wait3A_241 = arith.constant 0 : i32
      %dma_wait3A_242 = tpu.memref_slice %arg9[%dma_wait3A_235, %dma_wait3A_241] : memref<20x125xi32, #tpu.memory_space<vmem>> -> memref<1x125xi32, #tpu.memory_space<vmem>>
      %dma_wait3A_243 = tpu.memref_squeeze %dma_wait3A_242 : memref<1x125xi32, #tpu.memory_space<vmem>> -> memref<125xi32, #tpu.memory_space<vmem>>
      %dma_wait3A_244 = arith.constant 0 : i32
      %dma_wait3A_245 = arith.constant 0 : i32
      %dma_wait3A_246 = tpu.memref_slice %arg2[%dma_wait3A_244, %dma_wait3A_245] : memref<10000x128xf32, #tpu.memory_space<hbm>> -> memref<10000x128xf32, #tpu.memory_space<hbm>>
      tpu.wait_indirect_dma semaphore(%arg11 : memref<!tpu.dma_semaphore, #tpu.memory_space<semaphore_mem>>) src(%dma_wait3A_246 : memref<10000x128xf32, #tpu.memory_space<hbm>>) dst(%dma_wait3A_240 : memref<125x128xf32, #tpu.memory_space<vmem>>)
      %dma_start3A_247 = arith.constant 9 : i32
      %dma_start3A_248 = arith.constant 1 : i32
      %dma_start3A_249 = arith.constant 0 : i32
      %dma_start3A_250 = arith.constant 0 : i32
      %dma_start3A_251 = tpu.memref_slice %arg7[%dma_start3A_248, %dma_start3A_249, %dma_start3A_250] : memref<2x125x128xf32, #tpu.memory_space<vmem>> -> memref<1x125x128xf32, #tpu.memory_space<vmem>>
      %dma_start3A_252 = tpu.memref_squeeze %dma_start3A_251 : memref<1x125x128xf32, #tpu.memory_space<vmem>> -> memref<125x128xf32, #tpu.memory_space<vmem>>
      %dma_start3A_253 = arith.constant 0 : i32
      %dma_start3A_254 = tpu.memref_slice %arg9[%dma_start3A_247, %dma_start3A_253] : memref<20x125xi32, #tpu.memory_space<vmem>> -> memref<1x125xi32, #tpu.memory_space<vmem>>
      %dma_start3A_255 = tpu.memref_squeeze %dma_start3A_254 : memref<1x125xi32, #tpu.memory_space<vmem>> -> memref<125xi32, #tpu.memory_space<vmem>>
      %dma_start3A_256 = arith.constant 0 : i32
      %dma_start3A_257 = arith.constant 0 : i32
      %dma_start3A_258 = tpu.memref_slice %arg2[%dma_start3A_256, %dma_start3A_257] : memref<10000x128xf32, #tpu.memory_space<hbm>> -> memref<10000x128xf32, #tpu.memory_space<hbm>>
      tpu.enqueue_indirect_dma source(%dma_start3A_258 : memref<10000x128xf32, #tpu.memory_space<hbm>>) target(%dma_start3A_252 : memref<125x128xf32, #tpu.memory_space<vmem>>) offsets(%dma_start3A_255 : memref<125xi32, #tpu.memory_space<vmem>>) semaphore(%arg12 : memref<!tpu.dma_semaphore, #tpu.memory_space<semaphore_mem>>)
      %run_scoped3A_259 = arith.constant 0 : i32
      %run_scoped3A_260 = arith.constant 8 : i32
      "tpu.region"() ({
        %run_scoped3A_535 = tpu.sem_alloc : memref<!tpu.dma_semaphore, #tpu.memory_space<semaphore_mem>>
        %dma_start3A_536 = arith.constant 0 : i32
        %dma_start3A_537 = arith.constant 0 : i32
        %dma_start3A_538 = tpu.memref_slice %arg7[%run_scoped3A_259, %dma_start3A_536, %dma_start3A_537] : memref<2x125x128xf32, #tpu.memory_space<vmem>> -> memref<1x125x128xf32, #tpu.memory_space<vmem>>
        %dma_start3A_539 = tpu.memref_squeeze %dma_start3A_538 : memref<1x125x128xf32, #tpu.memory_space<vmem>> -> memref<125x128xf32, #tpu.memory_space<vmem>>
        %dma_start3A_540 = arith.constant 0 : i32
        %dma_start3A_541 = tpu.memref_slice %arg8[%run_scoped3A_260, %dma_start3A_540] : memref<20x125xi32, #tpu.memory_space<vmem>> -> memref<1x125xi32, #tpu.memory_space<vmem>>
        %dma_start3A_542 = tpu.memref_squeeze %dma_start3A_541 : memref<1x125xi32, #tpu.memory_space<vmem>> -> memref<125xi32, #tpu.memory_space<vmem>>
        %dma_start3A_543 = arith.constant 0 : i32
        %dma_start3A_544 = arith.constant 0 : i32
        %dma_start3A_545 = tpu.memref_slice %arg10[%dma_start3A_543, %dma_start3A_544] : memref<10000x128xf32, #tpu.memory_space<vmem_shared>> -> memref<10000x128xf32, #tpu.memory_space<vmem_shared>>
        tpu.enqueue_indirect_dma source(%dma_start3A_539 : memref<125x128xf32, #tpu.memory_space<vmem>>) target(%dma_start3A_545 : memref<10000x128xf32, #tpu.memory_space<vmem_shared>>) offsets(%dma_start3A_542 : memref<125xi32, #tpu.memory_space<vmem>>) semaphore(%run_scoped3A_535 : memref<!tpu.dma_semaphore, #tpu.memory_space<semaphore_mem>>) {add = true}
        %dma_wait3A_546 = arith.constant 0 : i32
        %dma_wait3A_547 = arith.constant 0 : i32
        %dma_wait3A_548 = tpu.memref_slice %arg7[%run_scoped3A_259, %dma_wait3A_546, %dma_wait3A_547] : memref<2x125x128xf32, #tpu.memory_space<vmem>> -> memref<1x125x128xf32, #tpu.memory_space<vmem>>
        %dma_wait3A_549 = tpu.memref_squeeze %dma_wait3A_548 : memref<1x125x128xf32, #tpu.memory_space<vmem>> -> memref<125x128xf32, #tpu.memory_space<vmem>>
        %dma_wait3A_550 = arith.constant 0 : i32
        %dma_wait3A_551 = tpu.memref_slice %arg8[%run_scoped3A_260, %dma_wait3A_550] : memref<20x125xi32, #tpu.memory_space<vmem>> -> memref<1x125xi32, #tpu.memory_space<vmem>>
        %dma_wait3A_552 = tpu.memref_squeeze %dma_wait3A_551 : memref<1x125xi32, #tpu.memory_space<vmem>> -> memref<125xi32, #tpu.memory_space<vmem>>
        %dma_wait3A_553 = arith.constant 0 : i32
        %dma_wait3A_554 = arith.constant 0 : i32
        %dma_wait3A_555 = tpu.memref_slice %arg10[%dma_wait3A_553, %dma_wait3A_554] : memref<10000x128xf32, #tpu.memory_space<vmem_shared>> -> memref<10000x128xf32, #tpu.memory_space<vmem_shared>>
        tpu.wait_indirect_dma semaphore(%run_scoped3A_535 : memref<!tpu.dma_semaphore, #tpu.memory_space<semaphore_mem>>) src(%dma_wait3A_549 : memref<125x128xf32, #tpu.memory_space<vmem>>) dst(%dma_wait3A_555 : memref<10000x128xf32, #tpu.memory_space<vmem_shared>>)
        tpu.yield
      }) : () -> ()
      %dma_wait3A_261 = arith.constant 9 : i32
      %dma_wait3A_262 = arith.constant 1 : i32
      %dma_wait3A_263 = arith.constant 0 : i32
      %dma_wait3A_264 = arith.constant 0 : i32
      %dma_wait3A_265 = tpu.memref_slice %arg7[%dma_wait3A_262, %dma_wait3A_263, %dma_wait3A_264] : memref<2x125x128xf32, #tpu.memory_space<vmem>> -> memref<1x125x128xf32, #tpu.memory_space<vmem>>
      %dma_wait3A_266 = tpu.memref_squeeze %dma_wait3A_265 : memref<1x125x128xf32, #tpu.memory_space<vmem>> -> memref<125x128xf32, #tpu.memory_space<vmem>>
      %dma_wait3A_267 = arith.constant 0 : i32
      %dma_wait3A_268 = tpu.memref_slice %arg9[%dma_wait3A_261, %dma_wait3A_267] : memref<20x125xi32, #tpu.memory_space<vmem>> -> memref<1x125xi32, #tpu.memory_space<vmem>>
      %dma_wait3A_269 = tpu.memref_squeeze %dma_wait3A_268 : memref<1x125xi32, #tpu.memory_space<vmem>> -> memref<125xi32, #tpu.memory_space<vmem>>
      %dma_wait3A_270 = arith.constant 0 : i32
      %dma_wait3A_271 = arith.constant 0 : i32
      %dma_wait3A_272 = tpu.memref_slice %arg2[%dma_wait3A_270, %dma_wait3A_271] : memref<10000x128xf32, #tpu.memory_space<hbm>> -> memref<10000x128xf32, #tpu.memory_space<hbm>>
      tpu.wait_indirect_dma semaphore(%arg12 : memref<!tpu.dma_semaphore, #tpu.memory_space<semaphore_mem>>) src(%dma_wait3A_272 : memref<10000x128xf32, #tpu.memory_space<hbm>>) dst(%dma_wait3A_266 : memref<125x128xf32, #tpu.memory_space<vmem>>)
      %dma_start3A_273 = arith.constant 10 : i32
      %dma_start3A_274 = arith.constant 0 : i32
      %dma_start3A_275 = arith.constant 0 : i32
      %dma_start3A_276 = arith.constant 0 : i32
      %dma_start3A_277 = tpu.memref_slice %arg7[%dma_start3A_274, %dma_start3A_275, %dma_start3A_276] : memref<2x125x128xf32, #tpu.memory_space<vmem>> -> memref<1x125x128xf32, #tpu.memory_space<vmem>>
      %dma_start3A_278 = tpu.memref_squeeze %dma_start3A_277 : memref<1x125x128xf32, #tpu.memory_space<vmem>> -> memref<125x128xf32, #tpu.memory_space<vmem>>
      %dma_start3A_279 = arith.constant 0 : i32
      %dma_start3A_280 = tpu.memref_slice %arg9[%dma_start3A_273, %dma_start3A_279] : memref<20x125xi32, #tpu.memory_space<vmem>> -> memref<1x125xi32, #tpu.memory_space<vmem>>
      %dma_start3A_281 = tpu.memref_squeeze %dma_start3A_280 : memref<1x125xi32, #tpu.memory_space<vmem>> -> memref<125xi32, #tpu.memory_space<vmem>>
      %dma_start3A_282 = arith.constant 0 : i32
      %dma_start3A_283 = arith.constant 0 : i32
      %dma_start3A_284 = tpu.memref_slice %arg2[%dma_start3A_282, %dma_start3A_283] : memref<10000x128xf32, #tpu.memory_space<hbm>> -> memref<10000x128xf32, #tpu.memory_space<hbm>>
      tpu.enqueue_indirect_dma source(%dma_start3A_284 : memref<10000x128xf32, #tpu.memory_space<hbm>>) target(%dma_start3A_278 : memref<125x128xf32, #tpu.memory_space<vmem>>) offsets(%dma_start3A_281 : memref<125xi32, #tpu.memory_space<vmem>>) semaphore(%arg11 : memref<!tpu.dma_semaphore, #tpu.memory_space<semaphore_mem>>)
      %run_scoped3A_285 = arith.constant 1 : i32
      %run_scoped3A_286 = arith.constant 9 : i32
      "tpu.region"() ({
        %run_scoped3A_535 = tpu.sem_alloc : memref<!tpu.dma_semaphore, #tpu.memory_space<semaphore_mem>>
        %dma_start3A_536 = arith.constant 0 : i32
        %dma_start3A_537 = arith.constant 0 : i32
        %dma_start3A_538 = tpu.memref_slice %arg7[%run_scoped3A_285, %dma_start3A_536, %dma_start3A_537] : memref<2x125x128xf32, #tpu.memory_space<vmem>> -> memref<1x125x128xf32, #tpu.memory_space<vmem>>
        %dma_start3A_539 = tpu.memref_squeeze %dma_start3A_538 : memref<1x125x128xf32, #tpu.memory_space<vmem>> -> memref<125x128xf32, #tpu.memory_space<vmem>>
        %dma_start3A_540 = arith.constant 0 : i32
        %dma_start3A_541 = tpu.memref_slice %arg8[%run_scoped3A_286, %dma_start3A_540] : memref<20x125xi32, #tpu.memory_space<vmem>> -> memref<1x125xi32, #tpu.memory_space<vmem>>
        %dma_start3A_542 = tpu.memref_squeeze %dma_start3A_541 : memref<1x125xi32, #tpu.memory_space<vmem>> -> memref<125xi32, #tpu.memory_space<vmem>>
        %dma_start3A_543 = arith.constant 0 : i32
        %dma_start3A_544 = arith.constant 0 : i32
        %dma_start3A_545 = tpu.memref_slice %arg10[%dma_start3A_543, %dma_start3A_544] : memref<10000x128xf32, #tpu.memory_space<vmem_shared>> -> memref<10000x128xf32, #tpu.memory_space<vmem_shared>>
        tpu.enqueue_indirect_dma source(%dma_start3A_539 : memref<125x128xf32, #tpu.memory_space<vmem>>) target(%dma_start3A_545 : memref<10000x128xf32, #tpu.memory_space<vmem_shared>>) offsets(%dma_start3A_542 : memref<125xi32, #tpu.memory_space<vmem>>) semaphore(%run_scoped3A_535 : memref<!tpu.dma_semaphore, #tpu.memory_space<semaphore_mem>>) {add = true}
        %dma_wait3A_546 = arith.constant 0 : i32
        %dma_wait3A_547 = arith.constant 0 : i32
        %dma_wait3A_548 = tpu.memref_slice %arg7[%run_scoped3A_285, %dma_wait3A_546, %dma_wait3A_547] : memref<2x125x128xf32, #tpu.memory_space<vmem>> -> memref<1x125x128xf32, #tpu.memory_space<vmem>>
        %dma_wait3A_549 = tpu.memref_squeeze %dma_wait3A_548 : memref<1x125x128xf32, #tpu.memory_space<vmem>> -> memref<125x128xf32, #tpu.memory_space<vmem>>
        %dma_wait3A_550 = arith.constant 0 : i32
        %dma_wait3A_551 = tpu.memref_slice %arg8[%run_scoped3A_286, %dma_wait3A_550] : memref<20x125xi32, #tpu.memory_space<vmem>> -> memref<1x125xi32, #tpu.memory_space<vmem>>
        %dma_wait3A_552 = tpu.memref_squeeze %dma_wait3A_551 : memref<1x125xi32, #tpu.memory_space<vmem>> -> memref<125xi32, #tpu.memory_space<vmem>>
        %dma_wait3A_553 = arith.constant 0 : i32
        %dma_wait3A_554 = arith.constant 0 : i32
        %dma_wait3A_555 = tpu.memref_slice %arg10[%dma_wait3A_553, %dma_wait3A_554] : memref<10000x128xf32, #tpu.memory_space<vmem_shared>> -> memref<10000x128xf32, #tpu.memory_space<vmem_shared>>
        tpu.wait_indirect_dma semaphore(%run_scoped3A_535 : memref<!tpu.dma_semaphore, #tpu.memory_space<semaphore_mem>>) src(%dma_wait3A_549 : memref<125x128xf32, #tpu.memory_space<vmem>>) dst(%dma_wait3A_555 : memref<10000x128xf32, #tpu.memory_space<vmem_shared>>)
        tpu.yield
      }) : () -> ()
      %dma_wait3A_287 = arith.constant 10 : i32
      %dma_wait3A_288 = arith.constant 0 : i32
      %dma_wait3A_289 = arith.constant 0 : i32
      %dma_wait3A_290 = arith.constant 0 : i32
      %dma_wait3A_291 = tpu.memref_slice %arg7[%dma_wait3A_288, %dma_wait3A_289, %dma_wait3A_290] : memref<2x125x128xf32, #tpu.memory_space<vmem>> -> memref<1x125x128xf32, #tpu.memory_space<vmem>>
      %dma_wait3A_292 = tpu.memref_squeeze %dma_wait3A_291 : memref<1x125x128xf32, #tpu.memory_space<vmem>> -> memref<125x128xf32, #tpu.memory_space<vmem>>
      %dma_wait3A_293 = arith.constant 0 : i32
      %dma_wait3A_294 = tpu.memref_slice %arg9[%dma_wait3A_287, %dma_wait3A_293] : memref<20x125xi32, #tpu.memory_space<vmem>> -> memref<1x125xi32, #tpu.memory_space<vmem>>
      %dma_wait3A_295 = tpu.memref_squeeze %dma_wait3A_294 : memref<1x125xi32, #tpu.memory_space<vmem>> -> memref<125xi32, #tpu.memory_space<vmem>>
      %dma_wait3A_296 = arith.constant 0 : i32
      %dma_wait3A_297 = arith.constant 0 : i32
      %dma_wait3A_298 = tpu.memref_slice %arg2[%dma_wait3A_296, %dma_wait3A_297] : memref<10000x128xf32, #tpu.memory_space<hbm>> -> memref<10000x128xf32, #tpu.memory_space<hbm>>
      tpu.wait_indirect_dma semaphore(%arg11 : memref<!tpu.dma_semaphore, #tpu.memory_space<semaphore_mem>>) src(%dma_wait3A_298 : memref<10000x128xf32, #tpu.memory_space<hbm>>) dst(%dma_wait3A_292 : memref<125x128xf32, #tpu.memory_space<vmem>>)
      %dma_start3A_299 = arith.constant 11 : i32
      %dma_start3A_300 = arith.constant 1 : i32
      %dma_start3A_301 = arith.constant 0 : i32
      %dma_start3A_302 = arith.constant 0 : i32
      %dma_start3A_303 = tpu.memref_slice %arg7[%dma_start3A_300, %dma_start3A_301, %dma_start3A_302] : memref<2x125x128xf32, #tpu.memory_space<vmem>> -> memref<1x125x128xf32, #tpu.memory_space<vmem>>
      %dma_start3A_304 = tpu.memref_squeeze %dma_start3A_303 : memref<1x125x128xf32, #tpu.memory_space<vmem>> -> memref<125x128xf32, #tpu.memory_space<vmem>>
      %dma_start3A_305 = arith.constant 0 : i32
      %dma_start3A_306 = tpu.memref_slice %arg9[%dma_start3A_299, %dma_start3A_305] : memref<20x125xi32, #tpu.memory_space<vmem>> -> memref<1x125xi32, #tpu.memory_space<vmem>>
      %dma_start3A_307 = tpu.memref_squeeze %dma_start3A_306 : memref<1x125xi32, #tpu.memory_space<vmem>> -> memref<125xi32, #tpu.memory_space<vmem>>
      %dma_start3A_308 = arith.constant 0 : i32
      %dma_start3A_309 = arith.constant 0 : i32
      %dma_start3A_310 = tpu.memref_slice %arg2[%dma_start3A_308, %dma_start3A_309] : memref<10000x128xf32, #tpu.memory_space<hbm>> -> memref<10000x128xf32, #tpu.memory_space<hbm>>
      tpu.enqueue_indirect_dma source(%dma_start3A_310 : memref<10000x128xf32, #tpu.memory_space<hbm>>) target(%dma_start3A_304 : memref<125x128xf32, #tpu.memory_space<vmem>>) offsets(%dma_start3A_307 : memref<125xi32, #tpu.memory_space<vmem>>) semaphore(%arg12 : memref<!tpu.dma_semaphore, #tpu.memory_space<semaphore_mem>>)
      %run_scoped3A_311 = arith.constant 0 : i32
      %run_scoped3A_312 = arith.constant 10 : i32
      "tpu.region"() ({
        %run_scoped3A_535 = tpu.sem_alloc : memref<!tpu.dma_semaphore, #tpu.memory_space<semaphore_mem>>
        %dma_start3A_536 = arith.constant 0 : i32
        %dma_start3A_537 = arith.constant 0 : i32
        %dma_start3A_538 = tpu.memref_slice %arg7[%run_scoped3A_311, %dma_start3A_536, %dma_start3A_537] : memref<2x125x128xf32, #tpu.memory_space<vmem>> -> memref<1x125x128xf32, #tpu.memory_space<vmem>>
        %dma_start3A_539 = tpu.memref_squeeze %dma_start3A_538 : memref<1x125x128xf32, #tpu.memory_space<vmem>> -> memref<125x128xf32, #tpu.memory_space<vmem>>
        %dma_start3A_540 = arith.constant 0 : i32
        %dma_start3A_541 = tpu.memref_slice %arg8[%run_scoped3A_312, %dma_start3A_540] : memref<20x125xi32, #tpu.memory_space<vmem>> -> memref<1x125xi32, #tpu.memory_space<vmem>>
        %dma_start3A_542 = tpu.memref_squeeze %dma_start3A_541 : memref<1x125xi32, #tpu.memory_space<vmem>> -> memref<125xi32, #tpu.memory_space<vmem>>
        %dma_start3A_543 = arith.constant 0 : i32
        %dma_start3A_544 = arith.constant 0 : i32
        %dma_start3A_545 = tpu.memref_slice %arg10[%dma_start3A_543, %dma_start3A_544] : memref<10000x128xf32, #tpu.memory_space<vmem_shared>> -> memref<10000x128xf32, #tpu.memory_space<vmem_shared>>
        tpu.enqueue_indirect_dma source(%dma_start3A_539 : memref<125x128xf32, #tpu.memory_space<vmem>>) target(%dma_start3A_545 : memref<10000x128xf32, #tpu.memory_space<vmem_shared>>) offsets(%dma_start3A_542 : memref<125xi32, #tpu.memory_space<vmem>>) semaphore(%run_scoped3A_535 : memref<!tpu.dma_semaphore, #tpu.memory_space<semaphore_mem>>) {add = true}
        %dma_wait3A_546 = arith.constant 0 : i32
        %dma_wait3A_547 = arith.constant 0 : i32
        %dma_wait3A_548 = tpu.memref_slice %arg7[%run_scoped3A_311, %dma_wait3A_546, %dma_wait3A_547] : memref<2x125x128xf32, #tpu.memory_space<vmem>> -> memref<1x125x128xf32, #tpu.memory_space<vmem>>
        %dma_wait3A_549 = tpu.memref_squeeze %dma_wait3A_548 : memref<1x125x128xf32, #tpu.memory_space<vmem>> -> memref<125x128xf32, #tpu.memory_space<vmem>>
        %dma_wait3A_550 = arith.constant 0 : i32
        %dma_wait3A_551 = tpu.memref_slice %arg8[%run_scoped3A_312, %dma_wait3A_550] : memref<20x125xi32, #tpu.memory_space<vmem>> -> memref<1x125xi32, #tpu.memory_space<vmem>>
        %dma_wait3A_552 = tpu.memref_squeeze %dma_wait3A_551 : memref<1x125xi32, #tpu.memory_space<vmem>> -> memref<125xi32, #tpu.memory_space<vmem>>
        %dma_wait3A_553 = arith.constant 0 : i32
        %dma_wait3A_554 = arith.constant 0 : i32
        %dma_wait3A_555 = tpu.memref_slice %arg10[%dma_wait3A_553, %dma_wait3A_554] : memref<10000x128xf32, #tpu.memory_space<vmem_shared>> -> memref<10000x128xf32, #tpu.memory_space<vmem_shared>>
        tpu.wait_indirect_dma semaphore(%run_scoped3A_535 : memref<!tpu.dma_semaphore, #tpu.memory_space<semaphore_mem>>) src(%dma_wait3A_549 : memref<125x128xf32, #tpu.memory_space<vmem>>) dst(%dma_wait3A_555 : memref<10000x128xf32, #tpu.memory_space<vmem_shared>>)
        tpu.yield
      }) : () -> ()
      %dma_wait3A_313 = arith.constant 11 : i32
      %dma_wait3A_314 = arith.constant 1 : i32
      %dma_wait3A_315 = arith.constant 0 : i32
      %dma_wait3A_316 = arith.constant 0 : i32
      %dma_wait3A_317 = tpu.memref_slice %arg7[%dma_wait3A_314, %dma_wait3A_315, %dma_wait3A_316] : memref<2x125x128xf32, #tpu.memory_space<vmem>> -> memref<1x125x128xf32, #tpu.memory_space<vmem>>
      %dma_wait3A_318 = tpu.memref_squeeze %dma_wait3A_317 : memref<1x125x128xf32, #tpu.memory_space<vmem>> -> memref<125x128xf32, #tpu.memory_space<vmem>>
      %dma_wait3A_319 = arith.constant 0 : i32
      %dma_wait3A_320 = tpu.memref_slice %arg9[%dma_wait3A_313, %dma_wait3A_319] : memref<20x125xi32, #tpu.memory_space<vmem>> -> memref<1x125xi32, #tpu.memory_space<vmem>>
      %dma_wait3A_321 = tpu.memref_squeeze %dma_wait3A_320 : memref<1x125xi32, #tpu.memory_space<vmem>> -> memref<125xi32, #tpu.memory_space<vmem>>
      %dma_wait3A_322 = arith.constant 0 : i32
      %dma_wait3A_323 = arith.constant 0 : i32
      %dma_wait3A_324 = tpu.memref_slice %arg2[%dma_wait3A_322, %dma_wait3A_323] : memref<10000x128xf32, #tpu.memory_space<hbm>> -> memref<10000x128xf32, #tpu.memory_space<hbm>>
      tpu.wait_indirect_dma semaphore(%arg12 : memref<!tpu.dma_semaphore, #tpu.memory_space<semaphore_mem>>) src(%dma_wait3A_324 : memref<10000x128xf32, #tpu.memory_space<hbm>>) dst(%dma_wait3A_318 : memref<125x128xf32, #tpu.memory_space<vmem>>)
      %dma_start3A_325 = arith.constant 12 : i32
      %dma_start3A_326 = arith.constant 0 : i32
      %dma_start3A_327 = arith.constant 0 : i32
      %dma_start3A_328 = arith.constant 0 : i32
      %dma_start3A_329 = tpu.memref_slice %arg7[%dma_start3A_326, %dma_start3A_327, %dma_start3A_328] : memref<2x125x128xf32, #tpu.memory_space<vmem>> -> memref<1x125x128xf32, #tpu.memory_space<vmem>>
      %dma_start3A_330 = tpu.memref_squeeze %dma_start3A_329 : memref<1x125x128xf32, #tpu.memory_space<vmem>> -> memref<125x128xf32, #tpu.memory_space<vmem>>
      %dma_start3A_331 = arith.constant 0 : i32
      %dma_start3A_332 = tpu.memref_slice %arg9[%dma_start3A_325, %dma_start3A_331] : memref<20x125xi32, #tpu.memory_space<vmem>> -> memref<1x125xi32, #tpu.memory_space<vmem>>
      %dma_start3A_333 = tpu.memref_squeeze %dma_start3A_332 : memref<1x125xi32, #tpu.memory_space<vmem>> -> memref<125xi32, #tpu.memory_space<vmem>>
      %dma_start3A_334 = arith.constant 0 : i32
      %dma_start3A_335 = arith.constant 0 : i32
      %dma_start3A_336 = tpu.memref_slice %arg2[%dma_start3A_334, %dma_start3A_335] : memref<10000x128xf32, #tpu.memory_space<hbm>> -> memref<10000x128xf32, #tpu.memory_space<hbm>>
      tpu.enqueue_indirect_dma source(%dma_start3A_336 : memref<10000x128xf32, #tpu.memory_space<hbm>>) target(%dma_start3A_330 : memref<125x128xf32, #tpu.memory_space<vmem>>) offsets(%dma_start3A_333 : memref<125xi32, #tpu.memory_space<vmem>>) semaphore(%arg11 : memref<!tpu.dma_semaphore, #tpu.memory_space<semaphore_mem>>)
      %run_scoped3A_337 = arith.constant 1 : i32
      %run_scoped3A_338 = arith.constant 11 : i32
      "tpu.region"() ({
        %run_scoped3A_535 = tpu.sem_alloc : memref<!tpu.dma_semaphore, #tpu.memory_space<semaphore_mem>>
        %dma_start3A_536 = arith.constant 0 : i32
        %dma_start3A_537 = arith.constant 0 : i32
        %dma_start3A_538 = tpu.memref_slice %arg7[%run_scoped3A_337, %dma_start3A_536, %dma_start3A_537] : memref<2x125x128xf32, #tpu.memory_space<vmem>> -> memref<1x125x128xf32, #tpu.memory_space<vmem>>
        %dma_start3A_539 = tpu.memref_squeeze %dma_start3A_538 : memref<1x125x128xf32, #tpu.memory_space<vmem>> -> memref<125x128xf32, #tpu.memory_space<vmem>>
        %dma_start3A_540 = arith.constant 0 : i32
        %dma_start3A_541 = tpu.memref_slice %arg8[%run_scoped3A_338, %dma_start3A_540] : memref<20x125xi32, #tpu.memory_space<vmem>> -> memref<1x125xi32, #tpu.memory_space<vmem>>
        %dma_start3A_542 = tpu.memref_squeeze %dma_start3A_541 : memref<1x125xi32, #tpu.memory_space<vmem>> -> memref<125xi32, #tpu.memory_space<vmem>>
        %dma_start3A_543 = arith.constant 0 : i32
        %dma_start3A_544 = arith.constant 0 : i32
        %dma_start3A_545 = tpu.memref_slice %arg10[%dma_start3A_543, %dma_start3A_544] : memref<10000x128xf32, #tpu.memory_space<vmem_shared>> -> memref<10000x128xf32, #tpu.memory_space<vmem_shared>>
        tpu.enqueue_indirect_dma source(%dma_start3A_539 : memref<125x128xf32, #tpu.memory_space<vmem>>) target(%dma_start3A_545 : memref<10000x128xf32, #tpu.memory_space<vmem_shared>>) offsets(%dma_start3A_542 : memref<125xi32, #tpu.memory_space<vmem>>) semaphore(%run_scoped3A_535 : memref<!tpu.dma_semaphore, #tpu.memory_space<semaphore_mem>>) {add = true}
        %dma_wait3A_546 = arith.constant 0 : i32
        %dma_wait3A_547 = arith.constant 0 : i32
        %dma_wait3A_548 = tpu.memref_slice %arg7[%run_scoped3A_337, %dma_wait3A_546, %dma_wait3A_547] : memref<2x125x128xf32, #tpu.memory_space<vmem>> -> memref<1x125x128xf32, #tpu.memory_space<vmem>>
        %dma_wait3A_549 = tpu.memref_squeeze %dma_wait3A_548 : memref<1x125x128xf32, #tpu.memory_space<vmem>> -> memref<125x128xf32, #tpu.memory_space<vmem>>
        %dma_wait3A_550 = arith.constant 0 : i32
        %dma_wait3A_551 = tpu.memref_slice %arg8[%run_scoped3A_338, %dma_wait3A_550] : memref<20x125xi32, #tpu.memory_space<vmem>> -> memref<1x125xi32, #tpu.memory_space<vmem>>
        %dma_wait3A_552 = tpu.memref_squeeze %dma_wait3A_551 : memref<1x125xi32, #tpu.memory_space<vmem>> -> memref<125xi32, #tpu.memory_space<vmem>>
        %dma_wait3A_553 = arith.constant 0 : i32
        %dma_wait3A_554 = arith.constant 0 : i32
        %dma_wait3A_555 = tpu.memref_slice %arg10[%dma_wait3A_553, %dma_wait3A_554] : memref<10000x128xf32, #tpu.memory_space<vmem_shared>> -> memref<10000x128xf32, #tpu.memory_space<vmem_shared>>
        tpu.wait_indirect_dma semaphore(%run_scoped3A_535 : memref<!tpu.dma_semaphore, #tpu.memory_space<semaphore_mem>>) src(%dma_wait3A_549 : memref<125x128xf32, #tpu.memory_space<vmem>>) dst(%dma_wait3A_555 : memref<10000x128xf32, #tpu.memory_space<vmem_shared>>)
        tpu.yield
      }) : () -> ()
      %dma_wait3A_339 = arith.constant 12 : i32
      %dma_wait3A_340 = arith.constant 0 : i32
      %dma_wait3A_341 = arith.constant 0 : i32
      %dma_wait3A_342 = arith.constant 0 : i32
      %dma_wait3A_343 = tpu.memref_slice %arg7[%dma_wait3A_340, %dma_wait3A_341, %dma_wait3A_342] : memref<2x125x128xf32, #tpu.memory_space<vmem>> -> memref<1x125x128xf32, #tpu.memory_space<vmem>>
      %dma_wait3A_344 = tpu.memref_squeeze %dma_wait3A_343 : memref<1x125x128xf32, #tpu.memory_space<vmem>> -> memref<125x128xf32, #tpu.memory_space<vmem>>
      %dma_wait3A_345 = arith.constant 0 : i32
      %dma_wait3A_346 = tpu.memref_slice %arg9[%dma_wait3A_339, %dma_wait3A_345] : memref<20x125xi32, #tpu.memory_space<vmem>> -> memref<1x125xi32, #tpu.memory_space<vmem>>
      %dma_wait3A_347 = tpu.memref_squeeze %dma_wait3A_346 : memref<1x125xi32, #tpu.memory_space<vmem>> -> memref<125xi32, #tpu.memory_space<vmem>>
      %dma_wait3A_348 = arith.constant 0 : i32
      %dma_wait3A_349 = arith.constant 0 : i32
      %dma_wait3A_350 = tpu.memref_slice %arg2[%dma_wait3A_348, %dma_wait3A_349] : memref<10000x128xf32, #tpu.memory_space<hbm>> -> memref<10000x128xf32, #tpu.memory_space<hbm>>
      tpu.wait_indirect_dma semaphore(%arg11 : memref<!tpu.dma_semaphore, #tpu.memory_space<semaphore_mem>>) src(%dma_wait3A_350 : memref<10000x128xf32, #tpu.memory_space<hbm>>) dst(%dma_wait3A_344 : memref<125x128xf32, #tpu.memory_space<vmem>>)
      %dma_start3A_351 = arith.constant 13 : i32
      %dma_start3A_352 = arith.constant 1 : i32
      %dma_start3A_353 = arith.constant 0 : i32
      %dma_start3A_354 = arith.constant 0 : i32
      %dma_start3A_355 = tpu.memref_slice %arg7[%dma_start3A_352, %dma_start3A_353, %dma_start3A_354] : memref<2x125x128xf32, #tpu.memory_space<vmem>> -> memref<1x125x128xf32, #tpu.memory_space<vmem>>
      %dma_start3A_356 = tpu.memref_squeeze %dma_start3A_355 : memref<1x125x128xf32, #tpu.memory_space<vmem>> -> memref<125x128xf32, #tpu.memory_space<vmem>>
      %dma_start3A_357 = arith.constant 0 : i32
      %dma_start3A_358 = tpu.memref_slice %arg9[%dma_start3A_351, %dma_start3A_357] : memref<20x125xi32, #tpu.memory_space<vmem>> -> memref<1x125xi32, #tpu.memory_space<vmem>>
      %dma_start3A_359 = tpu.memref_squeeze %dma_start3A_358 : memref<1x125xi32, #tpu.memory_space<vmem>> -> memref<125xi32, #tpu.memory_space<vmem>>
      %dma_start3A_360 = arith.constant 0 : i32
      %dma_start3A_361 = arith.constant 0 : i32
      %dma_start3A_362 = tpu.memref_slice %arg2[%dma_start3A_360, %dma_start3A_361] : memref<10000x128xf32, #tpu.memory_space<hbm>> -> memref<10000x128xf32, #tpu.memory_space<hbm>>
      tpu.enqueue_indirect_dma source(%dma_start3A_362 : memref<10000x128xf32, #tpu.memory_space<hbm>>) target(%dma_start3A_356 : memref<125x128xf32, #tpu.memory_space<vmem>>) offsets(%dma_start3A_359 : memref<125xi32, #tpu.memory_space<vmem>>) semaphore(%arg12 : memref<!tpu.dma_semaphore, #tpu.memory_space<semaphore_mem>>)
      %run_scoped3A_363 = arith.constant 0 : i32
      %run_scoped3A_364 = arith.constant 12 : i32
      "tpu.region"() ({
        %run_scoped3A_535 = tpu.sem_alloc : memref<!tpu.dma_semaphore, #tpu.memory_space<semaphore_mem>>
        %dma_start3A_536 = arith.constant 0 : i32
        %dma_start3A_537 = arith.constant 0 : i32
        %dma_start3A_538 = tpu.memref_slice %arg7[%run_scoped3A_363, %dma_start3A_536, %dma_start3A_537] : memref<2x125x128xf32, #tpu.memory_space<vmem>> -> memref<1x125x128xf32, #tpu.memory_space<vmem>>
        %dma_start3A_539 = tpu.memref_squeeze %dma_start3A_538 : memref<1x125x128xf32, #tpu.memory_space<vmem>> -> memref<125x128xf32, #tpu.memory_space<vmem>>
        %dma_start3A_540 = arith.constant 0 : i32
        %dma_start3A_541 = tpu.memref_slice %arg8[%run_scoped3A_364, %dma_start3A_540] : memref<20x125xi32, #tpu.memory_space<vmem>> -> memref<1x125xi32, #tpu.memory_space<vmem>>
        %dma_start3A_542 = tpu.memref_squeeze %dma_start3A_541 : memref<1x125xi32, #tpu.memory_space<vmem>> -> memref<125xi32, #tpu.memory_space<vmem>>
        %dma_start3A_543 = arith.constant 0 : i32
        %dma_start3A_544 = arith.constant 0 : i32
        %dma_start3A_545 = tpu.memref_slice %arg10[%dma_start3A_543, %dma_start3A_544] : memref<10000x128xf32, #tpu.memory_space<vmem_shared>> -> memref<10000x128xf32, #tpu.memory_space<vmem_shared>>
        tpu.enqueue_indirect_dma source(%dma_start3A_539 : memref<125x128xf32, #tpu.memory_space<vmem>>) target(%dma_start3A_545 : memref<10000x128xf32, #tpu.memory_space<vmem_shared>>) offsets(%dma_start3A_542 : memref<125xi32, #tpu.memory_space<vmem>>) semaphore(%run_scoped3A_535 : memref<!tpu.dma_semaphore, #tpu.memory_space<semaphore_mem>>) {add = true}
        %dma_wait3A_546 = arith.constant 0 : i32
        %dma_wait3A_547 = arith.constant 0 : i32
        %dma_wait3A_548 = tpu.memref_slice %arg7[%run_scoped3A_363, %dma_wait3A_546, %dma_wait3A_547] : memref<2x125x128xf32, #tpu.memory_space<vmem>> -> memref<1x125x128xf32, #tpu.memory_space<vmem>>
        %dma_wait3A_549 = tpu.memref_squeeze %dma_wait3A_548 : memref<1x125x128xf32, #tpu.memory_space<vmem>> -> memref<125x128xf32, #tpu.memory_space<vmem>>
        %dma_wait3A_550 = arith.constant 0 : i32
        %dma_wait3A_551 = tpu.memref_slice %arg8[%run_scoped3A_364, %dma_wait3A_550] : memref<20x125xi32, #tpu.memory_space<vmem>> -> memref<1x125xi32, #tpu.memory_space<vmem>>
        %dma_wait3A_552 = tpu.memref_squeeze %dma_wait3A_551 : memref<1x125xi32, #tpu.memory_space<vmem>> -> memref<125xi32, #tpu.memory_space<vmem>>
        %dma_wait3A_553 = arith.constant 0 : i32
        %dma_wait3A_554 = arith.constant 0 : i32
        %dma_wait3A_555 = tpu.memref_slice %arg10[%dma_wait3A_553, %dma_wait3A_554] : memref<10000x128xf32, #tpu.memory_space<vmem_shared>> -> memref<10000x128xf32, #tpu.memory_space<vmem_shared>>
        tpu.wait_indirect_dma semaphore(%run_scoped3A_535 : memref<!tpu.dma_semaphore, #tpu.memory_space<semaphore_mem>>) src(%dma_wait3A_549 : memref<125x128xf32, #tpu.memory_space<vmem>>) dst(%dma_wait3A_555 : memref<10000x128xf32, #tpu.memory_space<vmem_shared>>)
        tpu.yield
      }) : () -> ()
      %dma_wait3A_365 = arith.constant 13 : i32
      %dma_wait3A_366 = arith.constant 1 : i32
      %dma_wait3A_367 = arith.constant 0 : i32
      %dma_wait3A_368 = arith.constant 0 : i32
      %dma_wait3A_369 = tpu.memref_slice %arg7[%dma_wait3A_366, %dma_wait3A_367, %dma_wait3A_368] : memref<2x125x128xf32, #tpu.memory_space<vmem>> -> memref<1x125x128xf32, #tpu.memory_space<vmem>>
      %dma_wait3A_370 = tpu.memref_squeeze %dma_wait3A_369 : memref<1x125x128xf32, #tpu.memory_space<vmem>> -> memref<125x128xf32, #tpu.memory_space<vmem>>
      %dma_wait3A_371 = arith.constant 0 : i32
      %dma_wait3A_372 = tpu.memref_slice %arg9[%dma_wait3A_365, %dma_wait3A_371] : memref<20x125xi32, #tpu.memory_space<vmem>> -> memref<1x125xi32, #tpu.memory_space<vmem>>
      %dma_wait3A_373 = tpu.memref_squeeze %dma_wait3A_372 : memref<1x125xi32, #tpu.memory_space<vmem>> -> memref<125xi32, #tpu.memory_space<vmem>>
      %dma_wait3A_374 = arith.constant 0 : i32
      %dma_wait3A_375 = arith.constant 0 : i32
      %dma_wait3A_376 = tpu.memref_slice %arg2[%dma_wait3A_374, %dma_wait3A_375] : memref<10000x128xf32, #tpu.memory_space<hbm>> -> memref<10000x128xf32, #tpu.memory_space<hbm>>
      tpu.wait_indirect_dma semaphore(%arg12 : memref<!tpu.dma_semaphore, #tpu.memory_space<semaphore_mem>>) src(%dma_wait3A_376 : memref<10000x128xf32, #tpu.memory_space<hbm>>) dst(%dma_wait3A_370 : memref<125x128xf32, #tpu.memory_space<vmem>>)
      %dma_start3A_377 = arith.constant 14 : i32
      %dma_start3A_378 = arith.constant 0 : i32
      %dma_start3A_379 = arith.constant 0 : i32
      %dma_start3A_380 = arith.constant 0 : i32
      %dma_start3A_381 = tpu.memref_slice %arg7[%dma_start3A_378, %dma_start3A_379, %dma_start3A_380] : memref<2x125x128xf32, #tpu.memory_space<vmem>> -> memref<1x125x128xf32, #tpu.memory_space<vmem>>
      %dma_start3A_382 = tpu.memref_squeeze %dma_start3A_381 : memref<1x125x128xf32, #tpu.memory_space<vmem>> -> memref<125x128xf32, #tpu.memory_space<vmem>>
      %dma_start3A_383 = arith.constant 0 : i32
      %dma_start3A_384 = tpu.memref_slice %arg9[%dma_start3A_377, %dma_start3A_383] : memref<20x125xi32, #tpu.memory_space<vmem>> -> memref<1x125xi32, #tpu.memory_space<vmem>>
      %dma_start3A_385 = tpu.memref_squeeze %dma_start3A_384 : memref<1x125xi32, #tpu.memory_space<vmem>> -> memref<125xi32, #tpu.memory_space<vmem>>
      %dma_start3A_386 = arith.constant 0 : i32
      %dma_start3A_387 = arith.constant 0 : i32
      %dma_start3A_388 = tpu.memref_slice %arg2[%dma_start3A_386, %dma_start3A_387] : memref<10000x128xf32, #tpu.memory_space<hbm>> -> memref<10000x128xf32, #tpu.memory_space<hbm>>
      tpu.enqueue_indirect_dma source(%dma_start3A_388 : memref<10000x128xf32, #tpu.memory_space<hbm>>) target(%dma_start3A_382 : memref<125x128xf32, #tpu.memory_space<vmem>>) offsets(%dma_start3A_385 : memref<125xi32, #tpu.memory_space<vmem>>) semaphore(%arg11 : memref<!tpu.dma_semaphore, #tpu.memory_space<semaphore_mem>>)
      %run_scoped3A_389 = arith.constant 1 : i32
      %run_scoped3A_390 = arith.constant 13 : i32
      "tpu.region"() ({
        %run_scoped3A_535 = tpu.sem_alloc : memref<!tpu.dma_semaphore, #tpu.memory_space<semaphore_mem>>
        %dma_start3A_536 = arith.constant 0 : i32
        %dma_start3A_537 = arith.constant 0 : i32
        %dma_start3A_538 = tpu.memref_slice %arg7[%run_scoped3A_389, %dma_start3A_536, %dma_start3A_537] : memref<2x125x128xf32, #tpu.memory_space<vmem>> -> memref<1x125x128xf32, #tpu.memory_space<vmem>>
        %dma_start3A_539 = tpu.memref_squeeze %dma_start3A_538 : memref<1x125x128xf32, #tpu.memory_space<vmem>> -> memref<125x128xf32, #tpu.memory_space<vmem>>
        %dma_start3A_540 = arith.constant 0 : i32
        %dma_start3A_541 = tpu.memref_slice %arg8[%run_scoped3A_390, %dma_start3A_540] : memref<20x125xi32, #tpu.memory_space<vmem>> -> memref<1x125xi32, #tpu.memory_space<vmem>>
        %dma_start3A_542 = tpu.memref_squeeze %dma_start3A_541 : memref<1x125xi32, #tpu.memory_space<vmem>> -> memref<125xi32, #tpu.memory_space<vmem>>
        %dma_start3A_543 = arith.constant 0 : i32
        %dma_start3A_544 = arith.constant 0 : i32
        %dma_start3A_545 = tpu.memref_slice %arg10[%dma_start3A_543, %dma_start3A_544] : memref<10000x128xf32, #tpu.memory_space<vmem_shared>> -> memref<10000x128xf32, #tpu.memory_space<vmem_shared>>
        tpu.enqueue_indirect_dma source(%dma_start3A_539 : memref<125x128xf32, #tpu.memory_space<vmem>>) target(%dma_start3A_545 : memref<10000x128xf32, #tpu.memory_space<vmem_shared>>) offsets(%dma_start3A_542 : memref<125xi32, #tpu.memory_space<vmem>>) semaphore(%run_scoped3A_535 : memref<!tpu.dma_semaphore, #tpu.memory_space<semaphore_mem>>) {add = true}
        %dma_wait3A_546 = arith.constant 0 : i32
        %dma_wait3A_547 = arith.constant 0 : i32
        %dma_wait3A_548 = tpu.memref_slice %arg7[%run_scoped3A_389, %dma_wait3A_546, %dma_wait3A_547] : memref<2x125x128xf32, #tpu.memory_space<vmem>> -> memref<1x125x128xf32, #tpu.memory_space<vmem>>
        %dma_wait3A_549 = tpu.memref_squeeze %dma_wait3A_548 : memref<1x125x128xf32, #tpu.memory_space<vmem>> -> memref<125x128xf32, #tpu.memory_space<vmem>>
        %dma_wait3A_550 = arith.constant 0 : i32
        %dma_wait3A_551 = tpu.memref_slice %arg8[%run_scoped3A_390, %dma_wait3A_550] : memref<20x125xi32, #tpu.memory_space<vmem>> -> memref<1x125xi32, #tpu.memory_space<vmem>>
        %dma_wait3A_552 = tpu.memref_squeeze %dma_wait3A_551 : memref<1x125xi32, #tpu.memory_space<vmem>> -> memref<125xi32, #tpu.memory_space<vmem>>
        %dma_wait3A_553 = arith.constant 0 : i32
        %dma_wait3A_554 = arith.constant 0 : i32
        %dma_wait3A_555 = tpu.memref_slice %arg10[%dma_wait3A_553, %dma_wait3A_554] : memref<10000x128xf32, #tpu.memory_space<vmem_shared>> -> memref<10000x128xf32, #tpu.memory_space<vmem_shared>>
        tpu.wait_indirect_dma semaphore(%run_scoped3A_535 : memref<!tpu.dma_semaphore, #tpu.memory_space<semaphore_mem>>) src(%dma_wait3A_549 : memref<125x128xf32, #tpu.memory_space<vmem>>) dst(%dma_wait3A_555 : memref<10000x128xf32, #tpu.memory_space<vmem_shared>>)
        tpu.yield
      }) : () -> ()
      %dma_wait3A_391 = arith.constant 14 : i32
      %dma_wait3A_392 = arith.constant 0 : i32
      %dma_wait3A_393 = arith.constant 0 : i32
      %dma_wait3A_394 = arith.constant 0 : i32
      %dma_wait3A_395 = tpu.memref_slice %arg7[%dma_wait3A_392, %dma_wait3A_393, %dma_wait3A_394] : memref<2x125x128xf32, #tpu.memory_space<vmem>> -> memref<1x125x128xf32, #tpu.memory_space<vmem>>
      %dma_wait3A_396 = tpu.memref_squeeze %dma_wait3A_395 : memref<1x125x128xf32, #tpu.memory_space<vmem>> -> memref<125x128xf32, #tpu.memory_space<vmem>>
      %dma_wait3A_397 = arith.constant 0 : i32
      %dma_wait3A_398 = tpu.memref_slice %arg9[%dma_wait3A_391, %dma_wait3A_397] : memref<20x125xi32, #tpu.memory_space<vmem>> -> memref<1x125xi32, #tpu.memory_space<vmem>>
      %dma_wait3A_399 = tpu.memref_squeeze %dma_wait3A_398 : memref<1x125xi32, #tpu.memory_space<vmem>> -> memref<125xi32, #tpu.memory_space<vmem>>
      %dma_wait3A_400 = arith.constant 0 : i32
      %dma_wait3A_401 = arith.constant 0 : i32
      %dma_wait3A_402 = tpu.memref_slice %arg2[%dma_wait3A_400, %dma_wait3A_401] : memref<10000x128xf32, #tpu.memory_space<hbm>> -> memref<10000x128xf32, #tpu.memory_space<hbm>>
      tpu.wait_indirect_dma semaphore(%arg11 : memref<!tpu.dma_semaphore, #tpu.memory_space<semaphore_mem>>) src(%dma_wait3A_402 : memref<10000x128xf32, #tpu.memory_space<hbm>>) dst(%dma_wait3A_396 : memref<125x128xf32, #tpu.memory_space<vmem>>)
      %dma_start3A_403 = arith.constant 15 : i32
      %dma_start3A_404 = arith.constant 1 : i32
      %dma_start3A_405 = arith.constant 0 : i32
      %dma_start3A_406 = arith.constant 0 : i32
      %dma_start3A_407 = tpu.memref_slice %arg7[%dma_start3A_404, %dma_start3A_405, %dma_start3A_406] : memref<2x125x128xf32, #tpu.memory_space<vmem>> -> memref<1x125x128xf32, #tpu.memory_space<vmem>>
      %dma_start3A_408 = tpu.memref_squeeze %dma_start3A_407 : memref<1x125x128xf32, #tpu.memory_space<vmem>> -> memref<125x128xf32, #tpu.memory_space<vmem>>
      %dma_start3A_409 = arith.constant 0 : i32
      %dma_start3A_410 = tpu.memref_slice %arg9[%dma_start3A_403, %dma_start3A_409] : memref<20x125xi32, #tpu.memory_space<vmem>> -> memref<1x125xi32, #tpu.memory_space<vmem>>
      %dma_start3A_411 = tpu.memref_squeeze %dma_start3A_410 : memref<1x125xi32, #tpu.memory_space<vmem>> -> memref<125xi32, #tpu.memory_space<vmem>>
      %dma_start3A_412 = arith.constant 0 : i32
      %dma_start3A_413 = arith.constant 0 : i32
      %dma_start3A_414 = tpu.memref_slice %arg2[%dma_start3A_412, %dma_start3A_413] : memref<10000x128xf32, #tpu.memory_space<hbm>> -> memref<10000x128xf32, #tpu.memory_space<hbm>>
      tpu.enqueue_indirect_dma source(%dma_start3A_414 : memref<10000x128xf32, #tpu.memory_space<hbm>>) target(%dma_start3A_408 : memref<125x128xf32, #tpu.memory_space<vmem>>) offsets(%dma_start3A_411 : memref<125xi32, #tpu.memory_space<vmem>>) semaphore(%arg12 : memref<!tpu.dma_semaphore, #tpu.memory_space<semaphore_mem>>)
      %run_scoped3A_415 = arith.constant 0 : i32
      %run_scoped3A_416 = arith.constant 14 : i32
      "tpu.region"() ({
        %run_scoped3A_535 = tpu.sem_alloc : memref<!tpu.dma_semaphore, #tpu.memory_space<semaphore_mem>>
        %dma_start3A_536 = arith.constant 0 : i32
        %dma_start3A_537 = arith.constant 0 : i32
        %dma_start3A_538 = tpu.memref_slice %arg7[%run_scoped3A_415, %dma_start3A_536, %dma_start3A_537] : memref<2x125x128xf32, #tpu.memory_space<vmem>> -> memref<1x125x128xf32, #tpu.memory_space<vmem>>
        %dma_start3A_539 = tpu.memref_squeeze %dma_start3A_538 : memref<1x125x128xf32, #tpu.memory_space<vmem>> -> memref<125x128xf32, #tpu.memory_space<vmem>>
        %dma_start3A_540 = arith.constant 0 : i32
        %dma_start3A_541 = tpu.memref_slice %arg8[%run_scoped3A_416, %dma_start3A_540] : memref<20x125xi32, #tpu.memory_space<vmem>> -> memref<1x125xi32, #tpu.memory_space<vmem>>
        %dma_start3A_542 = tpu.memref_squeeze %dma_start3A_541 : memref<1x125xi32, #tpu.memory_space<vmem>> -> memref<125xi32, #tpu.memory_space<vmem>>
        %dma_start3A_543 = arith.constant 0 : i32
        %dma_start3A_544 = arith.constant 0 : i32
        %dma_start3A_545 = tpu.memref_slice %arg10[%dma_start3A_543, %dma_start3A_544] : memref<10000x128xf32, #tpu.memory_space<vmem_shared>> -> memref<10000x128xf32, #tpu.memory_space<vmem_shared>>
        tpu.enqueue_indirect_dma source(%dma_start3A_539 : memref<125x128xf32, #tpu.memory_space<vmem>>) target(%dma_start3A_545 : memref<10000x128xf32, #tpu.memory_space<vmem_shared>>) offsets(%dma_start3A_542 : memref<125xi32, #tpu.memory_space<vmem>>) semaphore(%run_scoped3A_535 : memref<!tpu.dma_semaphore, #tpu.memory_space<semaphore_mem>>) {add = true}
        %dma_wait3A_546 = arith.constant 0 : i32
        %dma_wait3A_547 = arith.constant 0 : i32
        %dma_wait3A_548 = tpu.memref_slice %arg7[%run_scoped3A_415, %dma_wait3A_546, %dma_wait3A_547] : memref<2x125x128xf32, #tpu.memory_space<vmem>> -> memref<1x125x128xf32, #tpu.memory_space<vmem>>
        %dma_wait3A_549 = tpu.memref_squeeze %dma_wait3A_548 : memref<1x125x128xf32, #tpu.memory_space<vmem>> -> memref<125x128xf32, #tpu.memory_space<vmem>>
        %dma_wait3A_550 = arith.constant 0 : i32
        %dma_wait3A_551 = tpu.memref_slice %arg8[%run_scoped3A_416, %dma_wait3A_550] : memref<20x125xi32, #tpu.memory_space<vmem>> -> memref<1x125xi32, #tpu.memory_space<vmem>>
        %dma_wait3A_552 = tpu.memref_squeeze %dma_wait3A_551 : memref<1x125xi32, #tpu.memory_space<vmem>> -> memref<125xi32, #tpu.memory_space<vmem>>
        %dma_wait3A_553 = arith.constant 0 : i32
        %dma_wait3A_554 = arith.constant 0 : i32
        %dma_wait3A_555 = tpu.memref_slice %arg10[%dma_wait3A_553, %dma_wait3A_554] : memref<10000x128xf32, #tpu.memory_space<vmem_shared>> -> memref<10000x128xf32, #tpu.memory_space<vmem_shared>>
        tpu.wait_indirect_dma semaphore(%run_scoped3A_535 : memref<!tpu.dma_semaphore, #tpu.memory_space<semaphore_mem>>) src(%dma_wait3A_549 : memref<125x128xf32, #tpu.memory_space<vmem>>) dst(%dma_wait3A_555 : memref<10000x128xf32, #tpu.memory_space<vmem_shared>>)
        tpu.yield
      }) : () -> ()
      %dma_wait3A_417 = arith.constant 15 : i32
      %dma_wait3A_418 = arith.constant 1 : i32
      %dma_wait3A_419 = arith.constant 0 : i32
      %dma_wait3A_420 = arith.constant 0 : i32
      %dma_wait3A_421 = tpu.memref_slice %arg7[%dma_wait3A_418, %dma_wait3A_419, %dma_wait3A_420] : memref<2x125x128xf32, #tpu.memory_space<vmem>> -> memref<1x125x128xf32, #tpu.memory_space<vmem>>
      %dma_wait3A_422 = tpu.memref_squeeze %dma_wait3A_421 : memref<1x125x128xf32, #tpu.memory_space<vmem>> -> memref<125x128xf32, #tpu.memory_space<vmem>>
      %dma_wait3A_423 = arith.constant 0 : i32
      %dma_wait3A_424 = tpu.memref_slice %arg9[%dma_wait3A_417, %dma_wait3A_423] : memref<20x125xi32, #tpu.memory_space<vmem>> -> memref<1x125xi32, #tpu.memory_space<vmem>>
      %dma_wait3A_425 = tpu.memref_squeeze %dma_wait3A_424 : memref<1x125xi32, #tpu.memory_space<vmem>> -> memref<125xi32, #tpu.memory_space<vmem>>
      %dma_wait3A_426 = arith.constant 0 : i32
      %dma_wait3A_427 = arith.constant 0 : i32
      %dma_wait3A_428 = tpu.memref_slice %arg2[%dma_wait3A_426, %dma_wait3A_427] : memref<10000x128xf32, #tpu.memory_space<hbm>> -> memref<10000x128xf32, #tpu.memory_space<hbm>>
      tpu.wait_indirect_dma semaphore(%arg12 : memref<!tpu.dma_semaphore, #tpu.memory_space<semaphore_mem>>) src(%dma_wait3A_428 : memref<10000x128xf32, #tpu.memory_space<hbm>>) dst(%dma_wait3A_422 : memref<125x128xf32, #tpu.memory_space<vmem>>)
      %dma_start3A_429 = arith.constant 16 : i32
      %dma_start3A_430 = arith.constant 0 : i32
      %dma_start3A_431 = arith.constant 0 : i32
      %dma_start3A_432 = arith.constant 0 : i32
      %dma_start3A_433 = tpu.memref_slice %arg7[%dma_start3A_430, %dma_start3A_431, %dma_start3A_432] : memref<2x125x128xf32, #tpu.memory_space<vmem>> -> memref<1x125x128xf32, #tpu.memory_space<vmem>>
      %dma_start3A_434 = tpu.memref_squeeze %dma_start3A_433 : memref<1x125x128xf32, #tpu.memory_space<vmem>> -> memref<125x128xf32, #tpu.memory_space<vmem>>
      %dma_start3A_435 = arith.constant 0 : i32
      %dma_start3A_436 = tpu.memref_slice %arg9[%dma_start3A_429, %dma_start3A_435] : memref<20x125xi32, #tpu.memory_space<vmem>> -> memref<1x125xi32, #tpu.memory_space<vmem>>
      %dma_start3A_437 = tpu.memref_squeeze %dma_start3A_436 : memref<1x125xi32, #tpu.memory_space<vmem>> -> memref<125xi32, #tpu.memory_space<vmem>>
      %dma_start3A_438 = arith.constant 0 : i32
      %dma_start3A_439 = arith.constant 0 : i32
      %dma_start3A_440 = tpu.memref_slice %arg2[%dma_start3A_438, %dma_start3A_439] : memref<10000x128xf32, #tpu.memory_space<hbm>> -> memref<10000x128xf32, #tpu.memory_space<hbm>>
      tpu.enqueue_indirect_dma source(%dma_start3A_440 : memref<10000x128xf32, #tpu.memory_space<hbm>>) target(%dma_start3A_434 : memref<125x128xf32, #tpu.memory_space<vmem>>) offsets(%dma_start3A_437 : memref<125xi32, #tpu.memory_space<vmem>>) semaphore(%arg11 : memref<!tpu.dma_semaphore, #tpu.memory_space<semaphore_mem>>)
      %run_scoped3A_441 = arith.constant 1 : i32
      %run_scoped3A_442 = arith.constant 15 : i32
      "tpu.region"() ({
        %run_scoped3A_535 = tpu.sem_alloc : memref<!tpu.dma_semaphore, #tpu.memory_space<semaphore_mem>>
        %dma_start3A_536 = arith.constant 0 : i32
        %dma_start3A_537 = arith.constant 0 : i32
        %dma_start3A_538 = tpu.memref_slice %arg7[%run_scoped3A_441, %dma_start3A_536, %dma_start3A_537] : memref<2x125x128xf32, #tpu.memory_space<vmem>> -> memref<1x125x128xf32, #tpu.memory_space<vmem>>
        %dma_start3A_539 = tpu.memref_squeeze %dma_start3A_538 : memref<1x125x128xf32, #tpu.memory_space<vmem>> -> memref<125x128xf32, #tpu.memory_space<vmem>>
        %dma_start3A_540 = arith.constant 0 : i32
        %dma_start3A_541 = tpu.memref_slice %arg8[%run_scoped3A_442, %dma_start3A_540] : memref<20x125xi32, #tpu.memory_space<vmem>> -> memref<1x125xi32, #tpu.memory_space<vmem>>
        %dma_start3A_542 = tpu.memref_squeeze %dma_start3A_541 : memref<1x125xi32, #tpu.memory_space<vmem>> -> memref<125xi32, #tpu.memory_space<vmem>>
        %dma_start3A_543 = arith.constant 0 : i32
        %dma_start3A_544 = arith.constant 0 : i32
        %dma_start3A_545 = tpu.memref_slice %arg10[%dma_start3A_543, %dma_start3A_544] : memref<10000x128xf32, #tpu.memory_space<vmem_shared>> -> memref<10000x128xf32, #tpu.memory_space<vmem_shared>>
        tpu.enqueue_indirect_dma source(%dma_start3A_539 : memref<125x128xf32, #tpu.memory_space<vmem>>) target(%dma_start3A_545 : memref<10000x128xf32, #tpu.memory_space<vmem_shared>>) offsets(%dma_start3A_542 : memref<125xi32, #tpu.memory_space<vmem>>) semaphore(%run_scoped3A_535 : memref<!tpu.dma_semaphore, #tpu.memory_space<semaphore_mem>>) {add = true}
        %dma_wait3A_546 = arith.constant 0 : i32
        %dma_wait3A_547 = arith.constant 0 : i32
        %dma_wait3A_548 = tpu.memref_slice %arg7[%run_scoped3A_441, %dma_wait3A_546, %dma_wait3A_547] : memref<2x125x128xf32, #tpu.memory_space<vmem>> -> memref<1x125x128xf32, #tpu.memory_space<vmem>>
        %dma_wait3A_549 = tpu.memref_squeeze %dma_wait3A_548 : memref<1x125x128xf32, #tpu.memory_space<vmem>> -> memref<125x128xf32, #tpu.memory_space<vmem>>
        %dma_wait3A_550 = arith.constant 0 : i32
        %dma_wait3A_551 = tpu.memref_slice %arg8[%run_scoped3A_442, %dma_wait3A_550] : memref<20x125xi32, #tpu.memory_space<vmem>> -> memref<1x125xi32, #tpu.memory_space<vmem>>
        %dma_wait3A_552 = tpu.memref_squeeze %dma_wait3A_551 : memref<1x125xi32, #tpu.memory_space<vmem>> -> memref<125xi32, #tpu.memory_space<vmem>>
        %dma_wait3A_553 = arith.constant 0 : i32
        %dma_wait3A_554 = arith.constant 0 : i32
        %dma_wait3A_555 = tpu.memref_slice %arg10[%dma_wait3A_553, %dma_wait3A_554] : memref<10000x128xf32, #tpu.memory_space<vmem_shared>> -> memref<10000x128xf32, #tpu.memory_space<vmem_shared>>
        tpu.wait_indirect_dma semaphore(%run_scoped3A_535 : memref<!tpu.dma_semaphore, #tpu.memory_space<semaphore_mem>>) src(%dma_wait3A_549 : memref<125x128xf32, #tpu.memory_space<vmem>>) dst(%dma_wait3A_555 : memref<10000x128xf32, #tpu.memory_space<vmem_shared>>)
        tpu.yield
      }) : () -> ()
      %dma_wait3A_443 = arith.constant 16 : i32
      %dma_wait3A_444 = arith.constant 0 : i32
      %dma_wait3A_445 = arith.constant 0 : i32
      %dma_wait3A_446 = arith.constant 0 : i32
      %dma_wait3A_447 = tpu.memref_slice %arg7[%dma_wait3A_444, %dma_wait3A_445, %dma_wait3A_446] : memref<2x125x128xf32, #tpu.memory_space<vmem>> -> memref<1x125x128xf32, #tpu.memory_space<vmem>>
      %dma_wait3A_448 = tpu.memref_squeeze %dma_wait3A_447 : memref<1x125x128xf32, #tpu.memory_space<vmem>> -> memref<125x128xf32, #tpu.memory_space<vmem>>
      %dma_wait3A_449 = arith.constant 0 : i32
      %dma_wait3A_450 = tpu.memref_slice %arg9[%dma_wait3A_443, %dma_wait3A_449] : memref<20x125xi32, #tpu.memory_space<vmem>> -> memref<1x125xi32, #tpu.memory_space<vmem>>
      %dma_wait3A_451 = tpu.memref_squeeze %dma_wait3A_450 : memref<1x125xi32, #tpu.memory_space<vmem>> -> memref<125xi32, #tpu.memory_space<vmem>>
      %dma_wait3A_452 = arith.constant 0 : i32
      %dma_wait3A_453 = arith.constant 0 : i32
      %dma_wait3A_454 = tpu.memref_slice %arg2[%dma_wait3A_452, %dma_wait3A_453] : memref<10000x128xf32, #tpu.memory_space<hbm>> -> memref<10000x128xf32, #tpu.memory_space<hbm>>
      tpu.wait_indirect_dma semaphore(%arg11 : memref<!tpu.dma_semaphore, #tpu.memory_space<semaphore_mem>>) src(%dma_wait3A_454 : memref<10000x128xf32, #tpu.memory_space<hbm>>) dst(%dma_wait3A_448 : memref<125x128xf32, #tpu.memory_space<vmem>>)
      %dma_start3A_455 = arith.constant 17 : i32
      %dma_start3A_456 = arith.constant 1 : i32
      %dma_start3A_457 = arith.constant 0 : i32
      %dma_start3A_458 = arith.constant 0 : i32
      %dma_start3A_459 = tpu.memref_slice %arg7[%dma_start3A_456, %dma_start3A_457, %dma_start3A_458] : memref<2x125x128xf32, #tpu.memory_space<vmem>> -> memref<1x125x128xf32, #tpu.memory_space<vmem>>
      %dma_start3A_460 = tpu.memref_squeeze %dma_start3A_459 : memref<1x125x128xf32, #tpu.memory_space<vmem>> -> memref<125x128xf32, #tpu.memory_space<vmem>>
      %dma_start3A_461 = arith.constant 0 : i32
      %dma_start3A_462 = tpu.memref_slice %arg9[%dma_start3A_455, %dma_start3A_461] : memref<20x125xi32, #tpu.memory_space<vmem>> -> memref<1x125xi32, #tpu.memory_space<vmem>>
      %dma_start3A_463 = tpu.memref_squeeze %dma_start3A_462 : memref<1x125xi32, #tpu.memory_space<vmem>> -> memref<125xi32, #tpu.memory_space<vmem>>
      %dma_start3A_464 = arith.constant 0 : i32
      %dma_start3A_465 = arith.constant 0 : i32
      %dma_start3A_466 = tpu.memref_slice %arg2[%dma_start3A_464, %dma_start3A_465] : memref<10000x128xf32, #tpu.memory_space<hbm>> -> memref<10000x128xf32, #tpu.memory_space<hbm>>
      tpu.enqueue_indirect_dma source(%dma_start3A_466 : memref<10000x128xf32, #tpu.memory_space<hbm>>) target(%dma_start3A_460 : memref<125x128xf32, #tpu.memory_space<vmem>>) offsets(%dma_start3A_463 : memref<125xi32, #tpu.memory_space<vmem>>) semaphore(%arg12 : memref<!tpu.dma_semaphore, #tpu.memory_space<semaphore_mem>>)
      %run_scoped3A_467 = arith.constant 0 : i32
      %run_scoped3A_468 = arith.constant 16 : i32
      "tpu.region"() ({
        %run_scoped3A_535 = tpu.sem_alloc : memref<!tpu.dma_semaphore, #tpu.memory_space<semaphore_mem>>
        %dma_start3A_536 = arith.constant 0 : i32
        %dma_start3A_537 = arith.constant 0 : i32
        %dma_start3A_538 = tpu.memref_slice %arg7[%run_scoped3A_467, %dma_start3A_536, %dma_start3A_537] : memref<2x125x128xf32, #tpu.memory_space<vmem>> -> memref<1x125x128xf32, #tpu.memory_space<vmem>>
        %dma_start3A_539 = tpu.memref_squeeze %dma_start3A_538 : memref<1x125x128xf32, #tpu.memory_space<vmem>> -> memref<125x128xf32, #tpu.memory_space<vmem>>
        %dma_start3A_540 = arith.constant 0 : i32
        %dma_start3A_541 = tpu.memref_slice %arg8[%run_scoped3A_468, %dma_start3A_540] : memref<20x125xi32, #tpu.memory_space<vmem>> -> memref<1x125xi32, #tpu.memory_space<vmem>>
        %dma_start3A_542 = tpu.memref_squeeze %dma_start3A_541 : memref<1x125xi32, #tpu.memory_space<vmem>> -> memref<125xi32, #tpu.memory_space<vmem>>
        %dma_start3A_543 = arith.constant 0 : i32
        %dma_start3A_544 = arith.constant 0 : i32
        %dma_start3A_545 = tpu.memref_slice %arg10[%dma_start3A_543, %dma_start3A_544] : memref<10000x128xf32, #tpu.memory_space<vmem_shared>> -> memref<10000x128xf32, #tpu.memory_space<vmem_shared>>
        tpu.enqueue_indirect_dma source(%dma_start3A_539 : memref<125x128xf32, #tpu.memory_space<vmem>>) target(%dma_start3A_545 : memref<10000x128xf32, #tpu.memory_space<vmem_shared>>) offsets(%dma_start3A_542 : memref<125xi32, #tpu.memory_space<vmem>>) semaphore(%run_scoped3A_535 : memref<!tpu.dma_semaphore, #tpu.memory_space<semaphore_mem>>) {add = true}
        %dma_wait3A_546 = arith.constant 0 : i32
        %dma_wait3A_547 = arith.constant 0 : i32
        %dma_wait3A_548 = tpu.memref_slice %arg7[%run_scoped3A_467, %dma_wait3A_546, %dma_wait3A_547] : memref<2x125x128xf32, #tpu.memory_space<vmem>> -> memref<1x125x128xf32, #tpu.memory_space<vmem>>
        %dma_wait3A_549 = tpu.memref_squeeze %dma_wait3A_548 : memref<1x125x128xf32, #tpu.memory_space<vmem>> -> memref<125x128xf32, #tpu.memory_space<vmem>>
        %dma_wait3A_550 = arith.constant 0 : i32
        %dma_wait3A_551 = tpu.memref_slice %arg8[%run_scoped3A_468, %dma_wait3A_550] : memref<20x125xi32, #tpu.memory_space<vmem>> -> memref<1x125xi32, #tpu.memory_space<vmem>>
        %dma_wait3A_552 = tpu.memref_squeeze %dma_wait3A_551 : memref<1x125xi32, #tpu.memory_space<vmem>> -> memref<125xi32, #tpu.memory_space<vmem>>
        %dma_wait3A_553 = arith.constant 0 : i32
        %dma_wait3A_554 = arith.constant 0 : i32
        %dma_wait3A_555 = tpu.memref_slice %arg10[%dma_wait3A_553, %dma_wait3A_554] : memref<10000x128xf32, #tpu.memory_space<vmem_shared>> -> memref<10000x128xf32, #tpu.memory_space<vmem_shared>>
        tpu.wait_indirect_dma semaphore(%run_scoped3A_535 : memref<!tpu.dma_semaphore, #tpu.memory_space<semaphore_mem>>) src(%dma_wait3A_549 : memref<125x128xf32, #tpu.memory_space<vmem>>) dst(%dma_wait3A_555 : memref<10000x128xf32, #tpu.memory_space<vmem_shared>>)
        tpu.yield
      }) : () -> ()
      %dma_wait3A_469 = arith.constant 17 : i32
      %dma_wait3A_470 = arith.constant 1 : i32
      %dma_wait3A_471 = arith.constant 0 : i32
      %dma_wait3A_472 = arith.constant 0 : i32
      %dma_wait3A_473 = tpu.memref_slice %arg7[%dma_wait3A_470, %dma_wait3A_471, %dma_wait3A_472] : memref<2x125x128xf32, #tpu.memory_space<vmem>> -> memref<1x125x128xf32, #tpu.memory_space<vmem>>
      %dma_wait3A_474 = tpu.memref_squeeze %dma_wait3A_473 : memref<1x125x128xf32, #tpu.memory_space<vmem>> -> memref<125x128xf32, #tpu.memory_space<vmem>>
      %dma_wait3A_475 = arith.constant 0 : i32
      %dma_wait3A_476 = tpu.memref_slice %arg9[%dma_wait3A_469, %dma_wait3A_475] : memref<20x125xi32, #tpu.memory_space<vmem>> -> memref<1x125xi32, #tpu.memory_space<vmem>>
      %dma_wait3A_477 = tpu.memref_squeeze %dma_wait3A_476 : memref<1x125xi32, #tpu.memory_space<vmem>> -> memref<125xi32, #tpu.memory_space<vmem>>
      %dma_wait3A_478 = arith.constant 0 : i32
      %dma_wait3A_479 = arith.constant 0 : i32
      %dma_wait3A_480 = tpu.memref_slice %arg2[%dma_wait3A_478, %dma_wait3A_479] : memref<10000x128xf32, #tpu.memory_space<hbm>> -> memref<10000x128xf32, #tpu.memory_space<hbm>>
      tpu.wait_indirect_dma semaphore(%arg12 : memref<!tpu.dma_semaphore, #tpu.memory_space<semaphore_mem>>) src(%dma_wait3A_480 : memref<10000x128xf32, #tpu.memory_space<hbm>>) dst(%dma_wait3A_474 : memref<125x128xf32, #tpu.memory_space<vmem>>)
      %dma_start3A_481 = arith.constant 18 : i32
      %dma_start3A_482 = arith.constant 0 : i32
      %dma_start3A_483 = arith.constant 0 : i32
      %dma_start3A_484 = arith.constant 0 : i32
      %dma_start3A_485 = tpu.memref_slice %arg7[%dma_start3A_482, %dma_start3A_483, %dma_start3A_484] : memref<2x125x128xf32, #tpu.memory_space<vmem>> -> memref<1x125x128xf32, #tpu.memory_space<vmem>>
      %dma_start3A_486 = tpu.memref_squeeze %dma_start3A_485 : memref<1x125x128xf32, #tpu.memory_space<vmem>> -> memref<125x128xf32, #tpu.memory_space<vmem>>
      %dma_start3A_487 = arith.constant 0 : i32
      %dma_start3A_488 = tpu.memref_slice %arg9[%dma_start3A_481, %dma_start3A_487] : memref<20x125xi32, #tpu.memory_space<vmem>> -> memref<1x125xi32, #tpu.memory_space<vmem>>
      %dma_start3A_489 = tpu.memref_squeeze %dma_start3A_488 : memref<1x125xi32, #tpu.memory_space<vmem>> -> memref<125xi32, #tpu.memory_space<vmem>>
      %dma_start3A_490 = arith.constant 0 : i32
      %dma_start3A_491 = arith.constant 0 : i32
      %dma_start3A_492 = tpu.memref_slice %arg2[%dma_start3A_490, %dma_start3A_491] : memref<10000x128xf32, #tpu.memory_space<hbm>> -> memref<10000x128xf32, #tpu.memory_space<hbm>>
      tpu.enqueue_indirect_dma source(%dma_start3A_492 : memref<10000x128xf32, #tpu.memory_space<hbm>>) target(%dma_start3A_486 : memref<125x128xf32, #tpu.memory_space<vmem>>) offsets(%dma_start3A_489 : memref<125xi32, #tpu.memory_space<vmem>>) semaphore(%arg11 : memref<!tpu.dma_semaphore, #tpu.memory_space<semaphore_mem>>)
      %run_scoped3A_493 = arith.constant 1 : i32
      %run_scoped3A_494 = arith.constant 17 : i32
      "tpu.region"() ({
        %run_scoped3A_535 = tpu.sem_alloc : memref<!tpu.dma_semaphore, #tpu.memory_space<semaphore_mem>>
        %dma_start3A_536 = arith.constant 0 : i32
        %dma_start3A_537 = arith.constant 0 : i32
        %dma_start3A_538 = tpu.memref_slice %arg7[%run_scoped3A_493, %dma_start3A_536, %dma_start3A_537] : memref<2x125x128xf32, #tpu.memory_space<vmem>> -> memref<1x125x128xf32, #tpu.memory_space<vmem>>
        %dma_start3A_539 = tpu.memref_squeeze %dma_start3A_538 : memref<1x125x128xf32, #tpu.memory_space<vmem>> -> memref<125x128xf32, #tpu.memory_space<vmem>>
        %dma_start3A_540 = arith.constant 0 : i32
        %dma_start3A_541 = tpu.memref_slice %arg8[%run_scoped3A_494, %dma_start3A_540] : memref<20x125xi32, #tpu.memory_space<vmem>> -> memref<1x125xi32, #tpu.memory_space<vmem>>
        %dma_start3A_542 = tpu.memref_squeeze %dma_start3A_541 : memref<1x125xi32, #tpu.memory_space<vmem>> -> memref<125xi32, #tpu.memory_space<vmem>>
        %dma_start3A_543 = arith.constant 0 : i32
        %dma_start3A_544 = arith.constant 0 : i32
        %dma_start3A_545 = tpu.memref_slice %arg10[%dma_start3A_543, %dma_start3A_544] : memref<10000x128xf32, #tpu.memory_space<vmem_shared>> -> memref<10000x128xf32, #tpu.memory_space<vmem_shared>>
        tpu.enqueue_indirect_dma source(%dma_start3A_539 : memref<125x128xf32, #tpu.memory_space<vmem>>) target(%dma_start3A_545 : memref<10000x128xf32, #tpu.memory_space<vmem_shared>>) offsets(%dma_start3A_542 : memref<125xi32, #tpu.memory_space<vmem>>) semaphore(%run_scoped3A_535 : memref<!tpu.dma_semaphore, #tpu.memory_space<semaphore_mem>>) {add = true}
        %dma_wait3A_546 = arith.constant 0 : i32
        %dma_wait3A_547 = arith.constant 0 : i32
        %dma_wait3A_548 = tpu.memref_slice %arg7[%run_scoped3A_493, %dma_wait3A_546, %dma_wait3A_547] : memref<2x125x128xf32, #tpu.memory_space<vmem>> -> memref<1x125x128xf32, #tpu.memory_space<vmem>>
        %dma_wait3A_549 = tpu.memref_squeeze %dma_wait3A_548 : memref<1x125x128xf32, #tpu.memory_space<vmem>> -> memref<125x128xf32, #tpu.memory_space<vmem>>
        %dma_wait3A_550 = arith.constant 0 : i32
        %dma_wait3A_551 = tpu.memref_slice %arg8[%run_scoped3A_494, %dma_wait3A_550] : memref<20x125xi32, #tpu.memory_space<vmem>> -> memref<1x125xi32, #tpu.memory_space<vmem>>
        %dma_wait3A_552 = tpu.memref_squeeze %dma_wait3A_551 : memref<1x125xi32, #tpu.memory_space<vmem>> -> memref<125xi32, #tpu.memory_space<vmem>>
        %dma_wait3A_553 = arith.constant 0 : i32
        %dma_wait3A_554 = arith.constant 0 : i32
        %dma_wait3A_555 = tpu.memref_slice %arg10[%dma_wait3A_553, %dma_wait3A_554] : memref<10000x128xf32, #tpu.memory_space<vmem_shared>> -> memref<10000x128xf32, #tpu.memory_space<vmem_shared>>
        tpu.wait_indirect_dma semaphore(%run_scoped3A_535 : memref<!tpu.dma_semaphore, #tpu.memory_space<semaphore_mem>>) src(%dma_wait3A_549 : memref<125x128xf32, #tpu.memory_space<vmem>>) dst(%dma_wait3A_555 : memref<10000x128xf32, #tpu.memory_space<vmem_shared>>)
        tpu.yield
      }) : () -> ()
      %dma_wait3A_495 = arith.constant 18 : i32
      %dma_wait3A_496 = arith.constant 0 : i32
      %dma_wait3A_497 = arith.constant 0 : i32
      %dma_wait3A_498 = arith.constant 0 : i32
      %dma_wait3A_499 = tpu.memref_slice %arg7[%dma_wait3A_496, %dma_wait3A_497, %dma_wait3A_498] : memref<2x125x128xf32, #tpu.memory_space<vmem>> -> memref<1x125x128xf32, #tpu.memory_space<vmem>>
      %dma_wait3A_500 = tpu.memref_squeeze %dma_wait3A_499 : memref<1x125x128xf32, #tpu.memory_space<vmem>> -> memref<125x128xf32, #tpu.memory_space<vmem>>
      %dma_wait3A_501 = arith.constant 0 : i32
      %dma_wait3A_502 = tpu.memref_slice %arg9[%dma_wait3A_495, %dma_wait3A_501] : memref<20x125xi32, #tpu.memory_space<vmem>> -> memref<1x125xi32, #tpu.memory_space<vmem>>
      %dma_wait3A_503 = tpu.memref_squeeze %dma_wait3A_502 : memref<1x125xi32, #tpu.memory_space<vmem>> -> memref<125xi32, #tpu.memory_space<vmem>>
      %dma_wait3A_504 = arith.constant 0 : i32
      %dma_wait3A_505 = arith.constant 0 : i32
      %dma_wait3A_506 = tpu.memref_slice %arg2[%dma_wait3A_504, %dma_wait3A_505] : memref<10000x128xf32, #tpu.memory_space<hbm>> -> memref<10000x128xf32, #tpu.memory_space<hbm>>
      tpu.wait_indirect_dma semaphore(%arg11 : memref<!tpu.dma_semaphore, #tpu.memory_space<semaphore_mem>>) src(%dma_wait3A_506 : memref<10000x128xf32, #tpu.memory_space<hbm>>) dst(%dma_wait3A_500 : memref<125x128xf32, #tpu.memory_space<vmem>>)
      %dma_start3A_507 = arith.constant 19 : i32
      %dma_start3A_508 = arith.constant 1 : i32
      %dma_start3A_509 = arith.constant 0 : i32
      %dma_start3A_510 = arith.constant 0 : i32
      %dma_start3A_511 = tpu.memref_slice %arg7[%dma_start3A_508, %dma_start3A_509, %dma_start3A_510] : memref<2x125x128xf32, #tpu.memory_space<vmem>> -> memref<1x125x128xf32, #tpu.memory_space<vmem>>
      %dma_start3A_512 = tpu.memref_squeeze %dma_start3A_511 : memref<1x125x128xf32, #tpu.memory_space<vmem>> -> memref<125x128xf32, #tpu.memory_space<vmem>>
      %dma_start3A_513 = arith.constant 0 : i32
      %dma_start3A_514 = tpu.memref_slice %arg9[%dma_start3A_507, %dma_start3A_513] : memref<20x125xi32, #tpu.memory_space<vmem>> -> memref<1x125xi32, #tpu.memory_space<vmem>>
      %dma_start3A_515 = tpu.memref_squeeze %dma_start3A_514 : memref<1x125xi32, #tpu.memory_space<vmem>> -> memref<125xi32, #tpu.memory_space<vmem>>
      %dma_start3A_516 = arith.constant 0 : i32
      %dma_start3A_517 = arith.constant 0 : i32
      %dma_start3A_518 = tpu.memref_slice %arg2[%dma_start3A_516, %dma_start3A_517] : memref<10000x128xf32, #tpu.memory_space<hbm>> -> memref<10000x128xf32, #tpu.memory_space<hbm>>
      tpu.enqueue_indirect_dma source(%dma_start3A_518 : memref<10000x128xf32, #tpu.memory_space<hbm>>) target(%dma_start3A_512 : memref<125x128xf32, #tpu.memory_space<vmem>>) offsets(%dma_start3A_515 : memref<125xi32, #tpu.memory_space<vmem>>) semaphore(%arg12 : memref<!tpu.dma_semaphore, #tpu.memory_space<semaphore_mem>>)
      %run_scoped3A_519 = arith.constant 0 : i32
      %run_scoped3A_520 = arith.constant 18 : i32
      "tpu.region"() ({
        %run_scoped3A_535 = tpu.sem_alloc : memref<!tpu.dma_semaphore, #tpu.memory_space<semaphore_mem>>
        %dma_start3A_536 = arith.constant 0 : i32
        %dma_start3A_537 = arith.constant 0 : i32
        %dma_start3A_538 = tpu.memref_slice %arg7[%run_scoped3A_519, %dma_start3A_536, %dma_start3A_537] : memref<2x125x128xf32, #tpu.memory_space<vmem>> -> memref<1x125x128xf32, #tpu.memory_space<vmem>>
        %dma_start3A_539 = tpu.memref_squeeze %dma_start3A_538 : memref<1x125x128xf32, #tpu.memory_space<vmem>> -> memref<125x128xf32, #tpu.memory_space<vmem>>
        %dma_start3A_540 = arith.constant 0 : i32
        %dma_start3A_541 = tpu.memref_slice %arg8[%run_scoped3A_520, %dma_start3A_540] : memref<20x125xi32, #tpu.memory_space<vmem>> -> memref<1x125xi32, #tpu.memory_space<vmem>>
        %dma_start3A_542 = tpu.memref_squeeze %dma_start3A_541 : memref<1x125xi32, #tpu.memory_space<vmem>> -> memref<125xi32, #tpu.memory_space<vmem>>
        %dma_start3A_543 = arith.constant 0 : i32
        %dma_start3A_544 = arith.constant 0 : i32
        %dma_start3A_545 = tpu.memref_slice %arg10[%dma_start3A_543, %dma_start3A_544] : memref<10000x128xf32, #tpu.memory_space<vmem_shared>> -> memref<10000x128xf32, #tpu.memory_space<vmem_shared>>
        tpu.enqueue_indirect_dma source(%dma_start3A_539 : memref<125x128xf32, #tpu.memory_space<vmem>>) target(%dma_start3A_545 : memref<10000x128xf32, #tpu.memory_space<vmem_shared>>) offsets(%dma_start3A_542 : memref<125xi32, #tpu.memory_space<vmem>>) semaphore(%run_scoped3A_535 : memref<!tpu.dma_semaphore, #tpu.memory_space<semaphore_mem>>) {add = true}
        %dma_wait3A_546 = arith.constant 0 : i32
        %dma_wait3A_547 = arith.constant 0 : i32
        %dma_wait3A_548 = tpu.memref_slice %arg7[%run_scoped3A_519, %dma_wait3A_546, %dma_wait3A_547] : memref<2x125x128xf32, #tpu.memory_space<vmem>> -> memref<1x125x128xf32, #tpu.memory_space<vmem>>
        %dma_wait3A_549 = tpu.memref_squeeze %dma_wait3A_548 : memref<1x125x128xf32, #tpu.memory_space<vmem>> -> memref<125x128xf32, #tpu.memory_space<vmem>>
        %dma_wait3A_550 = arith.constant 0 : i32
        %dma_wait3A_551 = tpu.memref_slice %arg8[%run_scoped3A_520, %dma_wait3A_550] : memref<20x125xi32, #tpu.memory_space<vmem>> -> memref<1x125xi32, #tpu.memory_space<vmem>>
        %dma_wait3A_552 = tpu.memref_squeeze %dma_wait3A_551 : memref<1x125xi32, #tpu.memory_space<vmem>> -> memref<125xi32, #tpu.memory_space<vmem>>
        %dma_wait3A_553 = arith.constant 0 : i32
        %dma_wait3A_554 = arith.constant 0 : i32
        %dma_wait3A_555 = tpu.memref_slice %arg10[%dma_wait3A_553, %dma_wait3A_554] : memref<10000x128xf32, #tpu.memory_space<vmem_shared>> -> memref<10000x128xf32, #tpu.memory_space<vmem_shared>>
        tpu.wait_indirect_dma semaphore(%run_scoped3A_535 : memref<!tpu.dma_semaphore, #tpu.memory_space<semaphore_mem>>) src(%dma_wait3A_549 : memref<125x128xf32, #tpu.memory_space<vmem>>) dst(%dma_wait3A_555 : memref<10000x128xf32, #tpu.memory_space<vmem_shared>>)
        tpu.yield
      }) : () -> ()
      %dma_wait3A_521 = arith.constant 19 : i32
      %dma_wait3A_522 = arith.constant 1 : i32
      %dma_wait3A_523 = arith.constant 0 : i32
      %dma_wait3A_524 = arith.constant 0 : i32
      %dma_wait3A_525 = tpu.memref_slice %arg7[%dma_wait3A_522, %dma_wait3A_523, %dma_wait3A_524] : memref<2x125x128xf32, #tpu.memory_space<vmem>> -> memref<1x125x128xf32, #tpu.memory_space<vmem>>
      %dma_wait3A_526 = tpu.memref_squeeze %dma_wait3A_525 : memref<1x125x128xf32, #tpu.memory_space<vmem>> -> memref<125x128xf32, #tpu.memory_space<vmem>>
      %dma_wait3A_527 = arith.constant 0 : i32
      %dma_wait3A_528 = tpu.memref_slice %arg9[%dma_wait3A_521, %dma_wait3A_527] : memref<20x125xi32, #tpu.memory_space<vmem>> -> memref<1x125xi32, #tpu.memory_space<vmem>>
      %dma_wait3A_529 = tpu.memref_squeeze %dma_wait3A_528 : memref<1x125xi32, #tpu.memory_space<vmem>> -> memref<125xi32, #tpu.memory_space<vmem>>
      %dma_wait3A_530 = arith.constant 0 : i32
      %dma_wait3A_531 = arith.constant 0 : i32
      %dma_wait3A_532 = tpu.memref_slice %arg2[%dma_wait3A_530, %dma_wait3A_531] : memref<10000x128xf32, #tpu.memory_space<hbm>> -> memref<10000x128xf32, #tpu.memory_space<hbm>>
      tpu.wait_indirect_dma semaphore(%arg12 : memref<!tpu.dma_semaphore, #tpu.memory_space<semaphore_mem>>) src(%dma_wait3A_532 : memref<10000x128xf32, #tpu.memory_space<hbm>>) dst(%dma_wait3A_526 : memref<125x128xf32, #tpu.memory_space<vmem>>)
      %run_scoped3A_533 = arith.constant 1 : i32
      %run_scoped3A_534 = arith.constant 19 : i32
      "tpu.region"() ({
        %run_scoped3A_535 = tpu.sem_alloc : memref<!tpu.dma_semaphore, #tpu.memory_space<semaphore_mem>>
        %dma_start3A_536 = arith.constant 0 : i32
        %dma_start3A_537 = arith.constant 0 : i32
        %dma_start3A_538 = tpu.memref_slice %arg7[%run_scoped3A_533, %dma_start3A_536, %dma_start3A_537] : memref<2x125x128xf32, #tpu.memory_space<vmem>> -> memref<1x125x128xf32, #tpu.memory_space<vmem>>
        %dma_start3A_539 = tpu.memref_squeeze %dma_start3A_538 : memref<1x125x128xf32, #tpu.memory_space<vmem>> -> memref<125x128xf32, #tpu.memory_space<vmem>>
        %dma_start3A_540 = arith.constant 0 : i32
        %dma_start3A_541 = tpu.memref_slice %arg8[%run_scoped3A_534, %dma_start3A_540] : memref<20x125xi32, #tpu.memory_space<vmem>> -> memref<1x125xi32, #tpu.memory_space<vmem>>
        %dma_start3A_542 = tpu.memref_squeeze %dma_start3A_541 : memref<1x125xi32, #tpu.memory_space<vmem>> -> memref<125xi32, #tpu.memory_space<vmem>>
        %dma_start3A_543 = arith.constant 0 : i32
        %dma_start3A_544 = arith.constant 0 : i32
        %dma_start3A_545 = tpu.memref_slice %arg10[%dma_start3A_543, %dma_start3A_544] : memref<10000x128xf32, #tpu.memory_space<vmem_shared>> -> memref<10000x128xf32, #tpu.memory_space<vmem_shared>>
        tpu.enqueue_indirect_dma source(%dma_start3A_539 : memref<125x128xf32, #tpu.memory_space<vmem>>) target(%dma_start3A_545 : memref<10000x128xf32, #tpu.memory_space<vmem_shared>>) offsets(%dma_start3A_542 : memref<125xi32, #tpu.memory_space<vmem>>) semaphore(%run_scoped3A_535 : memref<!tpu.dma_semaphore, #tpu.memory_space<semaphore_mem>>) {add = true}
        %dma_wait3A_546 = arith.constant 0 : i32
        %dma_wait3A_547 = arith.constant 0 : i32
        %dma_wait3A_548 = tpu.memref_slice %arg7[%run_scoped3A_533, %dma_wait3A_546, %dma_wait3A_547] : memref<2x125x128xf32, #tpu.memory_space<vmem>> -> memref<1x125x128xf32, #tpu.memory_space<vmem>>
        %dma_wait3A_549 = tpu.memref_squeeze %dma_wait3A_548 : memref<1x125x128xf32, #tpu.memory_space<vmem>> -> memref<125x128xf32, #tpu.memory_space<vmem>>
        %dma_wait3A_550 = arith.constant 0 : i32
        %dma_wait3A_551 = tpu.memref_slice %arg8[%run_scoped3A_534, %dma_wait3A_550] : memref<20x125xi32, #tpu.memory_space<vmem>> -> memref<1x125xi32, #tpu.memory_space<vmem>>
        %dma_wait3A_552 = tpu.memref_squeeze %dma_wait3A_551 : memref<1x125xi32, #tpu.memory_space<vmem>> -> memref<125xi32, #tpu.memory_space<vmem>>
        %dma_wait3A_553 = arith.constant 0 : i32
        %dma_wait3A_554 = arith.constant 0 : i32
        %dma_wait3A_555 = tpu.memref_slice %arg10[%dma_wait3A_553, %dma_wait3A_554] : memref<10000x128xf32, #tpu.memory_space<vmem_shared>> -> memref<10000x128xf32, #tpu.memory_space<vmem_shared>>
        tpu.wait_indirect_dma semaphore(%run_scoped3A_535 : memref<!tpu.dma_semaphore, #tpu.memory_space<semaphore_mem>>) src(%dma_wait3A_549 : memref<125x128xf32, #tpu.memory_space<vmem>>) dst(%dma_wait3A_555 : memref<10000x128xf32, #tpu.memory_space<vmem_shared>>)
        tpu.yield
      }) : () -> ()
    }
    %scan3A_9 = arith.constant 4 : i32
    %barrier3A_10 = arith.constant 0 : index
    tpu.barrier barrier_id(%barrier3A_10)
    "tpu.region"() ({
      %run_scoped3A = tpu.sem_alloc : memref<!tpu.dma_semaphore, #tpu.memory_space<semaphore_mem>>
      %dma_start3A = arith.constant 0 : i32
      %dma_start3A_11 = tpu.memref_slice %arg6[%arg0, %mul3A_2, %dma_start3A] : memref<2x10000x128xf32, #tpu.memory_space<hbm>> -> memref<1x625x128xf32, #tpu.memory_space<hbm>>
      %dma_start3A_12 = tpu.memref_squeeze %dma_start3A_11 : memref<1x625x128xf32, #tpu.memory_space<hbm>> -> memref<625x128xf32, #tpu.memory_space<hbm>>
      %dma_start3A_13 = arith.constant 0 : i32
      %dma_start3A_14 = tpu.memref_slice %arg10[%mul3A_2, %dma_start3A_13] : memref<10000x128xf32, #tpu.memory_space<vmem_shared>> -> memref<625x128xf32, #tpu.memory_space<vmem_shared>>
      tpu.enqueue_dma source(%dma_start3A_14 : memref<625x128xf32, #tpu.memory_space<vmem_shared>>) target(%dma_start3A_12 : memref<625x128xf32, #tpu.memory_space<hbm>>) target_semaphore(%run_scoped3A : memref<!tpu.dma_semaphore, #tpu.memory_space<semaphore_mem>>)
      %dma_wait3A = arith.constant 0 : i32
      %dma_wait3A_15 = tpu.memref_slice %arg6[%arg0, %mul3A_2, %dma_wait3A] : memref<2x10000x128xf32, #tpu.memory_space<hbm>> -> memref<1x625x128xf32, #tpu.memory_space<hbm>>
      %dma_wait3A_16 = tpu.memref_squeeze %dma_wait3A_15 : memref<1x625x128xf32, #tpu.memory_space<hbm>> -> memref<625x128xf32, #tpu.memory_space<hbm>>
      %dma_wait3A_17 = arith.constant 0 : i32
      %dma_wait3A_18 = tpu.memref_slice %arg10[%mul3A_2, %dma_wait3A_17] : memref<10000x128xf32, #tpu.memory_space<vmem_shared>> -> memref<625x128xf32, #tpu.memory_space<vmem_shared>>
      tpu.wait_dma2 semaphore(%run_scoped3A : memref<!tpu.dma_semaphore, #tpu.memory_space<semaphore_mem>>) src(%dma_wait3A_18 : memref<625x128xf32, #tpu.memory_space<vmem_shared>>) dst(%dma_wait3A_16 : memref<625x128xf32, #tpu.memory_space<hbm>>)
      tpu.yield
    }) : () -> ()
    return
  }
}

#map = affine_map<(d0, d1) -> (0, 0)>
#map1 = affine_map<(d0, d1) -> (0)>
#map2 = affine_map<(d0, d1) -> (0, 0, 0)>
module attributes {stable_mosaic.version = 14 : i64} {
  func.func @dr_kernel(%arg0: i32, %arg1: i32, %arg2: memref<320000x16xf32, #tpu.memory_space<hbm>>, %arg3: memref<320000xi32, #tpu.memory_space<hbm>>, %arg4: memref<320000xi32, #tpu.memory_space<hbm>>, %arg5: memref<10000x32xf32, #tpu.memory_space<hbm>>, %arg6: memref<2x10000x32xf32, #tpu.memory_space<hbm>>, %arg7: memref<2x10000x32xf32, #tpu.memory_space<hbm>>, %arg8: memref<2x200x32xf32, #tpu.memory_space<vmem>>, %arg9: memref<2000xi32, #tpu.memory_space<vmem>>, %arg10: memref<2000xi32, #tpu.memory_space<vmem>>, %arg11: memref<10000x32xf32, #tpu.memory_space<vmem_shared>>, %arg12: memref<10000x32xf32, #tpu.memory_space<vmem_shared>>, %arg13: memref<!tpu.dma_semaphore, #tpu.memory_space<semaphore_mem>>, %arg14: memref<!tpu.dma_semaphore, #tpu.memory_space<semaphore_mem>>, %arg15: memref<!tpu.dma_semaphore, #tpu.memory_space<semaphore_mem>>, %arg16: memref<!tpu.dma_semaphore, #tpu.memory_space<semaphore_mem>>) attributes {dimension_semantics = [#tpu.dimension_semantics<core_parallel>, #tpu.dimension_semantics<subcore_parallel>], iteration_bounds = array<i64: 2, 16>, scalar_prefetch = 0 : i64, scratch_operands = 9 : i64, tpu.core_type = #tpu.core_type<sc_vector_subcore>, window_params = [{transform_indices = #map}, {transform_indices = #map1}, {transform_indices = #map1}, {transform_indices = #map}, {transform_indices = #map2}, {transform_indices = #map2}]} {
    %mul3A = arith.constant 2 : i32
    %mul3A_0 = arith.muli %arg1, %mul3A : i32
    %add3A = arith.addi %mul3A_0, %arg0 : i32
    %mul3A_1 = arith.constant 625 : i32
    %mul3A_2 = arith.muli %arg1, %mul3A_1 : i32
    "tpu.region"() ({
      %run_scoped3A = tpu.sem_alloc : memref<!tpu.dma_semaphore, #tpu.memory_space<semaphore_mem>>
      %dma_start3A = arith.constant 0 : i32
      %dma_start3A_21 = tpu.memref_slice %arg11[%mul3A_2, %dma_start3A] : memref<10000x32xf32, #tpu.memory_space<vmem_shared>> -> memref<625x32xf32, #tpu.memory_space<vmem_shared>>
      %dma_start3A_22 = arith.constant 0 : i32
      %dma_start3A_23 = tpu.memref_slice %arg5[%mul3A_2, %dma_start3A_22] : memref<10000x32xf32, #tpu.memory_space<hbm>> -> memref<625x32xf32, #tpu.memory_space<hbm>>
      tpu.enqueue_dma source(%dma_start3A_23 : memref<625x32xf32, #tpu.memory_space<hbm>>) target(%dma_start3A_21 : memref<625x32xf32, #tpu.memory_space<vmem_shared>>) target_semaphore(%run_scoped3A : memref<!tpu.dma_semaphore, #tpu.memory_space<semaphore_mem>>)
      %dma_wait3A = arith.constant 0 : i32
      %dma_wait3A_24 = tpu.memref_slice %arg11[%mul3A_2, %dma_wait3A] : memref<10000x32xf32, #tpu.memory_space<vmem_shared>> -> memref<625x32xf32, #tpu.memory_space<vmem_shared>>
      %dma_wait3A_25 = arith.constant 0 : i32
      %dma_wait3A_26 = tpu.memref_slice %arg5[%mul3A_2, %dma_wait3A_25] : memref<10000x32xf32, #tpu.memory_space<hbm>> -> memref<625x32xf32, #tpu.memory_space<hbm>>
      tpu.wait_dma2 semaphore(%run_scoped3A : memref<!tpu.dma_semaphore, #tpu.memory_space<semaphore_mem>>) src(%dma_wait3A_26 : memref<625x32xf32, #tpu.memory_space<hbm>>) dst(%dma_wait3A_24 : memref<625x32xf32, #tpu.memory_space<vmem_shared>>)
      tpu.yield
    }) : () -> ()
    "tpu.region"() ({
      %run_scoped3A = tpu.sem_alloc : memref<!tpu.dma_semaphore, #tpu.memory_space<semaphore_mem>>
      %dma_start3A = arith.constant 0 : i32
      %dma_start3A_21 = tpu.memref_slice %arg12[%mul3A_2, %dma_start3A] : memref<10000x32xf32, #tpu.memory_space<vmem_shared>> -> memref<625x32xf32, #tpu.memory_space<vmem_shared>>
      %dma_start3A_22 = arith.constant 0 : i32
      %dma_start3A_23 = tpu.memref_slice %arg5[%mul3A_2, %dma_start3A_22] : memref<10000x32xf32, #tpu.memory_space<hbm>> -> memref<625x32xf32, #tpu.memory_space<hbm>>
      tpu.enqueue_dma source(%dma_start3A_23 : memref<625x32xf32, #tpu.memory_space<hbm>>) target(%dma_start3A_21 : memref<625x32xf32, #tpu.memory_space<vmem_shared>>) target_semaphore(%run_scoped3A : memref<!tpu.dma_semaphore, #tpu.memory_space<semaphore_mem>>)
      %dma_wait3A = arith.constant 0 : i32
      %dma_wait3A_24 = tpu.memref_slice %arg12[%mul3A_2, %dma_wait3A] : memref<10000x32xf32, #tpu.memory_space<vmem_shared>> -> memref<625x32xf32, #tpu.memory_space<vmem_shared>>
      %dma_wait3A_25 = arith.constant 0 : i32
      %dma_wait3A_26 = tpu.memref_slice %arg5[%mul3A_2, %dma_wait3A_25] : memref<10000x32xf32, #tpu.memory_space<hbm>> -> memref<625x32xf32, #tpu.memory_space<hbm>>
      tpu.wait_dma2 semaphore(%run_scoped3A : memref<!tpu.dma_semaphore, #tpu.memory_space<semaphore_mem>>) src(%dma_wait3A_26 : memref<625x32xf32, #tpu.memory_space<hbm>>) dst(%dma_wait3A_24 : memref<625x32xf32, #tpu.memory_space<vmem_shared>>)
      tpu.yield
    }) : () -> ()
    %iota3A = tpu.iota {dimensions = array<i32: 0>} : vector<16xi32>
    %eq3A = arith.constant 0 : i32
    %eq3A_3 = vector.broadcast %eq3A : i32 to vector<16xi32>
    %eq3A_4 = arith.cmpi eq, %iota3A, %eq3A_3 : vector<16xi32>
    %jit3A = arith.constant 1.000000e+00 : f32
    %jit3A_5 = arith.constant 0.000000e+00 : f32
    %broadcast_in_dim3A = vector.broadcast %jit3A : f32 to vector<16xf32>
    %broadcast_in_dim3A_6 = vector.broadcast %jit3A_5 : f32 to vector<16xf32>
    %select_n3A = arith.select %eq3A_4, %broadcast_in_dim3A, %broadcast_in_dim3A_6 : vector<16xi1>, vector<16xf32>
    %scan3A = arith.constant 0 : i32
    %scan3A_7 = arith.constant 0 : i32
    %scan3A_8 = arith.constant 200 : i32
    %scan3A_9 = arith.addi %scan3A_7, %scan3A_8 : i32
    %scan3A_10 = arith.constant 1 : i32
    scf.for %scan3A_21 = %scan3A_7 to %scan3A_9 step %scan3A_10  : i32 {
      %swap3A = arith.constant 0 : i32
      %swap3A_22 = arith.index_cast %swap3A : i32 to index
      %swap3A_23 = arith.index_cast %scan3A_21 : i32 to index
      %swap3A_24 = arith.constant 16 : index
      %swap3A_25 = tpu.vector_load %arg8[%swap3A_22, %swap3A_23, %swap3A_24] {strides = array<i32>} : memref<2x200x32xf32, #tpu.memory_space<vmem>>, vector<1x1x16xf32>,
      %swap3A_26 = vector.shape_cast %swap3A_25 : vector<1x1x16xf32> to vector<16xf32>
      %swap3A_27 = vector.shape_cast %select_n3A : vector<16xf32> to vector<1x1x16xf32>
      tpu.vector_store %arg8[%swap3A_22, %swap3A_23, %swap3A_24], %swap3A_27 {strides = array<i32>} : memref<2x200x32xf32, #tpu.memory_space<vmem>>, vector<1x1x16xf32>,
      %swap3A_28 = arith.constant 1 : i32
      %swap3A_29 = arith.index_cast %swap3A_28 : i32 to index
      %swap3A_30 = arith.index_cast %scan3A_21 : i32 to index
      %swap3A_31 = arith.constant 16 : index
      %swap3A_32 = tpu.vector_load %arg8[%swap3A_29, %swap3A_30, %swap3A_31] {strides = array<i32>} : memref<2x200x32xf32, #tpu.memory_space<vmem>>, vector<1x1x16xf32>,
      %swap3A_33 = vector.shape_cast %swap3A_32 : vector<1x1x16xf32> to vector<16xf32>
      %swap3A_34 = vector.shape_cast %select_n3A : vector<16xf32> to vector<1x1x16xf32>
      tpu.vector_store %arg8[%swap3A_29, %swap3A_30, %swap3A_31], %swap3A_34 {strides = array<i32>} : memref<2x200x32xf32, #tpu.memory_space<vmem>>, vector<1x1x16xf32>,
    }
    %scan3A_11 = arith.constant 200 : i32
    %barrier3A = arith.constant 0 : index
    tpu.barrier barrier_id(%barrier3A)
    %mul3A_12 = arith.constant 10000 : i32
    %mul3A_13 = arith.muli %add3A, %mul3A_12 : i32
    %scan3A_14 = arith.constant 0 : i32
    %scan3A_15 = arith.constant 0 : i32
    %scan3A_16 = arith.constant 5 : i32
    %scan3A_17 = arith.addi %scan3A_15, %scan3A_16 : i32
    %scan3A_18 = arith.constant 1 : i32
    scf.for %scan3A_21 = %scan3A_15 to %scan3A_17 step %scan3A_18  : i32 {
      %mul3A_22 = arith.constant 2000 : i32
      %mul3A_23 = arith.muli %scan3A_21, %mul3A_22 : i32
      %add3A_24 = arith.addi %mul3A_13, %mul3A_23 : i32
      "tpu.region"() ({
        %run_scoped3A = tpu.sem_alloc : memref<!tpu.dma_semaphore, #tpu.memory_space<semaphore_mem>>
        %dma_start3A_701 = tpu.memref_slice %arg3[%add3A_24] : memref<320000xi32, #tpu.memory_space<hbm>> -> memref<2000xi32, #tpu.memory_space<hbm>>
        %dma_start3A_702 = tpu.memref_slice %arg3[%add3A_24] : memref<320000xi32, #tpu.memory_space<hbm>> -> memref<2000xi32, #tpu.memory_space<hbm>>
        tpu.enqueue_dma source(%dma_start3A_702 : memref<2000xi32, #tpu.memory_space<hbm>>) target(%arg9 : memref<2000xi32, #tpu.memory_space<vmem>>) target_semaphore(%run_scoped3A : memref<!tpu.dma_semaphore, #tpu.memory_space<semaphore_mem>>)
        %dma_wait3A_703 = tpu.memref_slice %arg3[%add3A_24] : memref<320000xi32, #tpu.memory_space<hbm>> -> memref<2000xi32, #tpu.memory_space<hbm>>
        %dma_wait3A_704 = tpu.memref_slice %arg3[%add3A_24] : memref<320000xi32, #tpu.memory_space<hbm>> -> memref<2000xi32, #tpu.memory_space<hbm>>
        tpu.wait_dma2 semaphore(%run_scoped3A : memref<!tpu.dma_semaphore, #tpu.memory_space<semaphore_mem>>) src(%dma_wait3A_704 : memref<2000xi32, #tpu.memory_space<hbm>>) dst(%arg9 : memref<2000xi32, #tpu.memory_space<vmem>>)
        tpu.yield
      }) : () -> ()
      "tpu.region"() ({
        %run_scoped3A = tpu.sem_alloc : memref<!tpu.dma_semaphore, #tpu.memory_space<semaphore_mem>>
        %dma_start3A_701 = tpu.memref_slice %arg4[%add3A_24] : memref<320000xi32, #tpu.memory_space<hbm>> -> memref<2000xi32, #tpu.memory_space<hbm>>
        %dma_start3A_702 = tpu.memref_slice %arg4[%add3A_24] : memref<320000xi32, #tpu.memory_space<hbm>> -> memref<2000xi32, #tpu.memory_space<hbm>>
        tpu.enqueue_dma source(%dma_start3A_702 : memref<2000xi32, #tpu.memory_space<hbm>>) target(%arg10 : memref<2000xi32, #tpu.memory_space<vmem>>) target_semaphore(%run_scoped3A : memref<!tpu.dma_semaphore, #tpu.memory_space<semaphore_mem>>)
        %dma_wait3A_703 = tpu.memref_slice %arg4[%add3A_24] : memref<320000xi32, #tpu.memory_space<hbm>> -> memref<2000xi32, #tpu.memory_space<hbm>>
        %dma_wait3A_704 = tpu.memref_slice %arg4[%add3A_24] : memref<320000xi32, #tpu.memory_space<hbm>> -> memref<2000xi32, #tpu.memory_space<hbm>>
        tpu.wait_dma2 semaphore(%run_scoped3A : memref<!tpu.dma_semaphore, #tpu.memory_space<semaphore_mem>>) src(%dma_wait3A_704 : memref<2000xi32, #tpu.memory_space<hbm>>) dst(%arg10 : memref<2000xi32, #tpu.memory_space<vmem>>)
        tpu.yield
      }) : () -> ()
      %dma_start3A = arith.constant 0 : i32
      %dma_start3A_25 = arith.constant 0 : i32
      %dma_start3A_26 = arith.constant 0 : i32
      %dma_start3A_27 = tpu.memref_slice %arg8[%dma_start3A, %dma_start3A_25, %dma_start3A_26] : memref<2x200x32xf32, #tpu.memory_space<vmem>> -> memref<1x200x16xf32, #tpu.memory_space<vmem>>
      %dma_start3A_28 = tpu.memref_squeeze %dma_start3A_27 : memref<1x200x16xf32, #tpu.memory_space<vmem>> -> memref<200x16xf32, #tpu.memory_space<vmem>>
      %dma_start3A_29 = arith.constant 0 : i32
      %dma_start3A_30 = tpu.memref_slice %arg2[%add3A_24, %dma_start3A_29] : memref<320000x16xf32, #tpu.memory_space<hbm>> -> memref<200x16xf32, #tpu.memory_space<hbm>>
      %dma_start3A_31 = arith.constant 0 : i32
      %dma_start3A_32 = arith.constant 0 : i32
      %dma_start3A_33 = tpu.memref_slice %arg8[%dma_start3A, %dma_start3A_31, %dma_start3A_32] : memref<2x200x32xf32, #tpu.memory_space<vmem>> -> memref<1x200x16xf32, #tpu.memory_space<vmem>>
      %dma_start3A_34 = tpu.memref_squeeze %dma_start3A_33 : memref<1x200x16xf32, #tpu.memory_space<vmem>> -> memref<200x16xf32, #tpu.memory_space<vmem>>
      %dma_start3A_35 = arith.constant 0 : i32
      %dma_start3A_36 = tpu.memref_slice %arg2[%add3A_24, %dma_start3A_35] : memref<320000x16xf32, #tpu.memory_space<hbm>> -> memref<200x16xf32, #tpu.memory_space<hbm>>
      tpu.enqueue_dma source(%dma_start3A_36 : memref<200x16xf32, #tpu.memory_space<hbm>>) target(%dma_start3A_34 : memref<200x16xf32, #tpu.memory_space<vmem>>) target_semaphore(%arg13 : memref<!tpu.dma_semaphore, #tpu.memory_space<semaphore_mem>>)
      %dma_wait3A = arith.constant 0 : i32
      %dma_wait3A_37 = arith.constant 0 : i32
      %dma_wait3A_38 = arith.constant 0 : i32
      %dma_wait3A_39 = tpu.memref_slice %arg8[%dma_wait3A, %dma_wait3A_37, %dma_wait3A_38] : memref<2x200x32xf32, #tpu.memory_space<vmem>> -> memref<1x200x16xf32, #tpu.memory_space<vmem>>
      %dma_wait3A_40 = tpu.memref_squeeze %dma_wait3A_39 : memref<1x200x16xf32, #tpu.memory_space<vmem>> -> memref<200x16xf32, #tpu.memory_space<vmem>>
      %dma_wait3A_41 = arith.constant 0 : i32
      %dma_wait3A_42 = tpu.memref_slice %arg2[%add3A_24, %dma_wait3A_41] : memref<320000x16xf32, #tpu.memory_space<hbm>> -> memref<200x16xf32, #tpu.memory_space<hbm>>
      %dma_wait3A_43 = arith.constant 0 : i32
      %dma_wait3A_44 = arith.constant 0 : i32
      %dma_wait3A_45 = tpu.memref_slice %arg8[%dma_wait3A, %dma_wait3A_43, %dma_wait3A_44] : memref<2x200x32xf32, #tpu.memory_space<vmem>> -> memref<1x200x16xf32, #tpu.memory_space<vmem>>
      %dma_wait3A_46 = tpu.memref_squeeze %dma_wait3A_45 : memref<1x200x16xf32, #tpu.memory_space<vmem>> -> memref<200x16xf32, #tpu.memory_space<vmem>>
      %dma_wait3A_47 = arith.constant 0 : i32
      %dma_wait3A_48 = tpu.memref_slice %arg2[%add3A_24, %dma_wait3A_47] : memref<320000x16xf32, #tpu.memory_space<hbm>> -> memref<200x16xf32, #tpu.memory_space<hbm>>
      tpu.wait_dma2 semaphore(%arg13 : memref<!tpu.dma_semaphore, #tpu.memory_space<semaphore_mem>>) src(%dma_wait3A_48 : memref<200x16xf32, #tpu.memory_space<hbm>>) dst(%dma_wait3A_46 : memref<200x16xf32, #tpu.memory_space<vmem>>)
      %add3A_49 = arith.constant 200 : i32
      %add3A_50 = arith.addi %add3A_24, %add3A_49 : i32
      %dma_start3A_51 = arith.constant 1 : i32
      %dma_start3A_52 = arith.constant 0 : i32
      %dma_start3A_53 = arith.constant 0 : i32
      %dma_start3A_54 = tpu.memref_slice %arg8[%dma_start3A_51, %dma_start3A_52, %dma_start3A_53] : memref<2x200x32xf32, #tpu.memory_space<vmem>> -> memref<1x200x16xf32, #tpu.memory_space<vmem>>
      %dma_start3A_55 = tpu.memref_squeeze %dma_start3A_54 : memref<1x200x16xf32, #tpu.memory_space<vmem>> -> memref<200x16xf32, #tpu.memory_space<vmem>>
      %dma_start3A_56 = arith.constant 0 : i32
      %dma_start3A_57 = tpu.memref_slice %arg2[%add3A_50, %dma_start3A_56] : memref<320000x16xf32, #tpu.memory_space<hbm>> -> memref<200x16xf32, #tpu.memory_space<hbm>>
      %dma_start3A_58 = arith.constant 0 : i32
      %dma_start3A_59 = arith.constant 0 : i32
      %dma_start3A_60 = tpu.memref_slice %arg8[%dma_start3A_51, %dma_start3A_58, %dma_start3A_59] : memref<2x200x32xf32, #tpu.memory_space<vmem>> -> memref<1x200x16xf32, #tpu.memory_space<vmem>>
      %dma_start3A_61 = tpu.memref_squeeze %dma_start3A_60 : memref<1x200x16xf32, #tpu.memory_space<vmem>> -> memref<200x16xf32, #tpu.memory_space<vmem>>
      %dma_start3A_62 = arith.constant 0 : i32
      %dma_start3A_63 = tpu.memref_slice %arg2[%add3A_50, %dma_start3A_62] : memref<320000x16xf32, #tpu.memory_space<hbm>> -> memref<200x16xf32, #tpu.memory_space<hbm>>
      tpu.enqueue_dma source(%dma_start3A_63 : memref<200x16xf32, #tpu.memory_space<hbm>>) target(%dma_start3A_61 : memref<200x16xf32, #tpu.memory_space<vmem>>) target_semaphore(%arg14 : memref<!tpu.dma_semaphore, #tpu.memory_space<semaphore_mem>>)
      %dma_start3A_64 = arith.constant 0 : i32
      %dma_start3A_65 = arith.constant 0 : i32
      %dma_start3A_66 = arith.constant 0 : i32
      %dma_start3A_67 = tpu.memref_slice %arg8[%dma_start3A_64, %dma_start3A_65, %dma_start3A_66] : memref<2x200x32xf32, #tpu.memory_space<vmem>> -> memref<1x200x32xf32, #tpu.memory_space<vmem>>
      %dma_start3A_68 = tpu.memref_squeeze %dma_start3A_67 : memref<1x200x32xf32, #tpu.memory_space<vmem>> -> memref<200x32xf32, #tpu.memory_space<vmem>>
      %dma_start3A_69 = arith.constant 0 : i32
      %dma_start3A_70 = tpu.memref_slice %arg9[%dma_start3A_69] : memref<2000xi32, #tpu.memory_space<vmem>> -> memref<200xi32, #tpu.memory_space<vmem>>
      %dma_start3A_71 = arith.constant 0 : i32
      %dma_start3A_72 = arith.constant 0 : i32
      %dma_start3A_73 = tpu.memref_slice %arg11[%dma_start3A_71, %dma_start3A_72] : memref<10000x32xf32, #tpu.memory_space<vmem_shared>> -> memref<10000x32xf32, #tpu.memory_space<vmem_shared>>
      tpu.enqueue_indirect_dma source(%dma_start3A_68 : memref<200x32xf32, #tpu.memory_space<vmem>>) target(%dma_start3A_73 : memref<10000x32xf32, #tpu.memory_space<vmem_shared>>) offsets(%dma_start3A_70 : memref<200xi32, #tpu.memory_space<vmem>>) semaphore(%arg15 : memref<!tpu.dma_semaphore, #tpu.memory_space<semaphore_mem>>) {add = true}
      %dma_start3A_74 = arith.constant 0 : i32
      %dma_start3A_75 = arith.constant 0 : i32
      %dma_start3A_76 = arith.constant 0 : i32
      %dma_start3A_77 = tpu.memref_slice %arg8[%dma_start3A_74, %dma_start3A_75, %dma_start3A_76] : memref<2x200x32xf32, #tpu.memory_space<vmem>> -> memref<1x200x32xf32, #tpu.memory_space<vmem>>
      %dma_start3A_78 = tpu.memref_squeeze %dma_start3A_77 : memref<1x200x32xf32, #tpu.memory_space<vmem>> -> memref<200x32xf32, #tpu.memory_space<vmem>>
      %dma_start3A_79 = arith.constant 0 : i32
      %dma_start3A_80 = tpu.memref_slice %arg10[%dma_start3A_79] : memref<2000xi32, #tpu.memory_space<vmem>> -> memref<200xi32, #tpu.memory_space<vmem>>
      %dma_start3A_81 = arith.constant 0 : i32
      %dma_start3A_82 = arith.constant 0 : i32
      %dma_start3A_83 = tpu.memref_slice %arg12[%dma_start3A_81, %dma_start3A_82] : memref<10000x32xf32, #tpu.memory_space<vmem_shared>> -> memref<10000x32xf32, #tpu.memory_space<vmem_shared>>
      tpu.enqueue_indirect_dma source(%dma_start3A_78 : memref<200x32xf32, #tpu.memory_space<vmem>>) target(%dma_start3A_83 : memref<10000x32xf32, #tpu.memory_space<vmem_shared>>) offsets(%dma_start3A_80 : memref<200xi32, #tpu.memory_space<vmem>>) semaphore(%arg16 : memref<!tpu.dma_semaphore, #tpu.memory_space<semaphore_mem>>) {add = true}
      %dma_wait3A_84 = arith.constant 0 : i32
      %dma_wait3A_85 = arith.constant 0 : i32
      %dma_wait3A_86 = arith.constant 0 : i32
      %dma_wait3A_87 = tpu.memref_slice %arg8[%dma_wait3A_84, %dma_wait3A_85, %dma_wait3A_86] : memref<2x200x32xf32, #tpu.memory_space<vmem>> -> memref<1x200x32xf32, #tpu.memory_space<vmem>>
      %dma_wait3A_88 = tpu.memref_squeeze %dma_wait3A_87 : memref<1x200x32xf32, #tpu.memory_space<vmem>> -> memref<200x32xf32, #tpu.memory_space<vmem>>
      %dma_wait3A_89 = arith.constant 0 : i32
      %dma_wait3A_90 = tpu.memref_slice %arg9[%dma_wait3A_89] : memref<2000xi32, #tpu.memory_space<vmem>> -> memref<200xi32, #tpu.memory_space<vmem>>
      %dma_wait3A_91 = arith.constant 0 : i32
      %dma_wait3A_92 = arith.constant 0 : i32
      %dma_wait3A_93 = tpu.memref_slice %arg11[%dma_wait3A_91, %dma_wait3A_92] : memref<10000x32xf32, #tpu.memory_space<vmem_shared>> -> memref<10000x32xf32, #tpu.memory_space<vmem_shared>>
      tpu.wait_indirect_dma semaphore(%arg15 : memref<!tpu.dma_semaphore, #tpu.memory_space<semaphore_mem>>) src(%dma_wait3A_88 : memref<200x32xf32, #tpu.memory_space<vmem>>) dst(%dma_wait3A_93 : memref<10000x32xf32, #tpu.memory_space<vmem_shared>>)
      %dma_wait3A_94 = arith.constant 0 : i32
      %dma_wait3A_95 = arith.constant 0 : i32
      %dma_wait3A_96 = arith.constant 0 : i32
      %dma_wait3A_97 = tpu.memref_slice %arg8[%dma_wait3A_94, %dma_wait3A_95, %dma_wait3A_96] : memref<2x200x32xf32, #tpu.memory_space<vmem>> -> memref<1x200x32xf32, #tpu.memory_space<vmem>>
      %dma_wait3A_98 = tpu.memref_squeeze %dma_wait3A_97 : memref<1x200x32xf32, #tpu.memory_space<vmem>> -> memref<200x32xf32, #tpu.memory_space<vmem>>
      %dma_wait3A_99 = arith.constant 0 : i32
      %dma_wait3A_100 = tpu.memref_slice %arg10[%dma_wait3A_99] : memref<2000xi32, #tpu.memory_space<vmem>> -> memref<200xi32, #tpu.memory_space<vmem>>
      %dma_wait3A_101 = arith.constant 0 : i32
      %dma_wait3A_102 = arith.constant 0 : i32
      %dma_wait3A_103 = tpu.memref_slice %arg12[%dma_wait3A_101, %dma_wait3A_102] : memref<10000x32xf32, #tpu.memory_space<vmem_shared>> -> memref<10000x32xf32, #tpu.memory_space<vmem_shared>>
      tpu.wait_indirect_dma semaphore(%arg16 : memref<!tpu.dma_semaphore, #tpu.memory_space<semaphore_mem>>) src(%dma_wait3A_98 : memref<200x32xf32, #tpu.memory_space<vmem>>) dst(%dma_wait3A_103 : memref<10000x32xf32, #tpu.memory_space<vmem_shared>>)
      %dma_wait3A_104 = arith.constant 1 : i32
      %dma_wait3A_105 = arith.constant 0 : i32
      %dma_wait3A_106 = arith.constant 0 : i32
      %dma_wait3A_107 = tpu.memref_slice %arg8[%dma_wait3A_104, %dma_wait3A_105, %dma_wait3A_106] : memref<2x200x32xf32, #tpu.memory_space<vmem>> -> memref<1x200x16xf32, #tpu.memory_space<vmem>>
      %dma_wait3A_108 = tpu.memref_squeeze %dma_wait3A_107 : memref<1x200x16xf32, #tpu.memory_space<vmem>> -> memref<200x16xf32, #tpu.memory_space<vmem>>
      %dma_wait3A_109 = arith.constant 0 : i32
      %dma_wait3A_110 = tpu.memref_slice %arg2[%add3A_50, %dma_wait3A_109] : memref<320000x16xf32, #tpu.memory_space<hbm>> -> memref<200x16xf32, #tpu.memory_space<hbm>>
      %dma_wait3A_111 = arith.constant 0 : i32
      %dma_wait3A_112 = arith.constant 0 : i32
      %dma_wait3A_113 = tpu.memref_slice %arg8[%dma_wait3A_104, %dma_wait3A_111, %dma_wait3A_112] : memref<2x200x32xf32, #tpu.memory_space<vmem>> -> memref<1x200x16xf32, #tpu.memory_space<vmem>>
      %dma_wait3A_114 = tpu.memref_squeeze %dma_wait3A_113 : memref<1x200x16xf32, #tpu.memory_space<vmem>> -> memref<200x16xf32, #tpu.memory_space<vmem>>
      %dma_wait3A_115 = arith.constant 0 : i32
      %dma_wait3A_116 = tpu.memref_slice %arg2[%add3A_50, %dma_wait3A_115] : memref<320000x16xf32, #tpu.memory_space<hbm>> -> memref<200x16xf32, #tpu.memory_space<hbm>>
      tpu.wait_dma2 semaphore(%arg14 : memref<!tpu.dma_semaphore, #tpu.memory_space<semaphore_mem>>) src(%dma_wait3A_116 : memref<200x16xf32, #tpu.memory_space<hbm>>) dst(%dma_wait3A_114 : memref<200x16xf32, #tpu.memory_space<vmem>>)
      %add3A_117 = arith.constant 400 : i32
      %add3A_118 = arith.addi %add3A_24, %add3A_117 : i32
      %dma_start3A_119 = arith.constant 0 : i32
      %dma_start3A_120 = arith.constant 0 : i32
      %dma_start3A_121 = arith.constant 0 : i32
      %dma_start3A_122 = tpu.memref_slice %arg8[%dma_start3A_119, %dma_start3A_120, %dma_start3A_121] : memref<2x200x32xf32, #tpu.memory_space<vmem>> -> memref<1x200x16xf32, #tpu.memory_space<vmem>>
      %dma_start3A_123 = tpu.memref_squeeze %dma_start3A_122 : memref<1x200x16xf32, #tpu.memory_space<vmem>> -> memref<200x16xf32, #tpu.memory_space<vmem>>
      %dma_start3A_124 = arith.constant 0 : i32
      %dma_start3A_125 = tpu.memref_slice %arg2[%add3A_118, %dma_start3A_124] : memref<320000x16xf32, #tpu.memory_space<hbm>> -> memref<200x16xf32, #tpu.memory_space<hbm>>
      %dma_start3A_126 = arith.constant 0 : i32
      %dma_start3A_127 = arith.constant 0 : i32
      %dma_start3A_128 = tpu.memref_slice %arg8[%dma_start3A_119, %dma_start3A_126, %dma_start3A_127] : memref<2x200x32xf32, #tpu.memory_space<vmem>> -> memref<1x200x16xf32, #tpu.memory_space<vmem>>
      %dma_start3A_129 = tpu.memref_squeeze %dma_start3A_128 : memref<1x200x16xf32, #tpu.memory_space<vmem>> -> memref<200x16xf32, #tpu.memory_space<vmem>>
      %dma_start3A_130 = arith.constant 0 : i32
      %dma_start3A_131 = tpu.memref_slice %arg2[%add3A_118, %dma_start3A_130] : memref<320000x16xf32, #tpu.memory_space<hbm>> -> memref<200x16xf32, #tpu.memory_space<hbm>>
      tpu.enqueue_dma source(%dma_start3A_131 : memref<200x16xf32, #tpu.memory_space<hbm>>) target(%dma_start3A_129 : memref<200x16xf32, #tpu.memory_space<vmem>>) target_semaphore(%arg13 : memref<!tpu.dma_semaphore, #tpu.memory_space<semaphore_mem>>)
      %dma_start3A_132 = arith.constant 1 : i32
      %dma_start3A_133 = arith.constant 0 : i32
      %dma_start3A_134 = arith.constant 0 : i32
      %dma_start3A_135 = tpu.memref_slice %arg8[%dma_start3A_132, %dma_start3A_133, %dma_start3A_134] : memref<2x200x32xf32, #tpu.memory_space<vmem>> -> memref<1x200x32xf32, #tpu.memory_space<vmem>>
      %dma_start3A_136 = tpu.memref_squeeze %dma_start3A_135 : memref<1x200x32xf32, #tpu.memory_space<vmem>> -> memref<200x32xf32, #tpu.memory_space<vmem>>
      %dma_start3A_137 = arith.constant 200 : i32
      %dma_start3A_138 = tpu.memref_slice %arg9[%dma_start3A_137] : memref<2000xi32, #tpu.memory_space<vmem>> -> memref<200xi32, #tpu.memory_space<vmem>>
      %dma_start3A_139 = arith.constant 0 : i32
      %dma_start3A_140 = arith.constant 0 : i32
      %dma_start3A_141 = tpu.memref_slice %arg11[%dma_start3A_139, %dma_start3A_140] : memref<10000x32xf32, #tpu.memory_space<vmem_shared>> -> memref<10000x32xf32, #tpu.memory_space<vmem_shared>>
      tpu.enqueue_indirect_dma source(%dma_start3A_136 : memref<200x32xf32, #tpu.memory_space<vmem>>) target(%dma_start3A_141 : memref<10000x32xf32, #tpu.memory_space<vmem_shared>>) offsets(%dma_start3A_138 : memref<200xi32, #tpu.memory_space<vmem>>) semaphore(%arg15 : memref<!tpu.dma_semaphore, #tpu.memory_space<semaphore_mem>>) {add = true}
      %dma_start3A_142 = arith.constant 1 : i32
      %dma_start3A_143 = arith.constant 0 : i32
      %dma_start3A_144 = arith.constant 0 : i32
      %dma_start3A_145 = tpu.memref_slice %arg8[%dma_start3A_142, %dma_start3A_143, %dma_start3A_144] : memref<2x200x32xf32, #tpu.memory_space<vmem>> -> memref<1x200x32xf32, #tpu.memory_space<vmem>>
      %dma_start3A_146 = tpu.memref_squeeze %dma_start3A_145 : memref<1x200x32xf32, #tpu.memory_space<vmem>> -> memref<200x32xf32, #tpu.memory_space<vmem>>
      %dma_start3A_147 = arith.constant 200 : i32
      %dma_start3A_148 = tpu.memref_slice %arg10[%dma_start3A_147] : memref<2000xi32, #tpu.memory_space<vmem>> -> memref<200xi32, #tpu.memory_space<vmem>>
      %dma_start3A_149 = arith.constant 0 : i32
      %dma_start3A_150 = arith.constant 0 : i32
      %dma_start3A_151 = tpu.memref_slice %arg12[%dma_start3A_149, %dma_start3A_150] : memref<10000x32xf32, #tpu.memory_space<vmem_shared>> -> memref<10000x32xf32, #tpu.memory_space<vmem_shared>>
      tpu.enqueue_indirect_dma source(%dma_start3A_146 : memref<200x32xf32, #tpu.memory_space<vmem>>) target(%dma_start3A_151 : memref<10000x32xf32, #tpu.memory_space<vmem_shared>>) offsets(%dma_start3A_148 : memref<200xi32, #tpu.memory_space<vmem>>) semaphore(%arg16 : memref<!tpu.dma_semaphore, #tpu.memory_space<semaphore_mem>>) {add = true}
      %dma_wait3A_152 = arith.constant 1 : i32
      %dma_wait3A_153 = arith.constant 0 : i32
      %dma_wait3A_154 = arith.constant 0 : i32
      %dma_wait3A_155 = tpu.memref_slice %arg8[%dma_wait3A_152, %dma_wait3A_153, %dma_wait3A_154] : memref<2x200x32xf32, #tpu.memory_space<vmem>> -> memref<1x200x32xf32, #tpu.memory_space<vmem>>
      %dma_wait3A_156 = tpu.memref_squeeze %dma_wait3A_155 : memref<1x200x32xf32, #tpu.memory_space<vmem>> -> memref<200x32xf32, #tpu.memory_space<vmem>>
      %dma_wait3A_157 = arith.constant 200 : i32
      %dma_wait3A_158 = tpu.memref_slice %arg9[%dma_wait3A_157] : memref<2000xi32, #tpu.memory_space<vmem>> -> memref<200xi32, #tpu.memory_space<vmem>>
      %dma_wait3A_159 = arith.constant 0 : i32
      %dma_wait3A_160 = arith.constant 0 : i32
      %dma_wait3A_161 = tpu.memref_slice %arg11[%dma_wait3A_159, %dma_wait3A_160] : memref<10000x32xf32, #tpu.memory_space<vmem_shared>> -> memref<10000x32xf32, #tpu.memory_space<vmem_shared>>
      tpu.wait_indirect_dma semaphore(%arg15 : memref<!tpu.dma_semaphore, #tpu.memory_space<semaphore_mem>>) src(%dma_wait3A_156 : memref<200x32xf32, #tpu.memory_space<vmem>>) dst(%dma_wait3A_161 : memref<10000x32xf32, #tpu.memory_space<vmem_shared>>)
      %dma_wait3A_162 = arith.constant 1 : i32
      %dma_wait3A_163 = arith.constant 0 : i32
      %dma_wait3A_164 = arith.constant 0 : i32
      %dma_wait3A_165 = tpu.memref_slice %arg8[%dma_wait3A_162, %dma_wait3A_163, %dma_wait3A_164] : memref<2x200x32xf32, #tpu.memory_space<vmem>> -> memref<1x200x32xf32, #tpu.memory_space<vmem>>
      %dma_wait3A_166 = tpu.memref_squeeze %dma_wait3A_165 : memref<1x200x32xf32, #tpu.memory_space<vmem>> -> memref<200x32xf32, #tpu.memory_space<vmem>>
      %dma_wait3A_167 = arith.constant 200 : i32
      %dma_wait3A_168 = tpu.memref_slice %arg10[%dma_wait3A_167] : memref<2000xi32, #tpu.memory_space<vmem>> -> memref<200xi32, #tpu.memory_space<vmem>>
      %dma_wait3A_169 = arith.constant 0 : i32
      %dma_wait3A_170 = arith.constant 0 : i32
      %dma_wait3A_171 = tpu.memref_slice %arg12[%dma_wait3A_169, %dma_wait3A_170] : memref<10000x32xf32, #tpu.memory_space<vmem_shared>> -> memref<10000x32xf32, #tpu.memory_space<vmem_shared>>
      tpu.wait_indirect_dma semaphore(%arg16 : memref<!tpu.dma_semaphore, #tpu.memory_space<semaphore_mem>>) src(%dma_wait3A_166 : memref<200x32xf32, #tpu.memory_space<vmem>>) dst(%dma_wait3A_171 : memref<10000x32xf32, #tpu.memory_space<vmem_shared>>)
      %dma_wait3A_172 = arith.constant 0 : i32
      %dma_wait3A_173 = arith.constant 0 : i32
      %dma_wait3A_174 = arith.constant 0 : i32
      %dma_wait3A_175 = tpu.memref_slice %arg8[%dma_wait3A_172, %dma_wait3A_173, %dma_wait3A_174] : memref<2x200x32xf32, #tpu.memory_space<vmem>> -> memref<1x200x16xf32, #tpu.memory_space<vmem>>
      %dma_wait3A_176 = tpu.memref_squeeze %dma_wait3A_175 : memref<1x200x16xf32, #tpu.memory_space<vmem>> -> memref<200x16xf32, #tpu.memory_space<vmem>>
      %dma_wait3A_177 = arith.constant 0 : i32
      %dma_wait3A_178 = tpu.memref_slice %arg2[%add3A_118, %dma_wait3A_177] : memref<320000x16xf32, #tpu.memory_space<hbm>> -> memref<200x16xf32, #tpu.memory_space<hbm>>
      %dma_wait3A_179 = arith.constant 0 : i32
      %dma_wait3A_180 = arith.constant 0 : i32
      %dma_wait3A_181 = tpu.memref_slice %arg8[%dma_wait3A_172, %dma_wait3A_179, %dma_wait3A_180] : memref<2x200x32xf32, #tpu.memory_space<vmem>> -> memref<1x200x16xf32, #tpu.memory_space<vmem>>
      %dma_wait3A_182 = tpu.memref_squeeze %dma_wait3A_181 : memref<1x200x16xf32, #tpu.memory_space<vmem>> -> memref<200x16xf32, #tpu.memory_space<vmem>>
      %dma_wait3A_183 = arith.constant 0 : i32
      %dma_wait3A_184 = tpu.memref_slice %arg2[%add3A_118, %dma_wait3A_183] : memref<320000x16xf32, #tpu.memory_space<hbm>> -> memref<200x16xf32, #tpu.memory_space<hbm>>
      tpu.wait_dma2 semaphore(%arg13 : memref<!tpu.dma_semaphore, #tpu.memory_space<semaphore_mem>>) src(%dma_wait3A_184 : memref<200x16xf32, #tpu.memory_space<hbm>>) dst(%dma_wait3A_182 : memref<200x16xf32, #tpu.memory_space<vmem>>)
      %add3A_185 = arith.constant 600 : i32
      %add3A_186 = arith.addi %add3A_24, %add3A_185 : i32
      %dma_start3A_187 = arith.constant 1 : i32
      %dma_start3A_188 = arith.constant 0 : i32
      %dma_start3A_189 = arith.constant 0 : i32
      %dma_start3A_190 = tpu.memref_slice %arg8[%dma_start3A_187, %dma_start3A_188, %dma_start3A_189] : memref<2x200x32xf32, #tpu.memory_space<vmem>> -> memref<1x200x16xf32, #tpu.memory_space<vmem>>
      %dma_start3A_191 = tpu.memref_squeeze %dma_start3A_190 : memref<1x200x16xf32, #tpu.memory_space<vmem>> -> memref<200x16xf32, #tpu.memory_space<vmem>>
      %dma_start3A_192 = arith.constant 0 : i32
      %dma_start3A_193 = tpu.memref_slice %arg2[%add3A_186, %dma_start3A_192] : memref<320000x16xf32, #tpu.memory_space<hbm>> -> memref<200x16xf32, #tpu.memory_space<hbm>>
      %dma_start3A_194 = arith.constant 0 : i32
      %dma_start3A_195 = arith.constant 0 : i32
      %dma_start3A_196 = tpu.memref_slice %arg8[%dma_start3A_187, %dma_start3A_194, %dma_start3A_195] : memref<2x200x32xf32, #tpu.memory_space<vmem>> -> memref<1x200x16xf32, #tpu.memory_space<vmem>>
      %dma_start3A_197 = tpu.memref_squeeze %dma_start3A_196 : memref<1x200x16xf32, #tpu.memory_space<vmem>> -> memref<200x16xf32, #tpu.memory_space<vmem>>
      %dma_start3A_198 = arith.constant 0 : i32
      %dma_start3A_199 = tpu.memref_slice %arg2[%add3A_186, %dma_start3A_198] : memref<320000x16xf32, #tpu.memory_space<hbm>> -> memref<200x16xf32, #tpu.memory_space<hbm>>
      tpu.enqueue_dma source(%dma_start3A_199 : memref<200x16xf32, #tpu.memory_space<hbm>>) target(%dma_start3A_197 : memref<200x16xf32, #tpu.memory_space<vmem>>) target_semaphore(%arg14 : memref<!tpu.dma_semaphore, #tpu.memory_space<semaphore_mem>>)
      %dma_start3A_200 = arith.constant 0 : i32
      %dma_start3A_201 = arith.constant 0 : i32
      %dma_start3A_202 = arith.constant 0 : i32
      %dma_start3A_203 = tpu.memref_slice %arg8[%dma_start3A_200, %dma_start3A_201, %dma_start3A_202] : memref<2x200x32xf32, #tpu.memory_space<vmem>> -> memref<1x200x32xf32, #tpu.memory_space<vmem>>
      %dma_start3A_204 = tpu.memref_squeeze %dma_start3A_203 : memref<1x200x32xf32, #tpu.memory_space<vmem>> -> memref<200x32xf32, #tpu.memory_space<vmem>>
      %dma_start3A_205 = arith.constant 400 : i32
      %dma_start3A_206 = tpu.memref_slice %arg9[%dma_start3A_205] : memref<2000xi32, #tpu.memory_space<vmem>> -> memref<200xi32, #tpu.memory_space<vmem>>
      %dma_start3A_207 = arith.constant 0 : i32
      %dma_start3A_208 = arith.constant 0 : i32
      %dma_start3A_209 = tpu.memref_slice %arg11[%dma_start3A_207, %dma_start3A_208] : memref<10000x32xf32, #tpu.memory_space<vmem_shared>> -> memref<10000x32xf32, #tpu.memory_space<vmem_shared>>
      tpu.enqueue_indirect_dma source(%dma_start3A_204 : memref<200x32xf32, #tpu.memory_space<vmem>>) target(%dma_start3A_209 : memref<10000x32xf32, #tpu.memory_space<vmem_shared>>) offsets(%dma_start3A_206 : memref<200xi32, #tpu.memory_space<vmem>>) semaphore(%arg15 : memref<!tpu.dma_semaphore, #tpu.memory_space<semaphore_mem>>) {add = true}
      %dma_start3A_210 = arith.constant 0 : i32
      %dma_start3A_211 = arith.constant 0 : i32
      %dma_start3A_212 = arith.constant 0 : i32
      %dma_start3A_213 = tpu.memref_slice %arg8[%dma_start3A_210, %dma_start3A_211, %dma_start3A_212] : memref<2x200x32xf32, #tpu.memory_space<vmem>> -> memref<1x200x32xf32, #tpu.memory_space<vmem>>
      %dma_start3A_214 = tpu.memref_squeeze %dma_start3A_213 : memref<1x200x32xf32, #tpu.memory_space<vmem>> -> memref<200x32xf32, #tpu.memory_space<vmem>>
      %dma_start3A_215 = arith.constant 400 : i32
      %dma_start3A_216 = tpu.memref_slice %arg10[%dma_start3A_215] : memref<2000xi32, #tpu.memory_space<vmem>> -> memref<200xi32, #tpu.memory_space<vmem>>
      %dma_start3A_217 = arith.constant 0 : i32
      %dma_start3A_218 = arith.constant 0 : i32
      %dma_start3A_219 = tpu.memref_slice %arg12[%dma_start3A_217, %dma_start3A_218] : memref<10000x32xf32, #tpu.memory_space<vmem_shared>> -> memref<10000x32xf32, #tpu.memory_space<vmem_shared>>
      tpu.enqueue_indirect_dma source(%dma_start3A_214 : memref<200x32xf32, #tpu.memory_space<vmem>>) target(%dma_start3A_219 : memref<10000x32xf32, #tpu.memory_space<vmem_shared>>) offsets(%dma_start3A_216 : memref<200xi32, #tpu.memory_space<vmem>>) semaphore(%arg16 : memref<!tpu.dma_semaphore, #tpu.memory_space<semaphore_mem>>) {add = true}
      %dma_wait3A_220 = arith.constant 0 : i32
      %dma_wait3A_221 = arith.constant 0 : i32
      %dma_wait3A_222 = arith.constant 0 : i32
      %dma_wait3A_223 = tpu.memref_slice %arg8[%dma_wait3A_220, %dma_wait3A_221, %dma_wait3A_222] : memref<2x200x32xf32, #tpu.memory_space<vmem>> -> memref<1x200x32xf32, #tpu.memory_space<vmem>>
      %dma_wait3A_224 = tpu.memref_squeeze %dma_wait3A_223 : memref<1x200x32xf32, #tpu.memory_space<vmem>> -> memref<200x32xf32, #tpu.memory_space<vmem>>
      %dma_wait3A_225 = arith.constant 400 : i32
      %dma_wait3A_226 = tpu.memref_slice %arg9[%dma_wait3A_225] : memref<2000xi32, #tpu.memory_space<vmem>> -> memref<200xi32, #tpu.memory_space<vmem>>
      %dma_wait3A_227 = arith.constant 0 : i32
      %dma_wait3A_228 = arith.constant 0 : i32
      %dma_wait3A_229 = tpu.memref_slice %arg11[%dma_wait3A_227, %dma_wait3A_228] : memref<10000x32xf32, #tpu.memory_space<vmem_shared>> -> memref<10000x32xf32, #tpu.memory_space<vmem_shared>>
      tpu.wait_indirect_dma semaphore(%arg15 : memref<!tpu.dma_semaphore, #tpu.memory_space<semaphore_mem>>) src(%dma_wait3A_224 : memref<200x32xf32, #tpu.memory_space<vmem>>) dst(%dma_wait3A_229 : memref<10000x32xf32, #tpu.memory_space<vmem_shared>>)
      %dma_wait3A_230 = arith.constant 0 : i32
      %dma_wait3A_231 = arith.constant 0 : i32
      %dma_wait3A_232 = arith.constant 0 : i32
      %dma_wait3A_233 = tpu.memref_slice %arg8[%dma_wait3A_230, %dma_wait3A_231, %dma_wait3A_232] : memref<2x200x32xf32, #tpu.memory_space<vmem>> -> memref<1x200x32xf32, #tpu.memory_space<vmem>>
      %dma_wait3A_234 = tpu.memref_squeeze %dma_wait3A_233 : memref<1x200x32xf32, #tpu.memory_space<vmem>> -> memref<200x32xf32, #tpu.memory_space<vmem>>
      %dma_wait3A_235 = arith.constant 400 : i32
      %dma_wait3A_236 = tpu.memref_slice %arg10[%dma_wait3A_235] : memref<2000xi32, #tpu.memory_space<vmem>> -> memref<200xi32, #tpu.memory_space<vmem>>
      %dma_wait3A_237 = arith.constant 0 : i32
      %dma_wait3A_238 = arith.constant 0 : i32
      %dma_wait3A_239 = tpu.memref_slice %arg12[%dma_wait3A_237, %dma_wait3A_238] : memref<10000x32xf32, #tpu.memory_space<vmem_shared>> -> memref<10000x32xf32, #tpu.memory_space<vmem_shared>>
      tpu.wait_indirect_dma semaphore(%arg16 : memref<!tpu.dma_semaphore, #tpu.memory_space<semaphore_mem>>) src(%dma_wait3A_234 : memref<200x32xf32, #tpu.memory_space<vmem>>) dst(%dma_wait3A_239 : memref<10000x32xf32, #tpu.memory_space<vmem_shared>>)
      %dma_wait3A_240 = arith.constant 1 : i32
      %dma_wait3A_241 = arith.constant 0 : i32
      %dma_wait3A_242 = arith.constant 0 : i32
      %dma_wait3A_243 = tpu.memref_slice %arg8[%dma_wait3A_240, %dma_wait3A_241, %dma_wait3A_242] : memref<2x200x32xf32, #tpu.memory_space<vmem>> -> memref<1x200x16xf32, #tpu.memory_space<vmem>>
      %dma_wait3A_244 = tpu.memref_squeeze %dma_wait3A_243 : memref<1x200x16xf32, #tpu.memory_space<vmem>> -> memref<200x16xf32, #tpu.memory_space<vmem>>
      %dma_wait3A_245 = arith.constant 0 : i32
      %dma_wait3A_246 = tpu.memref_slice %arg2[%add3A_186, %dma_wait3A_245] : memref<320000x16xf32, #tpu.memory_space<hbm>> -> memref<200x16xf32, #tpu.memory_space<hbm>>
      %dma_wait3A_247 = arith.constant 0 : i32
      %dma_wait3A_248 = arith.constant 0 : i32
      %dma_wait3A_249 = tpu.memref_slice %arg8[%dma_wait3A_240, %dma_wait3A_247, %dma_wait3A_248] : memref<2x200x32xf32, #tpu.memory_space<vmem>> -> memref<1x200x16xf32, #tpu.memory_space<vmem>>
      %dma_wait3A_250 = tpu.memref_squeeze %dma_wait3A_249 : memref<1x200x16xf32, #tpu.memory_space<vmem>> -> memref<200x16xf32, #tpu.memory_space<vmem>>
      %dma_wait3A_251 = arith.constant 0 : i32
      %dma_wait3A_252 = tpu.memref_slice %arg2[%add3A_186, %dma_wait3A_251] : memref<320000x16xf32, #tpu.memory_space<hbm>> -> memref<200x16xf32, #tpu.memory_space<hbm>>
      tpu.wait_dma2 semaphore(%arg14 : memref<!tpu.dma_semaphore, #tpu.memory_space<semaphore_mem>>) src(%dma_wait3A_252 : memref<200x16xf32, #tpu.memory_space<hbm>>) dst(%dma_wait3A_250 : memref<200x16xf32, #tpu.memory_space<vmem>>)
      %add3A_253 = arith.constant 800 : i32
      %add3A_254 = arith.addi %add3A_24, %add3A_253 : i32
      %dma_start3A_255 = arith.constant 0 : i32
      %dma_start3A_256 = arith.constant 0 : i32
      %dma_start3A_257 = arith.constant 0 : i32
      %dma_start3A_258 = tpu.memref_slice %arg8[%dma_start3A_255, %dma_start3A_256, %dma_start3A_257] : memref<2x200x32xf32, #tpu.memory_space<vmem>> -> memref<1x200x16xf32, #tpu.memory_space<vmem>>
      %dma_start3A_259 = tpu.memref_squeeze %dma_start3A_258 : memref<1x200x16xf32, #tpu.memory_space<vmem>> -> memref<200x16xf32, #tpu.memory_space<vmem>>
      %dma_start3A_260 = arith.constant 0 : i32
      %dma_start3A_261 = tpu.memref_slice %arg2[%add3A_254, %dma_start3A_260] : memref<320000x16xf32, #tpu.memory_space<hbm>> -> memref<200x16xf32, #tpu.memory_space<hbm>>
      %dma_start3A_262 = arith.constant 0 : i32
      %dma_start3A_263 = arith.constant 0 : i32
      %dma_start3A_264 = tpu.memref_slice %arg8[%dma_start3A_255, %dma_start3A_262, %dma_start3A_263] : memref<2x200x32xf32, #tpu.memory_space<vmem>> -> memref<1x200x16xf32, #tpu.memory_space<vmem>>
      %dma_start3A_265 = tpu.memref_squeeze %dma_start3A_264 : memref<1x200x16xf32, #tpu.memory_space<vmem>> -> memref<200x16xf32, #tpu.memory_space<vmem>>
      %dma_start3A_266 = arith.constant 0 : i32
      %dma_start3A_267 = tpu.memref_slice %arg2[%add3A_254, %dma_start3A_266] : memref<320000x16xf32, #tpu.memory_space<hbm>> -> memref<200x16xf32, #tpu.memory_space<hbm>>
      tpu.enqueue_dma source(%dma_start3A_267 : memref<200x16xf32, #tpu.memory_space<hbm>>) target(%dma_start3A_265 : memref<200x16xf32, #tpu.memory_space<vmem>>) target_semaphore(%arg13 : memref<!tpu.dma_semaphore, #tpu.memory_space<semaphore_mem>>)
      %dma_start3A_268 = arith.constant 1 : i32
      %dma_start3A_269 = arith.constant 0 : i32
      %dma_start3A_270 = arith.constant 0 : i32
      %dma_start3A_271 = tpu.memref_slice %arg8[%dma_start3A_268, %dma_start3A_269, %dma_start3A_270] : memref<2x200x32xf32, #tpu.memory_space<vmem>> -> memref<1x200x32xf32, #tpu.memory_space<vmem>>
      %dma_start3A_272 = tpu.memref_squeeze %dma_start3A_271 : memref<1x200x32xf32, #tpu.memory_space<vmem>> -> memref<200x32xf32, #tpu.memory_space<vmem>>
      %dma_start3A_273 = arith.constant 600 : i32
      %dma_start3A_274 = tpu.memref_slice %arg9[%dma_start3A_273] : memref<2000xi32, #tpu.memory_space<vmem>> -> memref<200xi32, #tpu.memory_space<vmem>>
      %dma_start3A_275 = arith.constant 0 : i32
      %dma_start3A_276 = arith.constant 0 : i32
      %dma_start3A_277 = tpu.memref_slice %arg11[%dma_start3A_275, %dma_start3A_276] : memref<10000x32xf32, #tpu.memory_space<vmem_shared>> -> memref<10000x32xf32, #tpu.memory_space<vmem_shared>>
      tpu.enqueue_indirect_dma source(%dma_start3A_272 : memref<200x32xf32, #tpu.memory_space<vmem>>) target(%dma_start3A_277 : memref<10000x32xf32, #tpu.memory_space<vmem_shared>>) offsets(%dma_start3A_274 : memref<200xi32, #tpu.memory_space<vmem>>) semaphore(%arg15 : memref<!tpu.dma_semaphore, #tpu.memory_space<semaphore_mem>>) {add = true}
      %dma_start3A_278 = arith.constant 1 : i32
      %dma_start3A_279 = arith.constant 0 : i32
      %dma_start3A_280 = arith.constant 0 : i32
      %dma_start3A_281 = tpu.memref_slice %arg8[%dma_start3A_278, %dma_start3A_279, %dma_start3A_280] : memref<2x200x32xf32, #tpu.memory_space<vmem>> -> memref<1x200x32xf32, #tpu.memory_space<vmem>>
      %dma_start3A_282 = tpu.memref_squeeze %dma_start3A_281 : memref<1x200x32xf32, #tpu.memory_space<vmem>> -> memref<200x32xf32, #tpu.memory_space<vmem>>
      %dma_start3A_283 = arith.constant 600 : i32
      %dma_start3A_284 = tpu.memref_slice %arg10[%dma_start3A_283] : memref<2000xi32, #tpu.memory_space<vmem>> -> memref<200xi32, #tpu.memory_space<vmem>>
      %dma_start3A_285 = arith.constant 0 : i32
      %dma_start3A_286 = arith.constant 0 : i32
      %dma_start3A_287 = tpu.memref_slice %arg12[%dma_start3A_285, %dma_start3A_286] : memref<10000x32xf32, #tpu.memory_space<vmem_shared>> -> memref<10000x32xf32, #tpu.memory_space<vmem_shared>>
      tpu.enqueue_indirect_dma source(%dma_start3A_282 : memref<200x32xf32, #tpu.memory_space<vmem>>) target(%dma_start3A_287 : memref<10000x32xf32, #tpu.memory_space<vmem_shared>>) offsets(%dma_start3A_284 : memref<200xi32, #tpu.memory_space<vmem>>) semaphore(%arg16 : memref<!tpu.dma_semaphore, #tpu.memory_space<semaphore_mem>>) {add = true}
      %dma_wait3A_288 = arith.constant 1 : i32
      %dma_wait3A_289 = arith.constant 0 : i32
      %dma_wait3A_290 = arith.constant 0 : i32
      %dma_wait3A_291 = tpu.memref_slice %arg8[%dma_wait3A_288, %dma_wait3A_289, %dma_wait3A_290] : memref<2x200x32xf32, #tpu.memory_space<vmem>> -> memref<1x200x32xf32, #tpu.memory_space<vmem>>
      %dma_wait3A_292 = tpu.memref_squeeze %dma_wait3A_291 : memref<1x200x32xf32, #tpu.memory_space<vmem>> -> memref<200x32xf32, #tpu.memory_space<vmem>>
      %dma_wait3A_293 = arith.constant 600 : i32
      %dma_wait3A_294 = tpu.memref_slice %arg9[%dma_wait3A_293] : memref<2000xi32, #tpu.memory_space<vmem>> -> memref<200xi32, #tpu.memory_space<vmem>>
      %dma_wait3A_295 = arith.constant 0 : i32
      %dma_wait3A_296 = arith.constant 0 : i32
      %dma_wait3A_297 = tpu.memref_slice %arg11[%dma_wait3A_295, %dma_wait3A_296] : memref<10000x32xf32, #tpu.memory_space<vmem_shared>> -> memref<10000x32xf32, #tpu.memory_space<vmem_shared>>
      tpu.wait_indirect_dma semaphore(%arg15 : memref<!tpu.dma_semaphore, #tpu.memory_space<semaphore_mem>>) src(%dma_wait3A_292 : memref<200x32xf32, #tpu.memory_space<vmem>>) dst(%dma_wait3A_297 : memref<10000x32xf32, #tpu.memory_space<vmem_shared>>)
      %dma_wait3A_298 = arith.constant 1 : i32
      %dma_wait3A_299 = arith.constant 0 : i32
      %dma_wait3A_300 = arith.constant 0 : i32
      %dma_wait3A_301 = tpu.memref_slice %arg8[%dma_wait3A_298, %dma_wait3A_299, %dma_wait3A_300] : memref<2x200x32xf32, #tpu.memory_space<vmem>> -> memref<1x200x32xf32, #tpu.memory_space<vmem>>
      %dma_wait3A_302 = tpu.memref_squeeze %dma_wait3A_301 : memref<1x200x32xf32, #tpu.memory_space<vmem>> -> memref<200x32xf32, #tpu.memory_space<vmem>>
      %dma_wait3A_303 = arith.constant 600 : i32
      %dma_wait3A_304 = tpu.memref_slice %arg10[%dma_wait3A_303] : memref<2000xi32, #tpu.memory_space<vmem>> -> memref<200xi32, #tpu.memory_space<vmem>>
      %dma_wait3A_305 = arith.constant 0 : i32
      %dma_wait3A_306 = arith.constant 0 : i32
      %dma_wait3A_307 = tpu.memref_slice %arg12[%dma_wait3A_305, %dma_wait3A_306] : memref<10000x32xf32, #tpu.memory_space<vmem_shared>> -> memref<10000x32xf32, #tpu.memory_space<vmem_shared>>
      tpu.wait_indirect_dma semaphore(%arg16 : memref<!tpu.dma_semaphore, #tpu.memory_space<semaphore_mem>>) src(%dma_wait3A_302 : memref<200x32xf32, #tpu.memory_space<vmem>>) dst(%dma_wait3A_307 : memref<10000x32xf32, #tpu.memory_space<vmem_shared>>)
      %dma_wait3A_308 = arith.constant 0 : i32
      %dma_wait3A_309 = arith.constant 0 : i32
      %dma_wait3A_310 = arith.constant 0 : i32
      %dma_wait3A_311 = tpu.memref_slice %arg8[%dma_wait3A_308, %dma_wait3A_309, %dma_wait3A_310] : memref<2x200x32xf32, #tpu.memory_space<vmem>> -> memref<1x200x16xf32, #tpu.memory_space<vmem>>
      %dma_wait3A_312 = tpu.memref_squeeze %dma_wait3A_311 : memref<1x200x16xf32, #tpu.memory_space<vmem>> -> memref<200x16xf32, #tpu.memory_space<vmem>>
      %dma_wait3A_313 = arith.constant 0 : i32
      %dma_wait3A_314 = tpu.memref_slice %arg2[%add3A_254, %dma_wait3A_313] : memref<320000x16xf32, #tpu.memory_space<hbm>> -> memref<200x16xf32, #tpu.memory_space<hbm>>
      %dma_wait3A_315 = arith.constant 0 : i32
      %dma_wait3A_316 = arith.constant 0 : i32
      %dma_wait3A_317 = tpu.memref_slice %arg8[%dma_wait3A_308, %dma_wait3A_315, %dma_wait3A_316] : memref<2x200x32xf32, #tpu.memory_space<vmem>> -> memref<1x200x16xf32, #tpu.memory_space<vmem>>
      %dma_wait3A_318 = tpu.memref_squeeze %dma_wait3A_317 : memref<1x200x16xf32, #tpu.memory_space<vmem>> -> memref<200x16xf32, #tpu.memory_space<vmem>>
      %dma_wait3A_319 = arith.constant 0 : i32
      %dma_wait3A_320 = tpu.memref_slice %arg2[%add3A_254, %dma_wait3A_319] : memref<320000x16xf32, #tpu.memory_space<hbm>> -> memref<200x16xf32, #tpu.memory_space<hbm>>
      tpu.wait_dma2 semaphore(%arg13 : memref<!tpu.dma_semaphore, #tpu.memory_space<semaphore_mem>>) src(%dma_wait3A_320 : memref<200x16xf32, #tpu.memory_space<hbm>>) dst(%dma_wait3A_318 : memref<200x16xf32, #tpu.memory_space<vmem>>)
      %add3A_321 = arith.constant 1000 : i32
      %add3A_322 = arith.addi %add3A_24, %add3A_321 : i32
      %dma_start3A_323 = arith.constant 1 : i32
      %dma_start3A_324 = arith.constant 0 : i32
      %dma_start3A_325 = arith.constant 0 : i32
      %dma_start3A_326 = tpu.memref_slice %arg8[%dma_start3A_323, %dma_start3A_324, %dma_start3A_325] : memref<2x200x32xf32, #tpu.memory_space<vmem>> -> memref<1x200x16xf32, #tpu.memory_space<vmem>>
      %dma_start3A_327 = tpu.memref_squeeze %dma_start3A_326 : memref<1x200x16xf32, #tpu.memory_space<vmem>> -> memref<200x16xf32, #tpu.memory_space<vmem>>
      %dma_start3A_328 = arith.constant 0 : i32
      %dma_start3A_329 = tpu.memref_slice %arg2[%add3A_322, %dma_start3A_328] : memref<320000x16xf32, #tpu.memory_space<hbm>> -> memref<200x16xf32, #tpu.memory_space<hbm>>
      %dma_start3A_330 = arith.constant 0 : i32
      %dma_start3A_331 = arith.constant 0 : i32
      %dma_start3A_332 = tpu.memref_slice %arg8[%dma_start3A_323, %dma_start3A_330, %dma_start3A_331] : memref<2x200x32xf32, #tpu.memory_space<vmem>> -> memref<1x200x16xf32, #tpu.memory_space<vmem>>
      %dma_start3A_333 = tpu.memref_squeeze %dma_start3A_332 : memref<1x200x16xf32, #tpu.memory_space<vmem>> -> memref<200x16xf32, #tpu.memory_space<vmem>>
      %dma_start3A_334 = arith.constant 0 : i32
      %dma_start3A_335 = tpu.memref_slice %arg2[%add3A_322, %dma_start3A_334] : memref<320000x16xf32, #tpu.memory_space<hbm>> -> memref<200x16xf32, #tpu.memory_space<hbm>>
      tpu.enqueue_dma source(%dma_start3A_335 : memref<200x16xf32, #tpu.memory_space<hbm>>) target(%dma_start3A_333 : memref<200x16xf32, #tpu.memory_space<vmem>>) target_semaphore(%arg14 : memref<!tpu.dma_semaphore, #tpu.memory_space<semaphore_mem>>)
      %dma_start3A_336 = arith.constant 0 : i32
      %dma_start3A_337 = arith.constant 0 : i32
      %dma_start3A_338 = arith.constant 0 : i32
      %dma_start3A_339 = tpu.memref_slice %arg8[%dma_start3A_336, %dma_start3A_337, %dma_start3A_338] : memref<2x200x32xf32, #tpu.memory_space<vmem>> -> memref<1x200x32xf32, #tpu.memory_space<vmem>>
      %dma_start3A_340 = tpu.memref_squeeze %dma_start3A_339 : memref<1x200x32xf32, #tpu.memory_space<vmem>> -> memref<200x32xf32, #tpu.memory_space<vmem>>
      %dma_start3A_341 = arith.constant 800 : i32
      %dma_start3A_342 = tpu.memref_slice %arg9[%dma_start3A_341] : memref<2000xi32, #tpu.memory_space<vmem>> -> memref<200xi32, #tpu.memory_space<vmem>>
      %dma_start3A_343 = arith.constant 0 : i32
      %dma_start3A_344 = arith.constant 0 : i32
      %dma_start3A_345 = tpu.memref_slice %arg11[%dma_start3A_343, %dma_start3A_344] : memref<10000x32xf32, #tpu.memory_space<vmem_shared>> -> memref<10000x32xf32, #tpu.memory_space<vmem_shared>>
      tpu.enqueue_indirect_dma source(%dma_start3A_340 : memref<200x32xf32, #tpu.memory_space<vmem>>) target(%dma_start3A_345 : memref<10000x32xf32, #tpu.memory_space<vmem_shared>>) offsets(%dma_start3A_342 : memref<200xi32, #tpu.memory_space<vmem>>) semaphore(%arg15 : memref<!tpu.dma_semaphore, #tpu.memory_space<semaphore_mem>>) {add = true}
      %dma_start3A_346 = arith.constant 0 : i32
      %dma_start3A_347 = arith.constant 0 : i32
      %dma_start3A_348 = arith.constant 0 : i32
      %dma_start3A_349 = tpu.memref_slice %arg8[%dma_start3A_346, %dma_start3A_347, %dma_start3A_348] : memref<2x200x32xf32, #tpu.memory_space<vmem>> -> memref<1x200x32xf32, #tpu.memory_space<vmem>>
      %dma_start3A_350 = tpu.memref_squeeze %dma_start3A_349 : memref<1x200x32xf32, #tpu.memory_space<vmem>> -> memref<200x32xf32, #tpu.memory_space<vmem>>
      %dma_start3A_351 = arith.constant 800 : i32
      %dma_start3A_352 = tpu.memref_slice %arg10[%dma_start3A_351] : memref<2000xi32, #tpu.memory_space<vmem>> -> memref<200xi32, #tpu.memory_space<vmem>>
      %dma_start3A_353 = arith.constant 0 : i32
      %dma_start3A_354 = arith.constant 0 : i32
      %dma_start3A_355 = tpu.memref_slice %arg12[%dma_start3A_353, %dma_start3A_354] : memref<10000x32xf32, #tpu.memory_space<vmem_shared>> -> memref<10000x32xf32, #tpu.memory_space<vmem_shared>>
      tpu.enqueue_indirect_dma source(%dma_start3A_350 : memref<200x32xf32, #tpu.memory_space<vmem>>) target(%dma_start3A_355 : memref<10000x32xf32, #tpu.memory_space<vmem_shared>>) offsets(%dma_start3A_352 : memref<200xi32, #tpu.memory_space<vmem>>) semaphore(%arg16 : memref<!tpu.dma_semaphore, #tpu.memory_space<semaphore_mem>>) {add = true}
      %dma_wait3A_356 = arith.constant 0 : i32
      %dma_wait3A_357 = arith.constant 0 : i32
      %dma_wait3A_358 = arith.constant 0 : i32
      %dma_wait3A_359 = tpu.memref_slice %arg8[%dma_wait3A_356, %dma_wait3A_357, %dma_wait3A_358] : memref<2x200x32xf32, #tpu.memory_space<vmem>> -> memref<1x200x32xf32, #tpu.memory_space<vmem>>
      %dma_wait3A_360 = tpu.memref_squeeze %dma_wait3A_359 : memref<1x200x32xf32, #tpu.memory_space<vmem>> -> memref<200x32xf32, #tpu.memory_space<vmem>>
      %dma_wait3A_361 = arith.constant 800 : i32
      %dma_wait3A_362 = tpu.memref_slice %arg9[%dma_wait3A_361] : memref<2000xi32, #tpu.memory_space<vmem>> -> memref<200xi32, #tpu.memory_space<vmem>>
      %dma_wait3A_363 = arith.constant 0 : i32
      %dma_wait3A_364 = arith.constant 0 : i32
      %dma_wait3A_365 = tpu.memref_slice %arg11[%dma_wait3A_363, %dma_wait3A_364] : memref<10000x32xf32, #tpu.memory_space<vmem_shared>> -> memref<10000x32xf32, #tpu.memory_space<vmem_shared>>
      tpu.wait_indirect_dma semaphore(%arg15 : memref<!tpu.dma_semaphore, #tpu.memory_space<semaphore_mem>>) src(%dma_wait3A_360 : memref<200x32xf32, #tpu.memory_space<vmem>>) dst(%dma_wait3A_365 : memref<10000x32xf32, #tpu.memory_space<vmem_shared>>)
      %dma_wait3A_366 = arith.constant 0 : i32
      %dma_wait3A_367 = arith.constant 0 : i32
      %dma_wait3A_368 = arith.constant 0 : i32
      %dma_wait3A_369 = tpu.memref_slice %arg8[%dma_wait3A_366, %dma_wait3A_367, %dma_wait3A_368] : memref<2x200x32xf32, #tpu.memory_space<vmem>> -> memref<1x200x32xf32, #tpu.memory_space<vmem>>
      %dma_wait3A_370 = tpu.memref_squeeze %dma_wait3A_369 : memref<1x200x32xf32, #tpu.memory_space<vmem>> -> memref<200x32xf32, #tpu.memory_space<vmem>>
      %dma_wait3A_371 = arith.constant 800 : i32
      %dma_wait3A_372 = tpu.memref_slice %arg10[%dma_wait3A_371] : memref<2000xi32, #tpu.memory_space<vmem>> -> memref<200xi32, #tpu.memory_space<vmem>>
      %dma_wait3A_373 = arith.constant 0 : i32
      %dma_wait3A_374 = arith.constant 0 : i32
      %dma_wait3A_375 = tpu.memref_slice %arg12[%dma_wait3A_373, %dma_wait3A_374] : memref<10000x32xf32, #tpu.memory_space<vmem_shared>> -> memref<10000x32xf32, #tpu.memory_space<vmem_shared>>
      tpu.wait_indirect_dma semaphore(%arg16 : memref<!tpu.dma_semaphore, #tpu.memory_space<semaphore_mem>>) src(%dma_wait3A_370 : memref<200x32xf32, #tpu.memory_space<vmem>>) dst(%dma_wait3A_375 : memref<10000x32xf32, #tpu.memory_space<vmem_shared>>)
      %dma_wait3A_376 = arith.constant 1 : i32
      %dma_wait3A_377 = arith.constant 0 : i32
      %dma_wait3A_378 = arith.constant 0 : i32
      %dma_wait3A_379 = tpu.memref_slice %arg8[%dma_wait3A_376, %dma_wait3A_377, %dma_wait3A_378] : memref<2x200x32xf32, #tpu.memory_space<vmem>> -> memref<1x200x16xf32, #tpu.memory_space<vmem>>
      %dma_wait3A_380 = tpu.memref_squeeze %dma_wait3A_379 : memref<1x200x16xf32, #tpu.memory_space<vmem>> -> memref<200x16xf32, #tpu.memory_space<vmem>>
      %dma_wait3A_381 = arith.constant 0 : i32
      %dma_wait3A_382 = tpu.memref_slice %arg2[%add3A_322, %dma_wait3A_381] : memref<320000x16xf32, #tpu.memory_space<hbm>> -> memref<200x16xf32, #tpu.memory_space<hbm>>
      %dma_wait3A_383 = arith.constant 0 : i32
      %dma_wait3A_384 = arith.constant 0 : i32
      %dma_wait3A_385 = tpu.memref_slice %arg8[%dma_wait3A_376, %dma_wait3A_383, %dma_wait3A_384] : memref<2x200x32xf32, #tpu.memory_space<vmem>> -> memref<1x200x16xf32, #tpu.memory_space<vmem>>
      %dma_wait3A_386 = tpu.memref_squeeze %dma_wait3A_385 : memref<1x200x16xf32, #tpu.memory_space<vmem>> -> memref<200x16xf32, #tpu.memory_space<vmem>>
      %dma_wait3A_387 = arith.constant 0 : i32
      %dma_wait3A_388 = tpu.memref_slice %arg2[%add3A_322, %dma_wait3A_387] : memref<320000x16xf32, #tpu.memory_space<hbm>> -> memref<200x16xf32, #tpu.memory_space<hbm>>
      tpu.wait_dma2 semaphore(%arg14 : memref<!tpu.dma_semaphore, #tpu.memory_space<semaphore_mem>>) src(%dma_wait3A_388 : memref<200x16xf32, #tpu.memory_space<hbm>>) dst(%dma_wait3A_386 : memref<200x16xf32, #tpu.memory_space<vmem>>)
      %add3A_389 = arith.constant 1200 : i32
      %add3A_390 = arith.addi %add3A_24, %add3A_389 : i32
      %dma_start3A_391 = arith.constant 0 : i32
      %dma_start3A_392 = arith.constant 0 : i32
      %dma_start3A_393 = arith.constant 0 : i32
      %dma_start3A_394 = tpu.memref_slice %arg8[%dma_start3A_391, %dma_start3A_392, %dma_start3A_393] : memref<2x200x32xf32, #tpu.memory_space<vmem>> -> memref<1x200x16xf32, #tpu.memory_space<vmem>>
      %dma_start3A_395 = tpu.memref_squeeze %dma_start3A_394 : memref<1x200x16xf32, #tpu.memory_space<vmem>> -> memref<200x16xf32, #tpu.memory_space<vmem>>
      %dma_start3A_396 = arith.constant 0 : i32
      %dma_start3A_397 = tpu.memref_slice %arg2[%add3A_390, %dma_start3A_396] : memref<320000x16xf32, #tpu.memory_space<hbm>> -> memref<200x16xf32, #tpu.memory_space<hbm>>
      %dma_start3A_398 = arith.constant 0 : i32
      %dma_start3A_399 = arith.constant 0 : i32
      %dma_start3A_400 = tpu.memref_slice %arg8[%dma_start3A_391, %dma_start3A_398, %dma_start3A_399] : memref<2x200x32xf32, #tpu.memory_space<vmem>> -> memref<1x200x16xf32, #tpu.memory_space<vmem>>
      %dma_start3A_401 = tpu.memref_squeeze %dma_start3A_400 : memref<1x200x16xf32, #tpu.memory_space<vmem>> -> memref<200x16xf32, #tpu.memory_space<vmem>>
      %dma_start3A_402 = arith.constant 0 : i32
      %dma_start3A_403 = tpu.memref_slice %arg2[%add3A_390, %dma_start3A_402] : memref<320000x16xf32, #tpu.memory_space<hbm>> -> memref<200x16xf32, #tpu.memory_space<hbm>>
      tpu.enqueue_dma source(%dma_start3A_403 : memref<200x16xf32, #tpu.memory_space<hbm>>) target(%dma_start3A_401 : memref<200x16xf32, #tpu.memory_space<vmem>>) target_semaphore(%arg13 : memref<!tpu.dma_semaphore, #tpu.memory_space<semaphore_mem>>)
      %dma_start3A_404 = arith.constant 1 : i32
      %dma_start3A_405 = arith.constant 0 : i32
      %dma_start3A_406 = arith.constant 0 : i32
      %dma_start3A_407 = tpu.memref_slice %arg8[%dma_start3A_404, %dma_start3A_405, %dma_start3A_406] : memref<2x200x32xf32, #tpu.memory_space<vmem>> -> memref<1x200x32xf32, #tpu.memory_space<vmem>>
      %dma_start3A_408 = tpu.memref_squeeze %dma_start3A_407 : memref<1x200x32xf32, #tpu.memory_space<vmem>> -> memref<200x32xf32, #tpu.memory_space<vmem>>
      %dma_start3A_409 = arith.constant 1000 : i32
      %dma_start3A_410 = tpu.memref_slice %arg9[%dma_start3A_409] : memref<2000xi32, #tpu.memory_space<vmem>> -> memref<200xi32, #tpu.memory_space<vmem>>
      %dma_start3A_411 = arith.constant 0 : i32
      %dma_start3A_412 = arith.constant 0 : i32
      %dma_start3A_413 = tpu.memref_slice %arg11[%dma_start3A_411, %dma_start3A_412] : memref<10000x32xf32, #tpu.memory_space<vmem_shared>> -> memref<10000x32xf32, #tpu.memory_space<vmem_shared>>
      tpu.enqueue_indirect_dma source(%dma_start3A_408 : memref<200x32xf32, #tpu.memory_space<vmem>>) target(%dma_start3A_413 : memref<10000x32xf32, #tpu.memory_space<vmem_shared>>) offsets(%dma_start3A_410 : memref<200xi32, #tpu.memory_space<vmem>>) semaphore(%arg15 : memref<!tpu.dma_semaphore, #tpu.memory_space<semaphore_mem>>) {add = true}
      %dma_start3A_414 = arith.constant 1 : i32
      %dma_start3A_415 = arith.constant 0 : i32
      %dma_start3A_416 = arith.constant 0 : i32
      %dma_start3A_417 = tpu.memref_slice %arg8[%dma_start3A_414, %dma_start3A_415, %dma_start3A_416] : memref<2x200x32xf32, #tpu.memory_space<vmem>> -> memref<1x200x32xf32, #tpu.memory_space<vmem>>
      %dma_start3A_418 = tpu.memref_squeeze %dma_start3A_417 : memref<1x200x32xf32, #tpu.memory_space<vmem>> -> memref<200x32xf32, #tpu.memory_space<vmem>>
      %dma_start3A_419 = arith.constant 1000 : i32
      %dma_start3A_420 = tpu.memref_slice %arg10[%dma_start3A_419] : memref<2000xi32, #tpu.memory_space<vmem>> -> memref<200xi32, #tpu.memory_space<vmem>>
      %dma_start3A_421 = arith.constant 0 : i32
      %dma_start3A_422 = arith.constant 0 : i32
      %dma_start3A_423 = tpu.memref_slice %arg12[%dma_start3A_421, %dma_start3A_422] : memref<10000x32xf32, #tpu.memory_space<vmem_shared>> -> memref<10000x32xf32, #tpu.memory_space<vmem_shared>>
      tpu.enqueue_indirect_dma source(%dma_start3A_418 : memref<200x32xf32, #tpu.memory_space<vmem>>) target(%dma_start3A_423 : memref<10000x32xf32, #tpu.memory_space<vmem_shared>>) offsets(%dma_start3A_420 : memref<200xi32, #tpu.memory_space<vmem>>) semaphore(%arg16 : memref<!tpu.dma_semaphore, #tpu.memory_space<semaphore_mem>>) {add = true}
      %dma_wait3A_424 = arith.constant 1 : i32
      %dma_wait3A_425 = arith.constant 0 : i32
      %dma_wait3A_426 = arith.constant 0 : i32
      %dma_wait3A_427 = tpu.memref_slice %arg8[%dma_wait3A_424, %dma_wait3A_425, %dma_wait3A_426] : memref<2x200x32xf32, #tpu.memory_space<vmem>> -> memref<1x200x32xf32, #tpu.memory_space<vmem>>
      %dma_wait3A_428 = tpu.memref_squeeze %dma_wait3A_427 : memref<1x200x32xf32, #tpu.memory_space<vmem>> -> memref<200x32xf32, #tpu.memory_space<vmem>>
      %dma_wait3A_429 = arith.constant 1000 : i32
      %dma_wait3A_430 = tpu.memref_slice %arg9[%dma_wait3A_429] : memref<2000xi32, #tpu.memory_space<vmem>> -> memref<200xi32, #tpu.memory_space<vmem>>
      %dma_wait3A_431 = arith.constant 0 : i32
      %dma_wait3A_432 = arith.constant 0 : i32
      %dma_wait3A_433 = tpu.memref_slice %arg11[%dma_wait3A_431, %dma_wait3A_432] : memref<10000x32xf32, #tpu.memory_space<vmem_shared>> -> memref<10000x32xf32, #tpu.memory_space<vmem_shared>>
      tpu.wait_indirect_dma semaphore(%arg15 : memref<!tpu.dma_semaphore, #tpu.memory_space<semaphore_mem>>) src(%dma_wait3A_428 : memref<200x32xf32, #tpu.memory_space<vmem>>) dst(%dma_wait3A_433 : memref<10000x32xf32, #tpu.memory_space<vmem_shared>>)
      %dma_wait3A_434 = arith.constant 1 : i32
      %dma_wait3A_435 = arith.constant 0 : i32
      %dma_wait3A_436 = arith.constant 0 : i32
      %dma_wait3A_437 = tpu.memref_slice %arg8[%dma_wait3A_434, %dma_wait3A_435, %dma_wait3A_436] : memref<2x200x32xf32, #tpu.memory_space<vmem>> -> memref<1x200x32xf32, #tpu.memory_space<vmem>>
      %dma_wait3A_438 = tpu.memref_squeeze %dma_wait3A_437 : memref<1x200x32xf32, #tpu.memory_space<vmem>> -> memref<200x32xf32, #tpu.memory_space<vmem>>
      %dma_wait3A_439 = arith.constant 1000 : i32
      %dma_wait3A_440 = tpu.memref_slice %arg10[%dma_wait3A_439] : memref<2000xi32, #tpu.memory_space<vmem>> -> memref<200xi32, #tpu.memory_space<vmem>>
      %dma_wait3A_441 = arith.constant 0 : i32
      %dma_wait3A_442 = arith.constant 0 : i32
      %dma_wait3A_443 = tpu.memref_slice %arg12[%dma_wait3A_441, %dma_wait3A_442] : memref<10000x32xf32, #tpu.memory_space<vmem_shared>> -> memref<10000x32xf32, #tpu.memory_space<vmem_shared>>
      tpu.wait_indirect_dma semaphore(%arg16 : memref<!tpu.dma_semaphore, #tpu.memory_space<semaphore_mem>>) src(%dma_wait3A_438 : memref<200x32xf32, #tpu.memory_space<vmem>>) dst(%dma_wait3A_443 : memref<10000x32xf32, #tpu.memory_space<vmem_shared>>)
      %dma_wait3A_444 = arith.constant 0 : i32
      %dma_wait3A_445 = arith.constant 0 : i32
      %dma_wait3A_446 = arith.constant 0 : i32
      %dma_wait3A_447 = tpu.memref_slice %arg8[%dma_wait3A_444, %dma_wait3A_445, %dma_wait3A_446] : memref<2x200x32xf32, #tpu.memory_space<vmem>> -> memref<1x200x16xf32, #tpu.memory_space<vmem>>
      %dma_wait3A_448 = tpu.memref_squeeze %dma_wait3A_447 : memref<1x200x16xf32, #tpu.memory_space<vmem>> -> memref<200x16xf32, #tpu.memory_space<vmem>>
      %dma_wait3A_449 = arith.constant 0 : i32
      %dma_wait3A_450 = tpu.memref_slice %arg2[%add3A_390, %dma_wait3A_449] : memref<320000x16xf32, #tpu.memory_space<hbm>> -> memref<200x16xf32, #tpu.memory_space<hbm>>
      %dma_wait3A_451 = arith.constant 0 : i32
      %dma_wait3A_452 = arith.constant 0 : i32
      %dma_wait3A_453 = tpu.memref_slice %arg8[%dma_wait3A_444, %dma_wait3A_451, %dma_wait3A_452] : memref<2x200x32xf32, #tpu.memory_space<vmem>> -> memref<1x200x16xf32, #tpu.memory_space<vmem>>
      %dma_wait3A_454 = tpu.memref_squeeze %dma_wait3A_453 : memref<1x200x16xf32, #tpu.memory_space<vmem>> -> memref<200x16xf32, #tpu.memory_space<vmem>>
      %dma_wait3A_455 = arith.constant 0 : i32
      %dma_wait3A_456 = tpu.memref_slice %arg2[%add3A_390, %dma_wait3A_455] : memref<320000x16xf32, #tpu.memory_space<hbm>> -> memref<200x16xf32, #tpu.memory_space<hbm>>
      tpu.wait_dma2 semaphore(%arg13 : memref<!tpu.dma_semaphore, #tpu.memory_space<semaphore_mem>>) src(%dma_wait3A_456 : memref<200x16xf32, #tpu.memory_space<hbm>>) dst(%dma_wait3A_454 : memref<200x16xf32, #tpu.memory_space<vmem>>)
      %add3A_457 = arith.constant 1400 : i32
      %add3A_458 = arith.addi %add3A_24, %add3A_457 : i32
      %dma_start3A_459 = arith.constant 1 : i32
      %dma_start3A_460 = arith.constant 0 : i32
      %dma_start3A_461 = arith.constant 0 : i32
      %dma_start3A_462 = tpu.memref_slice %arg8[%dma_start3A_459, %dma_start3A_460, %dma_start3A_461] : memref<2x200x32xf32, #tpu.memory_space<vmem>> -> memref<1x200x16xf32, #tpu.memory_space<vmem>>
      %dma_start3A_463 = tpu.memref_squeeze %dma_start3A_462 : memref<1x200x16xf32, #tpu.memory_space<vmem>> -> memref<200x16xf32, #tpu.memory_space<vmem>>
      %dma_start3A_464 = arith.constant 0 : i32
      %dma_start3A_465 = tpu.memref_slice %arg2[%add3A_458, %dma_start3A_464] : memref<320000x16xf32, #tpu.memory_space<hbm>> -> memref<200x16xf32, #tpu.memory_space<hbm>>
      %dma_start3A_466 = arith.constant 0 : i32
      %dma_start3A_467 = arith.constant 0 : i32
      %dma_start3A_468 = tpu.memref_slice %arg8[%dma_start3A_459, %dma_start3A_466, %dma_start3A_467] : memref<2x200x32xf32, #tpu.memory_space<vmem>> -> memref<1x200x16xf32, #tpu.memory_space<vmem>>
      %dma_start3A_469 = tpu.memref_squeeze %dma_start3A_468 : memref<1x200x16xf32, #tpu.memory_space<vmem>> -> memref<200x16xf32, #tpu.memory_space<vmem>>
      %dma_start3A_470 = arith.constant 0 : i32
      %dma_start3A_471 = tpu.memref_slice %arg2[%add3A_458, %dma_start3A_470] : memref<320000x16xf32, #tpu.memory_space<hbm>> -> memref<200x16xf32, #tpu.memory_space<hbm>>
      tpu.enqueue_dma source(%dma_start3A_471 : memref<200x16xf32, #tpu.memory_space<hbm>>) target(%dma_start3A_469 : memref<200x16xf32, #tpu.memory_space<vmem>>) target_semaphore(%arg14 : memref<!tpu.dma_semaphore, #tpu.memory_space<semaphore_mem>>)
      %dma_start3A_472 = arith.constant 0 : i32
      %dma_start3A_473 = arith.constant 0 : i32
      %dma_start3A_474 = arith.constant 0 : i32
      %dma_start3A_475 = tpu.memref_slice %arg8[%dma_start3A_472, %dma_start3A_473, %dma_start3A_474] : memref<2x200x32xf32, #tpu.memory_space<vmem>> -> memref<1x200x32xf32, #tpu.memory_space<vmem>>
      %dma_start3A_476 = tpu.memref_squeeze %dma_start3A_475 : memref<1x200x32xf32, #tpu.memory_space<vmem>> -> memref<200x32xf32, #tpu.memory_space<vmem>>
      %dma_start3A_477 = arith.constant 1200 : i32
      %dma_start3A_478 = tpu.memref_slice %arg9[%dma_start3A_477] : memref<2000xi32, #tpu.memory_space<vmem>> -> memref<200xi32, #tpu.memory_space<vmem>>
      %dma_start3A_479 = arith.constant 0 : i32
      %dma_start3A_480 = arith.constant 0 : i32
      %dma_start3A_481 = tpu.memref_slice %arg11[%dma_start3A_479, %dma_start3A_480] : memref<10000x32xf32, #tpu.memory_space<vmem_shared>> -> memref<10000x32xf32, #tpu.memory_space<vmem_shared>>
      tpu.enqueue_indirect_dma source(%dma_start3A_476 : memref<200x32xf32, #tpu.memory_space<vmem>>) target(%dma_start3A_481 : memref<10000x32xf32, #tpu.memory_space<vmem_shared>>) offsets(%dma_start3A_478 : memref<200xi32, #tpu.memory_space<vmem>>) semaphore(%arg15 : memref<!tpu.dma_semaphore, #tpu.memory_space<semaphore_mem>>) {add = true}
      %dma_start3A_482 = arith.constant 0 : i32
      %dma_start3A_483 = arith.constant 0 : i32
      %dma_start3A_484 = arith.constant 0 : i32
      %dma_start3A_485 = tpu.memref_slice %arg8[%dma_start3A_482, %dma_start3A_483, %dma_start3A_484] : memref<2x200x32xf32, #tpu.memory_space<vmem>> -> memref<1x200x32xf32, #tpu.memory_space<vmem>>
      %dma_start3A_486 = tpu.memref_squeeze %dma_start3A_485 : memref<1x200x32xf32, #tpu.memory_space<vmem>> -> memref<200x32xf32, #tpu.memory_space<vmem>>
      %dma_start3A_487 = arith.constant 1200 : i32
      %dma_start3A_488 = tpu.memref_slice %arg10[%dma_start3A_487] : memref<2000xi32, #tpu.memory_space<vmem>> -> memref<200xi32, #tpu.memory_space<vmem>>
      %dma_start3A_489 = arith.constant 0 : i32
      %dma_start3A_490 = arith.constant 0 : i32
      %dma_start3A_491 = tpu.memref_slice %arg12[%dma_start3A_489, %dma_start3A_490] : memref<10000x32xf32, #tpu.memory_space<vmem_shared>> -> memref<10000x32xf32, #tpu.memory_space<vmem_shared>>
      tpu.enqueue_indirect_dma source(%dma_start3A_486 : memref<200x32xf32, #tpu.memory_space<vmem>>) target(%dma_start3A_491 : memref<10000x32xf32, #tpu.memory_space<vmem_shared>>) offsets(%dma_start3A_488 : memref<200xi32, #tpu.memory_space<vmem>>) semaphore(%arg16 : memref<!tpu.dma_semaphore, #tpu.memory_space<semaphore_mem>>) {add = true}
      %dma_wait3A_492 = arith.constant 0 : i32
      %dma_wait3A_493 = arith.constant 0 : i32
      %dma_wait3A_494 = arith.constant 0 : i32
      %dma_wait3A_495 = tpu.memref_slice %arg8[%dma_wait3A_492, %dma_wait3A_493, %dma_wait3A_494] : memref<2x200x32xf32, #tpu.memory_space<vmem>> -> memref<1x200x32xf32, #tpu.memory_space<vmem>>
      %dma_wait3A_496 = tpu.memref_squeeze %dma_wait3A_495 : memref<1x200x32xf32, #tpu.memory_space<vmem>> -> memref<200x32xf32, #tpu.memory_space<vmem>>
      %dma_wait3A_497 = arith.constant 1200 : i32
      %dma_wait3A_498 = tpu.memref_slice %arg9[%dma_wait3A_497] : memref<2000xi32, #tpu.memory_space<vmem>> -> memref<200xi32, #tpu.memory_space<vmem>>
      %dma_wait3A_499 = arith.constant 0 : i32
      %dma_wait3A_500 = arith.constant 0 : i32
      %dma_wait3A_501 = tpu.memref_slice %arg11[%dma_wait3A_499, %dma_wait3A_500] : memref<10000x32xf32, #tpu.memory_space<vmem_shared>> -> memref<10000x32xf32, #tpu.memory_space<vmem_shared>>
      tpu.wait_indirect_dma semaphore(%arg15 : memref<!tpu.dma_semaphore, #tpu.memory_space<semaphore_mem>>) src(%dma_wait3A_496 : memref<200x32xf32, #tpu.memory_space<vmem>>) dst(%dma_wait3A_501 : memref<10000x32xf32, #tpu.memory_space<vmem_shared>>)
      %dma_wait3A_502 = arith.constant 0 : i32
      %dma_wait3A_503 = arith.constant 0 : i32
      %dma_wait3A_504 = arith.constant 0 : i32
      %dma_wait3A_505 = tpu.memref_slice %arg8[%dma_wait3A_502, %dma_wait3A_503, %dma_wait3A_504] : memref<2x200x32xf32, #tpu.memory_space<vmem>> -> memref<1x200x32xf32, #tpu.memory_space<vmem>>
      %dma_wait3A_506 = tpu.memref_squeeze %dma_wait3A_505 : memref<1x200x32xf32, #tpu.memory_space<vmem>> -> memref<200x32xf32, #tpu.memory_space<vmem>>
      %dma_wait3A_507 = arith.constant 1200 : i32
      %dma_wait3A_508 = tpu.memref_slice %arg10[%dma_wait3A_507] : memref<2000xi32, #tpu.memory_space<vmem>> -> memref<200xi32, #tpu.memory_space<vmem>>
      %dma_wait3A_509 = arith.constant 0 : i32
      %dma_wait3A_510 = arith.constant 0 : i32
      %dma_wait3A_511 = tpu.memref_slice %arg12[%dma_wait3A_509, %dma_wait3A_510] : memref<10000x32xf32, #tpu.memory_space<vmem_shared>> -> memref<10000x32xf32, #tpu.memory_space<vmem_shared>>
      tpu.wait_indirect_dma semaphore(%arg16 : memref<!tpu.dma_semaphore, #tpu.memory_space<semaphore_mem>>) src(%dma_wait3A_506 : memref<200x32xf32, #tpu.memory_space<vmem>>) dst(%dma_wait3A_511 : memref<10000x32xf32, #tpu.memory_space<vmem_shared>>)
      %dma_wait3A_512 = arith.constant 1 : i32
      %dma_wait3A_513 = arith.constant 0 : i32
      %dma_wait3A_514 = arith.constant 0 : i32
      %dma_wait3A_515 = tpu.memref_slice %arg8[%dma_wait3A_512, %dma_wait3A_513, %dma_wait3A_514] : memref<2x200x32xf32, #tpu.memory_space<vmem>> -> memref<1x200x16xf32, #tpu.memory_space<vmem>>
      %dma_wait3A_516 = tpu.memref_squeeze %dma_wait3A_515 : memref<1x200x16xf32, #tpu.memory_space<vmem>> -> memref<200x16xf32, #tpu.memory_space<vmem>>
      %dma_wait3A_517 = arith.constant 0 : i32
      %dma_wait3A_518 = tpu.memref_slice %arg2[%add3A_458, %dma_wait3A_517] : memref<320000x16xf32, #tpu.memory_space<hbm>> -> memref<200x16xf32, #tpu.memory_space<hbm>>
      %dma_wait3A_519 = arith.constant 0 : i32
      %dma_wait3A_520 = arith.constant 0 : i32
      %dma_wait3A_521 = tpu.memref_slice %arg8[%dma_wait3A_512, %dma_wait3A_519, %dma_wait3A_520] : memref<2x200x32xf32, #tpu.memory_space<vmem>> -> memref<1x200x16xf32, #tpu.memory_space<vmem>>
      %dma_wait3A_522 = tpu.memref_squeeze %dma_wait3A_521 : memref<1x200x16xf32, #tpu.memory_space<vmem>> -> memref<200x16xf32, #tpu.memory_space<vmem>>
      %dma_wait3A_523 = arith.constant 0 : i32
      %dma_wait3A_524 = tpu.memref_slice %arg2[%add3A_458, %dma_wait3A_523] : memref<320000x16xf32, #tpu.memory_space<hbm>> -> memref<200x16xf32, #tpu.memory_space<hbm>>
      tpu.wait_dma2 semaphore(%arg14 : memref<!tpu.dma_semaphore, #tpu.memory_space<semaphore_mem>>) src(%dma_wait3A_524 : memref<200x16xf32, #tpu.memory_space<hbm>>) dst(%dma_wait3A_522 : memref<200x16xf32, #tpu.memory_space<vmem>>)
      %add3A_525 = arith.constant 1600 : i32
      %add3A_526 = arith.addi %add3A_24, %add3A_525 : i32
      %dma_start3A_527 = arith.constant 0 : i32
      %dma_start3A_528 = arith.constant 0 : i32
      %dma_start3A_529 = arith.constant 0 : i32
      %dma_start3A_530 = tpu.memref_slice %arg8[%dma_start3A_527, %dma_start3A_528, %dma_start3A_529] : memref<2x200x32xf32, #tpu.memory_space<vmem>> -> memref<1x200x16xf32, #tpu.memory_space<vmem>>
      %dma_start3A_531 = tpu.memref_squeeze %dma_start3A_530 : memref<1x200x16xf32, #tpu.memory_space<vmem>> -> memref<200x16xf32, #tpu.memory_space<vmem>>
      %dma_start3A_532 = arith.constant 0 : i32
      %dma_start3A_533 = tpu.memref_slice %arg2[%add3A_526, %dma_start3A_532] : memref<320000x16xf32, #tpu.memory_space<hbm>> -> memref<200x16xf32, #tpu.memory_space<hbm>>
      %dma_start3A_534 = arith.constant 0 : i32
      %dma_start3A_535 = arith.constant 0 : i32
      %dma_start3A_536 = tpu.memref_slice %arg8[%dma_start3A_527, %dma_start3A_534, %dma_start3A_535] : memref<2x200x32xf32, #tpu.memory_space<vmem>> -> memref<1x200x16xf32, #tpu.memory_space<vmem>>
      %dma_start3A_537 = tpu.memref_squeeze %dma_start3A_536 : memref<1x200x16xf32, #tpu.memory_space<vmem>> -> memref<200x16xf32, #tpu.memory_space<vmem>>
      %dma_start3A_538 = arith.constant 0 : i32
      %dma_start3A_539 = tpu.memref_slice %arg2[%add3A_526, %dma_start3A_538] : memref<320000x16xf32, #tpu.memory_space<hbm>> -> memref<200x16xf32, #tpu.memory_space<hbm>>
      tpu.enqueue_dma source(%dma_start3A_539 : memref<200x16xf32, #tpu.memory_space<hbm>>) target(%dma_start3A_537 : memref<200x16xf32, #tpu.memory_space<vmem>>) target_semaphore(%arg13 : memref<!tpu.dma_semaphore, #tpu.memory_space<semaphore_mem>>)
      %dma_start3A_540 = arith.constant 1 : i32
      %dma_start3A_541 = arith.constant 0 : i32
      %dma_start3A_542 = arith.constant 0 : i32
      %dma_start3A_543 = tpu.memref_slice %arg8[%dma_start3A_540, %dma_start3A_541, %dma_start3A_542] : memref<2x200x32xf32, #tpu.memory_space<vmem>> -> memref<1x200x32xf32, #tpu.memory_space<vmem>>
      %dma_start3A_544 = tpu.memref_squeeze %dma_start3A_543 : memref<1x200x32xf32, #tpu.memory_space<vmem>> -> memref<200x32xf32, #tpu.memory_space<vmem>>
      %dma_start3A_545 = arith.constant 1400 : i32
      %dma_start3A_546 = tpu.memref_slice %arg9[%dma_start3A_545] : memref<2000xi32, #tpu.memory_space<vmem>> -> memref<200xi32, #tpu.memory_space<vmem>>
      %dma_start3A_547 = arith.constant 0 : i32
      %dma_start3A_548 = arith.constant 0 : i32
      %dma_start3A_549 = tpu.memref_slice %arg11[%dma_start3A_547, %dma_start3A_548] : memref<10000x32xf32, #tpu.memory_space<vmem_shared>> -> memref<10000x32xf32, #tpu.memory_space<vmem_shared>>
      tpu.enqueue_indirect_dma source(%dma_start3A_544 : memref<200x32xf32, #tpu.memory_space<vmem>>) target(%dma_start3A_549 : memref<10000x32xf32, #tpu.memory_space<vmem_shared>>) offsets(%dma_start3A_546 : memref<200xi32, #tpu.memory_space<vmem>>) semaphore(%arg15 : memref<!tpu.dma_semaphore, #tpu.memory_space<semaphore_mem>>) {add = true}
      %dma_start3A_550 = arith.constant 1 : i32
      %dma_start3A_551 = arith.constant 0 : i32
      %dma_start3A_552 = arith.constant 0 : i32
      %dma_start3A_553 = tpu.memref_slice %arg8[%dma_start3A_550, %dma_start3A_551, %dma_start3A_552] : memref<2x200x32xf32, #tpu.memory_space<vmem>> -> memref<1x200x32xf32, #tpu.memory_space<vmem>>
      %dma_start3A_554 = tpu.memref_squeeze %dma_start3A_553 : memref<1x200x32xf32, #tpu.memory_space<vmem>> -> memref<200x32xf32, #tpu.memory_space<vmem>>
      %dma_start3A_555 = arith.constant 1400 : i32
      %dma_start3A_556 = tpu.memref_slice %arg10[%dma_start3A_555] : memref<2000xi32, #tpu.memory_space<vmem>> -> memref<200xi32, #tpu.memory_space<vmem>>
      %dma_start3A_557 = arith.constant 0 : i32
      %dma_start3A_558 = arith.constant 0 : i32
      %dma_start3A_559 = tpu.memref_slice %arg12[%dma_start3A_557, %dma_start3A_558] : memref<10000x32xf32, #tpu.memory_space<vmem_shared>> -> memref<10000x32xf32, #tpu.memory_space<vmem_shared>>
      tpu.enqueue_indirect_dma source(%dma_start3A_554 : memref<200x32xf32, #tpu.memory_space<vmem>>) target(%dma_start3A_559 : memref<10000x32xf32, #tpu.memory_space<vmem_shared>>) offsets(%dma_start3A_556 : memref<200xi32, #tpu.memory_space<vmem>>) semaphore(%arg16 : memref<!tpu.dma_semaphore, #tpu.memory_space<semaphore_mem>>) {add = true}
      %dma_wait3A_560 = arith.constant 1 : i32
      %dma_wait3A_561 = arith.constant 0 : i32
      %dma_wait3A_562 = arith.constant 0 : i32
      %dma_wait3A_563 = tpu.memref_slice %arg8[%dma_wait3A_560, %dma_wait3A_561, %dma_wait3A_562] : memref<2x200x32xf32, #tpu.memory_space<vmem>> -> memref<1x200x32xf32, #tpu.memory_space<vmem>>
      %dma_wait3A_564 = tpu.memref_squeeze %dma_wait3A_563 : memref<1x200x32xf32, #tpu.memory_space<vmem>> -> memref<200x32xf32, #tpu.memory_space<vmem>>
      %dma_wait3A_565 = arith.constant 1400 : i32
      %dma_wait3A_566 = tpu.memref_slice %arg9[%dma_wait3A_565] : memref<2000xi32, #tpu.memory_space<vmem>> -> memref<200xi32, #tpu.memory_space<vmem>>
      %dma_wait3A_567 = arith.constant 0 : i32
      %dma_wait3A_568 = arith.constant 0 : i32
      %dma_wait3A_569 = tpu.memref_slice %arg11[%dma_wait3A_567, %dma_wait3A_568] : memref<10000x32xf32, #tpu.memory_space<vmem_shared>> -> memref<10000x32xf32, #tpu.memory_space<vmem_shared>>
      tpu.wait_indirect_dma semaphore(%arg15 : memref<!tpu.dma_semaphore, #tpu.memory_space<semaphore_mem>>) src(%dma_wait3A_564 : memref<200x32xf32, #tpu.memory_space<vmem>>) dst(%dma_wait3A_569 : memref<10000x32xf32, #tpu.memory_space<vmem_shared>>)
      %dma_wait3A_570 = arith.constant 1 : i32
      %dma_wait3A_571 = arith.constant 0 : i32
      %dma_wait3A_572 = arith.constant 0 : i32
      %dma_wait3A_573 = tpu.memref_slice %arg8[%dma_wait3A_570, %dma_wait3A_571, %dma_wait3A_572] : memref<2x200x32xf32, #tpu.memory_space<vmem>> -> memref<1x200x32xf32, #tpu.memory_space<vmem>>
      %dma_wait3A_574 = tpu.memref_squeeze %dma_wait3A_573 : memref<1x200x32xf32, #tpu.memory_space<vmem>> -> memref<200x32xf32, #tpu.memory_space<vmem>>
      %dma_wait3A_575 = arith.constant 1400 : i32
      %dma_wait3A_576 = tpu.memref_slice %arg10[%dma_wait3A_575] : memref<2000xi32, #tpu.memory_space<vmem>> -> memref<200xi32, #tpu.memory_space<vmem>>
      %dma_wait3A_577 = arith.constant 0 : i32
      %dma_wait3A_578 = arith.constant 0 : i32
      %dma_wait3A_579 = tpu.memref_slice %arg12[%dma_wait3A_577, %dma_wait3A_578] : memref<10000x32xf32, #tpu.memory_space<vmem_shared>> -> memref<10000x32xf32, #tpu.memory_space<vmem_shared>>
      tpu.wait_indirect_dma semaphore(%arg16 : memref<!tpu.dma_semaphore, #tpu.memory_space<semaphore_mem>>) src(%dma_wait3A_574 : memref<200x32xf32, #tpu.memory_space<vmem>>) dst(%dma_wait3A_579 : memref<10000x32xf32, #tpu.memory_space<vmem_shared>>)
      %dma_wait3A_580 = arith.constant 0 : i32
      %dma_wait3A_581 = arith.constant 0 : i32
      %dma_wait3A_582 = arith.constant 0 : i32
      %dma_wait3A_583 = tpu.memref_slice %arg8[%dma_wait3A_580, %dma_wait3A_581, %dma_wait3A_582] : memref<2x200x32xf32, #tpu.memory_space<vmem>> -> memref<1x200x16xf32, #tpu.memory_space<vmem>>
      %dma_wait3A_584 = tpu.memref_squeeze %dma_wait3A_583 : memref<1x200x16xf32, #tpu.memory_space<vmem>> -> memref<200x16xf32, #tpu.memory_space<vmem>>
      %dma_wait3A_585 = arith.constant 0 : i32
      %dma_wait3A_586 = tpu.memref_slice %arg2[%add3A_526, %dma_wait3A_585] : memref<320000x16xf32, #tpu.memory_space<hbm>> -> memref<200x16xf32, #tpu.memory_space<hbm>>
      %dma_wait3A_587 = arith.constant 0 : i32
      %dma_wait3A_588 = arith.constant 0 : i32
      %dma_wait3A_589 = tpu.memref_slice %arg8[%dma_wait3A_580, %dma_wait3A_587, %dma_wait3A_588] : memref<2x200x32xf32, #tpu.memory_space<vmem>> -> memref<1x200x16xf32, #tpu.memory_space<vmem>>
      %dma_wait3A_590 = tpu.memref_squeeze %dma_wait3A_589 : memref<1x200x16xf32, #tpu.memory_space<vmem>> -> memref<200x16xf32, #tpu.memory_space<vmem>>
      %dma_wait3A_591 = arith.constant 0 : i32
      %dma_wait3A_592 = tpu.memref_slice %arg2[%add3A_526, %dma_wait3A_591] : memref<320000x16xf32, #tpu.memory_space<hbm>> -> memref<200x16xf32, #tpu.memory_space<hbm>>
      tpu.wait_dma2 semaphore(%arg13 : memref<!tpu.dma_semaphore, #tpu.memory_space<semaphore_mem>>) src(%dma_wait3A_592 : memref<200x16xf32, #tpu.memory_space<hbm>>) dst(%dma_wait3A_590 : memref<200x16xf32, #tpu.memory_space<vmem>>)
      %add3A_593 = arith.constant 1800 : i32
      %add3A_594 = arith.addi %add3A_24, %add3A_593 : i32
      %dma_start3A_595 = arith.constant 1 : i32
      %dma_start3A_596 = arith.constant 0 : i32
      %dma_start3A_597 = arith.constant 0 : i32
      %dma_start3A_598 = tpu.memref_slice %arg8[%dma_start3A_595, %dma_start3A_596, %dma_start3A_597] : memref<2x200x32xf32, #tpu.memory_space<vmem>> -> memref<1x200x16xf32, #tpu.memory_space<vmem>>
      %dma_start3A_599 = tpu.memref_squeeze %dma_start3A_598 : memref<1x200x16xf32, #tpu.memory_space<vmem>> -> memref<200x16xf32, #tpu.memory_space<vmem>>
      %dma_start3A_600 = arith.constant 0 : i32
      %dma_start3A_601 = tpu.memref_slice %arg2[%add3A_594, %dma_start3A_600] : memref<320000x16xf32, #tpu.memory_space<hbm>> -> memref<200x16xf32, #tpu.memory_space<hbm>>
      %dma_start3A_602 = arith.constant 0 : i32
      %dma_start3A_603 = arith.constant 0 : i32
      %dma_start3A_604 = tpu.memref_slice %arg8[%dma_start3A_595, %dma_start3A_602, %dma_start3A_603] : memref<2x200x32xf32, #tpu.memory_space<vmem>> -> memref<1x200x16xf32, #tpu.memory_space<vmem>>
      %dma_start3A_605 = tpu.memref_squeeze %dma_start3A_604 : memref<1x200x16xf32, #tpu.memory_space<vmem>> -> memref<200x16xf32, #tpu.memory_space<vmem>>
      %dma_start3A_606 = arith.constant 0 : i32
      %dma_start3A_607 = tpu.memref_slice %arg2[%add3A_594, %dma_start3A_606] : memref<320000x16xf32, #tpu.memory_space<hbm>> -> memref<200x16xf32, #tpu.memory_space<hbm>>
      tpu.enqueue_dma source(%dma_start3A_607 : memref<200x16xf32, #tpu.memory_space<hbm>>) target(%dma_start3A_605 : memref<200x16xf32, #tpu.memory_space<vmem>>) target_semaphore(%arg14 : memref<!tpu.dma_semaphore, #tpu.memory_space<semaphore_mem>>)
      %dma_start3A_608 = arith.constant 0 : i32
      %dma_start3A_609 = arith.constant 0 : i32
      %dma_start3A_610 = arith.constant 0 : i32
      %dma_start3A_611 = tpu.memref_slice %arg8[%dma_start3A_608, %dma_start3A_609, %dma_start3A_610] : memref<2x200x32xf32, #tpu.memory_space<vmem>> -> memref<1x200x32xf32, #tpu.memory_space<vmem>>
      %dma_start3A_612 = tpu.memref_squeeze %dma_start3A_611 : memref<1x200x32xf32, #tpu.memory_space<vmem>> -> memref<200x32xf32, #tpu.memory_space<vmem>>
      %dma_start3A_613 = arith.constant 1600 : i32
      %dma_start3A_614 = tpu.memref_slice %arg9[%dma_start3A_613] : memref<2000xi32, #tpu.memory_space<vmem>> -> memref<200xi32, #tpu.memory_space<vmem>>
      %dma_start3A_615 = arith.constant 0 : i32
      %dma_start3A_616 = arith.constant 0 : i32
      %dma_start3A_617 = tpu.memref_slice %arg11[%dma_start3A_615, %dma_start3A_616] : memref<10000x32xf32, #tpu.memory_space<vmem_shared>> -> memref<10000x32xf32, #tpu.memory_space<vmem_shared>>
      tpu.enqueue_indirect_dma source(%dma_start3A_612 : memref<200x32xf32, #tpu.memory_space<vmem>>) target(%dma_start3A_617 : memref<10000x32xf32, #tpu.memory_space<vmem_shared>>) offsets(%dma_start3A_614 : memref<200xi32, #tpu.memory_space<vmem>>) semaphore(%arg15 : memref<!tpu.dma_semaphore, #tpu.memory_space<semaphore_mem>>) {add = true}
      %dma_start3A_618 = arith.constant 0 : i32
      %dma_start3A_619 = arith.constant 0 : i32
      %dma_start3A_620 = arith.constant 0 : i32
      %dma_start3A_621 = tpu.memref_slice %arg8[%dma_start3A_618, %dma_start3A_619, %dma_start3A_620] : memref<2x200x32xf32, #tpu.memory_space<vmem>> -> memref<1x200x32xf32, #tpu.memory_space<vmem>>
      %dma_start3A_622 = tpu.memref_squeeze %dma_start3A_621 : memref<1x200x32xf32, #tpu.memory_space<vmem>> -> memref<200x32xf32, #tpu.memory_space<vmem>>
      %dma_start3A_623 = arith.constant 1600 : i32
      %dma_start3A_624 = tpu.memref_slice %arg10[%dma_start3A_623] : memref<2000xi32, #tpu.memory_space<vmem>> -> memref<200xi32, #tpu.memory_space<vmem>>
      %dma_start3A_625 = arith.constant 0 : i32
      %dma_start3A_626 = arith.constant 0 : i32
      %dma_start3A_627 = tpu.memref_slice %arg12[%dma_start3A_625, %dma_start3A_626] : memref<10000x32xf32, #tpu.memory_space<vmem_shared>> -> memref<10000x32xf32, #tpu.memory_space<vmem_shared>>
      tpu.enqueue_indirect_dma source(%dma_start3A_622 : memref<200x32xf32, #tpu.memory_space<vmem>>) target(%dma_start3A_627 : memref<10000x32xf32, #tpu.memory_space<vmem_shared>>) offsets(%dma_start3A_624 : memref<200xi32, #tpu.memory_space<vmem>>) semaphore(%arg16 : memref<!tpu.dma_semaphore, #tpu.memory_space<semaphore_mem>>) {add = true}
      %dma_wait3A_628 = arith.constant 0 : i32
      %dma_wait3A_629 = arith.constant 0 : i32
      %dma_wait3A_630 = arith.constant 0 : i32
      %dma_wait3A_631 = tpu.memref_slice %arg8[%dma_wait3A_628, %dma_wait3A_629, %dma_wait3A_630] : memref<2x200x32xf32, #tpu.memory_space<vmem>> -> memref<1x200x32xf32, #tpu.memory_space<vmem>>
      %dma_wait3A_632 = tpu.memref_squeeze %dma_wait3A_631 : memref<1x200x32xf32, #tpu.memory_space<vmem>> -> memref<200x32xf32, #tpu.memory_space<vmem>>
      %dma_wait3A_633 = arith.constant 1600 : i32
      %dma_wait3A_634 = tpu.memref_slice %arg9[%dma_wait3A_633] : memref<2000xi32, #tpu.memory_space<vmem>> -> memref<200xi32, #tpu.memory_space<vmem>>
      %dma_wait3A_635 = arith.constant 0 : i32
      %dma_wait3A_636 = arith.constant 0 : i32
      %dma_wait3A_637 = tpu.memref_slice %arg11[%dma_wait3A_635, %dma_wait3A_636] : memref<10000x32xf32, #tpu.memory_space<vmem_shared>> -> memref<10000x32xf32, #tpu.memory_space<vmem_shared>>
      tpu.wait_indirect_dma semaphore(%arg15 : memref<!tpu.dma_semaphore, #tpu.memory_space<semaphore_mem>>) src(%dma_wait3A_632 : memref<200x32xf32, #tpu.memory_space<vmem>>) dst(%dma_wait3A_637 : memref<10000x32xf32, #tpu.memory_space<vmem_shared>>)
      %dma_wait3A_638 = arith.constant 0 : i32
      %dma_wait3A_639 = arith.constant 0 : i32
      %dma_wait3A_640 = arith.constant 0 : i32
      %dma_wait3A_641 = tpu.memref_slice %arg8[%dma_wait3A_638, %dma_wait3A_639, %dma_wait3A_640] : memref<2x200x32xf32, #tpu.memory_space<vmem>> -> memref<1x200x32xf32, #tpu.memory_space<vmem>>
      %dma_wait3A_642 = tpu.memref_squeeze %dma_wait3A_641 : memref<1x200x32xf32, #tpu.memory_space<vmem>> -> memref<200x32xf32, #tpu.memory_space<vmem>>
      %dma_wait3A_643 = arith.constant 1600 : i32
      %dma_wait3A_644 = tpu.memref_slice %arg10[%dma_wait3A_643] : memref<2000xi32, #tpu.memory_space<vmem>> -> memref<200xi32, #tpu.memory_space<vmem>>
      %dma_wait3A_645 = arith.constant 0 : i32
      %dma_wait3A_646 = arith.constant 0 : i32
      %dma_wait3A_647 = tpu.memref_slice %arg12[%dma_wait3A_645, %dma_wait3A_646] : memref<10000x32xf32, #tpu.memory_space<vmem_shared>> -> memref<10000x32xf32, #tpu.memory_space<vmem_shared>>
      tpu.wait_indirect_dma semaphore(%arg16 : memref<!tpu.dma_semaphore, #tpu.memory_space<semaphore_mem>>) src(%dma_wait3A_642 : memref<200x32xf32, #tpu.memory_space<vmem>>) dst(%dma_wait3A_647 : memref<10000x32xf32, #tpu.memory_space<vmem_shared>>)
      %dma_wait3A_648 = arith.constant 1 : i32
      %dma_wait3A_649 = arith.constant 0 : i32
      %dma_wait3A_650 = arith.constant 0 : i32
      %dma_wait3A_651 = tpu.memref_slice %arg8[%dma_wait3A_648, %dma_wait3A_649, %dma_wait3A_650] : memref<2x200x32xf32, #tpu.memory_space<vmem>> -> memref<1x200x16xf32, #tpu.memory_space<vmem>>
      %dma_wait3A_652 = tpu.memref_squeeze %dma_wait3A_651 : memref<1x200x16xf32, #tpu.memory_space<vmem>> -> memref<200x16xf32, #tpu.memory_space<vmem>>
      %dma_wait3A_653 = arith.constant 0 : i32
      %dma_wait3A_654 = tpu.memref_slice %arg2[%add3A_594, %dma_wait3A_653] : memref<320000x16xf32, #tpu.memory_space<hbm>> -> memref<200x16xf32, #tpu.memory_space<hbm>>
      %dma_wait3A_655 = arith.constant 0 : i32
      %dma_wait3A_656 = arith.constant 0 : i32
      %dma_wait3A_657 = tpu.memref_slice %arg8[%dma_wait3A_648, %dma_wait3A_655, %dma_wait3A_656] : memref<2x200x32xf32, #tpu.memory_space<vmem>> -> memref<1x200x16xf32, #tpu.memory_space<vmem>>
      %dma_wait3A_658 = tpu.memref_squeeze %dma_wait3A_657 : memref<1x200x16xf32, #tpu.memory_space<vmem>> -> memref<200x16xf32, #tpu.memory_space<vmem>>
      %dma_wait3A_659 = arith.constant 0 : i32
      %dma_wait3A_660 = tpu.memref_slice %arg2[%add3A_594, %dma_wait3A_659] : memref<320000x16xf32, #tpu.memory_space<hbm>> -> memref<200x16xf32, #tpu.memory_space<hbm>>
      tpu.wait_dma2 semaphore(%arg14 : memref<!tpu.dma_semaphore, #tpu.memory_space<semaphore_mem>>) src(%dma_wait3A_660 : memref<200x16xf32, #tpu.memory_space<hbm>>) dst(%dma_wait3A_658 : memref<200x16xf32, #tpu.memory_space<vmem>>)
      %dma_start3A_661 = arith.constant 1 : i32
      %dma_start3A_662 = arith.constant 0 : i32
      %dma_start3A_663 = arith.constant 0 : i32
      %dma_start3A_664 = tpu.memref_slice %arg8[%dma_start3A_661, %dma_start3A_662, %dma_start3A_663] : memref<2x200x32xf32, #tpu.memory_space<vmem>> -> memref<1x200x32xf32, #tpu.memory_space<vmem>>
      %dma_start3A_665 = tpu.memref_squeeze %dma_start3A_664 : memref<1x200x32xf32, #tpu.memory_space<vmem>> -> memref<200x32xf32, #tpu.memory_space<vmem>>
      %dma_start3A_666 = arith.constant 1800 : i32
      %dma_start3A_667 = tpu.memref_slice %arg9[%dma_start3A_666] : memref<2000xi32, #tpu.memory_space<vmem>> -> memref<200xi32, #tpu.memory_space<vmem>>
      %dma_start3A_668 = arith.constant 0 : i32
      %dma_start3A_669 = arith.constant 0 : i32
      %dma_start3A_670 = tpu.memref_slice %arg11[%dma_start3A_668, %dma_start3A_669] : memref<10000x32xf32, #tpu.memory_space<vmem_shared>> -> memref<10000x32xf32, #tpu.memory_space<vmem_shared>>
      tpu.enqueue_indirect_dma source(%dma_start3A_665 : memref<200x32xf32, #tpu.memory_space<vmem>>) target(%dma_start3A_670 : memref<10000x32xf32, #tpu.memory_space<vmem_shared>>) offsets(%dma_start3A_667 : memref<200xi32, #tpu.memory_space<vmem>>) semaphore(%arg15 : memref<!tpu.dma_semaphore, #tpu.memory_space<semaphore_mem>>) {add = true}
      %dma_start3A_671 = arith.constant 1 : i32
      %dma_start3A_672 = arith.constant 0 : i32
      %dma_start3A_673 = arith.constant 0 : i32
      %dma_start3A_674 = tpu.memref_slice %arg8[%dma_start3A_671, %dma_start3A_672, %dma_start3A_673] : memref<2x200x32xf32, #tpu.memory_space<vmem>> -> memref<1x200x32xf32, #tpu.memory_space<vmem>>
      %dma_start3A_675 = tpu.memref_squeeze %dma_start3A_674 : memref<1x200x32xf32, #tpu.memory_space<vmem>> -> memref<200x32xf32, #tpu.memory_space<vmem>>
      %dma_start3A_676 = arith.constant 1800 : i32
      %dma_start3A_677 = tpu.memref_slice %arg10[%dma_start3A_676] : memref<2000xi32, #tpu.memory_space<vmem>> -> memref<200xi32, #tpu.memory_space<vmem>>
      %dma_start3A_678 = arith.constant 0 : i32
      %dma_start3A_679 = arith.constant 0 : i32
      %dma_start3A_680 = tpu.memref_slice %arg12[%dma_start3A_678, %dma_start3A_679] : memref<10000x32xf32, #tpu.memory_space<vmem_shared>> -> memref<10000x32xf32, #tpu.memory_space<vmem_shared>>
      tpu.enqueue_indirect_dma source(%dma_start3A_675 : memref<200x32xf32, #tpu.memory_space<vmem>>) target(%dma_start3A_680 : memref<10000x32xf32, #tpu.memory_space<vmem_shared>>) offsets(%dma_start3A_677 : memref<200xi32, #tpu.memory_space<vmem>>) semaphore(%arg16 : memref<!tpu.dma_semaphore, #tpu.memory_space<semaphore_mem>>) {add = true}
      %dma_wait3A_681 = arith.constant 1 : i32
      %dma_wait3A_682 = arith.constant 0 : i32
      %dma_wait3A_683 = arith.constant 0 : i32
      %dma_wait3A_684 = tpu.memref_slice %arg8[%dma_wait3A_681, %dma_wait3A_682, %dma_wait3A_683] : memref<2x200x32xf32, #tpu.memory_space<vmem>> -> memref<1x200x32xf32, #tpu.memory_space<vmem>>
      %dma_wait3A_685 = tpu.memref_squeeze %dma_wait3A_684 : memref<1x200x32xf32, #tpu.memory_space<vmem>> -> memref<200x32xf32, #tpu.memory_space<vmem>>
      %dma_wait3A_686 = arith.constant 1800 : i32
      %dma_wait3A_687 = tpu.memref_slice %arg9[%dma_wait3A_686] : memref<2000xi32, #tpu.memory_space<vmem>> -> memref<200xi32, #tpu.memory_space<vmem>>
      %dma_wait3A_688 = arith.constant 0 : i32
      %dma_wait3A_689 = arith.constant 0 : i32
      %dma_wait3A_690 = tpu.memref_slice %arg11[%dma_wait3A_688, %dma_wait3A_689] : memref<10000x32xf32, #tpu.memory_space<vmem_shared>> -> memref<10000x32xf32, #tpu.memory_space<vmem_shared>>
      tpu.wait_indirect_dma semaphore(%arg15 : memref<!tpu.dma_semaphore, #tpu.memory_space<semaphore_mem>>) src(%dma_wait3A_685 : memref<200x32xf32, #tpu.memory_space<vmem>>) dst(%dma_wait3A_690 : memref<10000x32xf32, #tpu.memory_space<vmem_shared>>)
      %dma_wait3A_691 = arith.constant 1 : i32
      %dma_wait3A_692 = arith.constant 0 : i32
      %dma_wait3A_693 = arith.constant 0 : i32
      %dma_wait3A_694 = tpu.memref_slice %arg8[%dma_wait3A_691, %dma_wait3A_692, %dma_wait3A_693] : memref<2x200x32xf32, #tpu.memory_space<vmem>> -> memref<1x200x32xf32, #tpu.memory_space<vmem>>
      %dma_wait3A_695 = tpu.memref_squeeze %dma_wait3A_694 : memref<1x200x32xf32, #tpu.memory_space<vmem>> -> memref<200x32xf32, #tpu.memory_space<vmem>>
      %dma_wait3A_696 = arith.constant 1800 : i32
      %dma_wait3A_697 = tpu.memref_slice %arg10[%dma_wait3A_696] : memref<2000xi32, #tpu.memory_space<vmem>> -> memref<200xi32, #tpu.memory_space<vmem>>
      %dma_wait3A_698 = arith.constant 0 : i32
      %dma_wait3A_699 = arith.constant 0 : i32
      %dma_wait3A_700 = tpu.memref_slice %arg12[%dma_wait3A_698, %dma_wait3A_699] : memref<10000x32xf32, #tpu.memory_space<vmem_shared>> -> memref<10000x32xf32, #tpu.memory_space<vmem_shared>>
      tpu.wait_indirect_dma semaphore(%arg16 : memref<!tpu.dma_semaphore, #tpu.memory_space<semaphore_mem>>) src(%dma_wait3A_695 : memref<200x32xf32, #tpu.memory_space<vmem>>) dst(%dma_wait3A_700 : memref<10000x32xf32, #tpu.memory_space<vmem_shared>>)
    }
    %scan3A_19 = arith.constant 5 : i32
    %barrier3A_20 = arith.constant 0 : index
    tpu.barrier barrier_id(%barrier3A_20)
    "tpu.region"() ({
      %run_scoped3A = tpu.sem_alloc : memref<!tpu.dma_semaphore, #tpu.memory_space<semaphore_mem>>
      %dma_start3A = arith.constant 0 : i32
      %dma_start3A_21 = tpu.memref_slice %arg6[%arg0, %mul3A_2, %dma_start3A] : memref<2x10000x32xf32, #tpu.memory_space<hbm>> -> memref<1x625x32xf32, #tpu.memory_space<hbm>>
      %dma_start3A_22 = tpu.memref_squeeze %dma_start3A_21 : memref<1x625x32xf32, #tpu.memory_space<hbm>> -> memref<625x32xf32, #tpu.memory_space<hbm>>
      %dma_start3A_23 = arith.constant 0 : i32
      %dma_start3A_24 = tpu.memref_slice %arg11[%mul3A_2, %dma_start3A_23] : memref<10000x32xf32, #tpu.memory_space<vmem_shared>> -> memref<625x32xf32, #tpu.memory_space<vmem_shared>>
      tpu.enqueue_dma source(%dma_start3A_24 : memref<625x32xf32, #tpu.memory_space<vmem_shared>>) target(%dma_start3A_22 : memref<625x32xf32, #tpu.memory_space<hbm>>) target_semaphore(%run_scoped3A : memref<!tpu.dma_semaphore, #tpu.memory_space<semaphore_mem>>)
      %dma_wait3A = arith.constant 0 : i32
      %dma_wait3A_25 = tpu.memref_slice %arg6[%arg0, %mul3A_2, %dma_wait3A] : memref<2x10000x32xf32, #tpu.memory_space<hbm>> -> memref<1x625x32xf32, #tpu.memory_space<hbm>>
      %dma_wait3A_26 = tpu.memref_squeeze %dma_wait3A_25 : memref<1x625x32xf32, #tpu.memory_space<hbm>> -> memref<625x32xf32, #tpu.memory_space<hbm>>
      %dma_wait3A_27 = arith.constant 0 : i32
      %dma_wait3A_28 = tpu.memref_slice %arg11[%mul3A_2, %dma_wait3A_27] : memref<10000x32xf32, #tpu.memory_space<vmem_shared>> -> memref<625x32xf32, #tpu.memory_space<vmem_shared>>
      tpu.wait_dma2 semaphore(%run_scoped3A : memref<!tpu.dma_semaphore, #tpu.memory_space<semaphore_mem>>) src(%dma_wait3A_28 : memref<625x32xf32, #tpu.memory_space<vmem_shared>>) dst(%dma_wait3A_26 : memref<625x32xf32, #tpu.memory_space<hbm>>)
      tpu.yield
    }) : () -> ()
    "tpu.region"() ({
      %run_scoped3A = tpu.sem_alloc : memref<!tpu.dma_semaphore, #tpu.memory_space<semaphore_mem>>
      %dma_start3A = arith.constant 0 : i32
      %dma_start3A_21 = tpu.memref_slice %arg7[%arg0, %mul3A_2, %dma_start3A] : memref<2x10000x32xf32, #tpu.memory_space<hbm>> -> memref<1x625x32xf32, #tpu.memory_space<hbm>>
      %dma_start3A_22 = tpu.memref_squeeze %dma_start3A_21 : memref<1x625x32xf32, #tpu.memory_space<hbm>> -> memref<625x32xf32, #tpu.memory_space<hbm>>
      %dma_start3A_23 = arith.constant 0 : i32
      %dma_start3A_24 = tpu.memref_slice %arg12[%mul3A_2, %dma_start3A_23] : memref<10000x32xf32, #tpu.memory_space<vmem_shared>> -> memref<625x32xf32, #tpu.memory_space<vmem_shared>>
      tpu.enqueue_dma source(%dma_start3A_24 : memref<625x32xf32, #tpu.memory_space<vmem_shared>>) target(%dma_start3A_22 : memref<625x32xf32, #tpu.memory_space<hbm>>) target_semaphore(%run_scoped3A : memref<!tpu.dma_semaphore, #tpu.memory_space<semaphore_mem>>)
      %dma_wait3A = arith.constant 0 : i32
      %dma_wait3A_25 = tpu.memref_slice %arg7[%arg0, %mul3A_2, %dma_wait3A] : memref<2x10000x32xf32, #tpu.memory_space<hbm>> -> memref<1x625x32xf32, #tpu.memory_space<hbm>>
      %dma_wait3A_26 = tpu.memref_squeeze %dma_wait3A_25 : memref<1x625x32xf32, #tpu.memory_space<hbm>> -> memref<625x32xf32, #tpu.memory_space<hbm>>
      %dma_wait3A_27 = arith.constant 0 : i32
      %dma_wait3A_28 = tpu.memref_slice %arg12[%mul3A_2, %dma_wait3A_27] : memref<10000x32xf32, #tpu.memory_space<vmem_shared>> -> memref<625x32xf32, #tpu.memory_space<vmem_shared>>
      tpu.wait_dma2 semaphore(%run_scoped3A : memref<!tpu.dma_semaphore, #tpu.memory_space<semaphore_mem>>) src(%dma_wait3A_28 : memref<625x32xf32, #tpu.memory_space<vmem_shared>>) dst(%dma_wait3A_26 : memref<625x32xf32, #tpu.memory_space<hbm>>)
      tpu.yield
    }) : () -> ()
    return
  }
}

module attributes {stable_mosaic.version = 14 : i64} {
  func.func @_xtx_body(%arg0: i32, %arg1: memref<4000x128xf32, #tpu.memory_space<vmem>>, %arg2: memref<128x128xf32, #tpu.memory_space<vmem>>) attributes {dimension_semantics = [#tpu.dimension_semantics<arbitrary>], iteration_bounds = array<i64: 10>, scalar_prefetch = 0 : i64, scratch_operands = 0 : i64, tpu.core_type = #tpu.core_type<tc>, window_params = [{transform_indices = @transform_0, window_bounds = array<i64: 4000, 128>}, {pipeline_mode = #tpu.pipeline_mode<synchronous>, transform_indices = @transform_1, window_bounds = array<i64: 128, 128>}]} {
    %eq3A = arith.constant 0 : i32
    %eq3A_0 = arith.cmpi eq, %arg0, %eq3A : i32
    %convert_element_type3A = arith.extui %eq3A_0 : i1 to i32
    %cond3A = arith.constant 0 : i32
    %cond3A_1 = arith.cmpi ne, %convert_element_type3A, %cond3A : i32
    scf.if %cond3A_1 {
      %broadcast_in_dim3A = arith.constant 0.000000e+00 : f32
      %broadcast_in_dim3A_10 = vector.broadcast %broadcast_in_dim3A : f32 to vector<128x128xf32>
      %swap3A_11 = arith.constant 0 : index
      %swap3A_12 = arith.constant 0 : index
      %swap3A_13 = vector.load %arg2[%swap3A_11, %swap3A_12] : memref<128x128xf32, #tpu.memory_space<vmem>>, vector<128x128xf32>
      tpu.vector_store %arg2[%swap3A_11, %swap3A_12], %broadcast_in_dim3A_10 {strides = array<i32>} : memref<128x128xf32, #tpu.memory_space<vmem>>, vector<128x128xf32>,
    } else {
    }
    %get3A = arith.constant 0 : index
    %get3A_2 = arith.constant 0 : index
    %get3A_3 = vector.load %arg1[%get3A, %get3A_2] : memref<4000x128xf32, #tpu.memory_space<vmem>>, vector<4000x128xf32>
    %get3A_4 = arith.constant 0 : index
    %get3A_5 = arith.constant 0 : index
    %get3A_6 = vector.load %arg2[%get3A_4, %get3A_5] : memref<128x128xf32, #tpu.memory_space<vmem>>, vector<128x128xf32>
    %dot_general3A = arith.constant dense<0.000000e+00> : vector<128x128xf32>
    %dot_general3A_7 = tpu.matmul %get3A_3, %get3A_3, %dot_general3A {dimension_numbers = #tpu.dot_dimension_numbers<[0], [0], [1], [1], [0, 1, 1, 1], [], []>, precision = #tpu.contract_precision<fp32>, transpose_lhs_hint = false} : vector<4000x128xf32>, vector<4000x128xf32>, vector<128x128xf32> -> vector<128x128xf32>
    %add3A = arith.addf %get3A_6, %dot_general3A_7 : vector<128x128xf32>
    %swap3A = arith.constant 0 : index
    %swap3A_8 = arith.constant 0 : index
    %swap3A_9 = vector.load %arg2[%swap3A, %swap3A_8] : memref<128x128xf32, #tpu.memory_space<vmem>>, vector<128x128xf32>
    tpu.vector_store %arg2[%swap3A, %swap3A_8], %add3A {strides = array<i32>} : memref<128x128xf32, #tpu.memory_space<vmem>>, vector<128x128xf32>,
    return
  }
  func.func @transform_0(%arg0: i32) -> (i32, i32) {
    %c0_i32 = arith.constant 0 : i32
    %c0_i32_0 = arith.constant 0 : i32
    return %arg0, %c0_i32 : i32, i32
  }
  func.func @transform_1(%arg0: i32) -> (i32, i32) {
    %c0_i32 = arith.constant 0 : i32
    %c0_i32_0 = arith.constant 0 : i32
    %c0_i32_1 = arith.constant 0 : i32
    return %c0_i32, %c0_i32_0 : i32, i32
  }
}

module attributes {stable_mosaic.version = 14 : i64} {
  func.func @_stats_body(%arg0: i32, %arg1: memref<2x2000x128xf32, #tpu.memory_space<vmem>>, %arg2: memref<2x2000x32xf32, #tpu.memory_space<vmem>>, %arg3: memref<2x2000x32xf32, #tpu.memory_space<vmem>>, %arg4: memref<2000x128xf32, #tpu.memory_space<vmem>>, %arg5: memref<128x144xf32, #tpu.memory_space<vmem>>, %arg6: memref<128x128xf32, #tpu.memory_space<vmem>>, %arg7: memref<1x128xf32, #tpu.memory_space<vmem>>, %arg8: memref<6x128xf32, #tpu.memory_space<vmem>>, %arg9: memref<1x32xf32, #tpu.memory_space<vmem>>) attributes {dimension_semantics = [#tpu.dimension_semantics<arbitrary>], iteration_bounds = array<i64: 5>, scalar_prefetch = 0 : i64, scratch_operands = 0 : i64, tpu.core_type = #tpu.core_type<tc>, window_params = [{transform_indices = @transform_0, window_bounds = array<i64: 2, 2000, 128>}, {transform_indices = @transform_1, window_bounds = array<i64: 2, 2000, 32>}, {transform_indices = @transform_2, window_bounds = array<i64: 2, 2000, 32>}, {transform_indices = @transform_3, window_bounds = array<i64: 2000, 128>}, {pipeline_mode = #tpu.pipeline_mode<synchronous>, transform_indices = @transform_4, window_bounds = array<i64: 128, 144>}, {pipeline_mode = #tpu.pipeline_mode<synchronous>, transform_indices = @transform_5, window_bounds = array<i64: 128, 128>}, {pipeline_mode = #tpu.pipeline_mode<synchronous>, transform_indices = @transform_6, window_bounds = array<i64: 1, 128>}, {pipeline_mode = #tpu.pipeline_mode<synchronous>, transform_indices = @transform_7, window_bounds = array<i64: 6, 128>}, {pipeline_mode = #tpu.pipeline_mode<synchronous>, transform_indices = @transform_8, window_bounds = array<i64: 1, 32>}]} {
    %get3A = arith.constant 0 : index
    %get3A_0 = arith.constant 0 : index
    %get3A_1 = arith.constant 0 : index
    %get3A_2 = vector.load %arg1[%get3A, %get3A_0, %get3A_1] : memref<2x2000x128xf32, #tpu.memory_space<vmem>>, vector<1x2000x128xf32>
    %get3A_3 = vector.shape_cast %get3A_2 : vector<1x2000x128xf32> to vector<2000x128xf32>
    %get3A_4 = arith.constant 1 : index
    %get3A_5 = arith.constant 0 : index
    %get3A_6 = arith.constant 0 : index
    %get3A_7 = vector.load %arg1[%get3A_4, %get3A_5, %get3A_6] : memref<2x2000x128xf32, #tpu.memory_space<vmem>>, vector<1x2000x128xf32>
    %get3A_8 = vector.shape_cast %get3A_7 : vector<1x2000x128xf32> to vector<2000x128xf32>
    %add3A = arith.addf %get3A_3, %get3A_8 : vector<2000x128xf32>
    %get3A_9 = arith.constant 0 : index
    %get3A_10 = arith.constant 0 : index
    %get3A_11 = arith.constant 0 : index
    %get3A_12 = vector.load %arg2[%get3A_9, %get3A_10, %get3A_11] : memref<2x2000x32xf32, #tpu.memory_space<vmem>>, vector<1x2000x32xf32>
    %get3A_13 = vector.shape_cast %get3A_12 : vector<1x2000x32xf32> to vector<2000x32xf32>
    %get3A_14 = arith.constant 1 : index
    %get3A_15 = arith.constant 0 : index
    %get3A_16 = arith.constant 0 : index
    %get3A_17 = vector.load %arg2[%get3A_14, %get3A_15, %get3A_16] : memref<2x2000x32xf32, #tpu.memory_space<vmem>>, vector<1x2000x32xf32>
    %get3A_18 = vector.shape_cast %get3A_17 : vector<1x2000x32xf32> to vector<2000x32xf32>
    %add3A_19 = arith.addf %get3A_13, %get3A_18 : vector<2000x32xf32>
    %get3A_20 = arith.constant 0 : index
    %get3A_21 = arith.constant 0 : index
    %get3A_22 = arith.constant 0 : index
    %get3A_23 = vector.load %arg3[%get3A_20, %get3A_21, %get3A_22] : memref<2x2000x32xf32, #tpu.memory_space<vmem>>, vector<1x2000x32xf32>
    %get3A_24 = vector.shape_cast %get3A_23 : vector<1x2000x32xf32> to vector<2000x32xf32>
    %get3A_25 = arith.constant 1 : index
    %get3A_26 = arith.constant 0 : index
    %get3A_27 = arith.constant 0 : index
    %get3A_28 = vector.load %arg3[%get3A_25, %get3A_26, %get3A_27] : memref<2x2000x32xf32, #tpu.memory_space<vmem>>, vector<1x2000x32xf32>
    %get3A_29 = vector.shape_cast %get3A_28 : vector<1x2000x32xf32> to vector<2000x32xf32>
    %add3A_30 = arith.addf %get3A_24, %get3A_29 : vector<2000x32xf32>
    %slice3A = vector.extract_strided_slice %add3A_19 {offsets = [0, 16], sizes = [2000, 1], strides = [1, 1]} : vector<2000x32xf32> to vector<2000x1xf32>
    %get3A_31 = arith.constant 0 : index
    %get3A_32 = arith.constant 0 : index
    %get3A_33 = vector.load %arg4[%get3A_31, %get3A_32] : memref<2000x128xf32, #tpu.memory_space<vmem>>, vector<2000x128xf32>
    %get3A_34 = arith.constant 0 : index
    %get3A_35 = arith.constant 0 : index
    %get3A_36 = vector.load %arg5[%get3A_34, %get3A_35] : memref<128x144xf32, #tpu.memory_space<vmem>>, vector<128x144xf32>
    %slice3A_37 = vector.extract_strided_slice %get3A_36 {offsets = [0, 0], sizes = [128, 128], strides = [1, 1]} : vector<128x144xf32> to vector<128x128xf32>
    %slice3A_38 = vector.extract_strided_slice %get3A_36 {offsets = [0, 128], sizes = [128, 16], strides = [1, 1]} : vector<128x144xf32> to vector<128x16xf32>
    %gt3A = arith.constant 5.000000e-01 : f32
    %gt3A_39 = vector.broadcast %gt3A : f32 to vector<2000x1xf32>
    %gt3A_40 = arith.cmpf ogt, %slice3A, %gt3A_39 : vector<2000x1xf32>
    %jit3A = arith.constant 0.000000e+00 : f32
    %broadcast_in_dim3A = vector.shape_cast %gt3A_40 : vector<2000x1xi1> to vector<2000x1xi1>
    %broadcast_in_dim3A_41 = vector.broadcast %broadcast_in_dim3A : vector<2000x1xi1> to vector<2000x128xi1>
    %broadcast_in_dim3A_42 = vector.broadcast %jit3A : f32 to vector<2000x128xf32>
    %select_n3A = arith.select %broadcast_in_dim3A_41, %get3A_33, %broadcast_in_dim3A_42 : vector<2000x128xi1>, vector<2000x128xf32>
    %get3A_43 = arith.constant 0 : index
    %get3A_44 = arith.constant 0 : index
    %get3A_45 = vector.load %arg6[%get3A_43, %get3A_44] : memref<128x128xf32, #tpu.memory_space<vmem>>, vector<128x128xf32>
    %dot_general3A = arith.constant dense<0.000000e+00> : vector<2000x128xf32>
    %dot_general3A_46 = tpu.matmul %select_n3A, %get3A_45, %dot_general3A {dimension_numbers = #tpu.dot_dimension_numbers<[1], [1], [0], [0], [0, 0, 1, 0], [], []>, precision = #tpu.contract_precision<fp32>, transpose_lhs_hint = false} : vector<2000x128xf32>, vector<128x128xf32>, vector<2000x128xf32> -> vector<2000x128xf32>
    %get3A_47 = arith.constant 0 : index
    %get3A_48 = arith.constant 0 : index
    %get3A_49 = vector.load %arg7[%get3A_47, %get3A_48] : memref<1x128xf32, #tpu.memory_space<vmem>>, vector<1x128xf32>
    %add3A_50 = vector.broadcast %get3A_49 : vector<1x128xf32> to vector<2000x128xf32>
    %add3A_51 = arith.addf %dot_general3A_46, %add3A_50 : vector<2000x128xf32>
    %slice3A_52 = vector.extract_strided_slice %add3A_30 {offsets = [0, 16], sizes = [2000, 1], strides = [1, 1]} : vector<2000x32xf32> to vector<2000x1xf32>
    %slice3A_53 = vector.extract_strided_slice %add3A_30 {offsets = [0, 0], sizes = [2000, 16], strides = [1, 1]} : vector<2000x32xf32> to vector<2000x16xf32>
    %dot_general3A_54 = arith.constant dense<0.000000e+00> : vector<2000x128xf32>
    %dot_general3A_55 = tpu.matmul %get3A_33, %slice3A_37, %dot_general3A_54 {dimension_numbers = #tpu.dot_dimension_numbers<[1], [1], [0], [0], [0, 0, 1, 0], [], []>, precision = #tpu.contract_precision<fp32>, transpose_lhs_hint = false} : vector<2000x128xf32>, vector<128x128xf32>, vector<2000x128xf32> -> vector<2000x128xf32>
    %dot_general3A_56 = arith.constant dense<0.000000e+00> : vector<2000x128xf32>
    %dot_general3A_57 = tpu.matmul %slice3A_53, %slice3A_38, %dot_general3A_56 {dimension_numbers = #tpu.dot_dimension_numbers<[1], [1], [0], [0], [0, 0, 1, 0], [], []>, precision = #tpu.contract_precision<fp32>, transpose_lhs_hint = false} : vector<2000x16xf32>, vector<128x16xf32>, vector<2000x128xf32> -> vector<2000x128xf32>
    %reduce_sum3A = arith.constant dense<0.000000e+00> : vector<128xf32>
    %reduce_sum3A_58 = vector.multi_reduction <add>, %add3A, %reduce_sum3A [0] : vector<2000x128xf32> to vector<128xf32>
    %broadcast_in_dim3A_59 = vector.shape_cast %reduce_sum3A_58 : vector<128xf32> to vector<1x128xf32>
    %mul3A = vector.broadcast %slice3A_52 : vector<2000x1xf32> to vector<2000x128xf32>
    %mul3A_60 = arith.mulf %mul3A, %dot_general3A_55 : vector<2000x128xf32>
    %mul3A_61 = arith.mulf %mul3A_60, %dot_general3A_55 : vector<2000x128xf32>
    %reduce_sum3A_62 = arith.constant dense<0.000000e+00> : vector<128xf32>
    %reduce_sum3A_63 = vector.multi_reduction <add>, %mul3A_61, %reduce_sum3A_62 [0] : vector<2000x128xf32> to vector<128xf32>
    %broadcast_in_dim3A_64 = vector.shape_cast %reduce_sum3A_63 : vector<128xf32> to vector<1x128xf32>
    %mul3A_65 = arith.mulf %dot_general3A_55, %dot_general3A_57 : vector<2000x128xf32>
    %reduce_sum3A_66 = arith.constant dense<0.000000e+00> : vector<128xf32>
    %reduce_sum3A_67 = vector.multi_reduction <add>, %mul3A_65, %reduce_sum3A_66 [0] : vector<2000x128xf32> to vector<128xf32>
    %broadcast_in_dim3A_68 = vector.shape_cast %reduce_sum3A_67 : vector<128xf32> to vector<1x128xf32>
    %mul3A_69 = vector.broadcast %slice3A_52 : vector<2000x1xf32> to vector<2000x128xf32>
    %mul3A_70 = arith.mulf %mul3A_69, %dot_general3A_55 : vector<2000x128xf32>
    %reduce_sum3A_71 = arith.constant dense<0.000000e+00> : vector<128xf32>
    %reduce_sum3A_72 = vector.multi_reduction <add>, %mul3A_70, %reduce_sum3A_71 [0] : vector<2000x128xf32> to vector<128xf32>
    %broadcast_in_dim3A_73 = vector.shape_cast %reduce_sum3A_72 : vector<128xf32> to vector<1x128xf32>
    %reduce_sum3A_74 = arith.constant dense<0.000000e+00> : vector<128xf32>
    %reduce_sum3A_75 = vector.multi_reduction <add>, %add3A_51, %reduce_sum3A_74 [0] : vector<2000x128xf32> to vector<128xf32>
    %broadcast_in_dim3A_76 = vector.shape_cast %reduce_sum3A_75 : vector<128xf32> to vector<1x128xf32>
    %mul3A_77 = arith.mulf %add3A_51, %add3A_51 : vector<2000x128xf32>
    %reduce_sum3A_78 = arith.constant dense<0.000000e+00> : vector<128xf32>
    %reduce_sum3A_79 = vector.multi_reduction <add>, %mul3A_77, %reduce_sum3A_78 [0] : vector<2000x128xf32> to vector<128xf32>
    %broadcast_in_dim3A_80 = vector.shape_cast %reduce_sum3A_79 : vector<128xf32> to vector<1x128xf32>
    %concatenate3A = tpu.concatenate %broadcast_in_dim3A_59, %broadcast_in_dim3A_64, %broadcast_in_dim3A_68, %broadcast_in_dim3A_73, %broadcast_in_dim3A_76, %broadcast_in_dim3A_80 in 0 : vector<1x128xf32>, vector<1x128xf32>, vector<1x128xf32>, vector<1x128xf32>, vector<1x128xf32>, vector<1x128xf32> -> vector<6x128xf32>
    %eq3A = arith.constant 0 : i32
    %eq3A_81 = arith.cmpi eq, %arg0, %eq3A : i32
    %convert_element_type3A = arith.extui %eq3A_81 : i1 to i32
    %cond3A = arith.constant 0 : i32
    %cond3A_82 = arith.cmpi ne, %convert_element_type3A, %cond3A : i32
    scf.if %cond3A_82 {
      %swap3A = arith.constant 0 : index
      %swap3A_87 = arith.constant 0 : index
      %swap3A_88 = vector.load %arg8[%swap3A, %swap3A_87] : memref<6x128xf32, #tpu.memory_space<vmem>>, vector<6x128xf32>
      tpu.vector_store %arg8[%swap3A, %swap3A_87], %concatenate3A {strides = array<i32>} : memref<6x128xf32, #tpu.memory_space<vmem>>, vector<6x128xf32>,
      %reduce_sum3A_89 = arith.constant dense<0.000000e+00> : vector<32xf32>
      %reduce_sum3A_90 = vector.multi_reduction <add>, %add3A_19, %reduce_sum3A_89 [0] : vector<2000x32xf32> to vector<32xf32>
      %broadcast_in_dim3A_91 = vector.shape_cast %reduce_sum3A_90 : vector<32xf32> to vector<1x32xf32>
      %swap3A_92 = arith.constant 0 : index
      %swap3A_93 = arith.constant 0 : index
      %swap3A_94 = vector.load %arg9[%swap3A_92, %swap3A_93] : memref<1x32xf32, #tpu.memory_space<vmem>>, vector<1x32xf32>
      tpu.vector_store %arg9[%swap3A_92, %swap3A_93], %broadcast_in_dim3A_91 {strides = array<i32>} : memref<1x32xf32, #tpu.memory_space<vmem>>, vector<1x32xf32>,
    } else {
    }
    %ne3A = arith.constant 0 : i32
    %ne3A_83 = arith.cmpi ne, %arg0, %ne3A : i32
    %convert_element_type3A_84 = arith.extui %ne3A_83 : i1 to i32
    %cond3A_85 = arith.constant 0 : i32
    %cond3A_86 = arith.cmpi ne, %convert_element_type3A_84, %cond3A_85 : i32
    scf.if %cond3A_86 {
      %get3A_87 = arith.constant 0 : index
      %get3A_88 = arith.constant 0 : index
      %get3A_89 = vector.load %arg8[%get3A_87, %get3A_88] : memref<6x128xf32, #tpu.memory_space<vmem>>, vector<6x128xf32>
      %add3A_90 = arith.addf %get3A_89, %concatenate3A : vector<6x128xf32>
      %swap3A = arith.constant 0 : index
      %swap3A_91 = arith.constant 0 : index
      %swap3A_92 = vector.load %arg8[%swap3A, %swap3A_91] : memref<6x128xf32, #tpu.memory_space<vmem>>, vector<6x128xf32>
      tpu.vector_store %arg8[%swap3A, %swap3A_91], %add3A_90 {strides = array<i32>} : memref<6x128xf32, #tpu.memory_space<vmem>>, vector<6x128xf32>,
      %get3A_93 = arith.constant 0 : index
      %get3A_94 = arith.constant 0 : index
      %get3A_95 = vector.load %arg9[%get3A_93, %get3A_94] : memref<1x32xf32, #tpu.memory_space<vmem>>, vector<1x32xf32>
      %reduce_sum3A_96 = arith.constant dense<0.000000e+00> : vector<32xf32>
      %reduce_sum3A_97 = vector.multi_reduction <add>, %add3A_19, %reduce_sum3A_96 [0] : vector<2000x32xf32> to vector<32xf32>
      %broadcast_in_dim3A_98 = vector.shape_cast %reduce_sum3A_97 : vector<32xf32> to vector<1x32xf32>
      %add3A_99 = arith.addf %get3A_95, %broadcast_in_dim3A_98 : vector<1x32xf32>
      %swap3A_100 = arith.constant 0 : index
      %swap3A_101 = arith.constant 0 : index
      %swap3A_102 = vector.load %arg9[%swap3A_100, %swap3A_101] : memref<1x32xf32, #tpu.memory_space<vmem>>, vector<1x32xf32>
      tpu.vector_store %arg9[%swap3A_100, %swap3A_101], %add3A_99 {strides = array<i32>} : memref<1x32xf32, #tpu.memory_space<vmem>>, vector<1x32xf32>,
    } else {
    }
    return
  }
  func.func @transform_0(%arg0: i32) -> (i32, i32, i32) {
    %c0_i32 = arith.constant 0 : i32
    %c0_i32_0 = arith.constant 0 : i32
    %c0_i32_1 = arith.constant 0 : i32
    return %c0_i32, %arg0, %c0_i32_0 : i32, i32, i32
  }
  func.func @transform_1(%arg0: i32) -> (i32, i32, i32) {
    %c0_i32 = arith.constant 0 : i32
    %c0_i32_0 = arith.constant 0 : i32
    %c0_i32_1 = arith.constant 0 : i32
    return %c0_i32, %arg0, %c0_i32_0 : i32, i32, i32
  }
  func.func @transform_2(%arg0: i32) -> (i32, i32, i32) {
    %c0_i32 = arith.constant 0 : i32
    %c0_i32_0 = arith.constant 0 : i32
    %c0_i32_1 = arith.constant 0 : i32
    return %c0_i32, %arg0, %c0_i32_0 : i32, i32, i32
  }
  func.func @transform_3(%arg0: i32) -> (i32, i32) {
    %c0_i32 = arith.constant 0 : i32
    %c0_i32_0 = arith.constant 0 : i32
    return %arg0, %c0_i32 : i32, i32
  }
  func.func @transform_4(%arg0: i32) -> (i32, i32) {
    %c0_i32 = arith.constant 0 : i32
    %c0_i32_0 = arith.constant 0 : i32
    %c0_i32_1 = arith.constant 0 : i32
    return %c0_i32, %c0_i32_0 : i32, i32
  }
  func.func @transform_5(%arg0: i32) -> (i32, i32) {
    %c0_i32 = arith.constant 0 : i32
    %c0_i32_0 = arith.constant 0 : i32
    %c0_i32_1 = arith.constant 0 : i32
    return %c0_i32, %c0_i32_0 : i32, i32
  }
  func.func @transform_6(%arg0: i32) -> (i32, i32) {
    %c0_i32 = arith.constant 0 : i32
    %c0_i32_0 = arith.constant 0 : i32
    %c0_i32_1 = arith.constant 0 : i32
    return %c0_i32, %c0_i32_0 : i32, i32
  }
  func.func @transform_7(%arg0: i32) -> (i32, i32) {
    %c0_i32 = arith.constant 0 : i32
    %c0_i32_0 = arith.constant 0 : i32
    %c0_i32_1 = arith.constant 0 : i32
    return %c0_i32, %c0_i32_0 : i32, i32
  }
  func.func @transform_8(%arg0: i32) -> (i32, i32) {
    %c0_i32 = arith.constant 0 : i32
    %c0_i32_0 = arith.constant 0 : i32
    %c0_i32_1 = arith.constant 0 : i32
    return %c0_i32, %c0_i32_0 : i32, i32
  }
}

module attributes {stable_mosaic.version = 14 : i64} {
  func.func @_apply_body(%arg0: i32, %arg1: memref<2x2000x128xf32, #tpu.memory_space<vmem>>, %arg2: memref<2x2000x32xf32, #tpu.memory_space<vmem>>, %arg3: memref<2000x128xf32, #tpu.memory_space<vmem>>, %arg4: memref<128x128xf32, #tpu.memory_space<vmem>>, %arg5: memref<6x128xf32, #tpu.memory_space<vmem>>, %arg6: memref<1x32xf32, #tpu.memory_space<vmem>>, %arg7: memref<128x144xf32, #tpu.memory_space<vmem>>, %arg8: memref<1x128xf32, #tpu.memory_space<vmem>>, %arg9: memref<1x128xf32, #tpu.memory_space<vmem>>, %arg10: memref<1x128xf32, #tpu.memory_space<vmem>>, %arg11: memref<128x128xf32, #tpu.memory_space<vmem>>, %arg12: memref<1x128xf32, #tpu.memory_space<vmem>>, %arg13: memref<1x128xf32, #tpu.memory_space<vmem>>, %arg14: memref<1x128xf32, #tpu.memory_space<vmem>>, %arg15: memref<2000x128xf32, #tpu.memory_space<vmem>>) attributes {dimension_semantics = [#tpu.dimension_semantics<arbitrary>], iteration_bounds = array<i64: 5>, scalar_prefetch = 0 : i64, scratch_operands = 0 : i64, tpu.core_type = #tpu.core_type<tc>, window_params = [{transform_indices = @transform_0, window_bounds = array<i64: 2, 2000, 128>}, {transform_indices = @transform_1, window_bounds = array<i64: 2, 2000, 32>}, {transform_indices = @transform_2, window_bounds = array<i64: 2000, 128>}, {pipeline_mode = #tpu.pipeline_mode<synchronous>, transform_indices = @transform_3, window_bounds = array<i64: 128, 128>}, {pipeline_mode = #tpu.pipeline_mode<synchronous>, transform_indices = @transform_4, window_bounds = array<i64: 6, 128>}, {pipeline_mode = #tpu.pipeline_mode<synchronous>, transform_indices = @transform_5, window_bounds = array<i64: 1, 32>}, {pipeline_mode = #tpu.pipeline_mode<synchronous>, transform_indices = @transform_6, window_bounds = array<i64: 128, 144>}, {pipeline_mode = #tpu.pipeline_mode<synchronous>, transform_indices = @transform_7, window_bounds = array<i64: 1, 128>}, {pipeline_mode = #tpu.pipeline_mode<synchronous>, transform_indices = @transform_8, window_bounds = array<i64: 1, 128>}, {pipeline_mode = #tpu.pipeline_mode<synchronous>, transform_indices = @transform_9, window_bounds = array<i64: 1, 128>}, {pipeline_mode = #tpu.pipeline_mode<synchronous>, transform_indices = @transform_10, window_bounds = array<i64: 128, 128>}, {pipeline_mode = #tpu.pipeline_mode<synchronous>, transform_indices = @transform_11, window_bounds = array<i64: 1, 128>}, {pipeline_mode = #tpu.pipeline_mode<synchronous>, transform_indices = @transform_12, window_bounds = array<i64: 1, 128>}, {pipeline_mode = #tpu.pipeline_mode<synchronous>, transform_indices = @transform_13, window_bounds = array<i64: 1, 128>}, {transform_indices = @transform_14, window_bounds = array<i64: 2000, 128>}]} {
    %get3A = arith.constant 0 : index
    %get3A_0 = arith.constant 0 : index
    %get3A_1 = arith.constant 0 : index
    %get3A_2 = vector.load %arg1[%get3A, %get3A_0, %get3A_1] : memref<2x2000x128xf32, #tpu.memory_space<vmem>>, vector<1x2000x128xf32>
    %get3A_3 = vector.shape_cast %get3A_2 : vector<1x2000x128xf32> to vector<2000x128xf32>
    %get3A_4 = arith.constant 1 : index
    %get3A_5 = arith.constant 0 : index
    %get3A_6 = arith.constant 0 : index
    %get3A_7 = vector.load %arg1[%get3A_4, %get3A_5, %get3A_6] : memref<2x2000x128xf32, #tpu.memory_space<vmem>>, vector<1x2000x128xf32>
    %get3A_8 = vector.shape_cast %get3A_7 : vector<1x2000x128xf32> to vector<2000x128xf32>
    %add3A = arith.addf %get3A_3, %get3A_8 : vector<2000x128xf32>
    %get3A_9 = arith.constant 0 : index
    %get3A_10 = arith.constant 0 : index
    %get3A_11 = arith.constant 0 : index
    %get3A_12 = vector.load %arg2[%get3A_9, %get3A_10, %get3A_11] : memref<2x2000x32xf32, #tpu.memory_space<vmem>>, vector<1x2000x32xf32>
    %get3A_13 = vector.shape_cast %get3A_12 : vector<1x2000x32xf32> to vector<2000x32xf32>
    %get3A_14 = arith.constant 1 : index
    %get3A_15 = arith.constant 0 : index
    %get3A_16 = arith.constant 0 : index
    %get3A_17 = vector.load %arg2[%get3A_14, %get3A_15, %get3A_16] : memref<2x2000x32xf32, #tpu.memory_space<vmem>>, vector<1x2000x32xf32>
    %get3A_18 = vector.shape_cast %get3A_17 : vector<1x2000x32xf32> to vector<2000x32xf32>
    %add3A_19 = arith.addf %get3A_13, %get3A_18 : vector<2000x32xf32>
    %slice3A = vector.extract_strided_slice %add3A_19 {offsets = [0, 16], sizes = [2000, 1], strides = [1, 1]} : vector<2000x32xf32> to vector<2000x1xf32>
    %get3A_20 = arith.constant 0 : index
    %get3A_21 = arith.constant 0 : index
    %get3A_22 = vector.load %arg3[%get3A_20, %get3A_21] : memref<2000x128xf32, #tpu.memory_space<vmem>>, vector<2000x128xf32>
    %get3A_23 = arith.constant 0 : index
    %get3A_24 = arith.constant 0 : index
    %get3A_25 = vector.load %arg7[%get3A_23, %get3A_24] : memref<128x144xf32, #tpu.memory_space<vmem>>, vector<128x144xf32>
    %slice3A_26 = vector.extract_strided_slice %get3A_25 {offsets = [0, 0], sizes = [128, 128], strides = [1, 1]} : vector<128x144xf32> to vector<128x128xf32>
    %slice3A_27 = vector.extract_strided_slice %get3A_25 {offsets = [0, 128], sizes = [128, 16], strides = [1, 1]} : vector<128x144xf32> to vector<128x16xf32>
    %get3A_28 = arith.constant 0 : index
    %get3A_29 = arith.constant 0 : index
    %get3A_30 = vector.load %arg8[%get3A_28, %get3A_29] : memref<1x128xf32, #tpu.memory_space<vmem>>, vector<1x128xf32>
    %get3A_31 = arith.constant 0 : index
    %get3A_32 = arith.constant 0 : index
    %get3A_33 = vector.load %arg9[%get3A_31, %get3A_32] : memref<1x128xf32, #tpu.memory_space<vmem>>, vector<1x128xf32>
    %get3A_34 = arith.constant 0 : index
    %get3A_35 = arith.constant 0 : index
    %get3A_36 = vector.load %arg10[%get3A_34, %get3A_35] : memref<1x128xf32, #tpu.memory_space<vmem>>, vector<1x128xf32>
    %get3A_37 = arith.constant 0 : index
    %get3A_38 = arith.constant 0 : index
    %get3A_39 = vector.load %arg13[%get3A_37, %get3A_38] : memref<1x128xf32, #tpu.memory_space<vmem>>, vector<1x128xf32>
    %get3A_40 = arith.constant 0 : index
    %get3A_41 = arith.constant 0 : index
    %get3A_42 = vector.load %arg14[%get3A_40, %get3A_41] : memref<1x128xf32, #tpu.memory_space<vmem>>, vector<1x128xf32>
    %gt3A = arith.constant 5.000000e-01 : f32
    %gt3A_43 = vector.broadcast %gt3A : f32 to vector<2000x1xf32>
    %gt3A_44 = arith.cmpf ogt, %slice3A, %gt3A_43 : vector<2000x1xf32>
    %jit3A = arith.constant 0.000000e+00 : f32
    %broadcast_in_dim3A = vector.shape_cast %gt3A_44 : vector<2000x1xi1> to vector<2000x1xi1>
    %broadcast_in_dim3A_45 = vector.broadcast %broadcast_in_dim3A : vector<2000x1xi1> to vector<2000x128xi1>
    %broadcast_in_dim3A_46 = vector.broadcast %jit3A : f32 to vector<2000x128xf32>
    %select_n3A = arith.select %broadcast_in_dim3A_45, %get3A_22, %broadcast_in_dim3A_46 : vector<2000x128xi1>, vector<2000x128xf32>
    %get3A_47 = arith.constant 0 : index
    %get3A_48 = arith.constant 0 : index
    %get3A_49 = vector.load %arg11[%get3A_47, %get3A_48] : memref<128x128xf32, #tpu.memory_space<vmem>>, vector<128x128xf32>
    %dot_general3A = arith.constant dense<0.000000e+00> : vector<2000x128xf32>
    %dot_general3A_50 = tpu.matmul %select_n3A, %get3A_49, %dot_general3A {dimension_numbers = #tpu.dot_dimension_numbers<[1], [1], [0], [0], [0, 0, 1, 0], [], []>, precision = #tpu.contract_precision<fp32>, transpose_lhs_hint = false} : vector<2000x128xf32>, vector<128x128xf32>, vector<2000x128xf32> -> vector<2000x128xf32>
    %get3A_51 = arith.constant 0 : index
    %get3A_52 = arith.constant 0 : index
    %get3A_53 = vector.load %arg12[%get3A_51, %get3A_52] : memref<1x128xf32, #tpu.memory_space<vmem>>, vector<1x128xf32>
    %add3A_54 = vector.broadcast %get3A_53 : vector<1x128xf32> to vector<2000x128xf32>
    %add3A_55 = arith.addf %dot_general3A_50, %add3A_54 : vector<2000x128xf32>
    %get3A_56 = arith.constant 0 : index
    %get3A_57 = arith.constant 0 : index
    %get3A_58 = vector.load %arg5[%get3A_56, %get3A_57] : memref<6x128xf32, #tpu.memory_space<vmem>>, vector<1x128xf32>
    %get3A_59 = arith.constant 0 : index
    %get3A_60 = arith.constant 0 : index
    %get3A_61 = vector.load %arg6[%get3A_59, %get3A_60] : memref<1x32xf32, #tpu.memory_space<vmem>>, vector<1x16xf32>
    %mul3A = vector.broadcast %get3A_58 : vector<1x128xf32> to vector<128x128xf32>
    %mul3A_62 = arith.mulf %slice3A_26, %mul3A : vector<128x128xf32>
    %reduce_sum3A = arith.constant dense<0.000000e+00> : vector<128xf32>
    %reduce_sum3A_63 = vector.multi_reduction <add>, %mul3A_62, %reduce_sum3A [1] : vector<128x128xf32> to vector<128xf32>
    %broadcast_in_dim3A_64 = vector.shape_cast %reduce_sum3A_63 : vector<128xf32> to vector<1x128xf32>
    %mul3A_65 = vector.broadcast %get3A_61 : vector<1x16xf32> to vector<128x16xf32>
    %mul3A_66 = arith.mulf %slice3A_27, %mul3A_65 : vector<128x16xf32>
    %reduce_sum3A_67 = arith.constant dense<0.000000e+00> : vector<128xf32>
    %reduce_sum3A_68 = vector.multi_reduction <add>, %mul3A_66, %reduce_sum3A_67 [1] : vector<128x16xf32> to vector<128xf32>
    %broadcast_in_dim3A_69 = vector.shape_cast %reduce_sum3A_68 : vector<128xf32> to vector<1x128xf32>
    %add3A_70 = arith.addf %broadcast_in_dim3A_64, %broadcast_in_dim3A_69 : vector<1x128xf32>
    %div3A = arith.constant 3.200000e+05 : f32
    %div3A_71 = vector.broadcast %div3A : f32 to vector<1x128xf32>
    %div3A_72 = arith.divf %add3A_70, %div3A_71 : vector<1x128xf32>
    %add3A_73 = arith.addf %div3A_72, %get3A_30 : vector<1x128xf32>
    %get3A_74 = arith.constant 0 : index
    %get3A_75 = arith.constant 0 : index
    %get3A_76 = vector.load %arg4[%get3A_74, %get3A_75] : memref<128x128xf32, #tpu.memory_space<vmem>>, vector<128x128xf32>
    %broadcast_in_dim3A_77 = arith.constant 0.000000e+00 : f32
    %broadcast_in_dim3A_78 = vector.broadcast %broadcast_in_dim3A_77 : f32 to vector<16x16xf32>
    %slice3A_79 = vector.extract_strided_slice %get3A_76 {offsets = [0, 0], sizes = [16, 16], strides = [1, 1]} : vector<128x128xf32> to vector<16x16xf32>
    %add3A_80 = arith.addf %broadcast_in_dim3A_78, %slice3A_79 : vector<16x16xf32>
    %slice3A_81 = vector.extract_strided_slice %get3A_76 {offsets = [16, 16], sizes = [16, 16], strides = [1, 1]} : vector<128x128xf32> to vector<16x16xf32>
    %add3A_82 = arith.addf %add3A_80, %slice3A_81 : vector<16x16xf32>
    %slice3A_83 = vector.extract_strided_slice %get3A_76 {offsets = [32, 32], sizes = [16, 16], strides = [1, 1]} : vector<128x128xf32> to vector<16x16xf32>
    %add3A_84 = arith.addf %add3A_82, %slice3A_83 : vector<16x16xf32>
    %slice3A_85 = vector.extract_strided_slice %get3A_76 {offsets = [48, 48], sizes = [16, 16], strides = [1, 1]} : vector<128x128xf32> to vector<16x16xf32>
    %add3A_86 = arith.addf %add3A_84, %slice3A_85 : vector<16x16xf32>
    %slice3A_87 = vector.extract_strided_slice %get3A_76 {offsets = [64, 64], sizes = [16, 16], strides = [1, 1]} : vector<128x128xf32> to vector<16x16xf32>
    %add3A_88 = arith.addf %add3A_86, %slice3A_87 : vector<16x16xf32>
    %slice3A_89 = vector.extract_strided_slice %get3A_76 {offsets = [80, 80], sizes = [16, 16], strides = [1, 1]} : vector<128x128xf32> to vector<16x16xf32>
    %add3A_90 = arith.addf %add3A_88, %slice3A_89 : vector<16x16xf32>
    %slice3A_91 = vector.extract_strided_slice %get3A_76 {offsets = [96, 96], sizes = [16, 16], strides = [1, 1]} : vector<128x128xf32> to vector<16x16xf32>
    %add3A_92 = arith.addf %add3A_90, %slice3A_91 : vector<16x16xf32>
    %slice3A_93 = vector.extract_strided_slice %get3A_76 {offsets = [112, 112], sizes = [16, 16], strides = [1, 1]} : vector<128x128xf32> to vector<16x16xf32>
    %add3A_94 = arith.addf %add3A_92, %slice3A_93 : vector<16x16xf32>
    %dot_general3A_95 = arith.constant dense<0.000000e+00> : vector<128x16xf32>
    %dot_general3A_96 = tpu.matmul %slice3A_27, %add3A_94, %dot_general3A_95 {dimension_numbers = #tpu.dot_dimension_numbers<[1], [0], [0], [1], [0, 0, 1, 1], [], []>, precision = #tpu.contract_precision<fp32>, transpose_lhs_hint = false} : vector<128x16xf32>, vector<16x16xf32>, vector<128x16xf32> -> vector<128x16xf32>
    %mul3A_97 = arith.mulf %dot_general3A_96, %slice3A_27 : vector<128x16xf32>
    %reduce_sum3A_98 = arith.constant dense<0.000000e+00> : vector<128xf32>
    %reduce_sum3A_99 = vector.multi_reduction <add>, %mul3A_97, %reduce_sum3A_98 [1] : vector<128x16xf32> to vector<128xf32>
    %broadcast_in_dim3A_100 = vector.shape_cast %reduce_sum3A_99 : vector<128xf32> to vector<1x128xf32>
    %get3A_101 = arith.constant 1 : index
    %get3A_102 = arith.constant 0 : index
    %get3A_103 = vector.load %arg5[%get3A_101, %get3A_102] : memref<6x128xf32, #tpu.memory_space<vmem>>, vector<1x128xf32>
    %get3A_104 = arith.constant 2 : index
    %get3A_105 = arith.constant 0 : index
    %get3A_106 = vector.load %arg5[%get3A_104, %get3A_105] : memref<6x128xf32, #tpu.memory_space<vmem>>, vector<1x128xf32>
    %mul3A_107 = arith.constant 2.000000e+00 : f32
    %mul3A_108 = vector.broadcast %mul3A_107 : f32 to vector<1x128xf32>
    %mul3A_109 = arith.mulf %mul3A_108, %get3A_106 : vector<1x128xf32>
    %add3A_110 = arith.addf %get3A_103, %mul3A_109 : vector<1x128xf32>
    %mul3A_111 = arith.constant 2.000000e+00 : f32
    %mul3A_112 = vector.broadcast %mul3A_111 : f32 to vector<1x128xf32>
    %mul3A_113 = arith.mulf %mul3A_112, %get3A_30 : vector<1x128xf32>
    %get3A_114 = arith.constant 3 : index
    %get3A_115 = arith.constant 0 : index
    %get3A_116 = vector.load %arg5[%get3A_114, %get3A_115] : memref<6x128xf32, #tpu.memory_space<vmem>>, vector<1x128xf32>
    %mul3A_117 = arith.mulf %mul3A_113, %get3A_116 : vector<1x128xf32>
    %add3A_118 = arith.addf %add3A_110, %mul3A_117 : vector<1x128xf32>
    %add3A_119 = arith.addf %add3A_118, %broadcast_in_dim3A_100 : vector<1x128xf32>
    %mul3A_120 = arith.constant 2.000000e+00 : f32
    %mul3A_121 = vector.broadcast %mul3A_120 : f32 to vector<1x128xf32>
    %mul3A_122 = arith.mulf %mul3A_121, %get3A_30 : vector<1x128xf32>
    %mul3A_123 = vector.broadcast %get3A_61 : vector<1x16xf32> to vector<128x16xf32>
    %mul3A_124 = arith.mulf %slice3A_27, %mul3A_123 : vector<128x16xf32>
    %reduce_sum3A_125 = arith.constant dense<0.000000e+00> : vector<128xf32>
    %reduce_sum3A_126 = vector.multi_reduction <add>, %mul3A_124, %reduce_sum3A_125 [1] : vector<128x16xf32> to vector<128xf32>
    %broadcast_in_dim3A_127 = vector.shape_cast %reduce_sum3A_126 : vector<128xf32> to vector<1x128xf32>
    %mul3A_128 = arith.mulf %mul3A_122, %broadcast_in_dim3A_127 : vector<1x128xf32>
    %add3A_129 = arith.addf %add3A_119, %mul3A_128 : vector<1x128xf32>
    %mul3A_130 = arith.constant 3.200000e+05 : f32
    %mul3A_131 = vector.broadcast %mul3A_130 : f32 to vector<1x128xf32>
    %mul3A_132 = arith.mulf %mul3A_131, %get3A_30 : vector<1x128xf32>
    %mul3A_133 = arith.mulf %mul3A_132, %get3A_30 : vector<1x128xf32>
    %add3A_134 = arith.addf %add3A_129, %mul3A_133 : vector<1x128xf32>
    %div3A_135 = arith.constant 3.200000e+05 : f32
    %div3A_136 = vector.broadcast %div3A_135 : f32 to vector<1x128xf32>
    %div3A_137 = arith.divf %add3A_134, %div3A_136 : vector<1x128xf32>
    %mul3A_138 = arith.mulf %add3A_73, %add3A_73 : vector<1x128xf32>
    %sub3A = arith.subf %div3A_137, %mul3A_138 : vector<1x128xf32>
    %add3A_139 = arith.constant 9.99999974E-6 : f32
    %add3A_140 = vector.broadcast %add3A_139 : f32 to vector<1x128xf32>
    %add3A_141 = arith.addf %sub3A, %add3A_140 : vector<1x128xf32>
    %rsqrt3A = math.rsqrt %add3A_141 : vector<1x128xf32>
    %mul3A_142 = arith.mulf %get3A_33, %rsqrt3A : vector<1x128xf32>
    %slice3A_143 = vector.extract_strided_slice %add3A_19 {offsets = [0, 0], sizes = [2000, 16], strides = [1, 1]} : vector<2000x32xf32> to vector<2000x16xf32>
    %max3A = arith.constant 1.000000e+00 : f32
    %max3A_144 = vector.broadcast %max3A : f32 to vector<2000x1xf32>
    %max3A_145 = arith.maximumf %slice3A, %max3A_144 : vector<2000x1xf32>
    %div3A_146 = arith.constant 1.000000e+00 : f32
    %div3A_147 = vector.broadcast %div3A_146 : f32 to vector<2000x1xf32>
    %div3A_148 = arith.divf %div3A_147, %max3A_145 : vector<2000x1xf32>
    %mul3A_149 = vector.broadcast %div3A_148 : vector<2000x1xf32> to vector<2000x128xf32>
    %mul3A_150 = arith.mulf %add3A, %mul3A_149 : vector<2000x128xf32>
    %dot_general3A_151 = arith.constant dense<0.000000e+00> : vector<2000x128xf32>
    %dot_general3A_152 = tpu.matmul %mul3A_150, %slice3A_26, %dot_general3A_151 {dimension_numbers = #tpu.dot_dimension_numbers<[1], [1], [0], [0], [0, 0, 1, 0], [], []>, precision = #tpu.contract_precision<fp32>, transpose_lhs_hint = false} : vector<2000x128xf32>, vector<128x128xf32>, vector<2000x128xf32> -> vector<2000x128xf32>
    %mul3A_153 = vector.broadcast %div3A_148 : vector<2000x1xf32> to vector<2000x16xf32>
    %mul3A_154 = arith.mulf %slice3A_143, %mul3A_153 : vector<2000x16xf32>
    %dot_general3A_155 = arith.constant dense<0.000000e+00> : vector<2000x128xf32>
    %dot_general3A_156 = tpu.matmul %mul3A_154, %slice3A_27, %dot_general3A_155 {dimension_numbers = #tpu.dot_dimension_numbers<[1], [1], [0], [0], [0, 0, 1, 0], [], []>, precision = #tpu.contract_precision<fp32>, transpose_lhs_hint = false} : vector<2000x16xf32>, vector<128x16xf32>, vector<2000x128xf32> -> vector<2000x128xf32>
    %add3A_157 = arith.addf %dot_general3A_152, %dot_general3A_156 : vector<2000x128xf32>
    %add3A_158 = vector.broadcast %get3A_30 : vector<1x128xf32> to vector<2000x128xf32>
    %add3A_159 = arith.addf %add3A_157, %add3A_158 : vector<2000x128xf32>
    %sub3A_160 = vector.broadcast %add3A_73 : vector<1x128xf32> to vector<2000x128xf32>
    %sub3A_161 = arith.subf %add3A_159, %sub3A_160 : vector<2000x128xf32>
    %mul3A_162 = vector.broadcast %mul3A_142 : vector<1x128xf32> to vector<2000x128xf32>
    %mul3A_163 = arith.mulf %sub3A_161, %mul3A_162 : vector<2000x128xf32>
    %add3A_164 = vector.broadcast %get3A_36 : vector<1x128xf32> to vector<2000x128xf32>
    %add3A_165 = arith.addf %mul3A_163, %add3A_164 : vector<2000x128xf32>
    %jit3A_166 = arith.constant 0.000000e+00 : f32
    %broadcast_in_dim3A_167 = vector.shape_cast %gt3A_44 : vector<2000x1xi1> to vector<2000x1xi1>
    %broadcast_in_dim3A_168 = vector.broadcast %broadcast_in_dim3A_167 : vector<2000x1xi1> to vector<2000x128xi1>
    %broadcast_in_dim3A_169 = vector.broadcast %jit3A_166 : f32 to vector<2000x128xf32>
    %select_n3A_170 = arith.select %broadcast_in_dim3A_168, %add3A_165, %broadcast_in_dim3A_169 : vector<2000x128xi1>, vector<2000x128xf32>
    %get3A_171 = arith.constant 4 : index
    %get3A_172 = arith.constant 0 : index
    %get3A_173 = vector.load %arg5[%get3A_171, %get3A_172] : memref<6x128xf32, #tpu.memory_space<vmem>>, vector<1x128xf32>
    %div3A_174 = arith.constant 1.000000e+04 : f32
    %div3A_175 = vector.broadcast %div3A_174 : f32 to vector<1x128xf32>
    %div3A_176 = arith.divf %get3A_173, %div3A_175 : vector<1x128xf32>
    %get3A_177 = arith.constant 5 : index
    %get3A_178 = arith.constant 0 : index
    %get3A_179 = vector.load %arg5[%get3A_177, %get3A_178] : memref<6x128xf32, #tpu.memory_space<vmem>>, vector<1x128xf32>
    %div3A_180 = arith.constant 1.000000e+04 : f32
    %div3A_181 = vector.broadcast %div3A_180 : f32 to vector<1x128xf32>
    %div3A_182 = arith.divf %get3A_179, %div3A_181 : vector<1x128xf32>
    %mul3A_183 = arith.mulf %div3A_176, %div3A_176 : vector<1x128xf32>
    %sub3A_184 = arith.subf %div3A_182, %mul3A_183 : vector<1x128xf32>
    %sub3A_185 = vector.broadcast %div3A_176 : vector<1x128xf32> to vector<2000x128xf32>
    %sub3A_186 = arith.subf %add3A_55, %sub3A_185 : vector<2000x128xf32>
    %add3A_187 = arith.constant 9.99999974E-6 : f32
    %add3A_188 = vector.broadcast %add3A_187 : f32 to vector<1x128xf32>
    %add3A_189 = arith.addf %sub3A_184, %add3A_188 : vector<1x128xf32>
    %rsqrt3A_190 = math.rsqrt %add3A_189 : vector<1x128xf32>
    %mul3A_191 = arith.mulf %get3A_39, %rsqrt3A_190 : vector<1x128xf32>
    %mul3A_192 = vector.broadcast %mul3A_191 : vector<1x128xf32> to vector<2000x128xf32>
    %mul3A_193 = arith.mulf %sub3A_186, %mul3A_192 : vector<2000x128xf32>
    %add3A_194 = vector.broadcast %get3A_42 : vector<1x128xf32> to vector<2000x128xf32>
    %add3A_195 = arith.addf %mul3A_193, %add3A_194 : vector<2000x128xf32>
    %add3A_196 = arith.addf %add3A_195, %select_n3A_170 : vector<2000x128xf32>
    %max3A_197 = arith.constant 0.000000e+00 : f32
    %max3A_198 = vector.broadcast %max3A_197 : f32 to vector<2000x128xf32>
    %max3A_199 = arith.maximumf %add3A_196, %max3A_198 : vector<2000x128xf32>
    %abs3A = math.absf %add3A_196 : vector<2000x128xf32>
    %neg3A = arith.constant 0.000000e+00 : f32
    %neg3A_200 = vector.broadcast %neg3A : f32 to vector<2000x128xf32>
    %neg3A_201 = arith.subf %neg3A_200, %abs3A : vector<2000x128xf32>
    %exp3A = math.exp %neg3A_201 : vector<2000x128xf32>
    %add3A_202 = arith.constant 1.000000e+00 : f32
    %add3A_203 = vector.broadcast %add3A_202 : f32 to vector<2000x128xf32>
    %add3A_204 = arith.addf %add3A_203, %exp3A : vector<2000x128xf32>
    %log3A = math.log %add3A_204 : vector<2000x128xf32>
    %add3A_205 = arith.addf %max3A_199, %log3A : vector<2000x128xf32>
    %swap3A = arith.constant 0 : index
    %swap3A_206 = arith.constant 0 : index
    %swap3A_207 = vector.load %arg15[%swap3A, %swap3A_206] : memref<2000x128xf32, #tpu.memory_space<vmem>>, vector<2000x128xf32>
    tpu.vector_store %arg15[%swap3A, %swap3A_206], %add3A_205 {strides = array<i32>} : memref<2000x128xf32, #tpu.memory_space<vmem>>, vector<2000x128xf32>,
    return
  }
  func.func @transform_0(%arg0: i32) -> (i32, i32, i32) {
    %c0_i32 = arith.constant 0 : i32
    %c0_i32_0 = arith.constant 0 : i32
    %c0_i32_1 = arith.constant 0 : i32
    return %c0_i32, %arg0, %c0_i32_0 : i32, i32, i32
  }
  func.func @transform_1(%arg0: i32) -> (i32, i32, i32) {
    %c0_i32 = arith.constant 0 : i32
    %c0_i32_0 = arith.constant 0 : i32
    %c0_i32_1 = arith.constant 0 : i32
    return %c0_i32, %arg0, %c0_i32_0 : i32, i32, i32
  }
  func.func @transform_2(%arg0: i32) -> (i32, i32) {
    %c0_i32 = arith.constant 0 : i32
    %c0_i32_0 = arith.constant 0 : i32
    return %arg0, %c0_i32 : i32, i32
  }
  func.func @transform_3(%arg0: i32) -> (i32, i32) {
    %c0_i32 = arith.constant 0 : i32
    %c0_i32_0 = arith.constant 0 : i32
    %c0_i32_1 = arith.constant 0 : i32
    return %c0_i32, %c0_i32_0 : i32, i32
  }
  func.func @transform_4(%arg0: i32) -> (i32, i32) {
    %c0_i32 = arith.constant 0 : i32
    %c0_i32_0 = arith.constant 0 : i32
    %c0_i32_1 = arith.constant 0 : i32
    return %c0_i32, %c0_i32_0 : i32, i32
  }
  func.func @transform_5(%arg0: i32) -> (i32, i32) {
    %c0_i32 = arith.constant 0 : i32
    %c0_i32_0 = arith.constant 0 : i32
    %c0_i32_1 = arith.constant 0 : i32
    return %c0_i32, %c0_i32_0 : i32, i32
  }
  func.func @transform_6(%arg0: i32) -> (i32, i32) {
    %c0_i32 = arith.constant 0 : i32
    %c0_i32_0 = arith.constant 0 : i32
    %c0_i32_1 = arith.constant 0 : i32
    return %c0_i32, %c0_i32_0 : i32, i32
  }
  func.func @transform_7(%arg0: i32) -> (i32, i32) {
    %c0_i32 = arith.constant 0 : i32
    %c0_i32_0 = arith.constant 0 : i32
    %c0_i32_1 = arith.constant 0 : i32
    return %c0_i32, %c0_i32_0 : i32, i32
  }
  func.func @transform_8(%arg0: i32) -> (i32, i32) {
    %c0_i32 = arith.constant 0 : i32
    %c0_i32_0 = arith.constant 0 : i32
    %c0_i32_1 = arith.constant 0 : i32
    return %c0_i32, %c0_i32_0 : i32, i32
  }
  func.func @transform_9(%arg0: i32) -> (i32, i32) {
    %c0_i32 = arith.constant 0 : i32
    %c0_i32_0 = arith.constant 0 : i32
    %c0_i32_1 = arith.constant 0 : i32
    return %c0_i32, %c0_i32_0 : i32, i32
  }
  func.func @transform_10(%arg0: i32) -> (i32, i32) {
    %c0_i32 = arith.constant 0 : i32
    %c0_i32_0 = arith.constant 0 : i32
    %c0_i32_1 = arith.constant 0 : i32
    return %c0_i32, %c0_i32_0 : i32, i32
  }
  func.func @transform_11(%arg0: i32) -> (i32, i32) {
    %c0_i32 = arith.constant 0 : i32
    %c0_i32_0 = arith.constant 0 : i32
    %c0_i32_1 = arith.constant 0 : i32
    return %c0_i32, %c0_i32_0 : i32, i32
  }
  func.func @transform_12(%arg0: i32) -> (i32, i32) {
    %c0_i32 = arith.constant 0 : i32
    %c0_i32_0 = arith.constant 0 : i32
    %c0_i32_1 = arith.constant 0 : i32
    return %c0_i32, %c0_i32_0 : i32, i32
  }
  func.func @transform_13(%arg0: i32) -> (i32, i32) {
    %c0_i32 = arith.constant 0 : i32
    %c0_i32_0 = arith.constant 0 : i32
    %c0_i32_1 = arith.constant 0 : i32
    return %c0_i32, %c0_i32_0 : i32, i32
  }
  func.func @transform_14(%arg0: i32) -> (i32, i32) {
    %c0_i32 = arith.constant 0 : i32
    %c0_i32_0 = arith.constant 0 : i32
    return %arg0, %c0_i32 : i32, i32
  }
}

</mosaic_0001>

<sc_bundles>
// kernel: kernel.10.cloned.1.call-start
scs
__scs_entry_jumppad:
0x0: {  	(pc) =	sbr.rel $0x88, $3  }
0x1: {  	(tag) =	ssettag $0x0;
	lr =	simm.s32 $0x1  }
0x2: {  	[smem:$0x3F95] =	sst lr;
	_ =	strace $0xD0000000  }
0x3: {  	_ = 	snop  }
0x4: {  	_ = 	snop  }
0x5: {  	_ = 	snop  }
0x6: {  	_ = 	snop  }
0x7: {  	_ = 	snop  }
__scs_overlays_trampoline_lowered:
0x8: {  	[smem:$0x3FA4] =	sst s0  }
0x9: {  	[smem:$0x3FA5] =	sst s1  }
0xa: {  	[smem:$0x3FA6] =	sst s2  }
0xb: {  	[smem:$0x3FA7] =	sst s3  }
0xc: {  	[smem:$0x3FA8] =	sst s4  }
0xd: {  	[smem:$0x3FA9] =	sst s5  }
0xe: {  	[smem:$0x3FAA] =	sst s6  }
0xf: {  	[smem:$0x3FAB] =	sst s7  }
0x10: {  	[smem:$0x3FAC] =	sst s8  }
0x11: {  	[smem:$0x3FAD] =	sst s9;
	s0 =	simm.s32 @!p0 $0x0  }
0x12: {  	s1 =	sld [smem:$0x3F93];
	s0 =	simm.s32 @p0 $0x1  }
0x13: {  	[smem:$0x3FAE] =	sst s0;
	s0 =	simm.s32 @!p1 $0x0  }
0x14: {  	s2 =	sld [smem:$0x3F92];
	s0 =	simm.s32 @p1 $0x1  }
0x15: {  	[smem:$0x3FAF] =	sst s0;
	s0 =	simm.s32 @!p2 $0x0  }
0x16: {  	s3 =	sld [smem:$0x3FDB];
	s0 =	simm.s32 @p2 $0x1  }
0x17: {  	s4 =	simm.s32 $0x1BF5;
	[smem:$0x3FB1] =	sst s0  }
0x18: {  	s0 =	sld [smem:$0x3F94];
	_ =	swait.ge [sflag:s4], $0x0  }
0x19: {  	s7 =	sld [smem:$0x3F95]  }
0x1a: {  	s8 =	sadd.s32 $0xFFFFE003, lr  }
0x1b: {  	s9 =	sadd.s32 $0xFFFFFEF7, lr;
	s5 =	simm.s32 $0xFFFFFFFF;
	p2 =	slt.u32 s8, $0xFFFFF086  }
0x1c: {  	p1 =	slt.u32 s9, $0xF7A;
	s5 =	simm.s32 @!p2 $0x0  }
0x1d: {  	s5 =	simm.s32 @p1 $0x1;
	p0 =	seq.s32 s7, s2  }
0x1e: {  	s7 =	smul.u32 @!p0 $0xF7A, s2;
	p2 =	seq.s32 @!p0 s5, $0x0  }
0x1f: {  	s9 =	smul.u32 $0xF7A, s1;
	s8 =	simm.s32 @!p0 $0x1BF5;
	p2 =	por !p2, p0  }
0x20: {  	[sflag:s8] =	ssyncset.s32 @!p0 $0xFFFFF086;
	s6 =	sadd.s32 @!p0 s3, s7;
	s7 =	simm.s32 @!p0 $0x108  }
0x21: {  	s3 =	sadd.s32 s3, s9;
	s6 =	sadd.s32 @!p0 $0x88, s6;
	s7 =	simm.s32 @p2 $0x1082  }
0x22: {  	[simem:s7], [sflag:s8] =	dma.local @!p0 [hbm:s6], $0xF7A  }
0x23: {  	s9 =	sor.u32 $0xD0000000, s2;
	s6 =	simm.s32 $0x108;
	_ =	swait.ge @!p0 [sflag:s8], $0x0  }
0x24: {  	s3 =	sadd.s32 $0x88, s3;
	s6 =	simm.s32 @!p1 $0x1082;
	[sflag:s4] =	ssyncset.s32 $0xFFFFF086  }
0x25: {  	[simem:s6], [sflag:s4] =	dma.local [hbm:s3], $0xF7A  }
0x26: {  	[smem:$0x3F95] =	sst s1;
	(tag) =	ssettag s2;
	_ =	strace s9  }
0x27: {  	s1 =	sld [smem:$0x3FA5]  }
0x28: {  	s2 =	sld [smem:$0x3FA6]  }
0x29: {  	s4 =	sld [smem:$0x3FA8]  }
0x2a: {  	p0 =	seq.s32 s5, $0x0;
	s5 =	sld [smem:$0x3FA9]  }
0x2b: {  	s6 =	sld [smem:$0x3FAA]  }
0x2c: {  	s7 =	sld [smem:$0x3FAB]  }
0x2d: {  	s3 =	simm.s32 $0x108;
	s8 =	sld [smem:$0x3FAC]  }
0x2e: {  	s3 =	simm.s32 @!p0 $0x1082;
	s9 =	sld [smem:$0x3FAD]  }
0x2f: {  	lr =	sadd.s32 s0, s3;
	s0 =	sld [smem:$0x3FA4]  }
0x30: {  	s3 =	sld [smem:$0x3FA7]  }
0x31: {  	[smem:$0x3FB0] =	sst s10  }
0x32: {  	s10 =	sld [smem:$0x3FAE];
	_ =	sdelay $0x3  }
0x33: {  	p0 =	seq.s32 s10, $0x1;
	s10 =	sld [smem:$0x3FB0];
	_ =	sdelay $0x3  }
0x34: {  	[smem:$0x3FB0] =	sst s10  }
0x35: {  	s10 =	sld [smem:$0x3FAF];
	_ =	sdelay $0x3  }
0x36: {  	p1 =	seq.s32 s10, $0x1;
	s10 =	sld [smem:$0x3FB0];
	_ =	sdelay $0x3  }
0x37: {  	[smem:$0x3FB0] =	sst s10  }
0x38: {  	s10 =	sld [smem:$0x3FB1]  }
0x39: {  	_ = 	snop;
	(pc) =	sbr.ind lr, $3  }
0x3a: {  	_ = 	snop  }
0x3b: {  	_ = 	snop  }
0x3c: {  	p2 =	seq.s32 s10, $0x1;
	s10 =	sld [smem:$0x3FB0]  }
0x3d: {  	_ =	shalt  }
0x3e: {  	_ =	shalt  }
0x3f: {  	_ =	shalt  }
0x40: {  	_ =	shalt  }
0x41: {  	_ =	shalt  }
0x42: {  	_ =	shalt  }
0x43: {  	_ =	shalt  }
0x44: {  	_ =	shalt  }
0x45: {  	_ =	shalt  }
0x46: {  	_ =	shalt  }
0x47: {  	_ =	shalt  }
0x48: {  	_ =	shalt  }
0x49: {  	_ =	shalt  }
0x4a: {  	_ =	shalt  }
0x4b: {  	_ =	shalt  }
0x4c: {  	_ =	shalt  }
0x4d: {  	_ =	shalt  }
0x4e: {  	_ =	shalt  }
0x4f: {  	_ =	shalt  }
0x50: {  	_ =	shalt  }
0x51: {  	_ =	shalt  }
0x52: {  	_ =	shalt  }
0x53: {  	_ =	shalt  }
0x54: {  	_ =	shalt  }
0x55: {  	_ =	shalt  }
0x56: {  	_ =	shalt  }
0x57: {  	_ =	shalt  }
0x58: {  	_ =	shalt  }
0x59: {  	_ =	shalt  }
0x5a: {  	_ =	shalt  }
0x5b: {  	_ =	shalt  }
0x5c: {  	_ =	shalt  }
0x5d: {  	_ =	shalt  }
0x5e: {  	_ =	shalt  }
0x5f: {  	_ =	shalt  }
0x60: {  	_ =	shalt  }
0x61: {  	_ =	shalt  }
0x62: {  	_ =	shalt  }
0x63: {  	_ =	shalt  }
0x64: {  	_ =	shalt  }
0x65: {  	_ =	shalt  }
0x66: {  	_ =	shalt  }
0x67: {  	_ =	shalt  }
0x68: {  	_ =	shalt  }
0x69: {  	_ =	shalt  }
0x6a: {  	_ =	shalt  }
0x6b: {  	_ =	shalt  }
0x6c: {  	_ =	shalt  }
0x6d: {  	_ =	shalt  }
0x6e: {  	_ =	shalt  }
0x6f: {  	_ =	shalt  }
0x70: {  	_ =	shalt  }
0x71: {  	_ =	shalt  }
0x72: {  	_ =	shalt  }
0x73: {  	_ =	shalt  }
0x74: {  	_ =	shalt  }
0x75: {  	_ =	shalt  }
0x76: {  	_ =	shalt  }
0x77: {  	_ =	shalt  }
0x78: {  	_ =	shalt  }
0x79: {  	_ =	shalt  }
0x7a: {  	_ =	shalt  }
0x7b: {  	_ =	shalt  }
0x7c: {  	_ =	shalt  }
0x7d: {  	_ =	shalt  }
0x7e: {  	_ =	shalt  }
0x7f: {  	_ =	shalt  }
0x80: {  	_ =	shalt  }
0x81: {  	_ =	shalt  }
0x82: {  	_ =	shalt  }
0x83: {  	_ =	shalt  }
0x84: {  	_ =	shalt  }
0x85: {  	_ =	shalt  }
0x86: {  	_ =	shalt  }
0x87: {  	_ =	shalt  }
.Lfunc_end0:
.L_simem_size_0:
called_computation.1_lowered:
.L_overlay_start_0:
0x88: {  	s2 =	sld [smem:$0x3FD9]  }
0x89: {  	s3 =	sld [smem:$0x3FFE];
	_ =	sdelay $0x1  }
0x8a: {  	s1 =	srdreg.scid  }
0x8b: {  	s0 =	sand.u32 $0x1, s1  }
0x8c: {  	s17 =	sshll.u32 s0, $0xA;
	s2 =	sadd.s32 s3, s2  }
0x8d: {  	s2 =	sadd.s32 s2, s17  }
0x8e: {  	[smem:$0x3FBC] =	sst s2  }
0x8f: {  	_ = 	snop  }
0x90: {  	s2 =	sld [smem:$0x3FC7]  }
0x91: {  	s18 =	sld [smem:$0x3FC6];
	(tm) =	ssettm $0x1  }
0x92: {  	s4 =	sld [smem:$0x3FFB];
	_ =	sdelay $0x3  }
0x93: {  	_ =	strace s4  }
0x94: {  	s4 =	sld [smem:$0x3FFC];
	_ =	sdelay $0x3  }
0x95: {  	_ =	strace s4  }
0x96: {  	s4 =	sld [smem:$0x3FFD];
	_ =	sdelay $0x3  }
0x97: {  	_ =	strace s4  }
0x98: {  	_ =	strace $0x8FFFFFFF  }
0x99: {  	s19 =	sld [smem:$0x3FDB];
	_ =	sdelay $0x1  }
0x9a: {  	s5 =	simm.s32 $_scs_section_size  }
0x9b: {  	s6 =	simm.s32 $_size__tile_overlayer_lowered;
	s7 =	simm.s32 $_tile_overlayer_lowered  }
0x9c: {  	s22 =	simm.s32 $0x1BFF;
	s21 =	sshll.u32 s7, $0x1;
	s4 =	sadd.s32 s5, s19  }
0x9d: {  	s8 =	simm.s32 $0x0;
	s20 =	sshll.u32 s6, $0x1;
	s6 =	sadd.s32 s21, s4  }
0x9e: {  	[timem:s8], [sflag:s22] =	dma.local [hbm:s6], s20  }
0x9f: {  	_ =	swait.ge [sflag:s22], s20  }
0xa0: {  	s5 =	ssub.s32 $0x0, s20;
	[sflag:s22] =	ssyncset.done $0x0  }
0xa1: {  	[sflag:s22] =	ssyncadd.s32 s5;
	_ =	sdelay $0x1  }
0xa2: {  	s23 =	simm.s32 $0x1B8B  }
0xa3: {  	_ =	swait.ge [sflag:s23], $0x1  }
0xa4: {  	[sflag:s23] =	ssyncset.done $0x0  }
0xa5: {  	s25 =	simm.s32 $0x1B8E;
	s24 =	sld [smem:$0x3FFE];
	[sflag:s23] =	ssyncadd.s32 $0xFFFFFFFF  }
0xa6: {  	s26 =	simm.s32 $execute0_lowered;
	[smem:$0x3FD2] =	sst s25  }
0xa7: {  	s6 =	sshll.u32 s26, $0x1;
	_ =	strace $0x80000046;
	[dreg:$0x1] =	wrdreg $0xFFFFFFFF  }
0xa8: {  	s28 =	simm.s32 $_size_execute0_lowered;
	s4 =	sadd.s32 s4, s6;
	[dreg:$0x0] =	wrdreg $0x0  }
0xa9: {  	s6 =	sshll.u32 s28, $0x1;
	[dreg:$0x2] =	wrdreg s4  }
0xaa: {  	[dreg:$0x3] =	wrdreg s6  }
0xab: {  	[dreg:$0x4] =	wrdreg $0xC0  }
0xac: {  	_ =	task [dreg:s8], $0x5FFFF  }
0xad: {  	[dreg:$0x1] =	wrdreg $0xFFFFFFFF  }
0xae: {  	[dreg:$0x0] =	wrdreg $0x60  }
0xaf: {  	[dreg:$0x2] =	wrdreg s24  }
0xb0: {  	[dreg:$0x3] =	wrdreg s2  }
0xb1: {  	[dreg:$0x4] =	wrdreg s18  }
0xb2: {  	[dreg:$0x5] =	wrdreg $0x41A00  }
0xb3: {  	[dreg:$0x6] =	wrdreg $0x8FC00  }
0xb4: {  	[dreg:$0x7] =	wrdreg $0xA  }
0xb5: {  	_ =	task.clear_ibuf [dreg:s8], $0x8FFFF;
	_ =	strace $0x90000046  }
0xb6: {  	s29 =	simm.s32 $0xA;
	_ =	strace $0x80000048  }
0xb7: {  	_ =	swait.ge [sflag:s29], $0x1  }
0xb8: {  	[sflag:s29] =	ssyncadd.s32 $0xFFFFFFFF  }
0xb9: {  	_ =	strace $0x90000048  }
0xba: {  	_ =	sfence  }
0xbb: {  	s30 =	sld [smem:$0x0];
	_ =	sdelay $0x2  }
0xbc: {  	s31 =	sshll.u32 s1, $0xD;
	s1 =	sshrl.u32 s1, $0x2  }
0xbd: {  	s3 =	sand.u32 $0x4000, s31;
	s1 =	sadd.s32 s1, s30  }
0xbe: {  	s0 =	sor.u32 s3, s0;
	s1 =	sshll.u32 s1, $0x11  }
0xbf: {  	s0 =	sor.u32 s1, s0  }
0xc0: {  	s0 =	sadd.s32 $0x8F2B, s0  }
0xc1: {  	[sflag:s0] =	ssyncadd.remote.s32 $0x1  }
0xc2: {  	_ =	sfence.sel $0xFFFF  }
0xc3: {  	[dreg:$0x0] =	wrdreg $0xFFFFFFFF;
	(pc) =	sbr.abs _section_cstart, $3  }
0xc4: {  	[dreg:$0x1] =	wrdreg $0xFFFFFFFF  }
0xc5: {  	_ =	task.clear_ibuf [dreg:s8], $0x2FFFF;
	_ =	strace $0x9FFFFFFF  }
0xc6: {  	(tm) =	ssettm $0x7FFFFFFF  }
0xc7: {  	_ =	shalt  }
tec
execute0_lowered:
.L_overlay_start_1:
0x0: {  	(tag) =	ssettag $0x1  }
0x1: {  	s0 =	rddreg [dreg:$0x0]  }
0x2: {  	s4 =	rddreg [dreg:$0x3]  }
0x3: {  	s11 =	stileid.u32;
	s1 =	srdreg.scid;
	s6 =	simm.s32 $0x0  }
0x4: {  	s28 =	simm.s32 $0x39D0;
	s30 =	simm.s32 $0xC8;
	s2 =	smul.u32 $0x4E20, s11  }
0x5: {  	[smem:$0x7FF] =	sst s6;
	s7 =	sadd.s32 $0x4E4E00, s0;
	s21 =	sshll.u32 s11, $0x6  }
0x6: {  	s22 =	sshll.u32 s11, $0x1;
	s11 =	sadd.s32 $0x4E5120, s0;
	s12 =	sadd.s32 $0x4E52B0, s0  }
0x7: {  	s5 =	rddreg [dreg:$0x4];
	s13 =	sadd.s32 $0x4E5440, s0;
	s14 =	sadd.s32 $0x4E55D0, s0  }
0x8: {  	s29 =	simm.s32 $0x1;
	s15 =	sadd.s32 $0x4E5760, s0;
	s16 =	sadd.s32 $0x4E58F0, s0  }
0x9: {  	s1 =	sand.u32 $0x1, s1;
	s18 =	sadd.s32 $0x4E5A80, s0;
	s19 =	sadd.s32 $0x4E5C10, s0  }
0xa: {  	s31 =	simm.s32 $0x3;
	s3 =	smul.u32 $0x4E200, s1;
	_ =	strace $0x80000047  }
0xb: {  	s9 =	ssub.s32 $0x2, s1;
	s17 =	sor.u32 $0x1C05, s21;
	s1 =	sor.u32 s1, s22  }
0xc: {  	s21 =	simm.s32 $0x0;
	s8 =	sshrl.u32 s2, $0x3;
	s10 =	sshrl.u32 s9, $0x1  }
0xd: {  	s23 =	sadd.s32 s2, s4;
	s20 =	smul.u32 $0x2710, s1;
	[dreg:$0x7] =	wrdreg s17  }
0xe: {  	s3 =	sadd.s32 s2, s3;
	s8 =	sadd.s32 s8, s0;
	s9 =	ssub.s32 s9, s10  }
0xf: {  	s10 =	sadd.s32 $0x4E4F90, s0;
	s2 =	sadd.s32 s2, s5;
	s3 =	sshrl.u32 s3, $0x3  }
0x10: {  	s8 =	sadd.s32 $0x581200, s8;
	[dreg:$0x8] =	wrdreg s2;
	s26 =	smax.u32 s9, $0x1  }
0x11: {  	s2 =	simm.s32 $0x1900;
	s9 =	simm.s32 $0x0;
	[dreg:$0x6] =	wrdreg s8  }
0x12: {  	s3 =	sadd.s32 s3, s0;
	[dreg:$0xb] =	wrdreg s26;
	s8 =	sshrl.u32 s23, $0x3  }
0x13: {  	s26 =	simm.s32 $0x3200;
	s24 =	sadd.s32 $0x58B000, s3;
	[dreg:$0xc] =	wrdreg s8  }
0x14: {  	v0 =	vimm.f32 $0.0e+00;
	vm0 =	vcmask $0x300;
	s0 =	simm.s32 $0x2;
	s25 =	sadd.s32 $0x59EA00, s3;
	[dreg:$0x9] =	wrdreg s24  }
0x15: {  	v0 =	vsel vm0, $0x3F800000, v0;
	s3 =	simm.s32 $0x4;
	[dreg:$0xa] =	wrdreg s25;
	s25 =	simm.s32 $0x5  }
.LBB2_1:
0x16: {  	[dreg:$0xd] =	wrdreg s9  }
0x17: {  	s1 =	rddreg [dreg:$0x6]  }
0x18: {  	[spmem:s8], [sflag:s17] =	dma.local [hbm:s1], $0x9C4  }
0x19: {  	_ =	swait.ge [sflag:s25], $0x9C4  }
0x1a: {  	s24 =	rddreg [dreg:$0x8]  }
0x1b: {  	[sflag:s25] =	ssyncset.done $0x0;
	s8 =	sshrl.u32 s24, $0x3  }
0x1c: {  	[sflag:s25] =	ssyncadd.s32 $0xFFFFF63C;
	[dreg:$0xe] =	wrdreg s8  }
0x1d: {  	[spmem:s8], [sflag:s17] =	dma.local [hbm:s1], $0x9C4  }
0x1e: {  	_ =	swait.ge [sflag:s25], $0x9C4  }
0x1f: {  	[sflag:s25] =	ssyncset.done $0x0  }
0x20: {  	s8 =	simm.s32 $0x80;
	s1 =	simm.s32 $0x0;
	[sflag:s25] =	ssyncadd.s32 $0xFFFFF63C  }
.LBB2_2:
0x21: {  	p0 =	sne.s32 s8, $0x6380;
	[tilespmem:s1+$0x10] =	vst v0;
	s9 =	smov.u32 s8;
	s8 =	sadd.s32 $0x80, s8  }
.Ltmp0:
0x22: {  	[tilespmem:s1+$0x1910] =	vst v0;
	(pc) =	sbr.rel @p0 .LBB2_2-.Ltmp0, $2  }
0x23: {  	_ =	sdelay $0x2  }
0x24: {  	s1 =	sshra.s32 s9, $0x2  }
0x25: {  	[tilespmem:s1+$0x10] =	vst v0  }
0x26: {  	[tilespmem:s1+$0x1910] =	vst v0  }
0x27: {  	s22 =	simm.s32 $0x0;
	[bflag:$0x0] =	sbarrier.arrive $0xFFFF  }
.LBB2_4:
0x28: {  	s1 =	smul.u32 $0x7D0, s22;
	_ =	sdelay $0x1  }
0x29: {  	s1 =	sadd.s32 s20, s1  }
0x2a: {  	s9 =	rddreg [dreg:$0x1];
	s8 =	sshrl.u32 s1, $0x3  }
0x2b: {  	s9 =	sadd.s32 s9, s8  }
0x2c: {  	[tilespmem:s26], [sflag:$0x5] =	stream.linear.gather [hbm4b:s9+s21], $0x7D0, $0x38;
	[tilespmem:$0xDDE0] =	vst v63  }
0x2d: {  	_ =	swait.ge [sflag:s25], $0x7D0  }
0x2e: {  	[sflag:s25] =	ssyncset.done $0x0  }
0x2f: {  	[sflag:s25] =	ssyncadd.s32 $0xFFFFF830  }
0x30: {  	s24 =	rddreg [dreg:$0x2]  }
0x31: {  	s8 =	sadd.s32 s24, s8  }
0x32: {  	[tilespmem:s28], [sflag:$0x5] =	stream.linear.gather [hbm4b:s8+s21], $0x7D0, $0x38;
	[tilespmem:$0xDDE0] =	vst v63  }
0x33: {  	s23 =	sshll.u32 s1, $0x1;
	s1 =	simm.s32 $0x0;
	_ =	swait.ge [sflag:s25], $0x7D0  }
0x34: {  	s9 =	simm.s32 $0x20;
	s8 =	sadd.s32 s7, s23;
	[sflag:s25] =	ssyncset.done $0x0  }
0x35: {  	s24 =	simm.s32 $0x2;
	s17 =	sadd.s32 $0x0, s8;
	[sflag:s25] =	ssyncadd.s32 $0xFFFFF830  }
.LBB2_5:
0x36: {  	[tilespmem:s1], [sflag:$0x1] =	stream.linear.gather [hbm4b:s17+s6], $0x10, $0x38;
	[tilespmem:$0xDDE0] =	vst v63  }
0x37: {  	s17 =	smov.u32 s24;
	s1 =	smov.u32 s9;
	p0 =	sne.s32 s24, $0x18E  }
.Ltmp1:
0x38: {  	s24 =	sadd.s32 $0x2, s24;
	(pc) =	sbr.rel @p0 .LBB2_5-.Ltmp1, $2  }
0x39: {  	_ =	sdelay $0x2  }
0x3a: {  	s9 =	sadd.s32 $0x20, s9;
	s17 =	sadd.s32 s17, s8  }
0x3b: {  	[tilespmem:s1], [sflag:$0x1] =	stream.linear.gather [hbm4b:s17+s6], $0x10, $0x38;
	[tilespmem:$0xDDE0] =	vst v63  }
0x3c: {  	s8 =	sadd.s32 s23, s10;
	_ =	swait.ge [sflag:s29], $0xC80  }
0x3d: {  	s24 =	simm.s32 $0x1900;
	s9 =	simm.s32 $0x2;
	[sflag:s29] =	ssyncset.done $0x0  }
0x3e: {  	s1 =	simm.s32 $0x1920;
	s17 =	sadd.s32 $0x0, s8;
	[sflag:s29] =	ssyncadd.s32 $0xFFFFF380  }
.LBB2_7:
0x3f: {  	[tilespmem:s24], [sflag:$0x2] =	stream.linear.gather [hbm4b:s17+s6], $0x10, $0x38;
	[tilespmem:$0xDDE0] =	vst v63  }
0x40: {  	s17 =	smov.u32 s9;
	s24 =	smov.u32 s1;
	p0 =	sne.s32 s9, $0x18E  }
.Ltmp2:
0x41: {  	s9 =	sadd.s32 $0x2, s9;
	(pc) =	sbr.rel @p0 .LBB2_7-.Ltmp2, $2  }
0x42: {  	_ =	sdelay $0x2  }
0x43: {  	s1 =	sadd.s32 $0x20, s1;
	s17 =	sadd.s32 s17, s8  }
0x44: {  	[tilespmem:s24], [sflag:$0x2] =	stream.linear.gather [hbm4b:s17+s6], $0x10, $0x38;
	[tilespmem:$0xDDE0] =	vst v63  }
0x45: {  	s8 =	simm.s32 $0x0  }
0x46: {  	[spmem:s4] =	stream.indirect.scatter.add.f32 [tilespmem:s8], [sflag:$0x3], $0x20, s26, s30, $0xb8;
	[tilespmem:$0xDDE0] =	vst v63  }
0x47: {  	_ = 	snop  }
0x48: {  	[spmem:s5] =	stream.indirect.scatter.add.f32 [tilespmem:s8], [sflag:$0x4], $0x20, s28, s30, $0xb8;
	[tilespmem:$0xDDE0] =	vst v63  }
0x49: {  	_ =	swait.ge [sflag:s31], $0x1900  }
0x4a: {  	[sflag:s31] =	ssyncset.done $0x0  }
0x4b: {  	[sflag:s31] =	ssyncadd.s32 $0xFFFFE700  }
0x4c: {  	_ =	swait.ge [sflag:s3], $0x1900  }
0x4d: {  	[sflag:s3] =	ssyncset.done $0x0  }
0x4e: {  	[sflag:s3] =	ssyncadd.s32 $0xFFFFE700  }
0x4f: {  	_ =	swait.ge [sflag:s0], $0xC80  }
0x50: {  	s24 =	sadd.s32 s23, s11;
	s9 =	simm.s32 $0x2;
	[sflag:s0] =	ssyncset.done $0x0  }
0x51: {  	s1 =	simm.s32 $0x20;
	s17 =	sadd.s32 $0x0, s24;
	[sflag:s0] =	ssyncadd.s32 $0xFFFFF380  }
.LBB2_9:
0x52: {  	[tilespmem:s8], [sflag:$0x1] =	stream.linear.gather [hbm4b:s17+s6], $0x10, $0x38;
	[tilespmem:$0xDDE0] =	vst v63  }
0x53: {  	s17 =	smov.u32 s9;
	s8 =	smov.u32 s1;
	p0 =	sne.s32 s9, $0x18E  }
.Ltmp3:
0x54: {  	s9 =	sadd.s32 $0x2, s9;
	(pc) =	sbr.rel @p0 .LBB2_9-.Ltmp3, $2  }
0x55: {  	_ =	sdelay $0x2  }
0x56: {  	s1 =	sadd.s32 $0x20, s1;
	s17 =	sadd.s32 s17, s24  }
0x57: {  	[tilespmem:s8], [sflag:$0x1] =	stream.linear.gather [hbm4b:s17+s6], $0x10, $0x38;
	[tilespmem:$0xDDE0] =	vst v63  }
0x58: {  	s8 =	simm.s32 $0x1900;
	s1 =	simm.s32 $0x32C8  }
0x59: {  	[spmem:s4] =	stream.indirect.scatter.add.f32 [tilespmem:s8], [sflag:$0x3], $0x20, s1, s30, $0xb8;
	[tilespmem:$0xDDE0] =	vst v63  }
0x5a: {  	s24 =	simm.s32 $0x3A98  }
0x5b: {  	[spmem:s5] =	stream.indirect.scatter.add.f32 [tilespmem:s8], [sflag:$0x4], $0x20, s24, s30, $0xb8;
	[tilespmem:$0xDDE0] =	vst v63  }
0x5c: {  	_ =	swait.ge [sflag:s31], $0x1900  }
0x5d: {  	[sflag:s31] =	ssyncset.done $0x0  }
0x5e: {  	[sflag:s31] =	ssyncadd.s32 $0xFFFFE700  }
0x5f: {  	_ =	swait.ge [sflag:s3], $0x1900  }
0x60: {  	[sflag:s3] =	ssyncset.done $0x0  }
0x61: {  	[sflag:s3] =	ssyncadd.s32 $0xFFFFE700  }
0x62: {  	_ =	swait.ge [sflag:s29], $0xC80  }
0x63: {  	s9 =	simm.s32 $0x2;
	s24 =	sadd.s32 s23, s12;
	[sflag:s29] =	ssyncset.done $0x0  }
0x64: {  	s1 =	simm.s32 $0x1920;
	s17 =	sadd.s32 $0x0, s24;
	[sflag:s29] =	ssyncadd.s32 $0xFFFFF380  }
.LBB2_11:
0x65: {  	[tilespmem:s8], [sflag:$0x2] =	stream.linear.gather [hbm4b:s17+s6], $0x10, $0x38;
	[tilespmem:$0xDDE0] =	vst v63  }
0x66: {  	s17 =	smov.u32 s9;
	s8 =	smov.u32 s1;
	p0 =	sne.s32 s9, $0x18E  }
.Ltmp4:
0x67: {  	s9 =	sadd.s32 $0x2, s9;
	(pc) =	sbr.rel @p0 .LBB2_11-.Ltmp4, $2  }
0x68: {  	_ =	sdelay $0x2  }
0x69: {  	s1 =	sadd.s32 $0x20, s1;
	s17 =	sadd.s32 s17, s24  }
0x6a: {  	[tilespmem:s8], [sflag:$0x2] =	stream.linear.gather [hbm4b:s17+s6], $0x10, $0x38;
	[tilespmem:$0xDDE0] =	vst v63  }
0x6b: {  	s8 =	simm.s32 $0x0;
	s1 =	simm.s32 $0x3390  }
0x6c: {  	[spmem:s4] =	stream.indirect.scatter.add.f32 [tilespmem:s8], [sflag:$0x3], $0x20, s1, s30, $0xb8;
	[tilespmem:$0xDDE0] =	vst v63  }
0x6d: {  	s24 =	simm.s32 $0x3B60  }
0x6e: {  	[spmem:s5] =	stream.indirect.scatter.add.f32 [tilespmem:s8], [sflag:$0x4], $0x20, s24, s30, $0xb8;
	[tilespmem:$0xDDE0] =	vst v63  }
0x6f: {  	_ =	swait.ge [sflag:s31], $0x1900  }
0x70: {  	[sflag:s31] =	ssyncset.done $0x0  }
0x71: {  	[sflag:s31] =	ssyncadd.s32 $0xFFFFE700  }
0x72: {  	_ =	swait.ge [sflag:s3], $0x1900  }
0x73: {  	[sflag:s3] =	ssyncset.done $0x0  }
0x74: {  	[sflag:s3] =	ssyncadd.s32 $0xFFFFE700  }
0x75: {  	_ =	swait.ge [sflag:s0], $0xC80  }
0x76: {  	s9 =	simm.s32 $0x2;
	s24 =	sadd.s32 s23, s13;
	[sflag:s0] =	ssyncset.done $0x0  }
0x77: {  	s1 =	simm.s32 $0x20;
	s17 =	sadd.s32 $0x0, s24;
	[sflag:s0] =	ssyncadd.s32 $0xFFFFF380  }
.LBB2_13:
0x78: {  	[tilespmem:s8], [sflag:$0x1] =	stream.linear.gather [hbm4b:s17+s6], $0x10, $0x38;
	[tilespmem:$0xDDE0] =	vst v63  }
0x79: {  	s17 =	smov.u32 s9;
	s8 =	smov.u32 s1;
	p0 =	sne.s32 s9, $0x18E  }
.Ltmp5:
0x7a: {  	s9 =	sadd.s32 $0x2, s9;
	(pc) =	sbr.rel @p0 .LBB2_13-.Ltmp5, $2  }
0x7b: {  	_ =	sdelay $0x2  }
0x7c: {  	s1 =	sadd.s32 $0x20, s1;
	s17 =	sadd.s32 s17, s24  }
0x7d: {  	[tilespmem:s8], [sflag:$0x1] =	stream.linear.gather [hbm4b:s17+s6], $0x10, $0x38;
	[tilespmem:$0xDDE0] =	vst v63  }
0x7e: {  	s8 =	simm.s32 $0x1900;
	s1 =	simm.s32 $0x3458  }
0x7f: {  	[spmem:s4] =	stream.indirect.scatter.add.f32 [tilespmem:s8], [sflag:$0x3], $0x20, s1, s30, $0xb8;
	[tilespmem:$0xDDE0] =	vst v63  }
0x80: {  	s24 =	simm.s32 $0x3C28  }
0x81: {  	[spmem:s5] =	stream.indirect.scatter.add.f32 [tilespmem:s8], [sflag:$0x4], $0x20, s24, s30, $0xb8;
	[tilespmem:$0xDDE0] =	vst v63  }
0x82: {  	_ =	swait.ge [sflag:s31], $0x1900  }
0x83: {  	[sflag:s31] =	ssyncset.done $0x0  }
0x84: {  	[sflag:s31] =	ssyncadd.s32 $0xFFFFE700  }
0x85: {  	_ =	swait.ge [sflag:s3], $0x1900  }
0x86: {  	[sflag:s3] =	ssyncset.done $0x0  }
0x87: {  	[sflag:s3] =	ssyncadd.s32 $0xFFFFE700  }
0x88: {  	_ =	swait.ge [sflag:s29], $0xC80  }
0x89: {  	s9 =	simm.s32 $0x2;
	s24 =	sadd.s32 s23, s14;
	[sflag:s29] =	ssyncset.done $0x0  }
0x8a: {  	s1 =	simm.s32 $0x1920;
	s17 =	sadd.s32 $0x0, s24;
	[sflag:s29] =	ssyncadd.s32 $0xFFFFF380  }
.LBB2_15:
0x8b: {  	[tilespmem:s8], [sflag:$0x2] =	stream.linear.gather [hbm4b:s17+s6], $0x10, $0x38;
	[tilespmem:$0xDDE0] =	vst v63  }
0x8c: {  	s17 =	smov.u32 s9;
	s8 =	smov.u32 s1;
	p0 =	sne.s32 s9, $0x18E  }
.Ltmp6:
0x8d: {  	s9 =	sadd.s32 $0x2, s9;
	(pc) =	sbr.rel @p0 .LBB2_15-.Ltmp6, $2  }
0x8e: {  	_ =	sdelay $0x2  }
0x8f: {  	s1 =	sadd.s32 $0x20, s1;
	s17 =	sadd.s32 s17, s24  }
0x90: {  	[tilespmem:s8], [sflag:$0x2] =	stream.linear.gather [hbm4b:s17+s6], $0x10, $0x38;
	[tilespmem:$0xDDE0] =	vst v63  }
0x91: {  	s8 =	simm.s32 $0x0;
	s1 =	simm.s32 $0x3520  }
0x92: {  	[spmem:s4] =	stream.indirect.scatter.add.f32 [tilespmem:s8], [sflag:$0x3], $0x20, s1, s30, $0xb8;
	[tilespmem:$0xDDE0] =	vst v63  }
0x93: {  	s24 =	simm.s32 $0x3CF0  }
0x94: {  	[spmem:s5] =	stream.indirect.scatter.add.f32 [tilespmem:s8], [sflag:$0x4], $0x20, s24, s30, $0xb8;
	[tilespmem:$0xDDE0] =	vst v63  }
0x95: {  	_ =	swait.ge [sflag:s31], $0x1900  }
0x96: {  	[sflag:s31] =	ssyncset.done $0x0  }
0x97: {  	[sflag:s31] =	ssyncadd.s32 $0xFFFFE700  }
0x98: {  	_ =	swait.ge [sflag:s3], $0x1900  }
0x99: {  	[sflag:s3] =	ssyncset.done $0x0  }
0x9a: {  	[sflag:s3] =	ssyncadd.s32 $0xFFFFE700  }
0x9b: {  	_ =	swait.ge [sflag:s0], $0xC80  }
0x9c: {  	s9 =	simm.s32 $0x2;
	s24 =	sadd.s32 s23, s15;
	[sflag:s0] =	ssyncset.done $0x0  }
0x9d: {  	s1 =	simm.s32 $0x20;
	s17 =	sadd.s32 $0x0, s24;
	[sflag:s0] =	ssyncadd.s32 $0xFFFFF380  }
.LBB2_17:
0x9e: {  	[tilespmem:s8], [sflag:$0x1] =	stream.linear.gather [hbm4b:s17+s6], $0x10, $0x38;
	[tilespmem:$0xDDE0] =	vst v63  }
0x9f: {  	s17 =	smov.u32 s9;
	s8 =	smov.u32 s1;
	p0 =	sne.s32 s9, $0x18E  }
.Ltmp7:
0xa0: {  	s9 =	sadd.s32 $0x2, s9;
	(pc) =	sbr.rel @p0 .LBB2_17-.Ltmp7, $2  }
0xa1: {  	_ =	sdelay $0x2  }
0xa2: {  	s1 =	sadd.s32 $0x20, s1;
	s17 =	sadd.s32 s17, s24  }
0xa3: {  	[tilespmem:s8], [sflag:$0x1] =	stream.linear.gather [hbm4b:s17+s6], $0x10, $0x38;
	[tilespmem:$0xDDE0] =	vst v63  }
0xa4: {  	s8 =	simm.s32 $0x1900;
	s1 =	simm.s32 $0x35E8  }
0xa5: {  	[spmem:s4] =	stream.indirect.scatter.add.f32 [tilespmem:s8], [sflag:$0x3], $0x20, s1, s30, $0xb8;
	[tilespmem:$0xDDE0] =	vst v63  }
0xa6: {  	s24 =	simm.s32 $0x3DB8  }
0xa7: {  	[spmem:s5] =	stream.indirect.scatter.add.f32 [tilespmem:s8], [sflag:$0x4], $0x20, s24, s30, $0xb8;
	[tilespmem:$0xDDE0] =	vst v63  }
0xa8: {  	_ =	swait.ge [sflag:s31], $0x1900  }
0xa9: {  	[sflag:s31] =	ssyncset.done $0x0  }
0xaa: {  	[sflag:s31] =	ssyncadd.s32 $0xFFFFE700  }
0xab: {  	_ =	swait.ge [sflag:s3], $0x1900  }
0xac: {  	[sflag:s3] =	ssyncset.done $0x0  }
0xad: {  	[sflag:s3] =	ssyncadd.s32 $0xFFFFE700  }
0xae: {  	_ =	swait.ge [sflag:s29], $0xC80  }
0xaf: {  	s9 =	simm.s32 $0x2;
	s24 =	sadd.s32 s23, s16;
	[sflag:s29] =	ssyncset.done $0x0  }
0xb0: {  	s1 =	simm.s32 $0x1920;
	s17 =	sadd.s32 $0x0, s24;
	[sflag:s29] =	ssyncadd.s32 $0xFFFFF380  }
.LBB2_19:
0xb1: {  	[tilespmem:s8], [sflag:$0x2] =	stream.linear.gather [hbm4b:s17+s6], $0x10, $0x38;
	[tilespmem:$0xDDE0] =	vst v63  }
0xb2: {  	s17 =	smov.u32 s9;
	s8 =	smov.u32 s1;
	p0 =	sne.s32 s9, $0x18E  }
.Ltmp8:
0xb3: {  	s9 =	sadd.s32 $0x2, s9;
	(pc) =	sbr.rel @p0 .LBB2_19-.Ltmp8, $2  }
0xb4: {  	_ =	sdelay $0x2  }
0xb5: {  	s1 =	sadd.s32 $0x20, s1;
	s17 =	sadd.s32 s17, s24  }
0xb6: {  	[tilespmem:s8], [sflag:$0x2] =	stream.linear.gather [hbm4b:s17+s6], $0x10, $0x38;
	[tilespmem:$0xDDE0] =	vst v63  }
0xb7: {  	s8 =	simm.s32 $0x0;
	s1 =	simm.s32 $0x36B0  }
0xb8: {  	[spmem:s4] =	stream.indirect.scatter.add.f32 [tilespmem:s8], [sflag:$0x3], $0x20, s1, s30, $0xb8;
	[tilespmem:$0xDDE0] =	vst v63  }
0xb9: {  	s24 =	simm.s32 $0x3E80  }
0xba: {  	[spmem:s5] =	stream.indirect.scatter.add.f32 [tilespmem:s8], [sflag:$0x4], $0x20, s24, s30, $0xb8;
	[tilespmem:$0xDDE0] =	vst v63  }
0xbb: {  	_ =	swait.ge [sflag:s31], $0x1900  }
0xbc: {  	[sflag:s31] =	ssyncset.done $0x0  }
0xbd: {  	[sflag:s31] =	ssyncadd.s32 $0xFFFFE700  }
0xbe: {  	_ =	swait.ge [sflag:s3], $0x1900  }
0xbf: {  	[sflag:s3] =	ssyncset.done $0x0  }
0xc0: {  	[sflag:s3] =	ssyncadd.s32 $0xFFFFE700  }
0xc1: {  	_ =	swait.ge [sflag:s0], $0xC80  }
0xc2: {  	s9 =	simm.s32 $0x2;
	s24 =	sadd.s32 s23, s18;
	[sflag:s0] =	ssyncset.done $0x0  }
0xc3: {  	s1 =	simm.s32 $0x20;
	s17 =	sadd.s32 $0x0, s24;
	[sflag:s0] =	ssyncadd.s32 $0xFFFFF380  }
.LBB2_21:
0xc4: {  	[tilespmem:s8], [sflag:$0x1] =	stream.linear.gather [hbm4b:s17+s6], $0x10, $0x38;
	[tilespmem:$0xDDE0] =	vst v63  }
0xc5: {  	s17 =	smov.u32 s9;
	s8 =	smov.u32 s1;
	p0 =	sne.s32 s9, $0x18E  }
.Ltmp9:
0xc6: {  	s9 =	sadd.s32 $0x2, s9;
	(pc) =	sbr.rel @p0 .LBB2_21-.Ltmp9, $2  }
0xc7: {  	_ =	sdelay $0x2  }
0xc8: {  	s1 =	sadd.s32 $0x20, s1;
	s17 =	sadd.s32 s17, s24  }
0xc9: {  	[tilespmem:s8], [sflag:$0x1] =	stream.linear.gather [hbm4b:s17+s6], $0x10, $0x38;
	[tilespmem:$0xDDE0] =	vst v63  }
0xca: {  	s8 =	simm.s32 $0x1900;
	s1 =	simm.s32 $0x3778  }
0xcb: {  	[spmem:s4] =	stream.indirect.scatter.add.f32 [tilespmem:s8], [sflag:$0x3], $0x20, s1, s30, $0xb8;
	[tilespmem:$0xDDE0] =	vst v63  }
0xcc: {  	s24 =	simm.s32 $0x3F48  }
0xcd: {  	[spmem:s5] =	stream.indirect.scatter.add.f32 [tilespmem:s8], [sflag:$0x4], $0x20, s24, s30, $0xb8;
	[tilespmem:$0xDDE0] =	vst v63  }
0xce: {  	_ =	swait.ge [sflag:s31], $0x1900  }
0xcf: {  	[sflag:s31] =	ssyncset.done $0x0  }
0xd0: {  	[sflag:s31] =	ssyncadd.s32 $0xFFFFE700  }
0xd1: {  	_ =	swait.ge [sflag:s3], $0x1900  }
0xd2: {  	[sflag:s3] =	ssyncset.done $0x0  }
0xd3: {  	[sflag:s3] =	ssyncadd.s32 $0xFFFFE700  }
0xd4: {  	_ =	swait.ge [sflag:s29], $0xC80  }
0xd5: {  	s23 =	sadd.s32 s23, s19;
	s9 =	simm.s32 $0x2;
	[sflag:s29] =	ssyncset.done $0x0  }
0xd6: {  	s17 =	sadd.s32 $0x0, s23;
	s1 =	simm.s32 $0x1920;
	[sflag:s29] =	ssyncadd.s32 $0xFFFFF380  }
.LBB2_23:
0xd7: {  	[tilespmem:s8], [sflag:$0x2] =	stream.linear.gather [hbm4b:s17+s6], $0x10, $0x38;
	[tilespmem:$0xDDE0] =	vst v63  }
0xd8: {  	s17 =	smov.u32 s9;
	s8 =	smov.u32 s1;
	p0 =	sne.s32 s9, $0x18E  }
.Ltmp10:
0xd9: {  	s9 =	sadd.s32 $0x2, s9;
	(pc) =	sbr.rel @p0 .LBB2_23-.Ltmp10, $2  }
0xda: {  	_ =	sdelay $0x2  }
0xdb: {  	s1 =	sadd.s32 $0x20, s1;
	s17 =	sadd.s32 s17, s23  }
0xdc: {  	[tilespmem:s8], [sflag:$0x2] =	stream.linear.gather [hbm4b:s17+s6], $0x10, $0x38;
	[tilespmem:$0xDDE0] =	vst v63  }
0xdd: {  	s1 =	simm.s32 $0x3840  }
0xde: {  	[spmem:s4] =	stream.indirect.scatter.add.f32 [tilespmem:s6], [sflag:$0x3], $0x20, s1, s30, $0xb8;
	[tilespmem:$0xDDE0] =	vst v63  }
0xdf: {  	s17 =	simm.s32 $0x4010  }
0xe0: {  	[spmem:s5] =	stream.indirect.scatter.add.f32 [tilespmem:s6], [sflag:$0x4], $0x20, s17, s30, $0xb8;
	[tilespmem:$0xDDE0] =	vst v63  }
0xe1: {  	_ =	swait.ge [sflag:s31], $0x1900  }
0xe2: {  	[sflag:s31] =	ssyncset.done $0x0  }
0xe3: {  	[sflag:s31] =	ssyncadd.s32 $0xFFFFE700  }
0xe4: {  	_ =	swait.ge [sflag:s3], $0x1900  }
0xe5: {  	[sflag:s3] =	ssyncset.done $0x0  }
0xe6: {  	[sflag:s3] =	ssyncadd.s32 $0xFFFFE700  }
0xe7: {  	_ =	swait.ge [sflag:s0], $0xC80  }
0xe8: {  	[sflag:s0] =	ssyncset.done $0x0  }
0xe9: {  	s23 =	simm.s32 $0x3908;
	[sflag:s0] =	ssyncadd.s32 $0xFFFFF380  }
0xea: {  	[spmem:s4] =	stream.indirect.scatter.add.f32 [tilespmem:s2], [sflag:$0x3], $0x20, s23, s30, $0xb8;
	[tilespmem:$0xDDE0] =	vst v63  }
0xeb: {  	s24 =	simm.s32 $0x40D8;
	s22 =	sadd.s32 $0x1, s22  }
0xec: {  	[spmem:s5] =	stream.indirect.scatter.add.f32 [tilespmem:s2], [sflag:$0x4], $0x20, s24, s30, $0xb8;
	[tilespmem:$0xDDE0] =	vst v63  }
0xed: {  	p0 =	sne.s32 s22, $0x5;
	_ =	swait.ge [sflag:s31], $0x1900  }
.Ltmp11:
0xee: {  	[sflag:s31] =	ssyncset.done $0x0;
	(pc) =	sbr.rel @p0 .LBB2_4-.Ltmp11, $4  }
0xef: {  	[sflag:s31] =	ssyncadd.s32 $0xFFFFE700  }
0xf0: {  	_ =	swait.ge [sflag:s3], $0x1900  }
0xf1: {  	[sflag:s3] =	ssyncset.done $0x0  }
0xf2: {  	[sflag:s3] =	ssyncadd.s32 $0xFFFFE700  }
0xf3: {  	[bflag:$0x0] =	sbarrier.arrive $0xFFFF  }
0xf4: {  	s17 =	rddreg [dreg:$0x7]  }
0xf5: {  	s1 =	rddreg [dreg:$0x9]  }
0xf6: {  	s8 =	rddreg [dreg:$0xc]  }
0xf7: {  	[hbm:s1], [sflag:s17] =	dma.local [spmem:s8], $0x9C4  }
0xf8: {  	_ =	swait.ge [sflag:s25], $0x9C4  }
0xf9: {  	[sflag:s25] =	ssyncset.done $0x0;
	s22 =	rddreg [dreg:$0xa]  }
0xfa: {  	s9 =	rddreg [dreg:$0xe];
	[sflag:s25] =	ssyncadd.s32 $0xFFFFF63C  }
0xfb: {  	[hbm:s22], [sflag:s17] =	dma.local [spmem:s9], $0x9C4  }
0xfc: {  	_ =	swait.ge [sflag:s25], $0x9C4  }
0xfd: {  	s23 =	rddreg [dreg:$0xd]  }
0xfe: {  	s24 =	rddreg [dreg:$0xb];
	s9 =	sadd.s32 $0x1, s23  }
0xff: {  	p0 =	sne.s32 s9, s24  }
.Ltmp12:
0x100: {  	_ = 	snop;
	(pc) =	sbr.rel @p0 .LBB2_1-.Ltmp12, $3  }
0x101: {  	_ =	sdelay $0x1  }
0x102: {  	[sflag:s25] =	ssyncset.done $0x0  }
0x103: {  	[sflag:s25] =	ssyncadd.s32 $0xFFFFF63C  }
0x104: {  	_ =	sfence.sel $0x180000  }
0x105: {  	[bflag:$0x0] =	sbarrier.arrive $0xFFFF  }
0x106: {  	_ =	strace $0x90000047  }
0x107: {  	s0 =	stileid.u32;
	[bflag:$0x2] =	sbarrier.arrive $0xFFFF  }
0x108: {  	p0 =	sne.s32 s0, $0x0;
	s0 =	rddreg [dreg:$0x5]  }
0x109: {  	s0 =	sadd.s32 @!p0 $0x100000, s0  }
0x10a: {  	[sflag:s0] =	ssyncadd.tile.s32 @!p0 $0x1;
	_ =	shalt  }
.Lfunc_end2:
_tile_overlayer_lowered:
.L_overlay_start_2:
0x10b: {  	(tag) =	ssettag $0x2  }
0x10c: {  	s0 =	rddreg [dreg:$0x0];
	s2 =	stileid.u32  }
0x10d: {  	s1 =	rddreg [dreg:$0x1];
	p0 =	sne.s32 s2, $0x0  }
0x10e: {  	s3 =	rddreg [dreg:$0x2];
	[bflag:$0x3] =	sbarrier.arrive $0xFFFF;
	s2 =	simm.s32 @!p0 $0x1C05  }
0x10f: {  	[timem:s3], [sflag:s2] =	dma.local @!p0 [hbm:s0], s1  }
0x110: {  	s0 =	simm.s32 @!p0 $0x5  }
0x111: {  	_ =	swait.ge @!p0 [sflag:s0], s1  }
0x112: {  	s1 =	ssub.s32 @!p0 $0x0, s1;
	[sflag:s0] =	ssyncset.done @!p0 $0x0  }
0x113: {  	[sflag:s0] =	ssyncadd.s32 @!p0 s1  }
0x114: {  	[bflag:$0x3] =	sbarrier.arrive $0xFFFF  }
0x115: {  	_ =	shalt  }

// kernel: kernel.7.cloned.1.call-start
scs
__scs_entry_jumppad:
0x0: {  	(pc) =	sbr.rel $0x88, $3  }
0x1: {  	(tag) =	ssettag $0x0;
	lr =	simm.s32 $0x1  }
0x2: {  	[smem:$0x3F95] =	sst lr;
	_ =	strace $0xD0000000  }
0x3: {  	_ = 	snop  }
0x4: {  	_ = 	snop  }
0x5: {  	_ = 	snop  }
0x6: {  	_ = 	snop  }
0x7: {  	_ = 	snop  }
__scs_overlays_trampoline_lowered:
0x8: {  	[smem:$0x3FA4] =	sst s0  }
0x9: {  	[smem:$0x3FA5] =	sst s1  }
0xa: {  	[smem:$0x3FA6] =	sst s2  }
0xb: {  	[smem:$0x3FA7] =	sst s3  }
0xc: {  	[smem:$0x3FA8] =	sst s4  }
0xd: {  	[smem:$0x3FA9] =	sst s5  }
0xe: {  	[smem:$0x3FAA] =	sst s6  }
0xf: {  	[smem:$0x3FAB] =	sst s7  }
0x10: {  	[smem:$0x3FAC] =	sst s8  }
0x11: {  	[smem:$0x3FAD] =	sst s9;
	s0 =	simm.s32 @!p0 $0x0  }
0x12: {  	s1 =	sld [smem:$0x3F93];
	s0 =	simm.s32 @p0 $0x1  }
0x13: {  	[smem:$0x3FAE] =	sst s0;
	s0 =	simm.s32 @!p1 $0x0  }
0x14: {  	s2 =	sld [smem:$0x3F92];
	s0 =	simm.s32 @p1 $0x1  }
0x15: {  	[smem:$0x3FAF] =	sst s0;
	s0 =	simm.s32 @!p2 $0x0  }
0x16: {  	s3 =	sld [smem:$0x3FDB];
	s0 =	simm.s32 @p2 $0x1  }
0x17: {  	s4 =	simm.s32 $0x1BF5;
	[smem:$0x3FB1] =	sst s0  }
0x18: {  	s0 =	sld [smem:$0x3F94];
	_ =	swait.ge [sflag:s4], $0x0  }
0x19: {  	s7 =	sld [smem:$0x3F95]  }
0x1a: {  	s8 =	sadd.s32 $0xFFFFE003, lr  }
0x1b: {  	s9 =	sadd.s32 $0xFFFFFEF7, lr;
	s5 =	simm.s32 $0xFFFFFFFF;
	p2 =	slt.u32 s8, $0xFFFFF086  }
0x1c: {  	p1 =	slt.u32 s9, $0xF7A;
	s5 =	simm.s32 @!p2 $0x0  }
0x1d: {  	s5 =	simm.s32 @p1 $0x1;
	p0 =	seq.s32 s7, s2  }
0x1e: {  	s7 =	smul.u32 @!p0 $0xF7A, s2;
	p2 =	seq.s32 @!p0 s5, $0x0  }
0x1f: {  	s9 =	smul.u32 $0xF7A, s1;
	s8 =	simm.s32 @!p0 $0x1BF5;
	p2 =	por !p2, p0  }
0x20: {  	[sflag:s8] =	ssyncset.s32 @!p0 $0xFFFFF086;
	s6 =	sadd.s32 @!p0 s3, s7;
	s7 =	simm.s32 @!p0 $0x108  }
0x21: {  	s3 =	sadd.s32 s3, s9;
	s6 =	sadd.s32 @!p0 $0x88, s6;
	s7 =	simm.s32 @p2 $0x1082  }
0x22: {  	[simem:s7], [sflag:s8] =	dma.local @!p0 [hbm:s6], $0xF7A  }
0x23: {  	s9 =	sor.u32 $0xD0000000, s2;
	s6 =	simm.s32 $0x108;
	_ =	swait.ge @!p0 [sflag:s8], $0x0  }
0x24: {  	s3 =	sadd.s32 $0x88, s3;
	s6 =	simm.s32 @!p1 $0x1082;
	[sflag:s4] =	ssyncset.s32 $0xFFFFF086  }
0x25: {  	[simem:s6], [sflag:s4] =	dma.local [hbm:s3], $0xF7A  }
0x26: {  	[smem:$0x3F95] =	sst s1;
	(tag) =	ssettag s2;
	_ =	strace s9  }
0x27: {  	s1 =	sld [smem:$0x3FA5]  }
0x28: {  	s2 =	sld [smem:$0x3FA6]  }
0x29: {  	s4 =	sld [smem:$0x3FA8]  }
0x2a: {  	p0 =	seq.s32 s5, $0x0;
	s5 =	sld [smem:$0x3FA9]  }
0x2b: {  	s6 =	sld [smem:$0x3FAA]  }
0x2c: {  	s7 =	sld [smem:$0x3FAB]  }
0x2d: {  	s3 =	simm.s32 $0x108;
	s8 =	sld [smem:$0x3FAC]  }
0x2e: {  	s3 =	simm.s32 @!p0 $0x1082;
	s9 =	sld [smem:$0x3FAD]  }
0x2f: {  	lr =	sadd.s32 s0, s3;
	s0 =	sld [smem:$0x3FA4]  }
0x30: {  	s3 =	sld [smem:$0x3FA7]  }
0x31: {  	[smem:$0x3FB0] =	sst s10  }
0x32: {  	s10 =	sld [smem:$0x3FAE];
	_ =	sdelay $0x3  }
0x33: {  	p0 =	seq.s32 s10, $0x1;
	s10 =	sld [smem:$0x3FB0];
	_ =	sdelay $0x3  }
0x34: {  	[smem:$0x3FB0] =	sst s10  }
0x35: {  	s10 =	sld [smem:$0x3FAF];
	_ =	sdelay $0x3  }
0x36: {  	p1 =	seq.s32 s10, $0x1;
	s10 =	sld [smem:$0x3FB0];
	_ =	sdelay $0x3  }
0x37: {  	[smem:$0x3FB0] =	sst s10  }
0x38: {  	s10 =	sld [smem:$0x3FB1]  }
0x39: {  	_ = 	snop;
	(pc) =	sbr.ind lr, $3  }
0x3a: {  	_ = 	snop  }
0x3b: {  	_ = 	snop  }
0x3c: {  	p2 =	seq.s32 s10, $0x1;
	s10 =	sld [smem:$0x3FB0]  }
0x3d: {  	_ =	shalt  }
0x3e: {  	_ =	shalt  }
0x3f: {  	_ =	shalt  }
0x40: {  	_ =	shalt  }
0x41: {  	_ =	shalt  }
0x42: {  	_ =	shalt  }
0x43: {  	_ =	shalt  }
0x44: {  	_ =	shalt  }
0x45: {  	_ =	shalt  }
0x46: {  	_ =	shalt  }
0x47: {  	_ =	shalt  }
0x48: {  	_ =	shalt  }
0x49: {  	_ =	shalt  }
0x4a: {  	_ =	shalt  }
0x4b: {  	_ =	shalt  }
0x4c: {  	_ =	shalt  }
0x4d: {  	_ =	shalt  }
0x4e: {  	_ =	shalt  }
0x4f: {  	_ =	shalt  }
0x50: {  	_ =	shalt  }
0x51: {  	_ =	shalt  }
0x52: {  	_ =	shalt  }
0x53: {  	_ =	shalt  }
0x54: {  	_ =	shalt  }
0x55: {  	_ =	shalt  }
0x56: {  	_ =	shalt  }
0x57: {  	_ =	shalt  }
0x58: {  	_ =	shalt  }
0x59: {  	_ =	shalt  }
0x5a: {  	_ =	shalt  }
0x5b: {  	_ =	shalt  }
0x5c: {  	_ =	shalt  }
0x5d: {  	_ =	shalt  }
0x5e: {  	_ =	shalt  }
0x5f: {  	_ =	shalt  }
0x60: {  	_ =	shalt  }
0x61: {  	_ =	shalt  }
0x62: {  	_ =	shalt  }
0x63: {  	_ =	shalt  }
0x64: {  	_ =	shalt  }
0x65: {  	_ =	shalt  }
0x66: {  	_ =	shalt  }
0x67: {  	_ =	shalt  }
0x68: {  	_ =	shalt  }
0x69: {  	_ =	shalt  }
0x6a: {  	_ =	shalt  }
0x6b: {  	_ =	shalt  }
0x6c: {  	_ =	shalt  }
0x6d: {  	_ =	shalt  }
0x6e: {  	_ =	shalt  }
0x6f: {  	_ =	shalt  }
0x70: {  	_ =	shalt  }
0x71: {  	_ =	shalt  }
0x72: {  	_ =	shalt  }
0x73: {  	_ =	shalt  }
0x74: {  	_ =	shalt  }
0x75: {  	_ =	shalt  }
0x76: {  	_ =	shalt  }
0x77: {  	_ =	shalt  }
0x78: {  	_ =	shalt  }
0x79: {  	_ =	shalt  }
0x7a: {  	_ =	shalt  }
0x7b: {  	_ =	shalt  }
0x7c: {  	_ =	shalt  }
0x7d: {  	_ =	shalt  }
0x7e: {  	_ =	shalt  }
0x7f: {  	_ =	shalt  }
0x80: {  	_ =	shalt  }
0x81: {  	_ =	shalt  }
0x82: {  	_ =	shalt  }
0x83: {  	_ =	shalt  }
0x84: {  	_ =	shalt  }
0x85: {  	_ =	shalt  }
0x86: {  	_ =	shalt  }
0x87: {  	_ =	shalt  }
.Lfunc_end0:
.L_simem_size_0:
called_computation_lowered:
.L_overlay_start_0:
0x88: {  	s2 =	sld [smem:$0x3FD9]  }
0x89: {  	s3 =	sld [smem:$0x3FFE];
	_ =	sdelay $0x1  }
0x8a: {  	s1 =	srdreg.scid  }
0x8b: {  	s0 =	sand.u32 $0x1, s1  }
0x8c: {  	s17 =	sshll.u32 s0, $0xA;
	s2 =	sadd.s32 s3, s2  }
0x8d: {  	s2 =	sadd.s32 s2, s17  }
0x8e: {  	[smem:$0x3FBC] =	sst s2  }
0x8f: {  	_ = 	snop  }
0x90: {  	s4 =	sld [smem:$0x3FC9]  }
0x91: {  	s18 =	sld [smem:$0x3FD0];
	(tm) =	ssettm $0x1  }
0x92: {  	s19 =	sld [smem:$0x3FFB];
	_ =	sdelay $0x3  }
0x93: {  	_ =	strace s19  }
0x94: {  	s2 =	sld [smem:$0x3FFC];
	_ =	sdelay $0x3  }
0x95: {  	_ =	strace s2  }
0x96: {  	s2 =	sld [smem:$0x3FFD];
	_ =	sdelay $0x3  }
0x97: {  	_ =	strace s2  }
0x98: {  	_ =	strace $0x8FFFFFFF  }
0x99: {  	s20 =	sld [smem:$0x3FDB];
	_ =	sdelay $0x1  }
0x9a: {  	s5 =	simm.s32 $_scs_section_size  }
0x9b: {  	s6 =	simm.s32 $_size__tile_overlayer_lowered;
	s7 =	simm.s32 $_tile_overlayer_lowered  }
0x9c: {  	s8 =	simm.s32 $0x1BFF;
	s21 =	sshll.u32 s7, $0x1;
	s5 =	sadd.s32 s5, s20  }
0x9d: {  	s22 =	simm.s32 $0x0;
	s6 =	sshll.u32 s6, $0x1;
	s7 =	sadd.s32 s21, s5  }
0x9e: {  	[timem:s22], [sflag:s8] =	dma.local [hbm:s7], s6  }
0x9f: {  	_ =	swait.ge [sflag:s8], s6  }
0xa0: {  	s6 =	ssub.s32 $0x0, s6;
	[sflag:s8] =	ssyncset.done $0x0  }
0xa1: {  	[sflag:s8] =	ssyncadd.s32 s6;
	_ =	sdelay $0x1  }
0xa2: {  	s23 =	simm.s32 $0x1B8B  }
0xa3: {  	_ =	swait.ge [sflag:s23], $0x1  }
0xa4: {  	[sflag:s23] =	ssyncset.done $0x0  }
0xa5: {  	[sflag:s23] =	ssyncadd.s32 $0xFFFFFFFF  }
0xa6: {  	s6 =	sld [smem:$0x0]  }
0xa7: {  	s7 =	sand.u32 $0xFFFFFFFE, s1  }
0xa8: {  	p0 =	sne.s32 s1, s7  }
0xa9: {  	s7 =	sshll.u32 @p0 s7, $0xE  }
0xaa: {  	s7 =	sadd.s32 @p0 $0x11B8D, s7;
	s8 =	sshll.u32 @p0 s6, $0x11  }
0xab: {  	s7 =	sor.u32 @p0 s8, s7  }
0xac: {  	[sflag:s7] =	ssyncadd.remote.s32 @p0 $0x1;
	_ =	sdelay $0x1  }
0xad: {  	s7 =	simm.s32 @p0 $0x1B8D  }
0xae: {  	_ =	swait.eq @p0 [sflag:s7], $0x1  }
0xaf: {  	[sflag:s7] =	ssyncadd.s32 @p0 $0xFFFFFFFF  }
0xb0: {  	s8 =	sshll.u32 @!p0 s1, $0xE  }
0xb1: {  	s8 =	sor.u32 @!p0 $0x4000, s8;
	s7 =	simm.s32 @!p0 $0x1B8D  }
0xb2: {  	s6 =	sshll.u32 @!p0 s6, $0x11;
	s8 =	sadd.s32 @!p0 $0x11B8D, s8;
	_ =	swait.eq @!p0 [sflag:s7], $0x1  }
0xb3: {  	s6 =	sor.u32 @!p0 s6, s8;
	[sflag:s7] =	ssyncadd.s32 @!p0 $0xFFFFFFFF  }
0xb4: {  	s25 =	simm.s32 $0x1B8E;
	s24 =	sld [smem:$0x3FFE];
	[sflag:s6] =	ssyncadd.remote.s32 @!p0 $0x1  }
0xb5: {  	s26 =	simm.s32 $execute0_lowered;
	[smem:$0x3FD2] =	sst s25  }
0xb6: {  	s7 =	sshll.u32 s26, $0x1;
	_ =	strace $0x80000049;
	[dreg:$0x1] =	wrdreg $0xFFFFFFFF  }
0xb7: {  	s28 =	simm.s32 $_size_execute0_lowered;
	s5 =	sadd.s32 s5, s7;
	[dreg:$0x0] =	wrdreg $0x0  }
0xb8: {  	s7 =	sshll.u32 s28, $0x1;
	[dreg:$0x2] =	wrdreg s5  }
0xb9: {  	[dreg:$0x3] =	wrdreg s7  }
0xba: {  	[dreg:$0x4] =	wrdreg $0xC0  }
0xbb: {  	_ =	task [dreg:s22], $0x5FFFF  }
0xbc: {  	[dreg:$0x1] =	wrdreg $0xFFFFFFFF  }
0xbd: {  	[dreg:$0x0] =	wrdreg $0x60  }
0xbe: {  	[dreg:$0x2] =	wrdreg s4  }
0xbf: {  	[dreg:$0x3] =	wrdreg s24  }
0xc0: {  	[dreg:$0x4] =	wrdreg s18  }
0xc1: {  	[dreg:$0x5] =	wrdreg $0x91000  }
0xc2: {  	[dreg:$0x6] =	wrdreg $0x9  }
0xc3: {  	_ =	task.clear_ibuf [dreg:s22], $0x7FFFF;
	_ =	strace $0x90000049  }
0xc4: {  	s29 =	simm.s32 $0x9;
	_ =	strace $0x8000004B  }
0xc5: {  	_ =	swait.ge [sflag:s29], $0x1  }
0xc6: {  	[sflag:s29] =	ssyncadd.s32 $0xFFFFFFFF  }
0xc7: {  	_ =	strace $0x9000004B  }
0xc8: {  	_ =	sfence  }
0xc9: {  	s30 =	sld [smem:$0x0];
	_ =	sdelay $0x2  }
0xca: {  	s31 =	sshll.u32 s1, $0xD;
	s1 =	sshrl.u32 s1, $0x2  }
0xcb: {  	s4 =	sand.u32 $0x4000, s31;
	s1 =	sadd.s32 s1, s30  }
0xcc: {  	s0 =	sor.u32 s4, s0;
	s1 =	sshll.u32 s1, $0x11  }
0xcd: {  	s0 =	sor.u32 s1, s0  }
0xce: {  	s0 =	sadd.s32 $0x8F2B, s0  }
0xcf: {  	[sflag:s0] =	ssyncadd.remote.s32 $0x1  }
0xd0: {  	_ =	sfence.sel $0xFFFF  }
0xd1: {  	[dreg:$0x0] =	wrdreg $0xFFFFFFFF;
	(pc) =	sbr.abs _section_cstart, $3  }
0xd2: {  	[dreg:$0x1] =	wrdreg $0xFFFFFFFF  }
0xd3: {  	_ =	task.clear_ibuf [dreg:s22], $0x2FFFF;
	_ =	strace $0x9FFFFFFF  }
0xd4: {  	(tm) =	ssettm $0x7FFFFFFF  }
0xd5: {  	_ =	shalt  }
tec
execute0_lowered:
.L_overlay_start_1:
0x0: {  	(tag) =	ssettag $0x1  }
0x1: {  	s1 =	rddreg [dreg:$0x0]  }
0x2: {  	s0 =	rddreg [dreg:$0x1]  }
0x3: {  	s9 =	stileid.u32;
	s5 =	rddreg [dreg:$0x2]  }
0x4: {  	s2 =	srdreg.scid;
	s3 =	rddreg [dreg:$0x3];
	s4 =	simm.s32 $0x0  }
0x5: {  	s20 =	simm.s32 $0x8780;
	s21 =	simm.s32 $0x8800;
	[smem:$0x7FF] =	sst s4  }
0x6: {  	s22 =	simm.s32 $0x7D80;
	_ =	strace $0x8000004A;
	[dreg:$0x7] =	wrdreg s20  }
0x7: {  	s23 =	simm.s32 $0x8880;
	s24 =	simm.s32 $0x7E00;
	[dreg:$0x8] =	wrdreg s21  }
0x8: {  	s25 =	simm.s32 $0x8900;
	s10 =	simm.s32 $0x7E80;
	[dreg:$0x9] =	wrdreg s22  }
0x9: {  	s11 =	simm.s32 $0x8980;
	s13 =	simm.s32 $0x7F00;
	[dreg:$0xa] =	wrdreg s23  }
0xa: {  	s14 =	simm.s32 $0x8A00;
	s15 =	simm.s32 $0x7F80;
	[dreg:$0xb] =	wrdreg s24  }
0xb: {  	s17 =	simm.s32 $0x8A80;
	s18 =	simm.s32 $0x8000;
	[dreg:$0xc] =	wrdreg s25  }
0xc: {  	s28 =	simm.s32 $0x8F80;
	s29 =	simm.s32 $0x8500;
	[dreg:$0xd] =	wrdreg s10  }
0xd: {  	s30 =	simm.s32 $0x9000;
	s31 =	simm.s32 $0x8580;
	[dreg:$0xe] =	wrdreg s11  }
0xe: {  	s6 =	smul.u32 $0xA00, s9;
	s2 =	sand.u32 $0x1, s2;
	[dreg:$0xf] =	wrdreg s13  }
0xf: {  	s8 =	smul.u32 $0x13880, s9;
	s16 =	sshll.u32 s9, $0x6;
	[dreg:$0x10] =	wrdreg s14  }
0x10: {  	s9 =	simm.s32 $0x0;
	s7 =	smul.u32 $0x500, s2;
	[dreg:$0x11] =	wrdreg s15  }
0x11: {  	s19 =	smul.u32 $0x138800, s2;
	s2 =	ssub.s32 $0x2, s2;
	[dreg:$0x12] =	wrdreg s17  }
0x12: {  	[dreg:$0x13] =	wrdreg s18;
	s20 =	simm.s32 $0x8080;
	s21 =	simm.s32 $0x8B80  }
0x13: {  	s10 =	simm.s32 $0x3;
	s22 =	simm.s32 $0x8100;
	s11 =	simm.s32 $0x7D00  }
0x14: {  	s23 =	simm.s32 $0x8C00;
	s24 =	simm.s32 $0x8180;
	[dreg:$0x15] =	wrdreg s20  }
0x15: {  	s13 =	simm.s32 $0x7D;
	s25 =	simm.s32 $0x8C80;
	[dreg:$0x16] =	wrdreg s21  }
0x16: {  	s14 =	simm.s32 $0x1;
	s15 =	simm.s32 $0x3E80;
	[dreg:$0x17] =	wrdreg s22  }
0x17: {  	s17 =	simm.s32 $0x8D00;
	s18 =	simm.s32 $0x8280;
	[dreg:$0x18] =	wrdreg s23  }
0x18: {  	s6 =	sadd.s32 s6, s0;
	s26 =	sshrl.u32 s2, $0x1;
	[dreg:$0x19] =	wrdreg s24  }
0x19: {  	s12 =	sadd.s32 s8, s3;
	[dreg:$0x1a] =	wrdreg s25;
	s20 =	simm.s32 $0x8300  }
0x1a: {  	s21 =	simm.s32 $0x8E00;
	s22 =	simm.s32 $0x8380;
	s23 =	simm.s32 $0x8E80  }
0x1b: {  	s6 =	sadd.s32 s7, s6;
	s2 =	ssub.s32 s2, s26;
	s26 =	simm.s32 $0x8200  }
0x1c: {  	s24 =	simm.s32 $0x8400;
	s7 =	sadd.s32 $0x5BC400, s6;
	[dreg:$0x1b] =	wrdreg s26  }
0x1d: {  	s25 =	simm.s32 $0x8F00;
	s6 =	sadd.s32 $0x5B2400, s6;
	[dreg:$0x5] =	wrdreg s7  }
0x1e: {  	s2 =	smax.u32 s2, $0x1;
	s26 =	simm.s32 $0x8480;
	[dreg:$0x6] =	wrdreg s6  }
0x1f: {  	s7 =	sadd.s32 s8, s19;
	s8 =	sshrl.u32 s8, $0x3;
	s19 =	simm.s32 $0x8B00  }
0x20: {  	[dreg:$0x1f] =	wrdreg s2;
	s2 =	simm.s32 $0x9080;
	s7 =	sshrl.u32 s7, $0x3  }
0x21: {  	s5 =	sadd.s32 s5, s8;
	s8 =	sor.u32 $0x1C03, s16;
	[dreg:$0x14] =	wrdreg s19  }
0x22: {  	s16 =	simm.s32 $0x2;
	s19 =	simm.s32 $0x8D80;
	[dreg:$0x1c] =	wrdreg s5  }
0x23: {  	s0 =	sadd.s32 s7, s0;
	s7 =	sshrl.u32 s12, $0x3;
	[dreg:$0x1d] =	wrdreg s8  }
0x24: {  	s12 =	simm.s32 $0x8700;
	s0 =	sadd.s32 $0x5C6400, s0;
	[smem:$0x7FD] =	sst s7  }
0x25: {  	s5 =	simm.s32 $0x8680;
	[dreg:$0x1e] =	wrdreg s0;
	s0 =	simm.s32 $0x8600  }
.LBB2_1:
0x26: {  	[smem:$0x7FC] =	sst s9  }
0x27: {  	s6 =	rddreg [dreg:$0x1c]  }
0x28: {  	[spmem:s7], [sflag:s8] =	dma.local [hbm:s6], $0x2710  }
0x29: {  	_ =	swait.ge [sflag:s10], $0x2710  }
0x2a: {  	[sflag:s10] =	ssyncset.done $0x0  }
0x2b: {  	[sflag:s10] =	ssyncadd.s32 $0xFFFFD8F0  }
0x2c: {  	[bflag:$0x0] =	sbarrier.arrive $0xFFFF  }
0x2d: {  	s9 =	rddreg [dreg:$0x6]  }
0x2e: {  	s6 =	sadd.s32 $0x0, s9  }
0x2f: {  	[tilespmem:s11], [sflag:$0x3] =	stream.linear.gather [hbm4b:s6+s4], $0xA00, $0x38;
	[tilespmem:$0x1C980] =	vst v63  }
0x30: {  	_ =	swait.ge [sflag:s10], $0xA00  }
0x31: {  	s7 =	rddreg [dreg:$0x5];
	[sflag:s10] =	ssyncset.done $0x0  }
0x32: {  	[sflag:s10] =	ssyncadd.s32 $0xFFFFF600;
	s6 =	sadd.s32 $0x0, s7  }
0x33: {  	[tilespmem:s12], [sflag:$0x3] =	stream.linear.gather [hbm4b:s6+s4], $0xA00, $0x38;
	[tilespmem:$0x1C980] =	vst v63  }
0x34: {  	_ =	swait.ge [sflag:s10], $0xA00  }
0x35: {  	[sflag:s10] =	ssyncset.done $0x0  }
0x36: {  	[sflag:s10] =	ssyncadd.s32 $0xFFFFF600  }
0x37: {  	[tilespmem:s4], [sflag:$0x1] =	stream.indirect.gather [hbm4b:s1+s13], $0x80, s12, s13, $0xb8;
	[tilespmem:$0x1C980] =	vst v63  }
0x38: {  	_ =	swait.ge [sflag:s14], $0x3E80  }
0x39: {  	[sflag:s14] =	ssyncset.done $0x0  }
0x3a: {  	s8 =	rddreg [dreg:$0x7];
	[sflag:s14] =	ssyncadd.s32 $0xFFFFC180  }
0x3b: {  	[tilespmem:s15], [sflag:$0x2] =	stream.indirect.gather [hbm4b:s1+s13], $0x80, s8, s13, $0xb8;
	[tilespmem:$0x1C980] =	vst v63  }
0x3c: {  	_ = 	snop  }
0x3d: {  	[spmem:s3] =	stream.indirect.scatter.add.f32 [tilespmem:s4], [sflag:$0x3], $0x80, s11, s13, $0xb8;
	[tilespmem:$0x1C980] =	vst v63  }
0x3e: {  	_ =	swait.ge [sflag:s10], $0x3E80  }
0x3f: {  	[sflag:s10] =	ssyncset.done $0x0  }
0x40: {  	[sflag:s10] =	ssyncadd.s32 $0xFFFFC180  }
0x41: {  	_ =	swait.ge [sflag:s16], $0x3E80  }
0x42: {  	[sflag:s16] =	ssyncset.done $0x0  }
0x43: {  	s9 =	rddreg [dreg:$0x8];
	[sflag:s16] =	ssyncadd.s32 $0xFFFFC180  }
0x44: {  	[tilespmem:s4], [sflag:$0x1] =	stream.indirect.gather [hbm4b:s1+s13], $0x80, s9, s13, $0xb8;
	[tilespmem:$0x1C980] =	vst v63  }
0x45: {  	s7 =	rddreg [dreg:$0x9]  }
0x46: {  	[spmem:s3] =	stream.indirect.scatter.add.f32 [tilespmem:s15], [sflag:$0x3], $0x80, s7, s13, $0xb8;
	[tilespmem:$0x1C980] =	vst v63  }
0x47: {  	_ =	swait.ge [sflag:s10], $0x3E80  }
0x48: {  	[sflag:s10] =	ssyncset.done $0x0  }
0x49: {  	[sflag:s10] =	ssyncadd.s32 $0xFFFFC180  }
0x4a: {  	_ =	swait.ge [sflag:s14], $0x3E80  }
0x4b: {  	[sflag:s14] =	ssyncset.done $0x0  }
0x4c: {  	s9 =	rddreg [dreg:$0xa];
	[sflag:s14] =	ssyncadd.s32 $0xFFFFC180  }
0x4d: {  	[tilespmem:s15], [sflag:$0x2] =	stream.indirect.gather [hbm4b:s1+s13], $0x80, s9, s13, $0xb8;
	[tilespmem:$0x1C980] =	vst v63  }
0x4e: {  	s7 =	rddreg [dreg:$0xb]  }
0x4f: {  	[spmem:s3] =	stream.indirect.scatter.add.f32 [tilespmem:s4], [sflag:$0x3], $0x80, s7, s13, $0xb8;
	[tilespmem:$0x1C980] =	vst v63  }
0x50: {  	_ =	swait.ge [sflag:s10], $0x3E80  }
0x51: {  	[sflag:s10] =	ssyncset.done $0x0  }
0x52: {  	[sflag:s10] =	ssyncadd.s32 $0xFFFFC180  }
0x53: {  	_ =	swait.ge [sflag:s16], $0x3E80  }
0x54: {  	[sflag:s16] =	ssyncset.done $0x0  }
0x55: {  	s9 =	rddreg [dreg:$0xc];
	[sflag:s16] =	ssyncadd.s32 $0xFFFFC180  }
0x56: {  	[tilespmem:s4], [sflag:$0x1] =	stream.indirect.gather [hbm4b:s1+s13], $0x80, s9, s13, $0xb8;
	[tilespmem:$0x1C980] =	vst v63  }
0x57: {  	s7 =	rddreg [dreg:$0xd]  }
0x58: {  	[spmem:s3] =	stream.indirect.scatter.add.f32 [tilespmem:s15], [sflag:$0x3], $0x80, s7, s13, $0xb8;
	[tilespmem:$0x1C980] =	vst v63  }
0x59: {  	_ =	swait.ge [sflag:s10], $0x3E80  }
0x5a: {  	[sflag:s10] =	ssyncset.done $0x0  }
0x5b: {  	[sflag:s10] =	ssyncadd.s32 $0xFFFFC180  }
0x5c: {  	_ =	swait.ge [sflag:s14], $0x3E80  }
0x5d: {  	[sflag:s14] =	ssyncset.done $0x0  }
0x5e: {  	s9 =	rddreg [dreg:$0xe];
	[sflag:s14] =	ssyncadd.s32 $0xFFFFC180  }
0x5f: {  	[tilespmem:s15], [sflag:$0x2] =	stream.indirect.gather [hbm4b:s1+s13], $0x80, s9, s13, $0xb8;
	[tilespmem:$0x1C980] =	vst v63  }
0x60: {  	s7 =	rddreg [dreg:$0xf]  }
0x61: {  	[spmem:s3] =	stream.indirect.scatter.add.f32 [tilespmem:s4], [sflag:$0x3], $0x80, s7, s13, $0xb8;
	[tilespmem:$0x1C980] =	vst v63  }
0x62: {  	_ =	swait.ge [sflag:s10], $0x3E80  }
0x63: {  	[sflag:s10] =	ssyncset.done $0x0  }
0x64: {  	[sflag:s10] =	ssyncadd.s32 $0xFFFFC180  }
0x65: {  	_ =	swait.ge [sflag:s16], $0x3E80  }
0x66: {  	[sflag:s16] =	ssyncset.done $0x0  }
0x67: {  	s9 =	rddreg [dreg:$0x10];
	[sflag:s16] =	ssyncadd.s32 $0xFFFFC180  }
0x68: {  	[tilespmem:s4], [sflag:$0x1] =	stream.indirect.gather [hbm4b:s1+s13], $0x80, s9, s13, $0xb8;
	[tilespmem:$0x1C980] =	vst v63  }
0x69: {  	s7 =	rddreg [dreg:$0x11]  }
0x6a: {  	[spmem:s3] =	stream.indirect.scatter.add.f32 [tilespmem:s15], [sflag:$0x3], $0x80, s7, s13, $0xb8;
	[tilespmem:$0x1C980] =	vst v63  }
0x6b: {  	_ =	swait.ge [sflag:s10], $0x3E80  }
0x6c: {  	[sflag:s10] =	ssyncset.done $0x0  }
0x6d: {  	[sflag:s10] =	ssyncadd.s32 $0xFFFFC180  }
0x6e: {  	_ =	swait.ge [sflag:s14], $0x3E80  }
0x6f: {  	[sflag:s14] =	ssyncset.done $0x0  }
0x70: {  	s9 =	rddreg [dreg:$0x12];
	[sflag:s14] =	ssyncadd.s32 $0xFFFFC180  }
0x71: {  	[tilespmem:s15], [sflag:$0x2] =	stream.indirect.gather [hbm4b:s1+s13], $0x80, s9, s13, $0xb8;
	[tilespmem:$0x1C980] =	vst v63  }
0x72: {  	s7 =	rddreg [dreg:$0x13]  }
0x73: {  	[spmem:s3] =	stream.indirect.scatter.add.f32 [tilespmem:s4], [sflag:$0x3], $0x80, s7, s13, $0xb8;
	[tilespmem:$0x1C980] =	vst v63  }
0x74: {  	_ =	swait.ge [sflag:s10], $0x3E80  }
0x75: {  	[sflag:s10] =	ssyncset.done $0x0  }
0x76: {  	[sflag:s10] =	ssyncadd.s32 $0xFFFFC180  }
0x77: {  	_ =	swait.ge [sflag:s16], $0x3E80  }
0x78: {  	[sflag:s16] =	ssyncset.done $0x0  }
0x79: {  	s9 =	rddreg [dreg:$0x14];
	[sflag:s16] =	ssyncadd.s32 $0xFFFFC180  }
0x7a: {  	[tilespmem:s4], [sflag:$0x1] =	stream.indirect.gather [hbm4b:s1+s13], $0x80, s9, s13, $0xb8;
	[tilespmem:$0x1C980] =	vst v63  }
0x7b: {  	s7 =	rddreg [dreg:$0x15]  }
0x7c: {  	[spmem:s3] =	stream.indirect.scatter.add.f32 [tilespmem:s15], [sflag:$0x3], $0x80, s7, s13, $0xb8;
	[tilespmem:$0x1C980] =	vst v63  }
0x7d: {  	_ =	swait.ge [sflag:s10], $0x3E80  }
0x7e: {  	[sflag:s10] =	ssyncset.done $0x0  }
0x7f: {  	[sflag:s10] =	ssyncadd.s32 $0xFFFFC180  }
0x80: {  	_ =	swait.ge [sflag:s14], $0x3E80  }
0x81: {  	[sflag:s14] =	ssyncset.done $0x0  }
0x82: {  	s9 =	rddreg [dreg:$0x16];
	[sflag:s14] =	ssyncadd.s32 $0xFFFFC180  }
0x83: {  	[tilespmem:s15], [sflag:$0x2] =	stream.indirect.gather [hbm4b:s1+s13], $0x80, s9, s13, $0xb8;
	[tilespmem:$0x1C980] =	vst v63  }
0x84: {  	s7 =	rddreg [dreg:$0x17]  }
0x85: {  	[spmem:s3] =	stream.indirect.scatter.add.f32 [tilespmem:s4], [sflag:$0x3], $0x80, s7, s13, $0xb8;
	[tilespmem:$0x1C980] =	vst v63  }
0x86: {  	_ =	swait.ge [sflag:s10], $0x3E80  }
0x87: {  	[sflag:s10] =	ssyncset.done $0x0  }
0x88: {  	[sflag:s10] =	ssyncadd.s32 $0xFFFFC180  }
0x89: {  	_ =	swait.ge [sflag:s16], $0x3E80  }
0x8a: {  	[sflag:s16] =	ssyncset.done $0x0  }
0x8b: {  	s9 =	rddreg [dreg:$0x18];
	[sflag:s16] =	ssyncadd.s32 $0xFFFFC180  }
0x8c: {  	[tilespmem:s4], [sflag:$0x1] =	stream.indirect.gather [hbm4b:s1+s13], $0x80, s9, s13, $0xb8;
	[tilespmem:$0x1C980] =	vst v63  }
0x8d: {  	s7 =	rddreg [dreg:$0x19]  }
0x8e: {  	[spmem:s3] =	stream.indirect.scatter.add.f32 [tilespmem:s15], [sflag:$0x3], $0x80, s7, s13, $0xb8;
	[tilespmem:$0x1C980] =	vst v63  }
0x8f: {  	_ =	swait.ge [sflag:s10], $0x3E80  }
0x90: {  	[sflag:s10] =	ssyncset.done $0x0  }
0x91: {  	[sflag:s10] =	ssyncadd.s32 $0xFFFFC180  }
0x92: {  	_ =	swait.ge [sflag:s14], $0x3E80  }
0x93: {  	[sflag:s14] =	ssyncset.done $0x0  }
0x94: {  	s8 =	rddreg [dreg:$0x1a];
	[sflag:s14] =	ssyncadd.s32 $0xFFFFC180  }
0x95: {  	[tilespmem:s15], [sflag:$0x2] =	stream.indirect.gather [hbm4b:s1+s13], $0x80, s8, s13, $0xb8;
	[tilespmem:$0x1C980] =	vst v63  }
0x96: {  	s9 =	rddreg [dreg:$0x1b]  }
0x97: {  	[spmem:s3] =	stream.indirect.scatter.add.f32 [tilespmem:s4], [sflag:$0x3], $0x80, s9, s13, $0xb8;
	[tilespmem:$0x1C980] =	vst v63  }
0x98: {  	_ =	swait.ge [sflag:s10], $0x3E80  }
0x99: {  	[sflag:s10] =	ssyncset.done $0x0  }
0x9a: {  	[sflag:s10] =	ssyncadd.s32 $0xFFFFC180  }
0x9b: {  	_ =	swait.ge [sflag:s16], $0x3E80  }
0x9c: {  	[sflag:s16] =	ssyncset.done $0x0  }
0x9d: {  	[sflag:s16] =	ssyncadd.s32 $0xFFFFC180  }
0x9e: {  	[tilespmem:s4], [sflag:$0x1] =	stream.indirect.gather [hbm4b:s1+s13], $0x80, s17, s13, $0xb8;
	[tilespmem:$0x1C980] =	vst v63  }
0x9f: {  	_ = 	snop  }
0xa0: {  	[spmem:s3] =	stream.indirect.scatter.add.f32 [tilespmem:s15], [sflag:$0x3], $0x80, s18, s13, $0xb8;
	[tilespmem:$0x1C980] =	vst v63  }
0xa1: {  	_ =	swait.ge [sflag:s10], $0x3E80  }
0xa2: {  	[sflag:s10] =	ssyncset.done $0x0  }
0xa3: {  	[sflag:s10] =	ssyncadd.s32 $0xFFFFC180  }
0xa4: {  	_ =	swait.ge [sflag:s14], $0x3E80  }
0xa5: {  	[sflag:s14] =	ssyncset.done $0x0  }
0xa6: {  	[sflag:s14] =	ssyncadd.s32 $0xFFFFC180  }
0xa7: {  	[tilespmem:s15], [sflag:$0x2] =	stream.indirect.gather [hbm4b:s1+s13], $0x80, s19, s13, $0xb8;
	[tilespmem:$0x1C980] =	vst v63  }
0xa8: {  	_ = 	snop  }
0xa9: {  	[spmem:s3] =	stream.indirect.scatter.add.f32 [tilespmem:s4], [sflag:$0x3], $0x80, s20, s13, $0xb8;
	[tilespmem:$0x1C980] =	vst v63  }
0xaa: {  	_ =	swait.ge [sflag:s10], $0x3E80  }
0xab: {  	[sflag:s10] =	ssyncset.done $0x0  }
0xac: {  	[sflag:s10] =	ssyncadd.s32 $0xFFFFC180  }
0xad: {  	_ =	swait.ge [sflag:s16], $0x3E80  }
0xae: {  	[sflag:s16] =	ssyncset.done $0x0  }
0xaf: {  	[sflag:s16] =	ssyncadd.s32 $0xFFFFC180  }
0xb0: {  	[tilespmem:s4], [sflag:$0x1] =	stream.indirect.gather [hbm4b:s1+s13], $0x80, s21, s13, $0xb8;
	[tilespmem:$0x1C980] =	vst v63  }
0xb1: {  	_ = 	snop  }
0xb2: {  	[spmem:s3] =	stream.indirect.scatter.add.f32 [tilespmem:s15], [sflag:$0x3], $0x80, s22, s13, $0xb8;
	[tilespmem:$0x1C980] =	vst v63  }
0xb3: {  	_ =	swait.ge [sflag:s10], $0x3E80  }
0xb4: {  	[sflag:s10] =	ssyncset.done $0x0  }
0xb5: {  	[sflag:s10] =	ssyncadd.s32 $0xFFFFC180  }
0xb6: {  	_ =	swait.ge [sflag:s14], $0x3E80  }
0xb7: {  	[sflag:s14] =	ssyncset.done $0x0  }
0xb8: {  	[sflag:s14] =	ssyncadd.s32 $0xFFFFC180  }
0xb9: {  	[tilespmem:s15], [sflag:$0x2] =	stream.indirect.gather [hbm4b:s1+s13], $0x80, s23, s13, $0xb8;
	[tilespmem:$0x1C980] =	vst v63  }
0xba: {  	_ = 	snop  }
0xbb: {  	[spmem:s3] =	stream.indirect.scatter.add.f32 [tilespmem:s4], [sflag:$0x3], $0x80, s24, s13, $0xb8;
	[tilespmem:$0x1C980] =	vst v63  }
0xbc: {  	_ =	swait.ge [sflag:s10], $0x3E80  }
0xbd: {  	[sflag:s10] =	ssyncset.done $0x0  }
0xbe: {  	[sflag:s10] =	ssyncadd.s32 $0xFFFFC180  }
0xbf: {  	_ =	swait.ge [sflag:s16], $0x3E80  }
0xc0: {  	[sflag:s16] =	ssyncset.done $0x0  }
0xc1: {  	[sflag:s16] =	ssyncadd.s32 $0xFFFFC180  }
0xc2: {  	[tilespmem:s4], [sflag:$0x1] =	stream.indirect.gather [hbm4b:s1+s13], $0x80, s25, s13, $0xb8;
	[tilespmem:$0x1C980] =	vst v63  }
0xc3: {  	_ = 	snop  }
0xc4: {  	[spmem:s3] =	stream.indirect.scatter.add.f32 [tilespmem:s15], [sflag:$0x3], $0x80, s26, s13, $0xb8;
	[tilespmem:$0x1C980] =	vst v63  }
0xc5: {  	_ =	swait.ge [sflag:s10], $0x3E80  }
0xc6: {  	[sflag:s10] =	ssyncset.done $0x0  }
0xc7: {  	[sflag:s10] =	ssyncadd.s32 $0xFFFFC180  }
0xc8: {  	_ =	swait.ge [sflag:s14], $0x3E80  }
0xc9: {  	[sflag:s14] =	ssyncset.done $0x0  }
0xca: {  	[sflag:s14] =	ssyncadd.s32 $0xFFFFC180  }
0xcb: {  	[tilespmem:s15], [sflag:$0x2] =	stream.indirect.gather [hbm4b:s1+s13], $0x80, s28, s13, $0xb8;
	[tilespmem:$0x1C980] =	vst v63  }
0xcc: {  	_ = 	snop  }
0xcd: {  	[spmem:s3] =	stream.indirect.scatter.add.f32 [tilespmem:s4], [sflag:$0x3], $0x80, s29, s13, $0xb8;
	[tilespmem:$0x1C980] =	vst v63  }
0xce: {  	_ =	swait.ge [sflag:s10], $0x3E80  }
0xcf: {  	[sflag:s10] =	ssyncset.done $0x0  }
0xd0: {  	[sflag:s10] =	ssyncadd.s32 $0xFFFFC180  }
0xd1: {  	_ =	swait.ge [sflag:s16], $0x3E80  }
0xd2: {  	[sflag:s16] =	ssyncset.done $0x0  }
0xd3: {  	[sflag:s16] =	ssyncadd.s32 $0xFFFFC180  }
0xd4: {  	[tilespmem:s4], [sflag:$0x1] =	stream.indirect.gather [hbm4b:s1+s13], $0x80, s30, s13, $0xb8;
	[tilespmem:$0x1C980] =	vst v63  }
0xd5: {  	_ = 	snop  }
0xd6: {  	[spmem:s3] =	stream.indirect.scatter.add.f32 [tilespmem:s15], [sflag:$0x3], $0x80, s31, s13, $0xb8;
	[tilespmem:$0x1C980] =	vst v63  }
0xd7: {  	_ =	swait.ge [sflag:s10], $0x3E80  }
0xd8: {  	[sflag:s10] =	ssyncset.done $0x0  }
0xd9: {  	[sflag:s10] =	ssyncadd.s32 $0xFFFFC180  }
0xda: {  	_ =	swait.ge [sflag:s14], $0x3E80  }
0xdb: {  	[sflag:s14] =	ssyncset.done $0x0  }
0xdc: {  	[sflag:s14] =	ssyncadd.s32 $0xFFFFC180  }
0xdd: {  	[tilespmem:s15], [sflag:$0x2] =	stream.indirect.gather [hbm4b:s1+s13], $0x80, s2, s13, $0xb8;
	[tilespmem:$0x1C980] =	vst v63  }
0xde: {  	_ = 	snop  }
0xdf: {  	[spmem:s3] =	stream.indirect.scatter.add.f32 [tilespmem:s4], [sflag:$0x3], $0x80, s0, s13, $0xb8;
	[tilespmem:$0x1C980] =	vst v63  }
0xe0: {  	_ =	swait.ge [sflag:s10], $0x3E80  }
0xe1: {  	[sflag:s10] =	ssyncset.done $0x0  }
0xe2: {  	[sflag:s10] =	ssyncadd.s32 $0xFFFFC180  }
0xe3: {  	_ =	swait.ge [sflag:s16], $0x3E80  }
0xe4: {  	[sflag:s16] =	ssyncset.done $0x0  }
0xe5: {  	[sflag:s16] =	ssyncadd.s32 $0xFFFFC180  }
0xe6: {  	[spmem:s3] =	stream.indirect.scatter.add.f32 [tilespmem:s15], [sflag:$0x3], $0x80, s5, s13, $0xb8;
	[tilespmem:$0x1C980] =	vst v63  }
0xe7: {  	s6 =	simm.s32 $0x280;
	_ =	swait.ge [sflag:s10], $0x3E80  }
0xe8: {  	s8 =	simm.s32 $0x140;
	s9 =	rddreg [dreg:$0x6];
	[sflag:s10] =	ssyncset.done $0x0  }
.LBB2_2:
0xe9: {  	[sflag:s10] =	ssyncadd.s32 $0xFFFFC180;
	s9 =	sadd.s32 s8, s9  }
0xea: {  	[tilespmem:s11], [sflag:$0x3] =	stream.linear.gather [hbm4b:s9+s4], $0xA00, $0x38;
	[tilespmem:$0x1C980] =	vst v63  }
0xeb: {  	_ =	swait.ge [sflag:s10], $0xA00  }
0xec: {  	s9 =	rddreg [dreg:$0x5];
	[sflag:s10] =	ssyncset.done $0x0  }
0xed: {  	[sflag:s10] =	ssyncadd.s32 $0xFFFFF600;
	s9 =	sadd.s32 s8, s9  }
0xee: {  	[tilespmem:s12], [sflag:$0x3] =	stream.linear.gather [hbm4b:s9+s4], $0xA00, $0x38;
	[tilespmem:$0x1C980] =	vst v63  }
0xef: {  	_ =	swait.ge [sflag:s10], $0xA00  }
0xf0: {  	[sflag:s10] =	ssyncset.done $0x0  }
0xf1: {  	[sflag:s10] =	ssyncadd.s32 $0xFFFFF600  }
0xf2: {  	[tilespmem:s4], [sflag:$0x1] =	stream.indirect.gather [hbm4b:s1+s13], $0x80, s12, s13, $0xb8;
	[tilespmem:$0x1C980] =	vst v63  }
0xf3: {  	_ =	swait.ge [sflag:s14], $0x3E80  }
0xf4: {  	[sflag:s14] =	ssyncset.done $0x0  }
0xf5: {  	s9 =	rddreg [dreg:$0x7];
	[sflag:s14] =	ssyncadd.s32 $0xFFFFC180  }
0xf6: {  	[tilespmem:s15], [sflag:$0x2] =	stream.indirect.gather [hbm4b:s1+s13], $0x80, s9, s13, $0xb8;
	[tilespmem:$0x1C980] =	vst v63  }
0xf7: {  	_ = 	snop  }
0xf8: {  	[spmem:s3] =	stream.indirect.scatter.add.f32 [tilespmem:s4], [sflag:$0x3], $0x80, s11, s13, $0xb8;
	[tilespmem:$0x1C980] =	vst v63  }
0xf9: {  	_ =	swait.ge [sflag:s10], $0x3E80  }
0xfa: {  	[sflag:s10] =	ssyncset.done $0x0  }
0xfb: {  	[sflag:s10] =	ssyncadd.s32 $0xFFFFC180  }
0xfc: {  	_ =	swait.ge [sflag:s16], $0x3E80  }
0xfd: {  	s7 =	smov.u32 s6;
	[sflag:s16] =	ssyncset.done $0x0  }
0xfe: {  	s8 =	smov.u32 s7;
	s7 =	rddreg [dreg:$0x8];
	[sflag:s16] =	ssyncadd.s32 $0xFFFFC180  }
0xff: {  	[tilespmem:s4], [sflag:$0x1] =	stream.indirect.gather [hbm4b:s1+s13], $0x80, s7, s13, $0xb8;
	[tilespmem:$0x1C980] =	vst v63  }
0x100: {  	s9 =	rddreg [dreg:$0x9]  }
0x101: {  	[spmem:s3] =	stream.indirect.scatter.add.f32 [tilespmem:s15], [sflag:$0x3], $0x80, s9, s13, $0xb8;
	[tilespmem:$0x1C980] =	vst v63  }
0x102: {  	_ =	swait.ge [sflag:s10], $0x3E80  }
0x103: {  	[sflag:s10] =	ssyncset.done $0x0  }
0x104: {  	[sflag:s10] =	ssyncadd.s32 $0xFFFFC180  }
0x105: {  	_ =	swait.ge [sflag:s14], $0x3E80  }
0x106: {  	[sflag:s14] =	ssyncset.done $0x0  }
0x107: {  	s7 =	rddreg [dreg:$0xa];
	[sflag:s14] =	ssyncadd.s32 $0xFFFFC180  }
0x108: {  	[tilespmem:s15], [sflag:$0x2] =	stream.indirect.gather [hbm4b:s1+s13], $0x80, s7, s13, $0xb8;
	[tilespmem:$0x1C980] =	vst v63  }
0x109: {  	s9 =	rddreg [dreg:$0xb]  }
0x10a: {  	[spmem:s3] =	stream.indirect.scatter.add.f32 [tilespmem:s4], [sflag:$0x3], $0x80, s9, s13, $0xb8;
	[tilespmem:$0x1C980] =	vst v63  }
0x10b: {  	_ =	swait.ge [sflag:s10], $0x3E80  }
0x10c: {  	[sflag:s10] =	ssyncset.done $0x0  }
0x10d: {  	[sflag:s10] =	ssyncadd.s32 $0xFFFFC180  }
0x10e: {  	_ =	swait.ge [sflag:s16], $0x3E80  }
0x10f: {  	[sflag:s16] =	ssyncset.done $0x0  }
0x110: {  	s7 =	rddreg [dreg:$0xc];
	[sflag:s16] =	ssyncadd.s32 $0xFFFFC180  }
0x111: {  	[tilespmem:s4], [sflag:$0x1] =	stream.indirect.gather [hbm4b:s1+s13], $0x80, s7, s13, $0xb8;
	[tilespmem:$0x1C980] =	vst v63  }
0x112: {  	s9 =	rddreg [dreg:$0xd]  }
0x113: {  	[spmem:s3] =	stream.indirect.scatter.add.f32 [tilespmem:s15], [sflag:$0x3], $0x80, s9, s13, $0xb8;
	[tilespmem:$0x1C980] =	vst v63  }
0x114: {  	_ =	swait.ge [sflag:s10], $0x3E80  }
0x115: {  	[sflag:s10] =	ssyncset.done $0x0  }
0x116: {  	[sflag:s10] =	ssyncadd.s32 $0xFFFFC180  }
0x117: {  	_ =	swait.ge [sflag:s14], $0x3E80  }
0x118: {  	[sflag:s14] =	ssyncset.done $0x0  }
0x119: {  	s7 =	rddreg [dreg:$0xe];
	[sflag:s14] =	ssyncadd.s32 $0xFFFFC180  }
0x11a: {  	[tilespmem:s15], [sflag:$0x2] =	stream.indirect.gather [hbm4b:s1+s13], $0x80, s7, s13, $0xb8;
	[tilespmem:$0x1C980] =	vst v63  }
0x11b: {  	s9 =	rddreg [dreg:$0xf]  }
0x11c: {  	[spmem:s3] =	stream.indirect.scatter.add.f32 [tilespmem:s4], [sflag:$0x3], $0x80, s9, s13, $0xb8;
	[tilespmem:$0x1C980] =	vst v63  }
0x11d: {  	_ =	swait.ge [sflag:s10], $0x3E80  }
0x11e: {  	[sflag:s10] =	ssyncset.done $0x0  }
0x11f: {  	[sflag:s10] =	ssyncadd.s32 $0xFFFFC180  }
0x120: {  	_ =	swait.ge [sflag:s16], $0x3E80  }
0x121: {  	[sflag:s16] =	ssyncset.done $0x0  }
0x122: {  	s7 =	rddreg [dreg:$0x10];
	[sflag:s16] =	ssyncadd.s32 $0xFFFFC180  }
0x123: {  	[tilespmem:s4], [sflag:$0x1] =	stream.indirect.gather [hbm4b:s1+s13], $0x80, s7, s13, $0xb8;
	[tilespmem:$0x1C980] =	vst v63  }
0x124: {  	s9 =	rddreg [dreg:$0x11]  }
0x125: {  	[spmem:s3] =	stream.indirect.scatter.add.f32 [tilespmem:s15], [sflag:$0x3], $0x80, s9, s13, $0xb8;
	[tilespmem:$0x1C980] =	vst v63  }
0x126: {  	_ =	swait.ge [sflag:s10], $0x3E80  }
0x127: {  	[sflag:s10] =	ssyncset.done $0x0  }
0x128: {  	[sflag:s10] =	ssyncadd.s32 $0xFFFFC180  }
0x129: {  	_ =	swait.ge [sflag:s14], $0x3E80  }
0x12a: {  	[sflag:s14] =	ssyncset.done $0x0  }
0x12b: {  	s7 =	rddreg [dreg:$0x12];
	[sflag:s14] =	ssyncadd.s32 $0xFFFFC180  }
0x12c: {  	[tilespmem:s15], [sflag:$0x2] =	stream.indirect.gather [hbm4b:s1+s13], $0x80, s7, s13, $0xb8;
	[tilespmem:$0x1C980] =	vst v63  }
0x12d: {  	s9 =	rddreg [dreg:$0x13]  }
0x12e: {  	[spmem:s3] =	stream.indirect.scatter.add.f32 [tilespmem:s4], [sflag:$0x3], $0x80, s9, s13, $0xb8;
	[tilespmem:$0x1C980] =	vst v63  }
0x12f: {  	_ =	swait.ge [sflag:s10], $0x3E80  }
0x130: {  	[sflag:s10] =	ssyncset.done $0x0  }
0x131: {  	[sflag:s10] =	ssyncadd.s32 $0xFFFFC180  }
0x132: {  	_ =	swait.ge [sflag:s16], $0x3E80  }
0x133: {  	[sflag:s16] =	ssyncset.done $0x0  }
0x134: {  	s7 =	rddreg [dreg:$0x14];
	[sflag:s16] =	ssyncadd.s32 $0xFFFFC180  }
0x135: {  	[tilespmem:s4], [sflag:$0x1] =	stream.indirect.gather [hbm4b:s1+s13], $0x80, s7, s13, $0xb8;
	[tilespmem:$0x1C980] =	vst v63  }
0x136: {  	s9 =	rddreg [dreg:$0x15]  }
0x137: {  	[spmem:s3] =	stream.indirect.scatter.add.f32 [tilespmem:s15], [sflag:$0x3], $0x80, s9, s13, $0xb8;
	[tilespmem:$0x1C980] =	vst v63  }
0x138: {  	_ =	swait.ge [sflag:s10], $0x3E80  }
0x139: {  	[sflag:s10] =	ssyncset.done $0x0  }
0x13a: {  	[sflag:s10] =	ssyncadd.s32 $0xFFFFC180  }
0x13b: {  	_ =	swait.ge [sflag:s14], $0x3E80  }
0x13c: {  	[sflag:s14] =	ssyncset.done $0x0  }
0x13d: {  	s7 =	rddreg [dreg:$0x16];
	[sflag:s14] =	ssyncadd.s32 $0xFFFFC180  }
0x13e: {  	[tilespmem:s15], [sflag:$0x2] =	stream.indirect.gather [hbm4b:s1+s13], $0x80, s7, s13, $0xb8;
	[tilespmem:$0x1C980] =	vst v63  }
0x13f: {  	s9 =	rddreg [dreg:$0x17]  }
0x140: {  	[spmem:s3] =	stream.indirect.scatter.add.f32 [tilespmem:s4], [sflag:$0x3], $0x80, s9, s13, $0xb8;
	[tilespmem:$0x1C980] =	vst v63  }
0x141: {  	_ =	swait.ge [sflag:s10], $0x3E80  }
0x142: {  	[sflag:s10] =	ssyncset.done $0x0  }
0x143: {  	[sflag:s10] =	ssyncadd.s32 $0xFFFFC180  }
0x144: {  	_ =	swait.ge [sflag:s16], $0x3E80  }
0x145: {  	[sflag:s16] =	ssyncset.done $0x0  }
0x146: {  	s7 =	rddreg [dreg:$0x18];
	[sflag:s16] =	ssyncadd.s32 $0xFFFFC180  }
0x147: {  	[tilespmem:s4], [sflag:$0x1] =	stream.indirect.gather [hbm4b:s1+s13], $0x80, s7, s13, $0xb8;
	[tilespmem:$0x1C980] =	vst v63  }
0x148: {  	s9 =	rddreg [dreg:$0x19]  }
0x149: {  	[spmem:s3] =	stream.indirect.scatter.add.f32 [tilespmem:s15], [sflag:$0x3], $0x80, s9, s13, $0xb8;
	[tilespmem:$0x1C980] =	vst v63  }
0x14a: {  	_ =	swait.ge [sflag:s10], $0x3E80  }
0x14b: {  	[sflag:s10] =	ssyncset.done $0x0  }
0x14c: {  	[sflag:s10] =	ssyncadd.s32 $0xFFFFC180  }
0x14d: {  	_ =	swait.ge [sflag:s14], $0x3E80  }
0x14e: {  	[sflag:s14] =	ssyncset.done $0x0  }
0x14f: {  	s7 =	rddreg [dreg:$0x1a];
	[sflag:s14] =	ssyncadd.s32 $0xFFFFC180  }
0x150: {  	[tilespmem:s15], [sflag:$0x2] =	stream.indirect.gather [hbm4b:s1+s13], $0x80, s7, s13, $0xb8;
	[tilespmem:$0x1C980] =	vst v63  }
0x151: {  	s9 =	rddreg [dreg:$0x1b]  }
0x152: {  	[spmem:s3] =	stream.indirect.scatter.add.f32 [tilespmem:s4], [sflag:$0x3], $0x80, s9, s13, $0xb8;
	[tilespmem:$0x1C980] =	vst v63  }
0x153: {  	_ =	swait.ge [sflag:s10], $0x3E80  }
0x154: {  	[sflag:s10] =	ssyncset.done $0x0  }
0x155: {  	[sflag:s10] =	ssyncadd.s32 $0xFFFFC180  }
0x156: {  	_ =	swait.ge [sflag:s16], $0x3E80  }
0x157: {  	[sflag:s16] =	ssyncset.done $0x0  }
0x158: {  	[sflag:s16] =	ssyncadd.s32 $0xFFFFC180  }
0x159: {  	[tilespmem:s4], [sflag:$0x1] =	stream.indirect.gather [hbm4b:s1+s13], $0x80, s17, s13, $0xb8;
	[tilespmem:$0x1C980] =	vst v63  }
0x15a: {  	_ = 	snop  }
0x15b: {  	[spmem:s3] =	stream.indirect.scatter.add.f32 [tilespmem:s15], [sflag:$0x3], $0x80, s18, s13, $0xb8;
	[tilespmem:$0x1C980] =	vst v63  }
0x15c: {  	_ =	swait.ge [sflag:s10], $0x3E80  }
0x15d: {  	[sflag:s10] =	ssyncset.done $0x0  }
0x15e: {  	[sflag:s10] =	ssyncadd.s32 $0xFFFFC180  }
0x15f: {  	_ =	swait.ge [sflag:s14], $0x3E80  }
0x160: {  	[sflag:s14] =	ssyncset.done $0x0  }
0x161: {  	[sflag:s14] =	ssyncadd.s32 $0xFFFFC180  }
0x162: {  	[tilespmem:s15], [sflag:$0x2] =	stream.indirect.gather [hbm4b:s1+s13], $0x80, s19, s13, $0xb8;
	[tilespmem:$0x1C980] =	vst v63  }
0x163: {  	_ = 	snop  }
0x164: {  	[spmem:s3] =	stream.indirect.scatter.add.f32 [tilespmem:s4], [sflag:$0x3], $0x80, s20, s13, $0xb8;
	[tilespmem:$0x1C980] =	vst v63  }
0x165: {  	_ =	swait.ge [sflag:s10], $0x3E80  }
0x166: {  	[sflag:s10] =	ssyncset.done $0x0  }
0x167: {  	[sflag:s10] =	ssyncadd.s32 $0xFFFFC180  }
0x168: {  	_ =	swait.ge [sflag:s16], $0x3E80  }
0x169: {  	[sflag:s16] =	ssyncset.done $0x0  }
0x16a: {  	[sflag:s16] =	ssyncadd.s32 $0xFFFFC180  }
0x16b: {  	[tilespmem:s4], [sflag:$0x1] =	stream.indirect.gather [hbm4b:s1+s13], $0x80, s21, s13, $0xb8;
	[tilespmem:$0x1C980] =	vst v63  }
0x16c: {  	_ = 	snop  }
0x16d: {  	[spmem:s3] =	stream.indirect.scatter.add.f32 [tilespmem:s15], [sflag:$0x3], $0x80, s22, s13, $0xb8;
	[tilespmem:$0x1C980] =	vst v63  }
0x16e: {  	_ =	swait.ge [sflag:s10], $0x3E80  }
0x16f: {  	[sflag:s10] =	ssyncset.done $0x0  }
0x170: {  	[sflag:s10] =	ssyncadd.s32 $0xFFFFC180  }
0x171: {  	_ =	swait.ge [sflag:s14], $0x3E80  }
0x172: {  	[sflag:s14] =	ssyncset.done $0x0  }
0x173: {  	[sflag:s14] =	ssyncadd.s32 $0xFFFFC180  }
0x174: {  	[tilespmem:s15], [sflag:$0x2] =	stream.indirect.gather [hbm4b:s1+s13], $0x80, s23, s13, $0xb8;
	[tilespmem:$0x1C980] =	vst v63  }
0x175: {  	_ = 	snop  }
0x176: {  	[spmem:s3] =	stream.indirect.scatter.add.f32 [tilespmem:s4], [sflag:$0x3], $0x80, s24, s13, $0xb8;
	[tilespmem:$0x1C980] =	vst v63  }
0x177: {  	_ =	swait.ge [sflag:s10], $0x3E80  }
0x178: {  	[sflag:s10] =	ssyncset.done $0x0  }
0x179: {  	[sflag:s10] =	ssyncadd.s32 $0xFFFFC180  }
0x17a: {  	_ =	swait.ge [sflag:s16], $0x3E80  }
0x17b: {  	[sflag:s16] =	ssyncset.done $0x0  }
0x17c: {  	[sflag:s16] =	ssyncadd.s32 $0xFFFFC180  }
0x17d: {  	[tilespmem:s4], [sflag:$0x1] =	stream.indirect.gather [hbm4b:s1+s13], $0x80, s25, s13, $0xb8;
	[tilespmem:$0x1C980] =	vst v63  }
0x17e: {  	_ = 	snop  }
0x17f: {  	[spmem:s3] =	stream.indirect.scatter.add.f32 [tilespmem:s15], [sflag:$0x3], $0x80, s26, s13, $0xb8;
	[tilespmem:$0x1C980] =	vst v63  }
0x180: {  	_ =	swait.ge [sflag:s10], $0x3E80  }
0x181: {  	[sflag:s10] =	ssyncset.done $0x0  }
0x182: {  	[sflag:s10] =	ssyncadd.s32 $0xFFFFC180  }
0x183: {  	_ =	swait.ge [sflag:s14], $0x3E80  }
0x184: {  	[sflag:s14] =	ssyncset.done $0x0  }
0x185: {  	[sflag:s14] =	ssyncadd.s32 $0xFFFFC180  }
0x186: {  	[tilespmem:s15], [sflag:$0x2] =	stream.indirect.gather [hbm4b:s1+s13], $0x80, s28, s13, $0xb8;
	[tilespmem:$0x1C980] =	vst v63  }
0x187: {  	_ = 	snop  }
0x188: {  	[spmem:s3] =	stream.indirect.scatter.add.f32 [tilespmem:s4], [sflag:$0x3], $0x80, s29, s13, $0xb8;
	[tilespmem:$0x1C980] =	vst v63  }
0x189: {  	_ =	swait.ge [sflag:s10], $0x3E80  }
0x18a: {  	[sflag:s10] =	ssyncset.done $0x0  }
0x18b: {  	[sflag:s10] =	ssyncadd.s32 $0xFFFFC180  }
0x18c: {  	_ =	swait.ge [sflag:s16], $0x3E80  }
0x18d: {  	[sflag:s16] =	ssyncset.done $0x0  }
0x18e: {  	[sflag:s16] =	ssyncadd.s32 $0xFFFFC180  }
0x18f: {  	[tilespmem:s4], [sflag:$0x1] =	stream.indirect.gather [hbm4b:s1+s13], $0x80, s30, s13, $0xb8;
	[tilespmem:$0x1C980] =	vst v63  }
0x190: {  	_ = 	snop  }
0x191: {  	[spmem:s3] =	stream.indirect.scatter.add.f32 [tilespmem:s15], [sflag:$0x3], $0x80, s31, s13, $0xb8;
	[tilespmem:$0x1C980] =	vst v63  }
0x192: {  	_ =	swait.ge [sflag:s10], $0x3E80  }
0x193: {  	[sflag:s10] =	ssyncset.done $0x0  }
0x194: {  	[sflag:s10] =	ssyncadd.s32 $0xFFFFC180  }
0x195: {  	_ =	swait.ge [sflag:s14], $0x3E80  }
0x196: {  	[sflag:s14] =	ssyncset.done $0x0  }
0x197: {  	[sflag:s14] =	ssyncadd.s32 $0xFFFFC180  }
0x198: {  	[tilespmem:s15], [sflag:$0x2] =	stream.indirect.gather [hbm4b:s1+s13], $0x80, s2, s13, $0xb8;
	[tilespmem:$0x1C980] =	vst v63  }
0x199: {  	_ = 	snop  }
0x19a: {  	[spmem:s3] =	stream.indirect.scatter.add.f32 [tilespmem:s4], [sflag:$0x3], $0x80, s0, s13, $0xb8;
	[tilespmem:$0x1C980] =	vst v63  }
0x19b: {  	_ =	swait.ge [sflag:s10], $0x3E80  }
0x19c: {  	[sflag:s10] =	ssyncset.done $0x0  }
0x19d: {  	[sflag:s10] =	ssyncadd.s32 $0xFFFFC180  }
0x19e: {  	p0 =	sne.s32 s6, $0x3C0;
	_ =	swait.ge [sflag:s16], $0x3E80  }
.Ltmp0:
0x19f: {  	[sflag:s16] =	ssyncset.done $0x0;
	(pc) =	sbr.rel @p0 .LBB2_2-.Ltmp0, $4  }
0x1a0: {  	[sflag:s16] =	ssyncadd.s32 $0xFFFFC180  }
0x1a1: {  	[spmem:s3] =	stream.indirect.scatter.add.f32 [tilespmem:s15], [sflag:$0x3], $0x80, s5, s13, $0xb8;
	[tilespmem:$0x1C980] =	vst v63  }
0x1a2: {  	_ =	swait.ge [sflag:s10], $0x3E80  }
0x1a3: {  	s6 =	sadd.s32 $0x140, s6;
	s9 =	rddreg [dreg:$0x6];
	[sflag:s10] =	ssyncset.done $0x0  }
0x1a4: {  	[sflag:s10] =	ssyncadd.s32 $0xFFFFC180;
	s6 =	sadd.s32 s8, s9  }
0x1a5: {  	[tilespmem:s11], [sflag:$0x3] =	stream.linear.gather [hbm4b:s6+s4], $0xA00, $0x38;
	[tilespmem:$0x1C980] =	vst v63  }
0x1a6: {  	_ =	swait.ge [sflag:s10], $0xA00  }
0x1a7: {  	s7 =	rddreg [dreg:$0x5];
	[sflag:s10] =	ssyncset.done $0x0  }
0x1a8: {  	[sflag:s10] =	ssyncadd.s32 $0xFFFFF600;
	s6 =	sadd.s32 s8, s7  }
0x1a9: {  	[tilespmem:s12], [sflag:$0x3] =	stream.linear.gather [hbm4b:s6+s4], $0xA00, $0x38;
	[tilespmem:$0x1C980] =	vst v63  }
0x1aa: {  	_ =	swait.ge [sflag:s10], $0xA00  }
0x1ab: {  	[sflag:s10] =	ssyncset.done $0x0  }
0x1ac: {  	[sflag:s10] =	ssyncadd.s32 $0xFFFFF600  }
0x1ad: {  	[tilespmem:s4], [sflag:$0x1] =	stream.indirect.gather [hbm4b:s1+s13], $0x80, s12, s13, $0xb8;
	[tilespmem:$0x1C980] =	vst v63  }
0x1ae: {  	_ =	swait.ge [sflag:s14], $0x3E80  }
0x1af: {  	[sflag:s14] =	ssyncset.done $0x0  }
0x1b0: {  	s8 =	rddreg [dreg:$0x7];
	[sflag:s14] =	ssyncadd.s32 $0xFFFFC180  }
0x1b1: {  	[tilespmem:s15], [sflag:$0x2] =	stream.indirect.gather [hbm4b:s1+s13], $0x80, s8, s13, $0xb8;
	[tilespmem:$0x1C980] =	vst v63  }
0x1b2: {  	_ = 	snop  }
0x1b3: {  	[spmem:s3] =	stream.indirect.scatter.add.f32 [tilespmem:s4], [sflag:$0x3], $0x80, s11, s13, $0xb8;
	[tilespmem:$0x1C980] =	vst v63  }
0x1b4: {  	_ =	swait.ge [sflag:s10], $0x3E80  }
0x1b5: {  	[sflag:s10] =	ssyncset.done $0x0  }
0x1b6: {  	[sflag:s10] =	ssyncadd.s32 $0xFFFFC180  }
0x1b7: {  	_ =	swait.ge [sflag:s16], $0x3E80  }
0x1b8: {  	[sflag:s16] =	ssyncset.done $0x0  }
0x1b9: {  	s9 =	rddreg [dreg:$0x8];
	[sflag:s16] =	ssyncadd.s32 $0xFFFFC180  }
0x1ba: {  	[tilespmem:s4], [sflag:$0x1] =	stream.indirect.gather [hbm4b:s1+s13], $0x80, s9, s13, $0xb8;
	[tilespmem:$0x1C980] =	vst v63  }
0x1bb: {  	s7 =	rddreg [dreg:$0x9]  }
0x1bc: {  	[spmem:s3] =	stream.indirect.scatter.add.f32 [tilespmem:s15], [sflag:$0x3], $0x80, s7, s13, $0xb8;
	[tilespmem:$0x1C980] =	vst v63  }
0x1bd: {  	_ =	swait.ge [sflag:s10], $0x3E80  }
0x1be: {  	[sflag:s10] =	ssyncset.done $0x0  }
0x1bf: {  	[sflag:s10] =	ssyncadd.s32 $0xFFFFC180  }
0x1c0: {  	_ =	swait.ge [sflag:s14], $0x3E80  }
0x1c1: {  	[sflag:s14] =	ssyncset.done $0x0  }
0x1c2: {  	s8 =	rddreg [dreg:$0xa];
	[sflag:s14] =	ssyncadd.s32 $0xFFFFC180  }
0x1c3: {  	[tilespmem:s15], [sflag:$0x2] =	stream.indirect.gather [hbm4b:s1+s13], $0x80, s8, s13, $0xb8;
	[tilespmem:$0x1C980] =	vst v63  }
0x1c4: {  	s9 =	rddreg [dreg:$0xb]  }
0x1c5: {  	[spmem:s3] =	stream.indirect.scatter.add.f32 [tilespmem:s4], [sflag:$0x3], $0x80, s9, s13, $0xb8;
	[tilespmem:$0x1C980] =	vst v63  }
0x1c6: {  	_ =	swait.ge [sflag:s10], $0x3E80  }
0x1c7: {  	[sflag:s10] =	ssyncset.done $0x0  }
0x1c8: {  	[sflag:s10] =	ssyncadd.s32 $0xFFFFC180  }
0x1c9: {  	_ =	swait.ge [sflag:s16], $0x3E80  }
0x1ca: {  	[sflag:s16] =	ssyncset.done $0x0  }
0x1cb: {  	s8 =	rddreg [dreg:$0xc];
	[sflag:s16] =	ssyncadd.s32 $0xFFFFC180  }
0x1cc: {  	[tilespmem:s4], [sflag:$0x1] =	stream.indirect.gather [hbm4b:s1+s13], $0x80, s8, s13, $0xb8;
	[tilespmem:$0x1C980] =	vst v63  }
0x1cd: {  	s9 =	rddreg [dreg:$0xd]  }
0x1ce: {  	[spmem:s3] =	stream.indirect.scatter.add.f32 [tilespmem:s15], [sflag:$0x3], $0x80, s9, s13, $0xb8;
	[tilespmem:$0x1C980] =	vst v63  }
0x1cf: {  	_ =	swait.ge [sflag:s10], $0x3E80  }
0x1d0: {  	[sflag:s10] =	ssyncset.done $0x0  }
0x1d1: {  	[sflag:s10] =	ssyncadd.s32 $0xFFFFC180  }
0x1d2: {  	_ =	swait.ge [sflag:s14], $0x3E80  }
0x1d3: {  	[sflag:s14] =	ssyncset.done $0x0  }
0x1d4: {  	s8 =	rddreg [dreg:$0xe];
	[sflag:s14] =	ssyncadd.s32 $0xFFFFC180  }
0x1d5: {  	[tilespmem:s15], [sflag:$0x2] =	stream.indirect.gather [hbm4b:s1+s13], $0x80, s8, s13, $0xb8;
	[tilespmem:$0x1C980] =	vst v63  }
0x1d6: {  	s9 =	rddreg [dreg:$0xf]  }
0x1d7: {  	[spmem:s3] =	stream.indirect.scatter.add.f32 [tilespmem:s4], [sflag:$0x3], $0x80, s9, s13, $0xb8;
	[tilespmem:$0x1C980] =	vst v63  }
0x1d8: {  	_ =	swait.ge [sflag:s10], $0x3E80  }
0x1d9: {  	[sflag:s10] =	ssyncset.done $0x0  }
0x1da: {  	[sflag:s10] =	ssyncadd.s32 $0xFFFFC180  }
0x1db: {  	_ =	swait.ge [sflag:s16], $0x3E80  }
0x1dc: {  	[sflag:s16] =	ssyncset.done $0x0  }
0x1dd: {  	s8 =	rddreg [dreg:$0x10];
	[sflag:s16] =	ssyncadd.s32 $0xFFFFC180  }
0x1de: {  	[tilespmem:s4], [sflag:$0x1] =	stream.indirect.gather [hbm4b:s1+s13], $0x80, s8, s13, $0xb8;
	[tilespmem:$0x1C980] =	vst v63  }
0x1df: {  	s9 =	rddreg [dreg:$0x11]  }
0x1e0: {  	[spmem:s3] =	stream.indirect.scatter.add.f32 [tilespmem:s15], [sflag:$0x3], $0x80, s9, s13, $0xb8;
	[tilespmem:$0x1C980] =	vst v63  }
0x1e1: {  	_ =	swait.ge [sflag:s10], $0x3E80  }
0x1e2: {  	[sflag:s10] =	ssyncset.done $0x0  }
0x1e3: {  	[sflag:s10] =	ssyncadd.s32 $0xFFFFC180  }
0x1e4: {  	_ =	swait.ge [sflag:s14], $0x3E80  }
0x1e5: {  	[sflag:s14] =	ssyncset.done $0x0  }
0x1e6: {  	s8 =	rddreg [dreg:$0x12];
	[sflag:s14] =	ssyncadd.s32 $0xFFFFC180  }
0x1e7: {  	[tilespmem:s15], [sflag:$0x2] =	stream.indirect.gather [hbm4b:s1+s13], $0x80, s8, s13, $0xb8;
	[tilespmem:$0x1C980] =	vst v63  }
0x1e8: {  	s9 =	rddreg [dreg:$0x13]  }
0x1e9: {  	[spmem:s3] =	stream.indirect.scatter.add.f32 [tilespmem:s4], [sflag:$0x3], $0x80, s9, s13, $0xb8;
	[tilespmem:$0x1C980] =	vst v63  }
0x1ea: {  	_ =	swait.ge [sflag:s10], $0x3E80  }
0x1eb: {  	[sflag:s10] =	ssyncset.done $0x0  }
0x1ec: {  	[sflag:s10] =	ssyncadd.s32 $0xFFFFC180  }
0x1ed: {  	_ =	swait.ge [sflag:s16], $0x3E80  }
0x1ee: {  	[sflag:s16] =	ssyncset.done $0x0  }
0x1ef: {  	s8 =	rddreg [dreg:$0x14];
	[sflag:s16] =	ssyncadd.s32 $0xFFFFC180  }
0x1f0: {  	[tilespmem:s4], [sflag:$0x1] =	stream.indirect.gather [hbm4b:s1+s13], $0x80, s8, s13, $0xb8;
	[tilespmem:$0x1C980] =	vst v63  }
0x1f1: {  	s9 =	rddreg [dreg:$0x15]  }
0x1f2: {  	[spmem:s3] =	stream.indirect.scatter.add.f32 [tilespmem:s15], [sflag:$0x3], $0x80, s9, s13, $0xb8;
	[tilespmem:$0x1C980] =	vst v63  }
0x1f3: {  	_ =	swait.ge [sflag:s10], $0x3E80  }
0x1f4: {  	[sflag:s10] =	ssyncset.done $0x0  }
0x1f5: {  	[sflag:s10] =	ssyncadd.s32 $0xFFFFC180  }
0x1f6: {  	_ =	swait.ge [sflag:s14], $0x3E80  }
0x1f7: {  	[sflag:s14] =	ssyncset.done $0x0  }
0x1f8: {  	s8 =	rddreg [dreg:$0x16];
	[sflag:s14] =	ssyncadd.s32 $0xFFFFC180  }
0x1f9: {  	[tilespmem:s15], [sflag:$0x2] =	stream.indirect.gather [hbm4b:s1+s13], $0x80, s8, s13, $0xb8;
	[tilespmem:$0x1C980] =	vst v63  }
0x1fa: {  	s9 =	rddreg [dreg:$0x17]  }
0x1fb: {  	[spmem:s3] =	stream.indirect.scatter.add.f32 [tilespmem:s4], [sflag:$0x3], $0x80, s9, s13, $0xb8;
	[tilespmem:$0x1C980] =	vst v63  }
0x1fc: {  	_ =	swait.ge [sflag:s10], $0x3E80  }
0x1fd: {  	[sflag:s10] =	ssyncset.done $0x0  }
0x1fe: {  	[sflag:s10] =	ssyncadd.s32 $0xFFFFC180  }
0x1ff: {  	_ =	swait.ge [sflag:s16], $0x3E80  }
0x200: {  	[sflag:s16] =	ssyncset.done $0x0  }
0x201: {  	s8 =	rddreg [dreg:$0x18];
	[sflag:s16] =	ssyncadd.s32 $0xFFFFC180  }
0x202: {  	[tilespmem:s4], [sflag:$0x1] =	stream.indirect.gather [hbm4b:s1+s13], $0x80, s8, s13, $0xb8;
	[tilespmem:$0x1C980] =	vst v63  }
0x203: {  	s9 =	rddreg [dreg:$0x19]  }
0x204: {  	[spmem:s3] =	stream.indirect.scatter.add.f32 [tilespmem:s15], [sflag:$0x3], $0x80, s9, s13, $0xb8;
	[tilespmem:$0x1C980] =	vst v63  }
0x205: {  	_ =	swait.ge [sflag:s10], $0x3E80  }
0x206: {  	[sflag:s10] =	ssyncset.done $0x0  }
0x207: {  	[sflag:s10] =	ssyncadd.s32 $0xFFFFC180  }
0x208: {  	_ =	swait.ge [sflag:s14], $0x3E80  }
0x209: {  	[sflag:s14] =	ssyncset.done $0x0  }
0x20a: {  	s7 =	rddreg [dreg:$0x1a];
	[sflag:s14] =	ssyncadd.s32 $0xFFFFC180  }
0x20b: {  	[tilespmem:s15], [sflag:$0x2] =	stream.indirect.gather [hbm4b:s1+s13], $0x80, s7, s13, $0xb8;
	[tilespmem:$0x1C980] =	vst v63  }
0x20c: {  	s8 =	rddreg [dreg:$0x1b]  }
0x20d: {  	[spmem:s3] =	stream.indirect.scatter.add.f32 [tilespmem:s4], [sflag:$0x3], $0x80, s8, s13, $0xb8;
	[tilespmem:$0x1C980] =	vst v63  }
0x20e: {  	_ =	swait.ge [sflag:s10], $0x3E80  }
0x20f: {  	[sflag:s10] =	ssyncset.done $0x0  }
0x210: {  	[sflag:s10] =	ssyncadd.s32 $0xFFFFC180  }
0x211: {  	_ =	swait.ge [sflag:s16], $0x3E80  }
0x212: {  	[sflag:s16] =	ssyncset.done $0x0  }
0x213: {  	[sflag:s16] =	ssyncadd.s32 $0xFFFFC180  }
0x214: {  	[tilespmem:s4], [sflag:$0x1] =	stream.indirect.gather [hbm4b:s1+s13], $0x80, s17, s13, $0xb8;
	[tilespmem:$0x1C980] =	vst v63  }
0x215: {  	_ = 	snop  }
0x216: {  	[spmem:s3] =	stream.indirect.scatter.add.f32 [tilespmem:s15], [sflag:$0x3], $0x80, s18, s13, $0xb8;
	[tilespmem:$0x1C980] =	vst v63  }
0x217: {  	_ =	swait.ge [sflag:s10], $0x3E80  }
0x218: {  	[sflag:s10] =	ssyncset.done $0x0  }
0x219: {  	[sflag:s10] =	ssyncadd.s32 $0xFFFFC180  }
0x21a: {  	_ =	swait.ge [sflag:s14], $0x3E80  }
0x21b: {  	[sflag:s14] =	ssyncset.done $0x0  }
0x21c: {  	[sflag:s14] =	ssyncadd.s32 $0xFFFFC180  }
0x21d: {  	[tilespmem:s15], [sflag:$0x2] =	stream.indirect.gather [hbm4b:s1+s13], $0x80, s19, s13, $0xb8;
	[tilespmem:$0x1C980] =	vst v63  }
0x21e: {  	_ = 	snop  }
0x21f: {  	[spmem:s3] =	stream.indirect.scatter.add.f32 [tilespmem:s4], [sflag:$0x3], $0x80, s20, s13, $0xb8;
	[tilespmem:$0x1C980] =	vst v63  }
0x220: {  	_ =	swait.ge [sflag:s10], $0x3E80  }
0x221: {  	[sflag:s10] =	ssyncset.done $0x0  }
0x222: {  	[sflag:s10] =	ssyncadd.s32 $0xFFFFC180  }
0x223: {  	_ =	swait.ge [sflag:s16], $0x3E80  }
0x224: {  	[sflag:s16] =	ssyncset.done $0x0  }
0x225: {  	[sflag:s16] =	ssyncadd.s32 $0xFFFFC180  }
0x226: {  	[tilespmem:s4], [sflag:$0x1] =	stream.indirect.gather [hbm4b:s1+s13], $0x80, s21, s13, $0xb8;
	[tilespmem:$0x1C980] =	vst v63  }
0x227: {  	_ = 	snop  }
0x228: {  	[spmem:s3] =	stream.indirect.scatter.add.f32 [tilespmem:s15], [sflag:$0x3], $0x80, s22, s13, $0xb8;
	[tilespmem:$0x1C980] =	vst v63  }
0x229: {  	_ =	swait.ge [sflag:s10], $0x3E80  }
0x22a: {  	[sflag:s10] =	ssyncset.done $0x0  }
0x22b: {  	[sflag:s10] =	ssyncadd.s32 $0xFFFFC180  }
0x22c: {  	_ =	swait.ge [sflag:s14], $0x3E80  }
0x22d: {  	[sflag:s14] =	ssyncset.done $0x0  }
0x22e: {  	[sflag:s14] =	ssyncadd.s32 $0xFFFFC180  }
0x22f: {  	[tilespmem:s15], [sflag:$0x2] =	stream.indirect.gather [hbm4b:s1+s13], $0x80, s23, s13, $0xb8;
	[tilespmem:$0x1C980] =	vst v63  }
0x230: {  	_ = 	snop  }
0x231: {  	[spmem:s3] =	stream.indirect.scatter.add.f32 [tilespmem:s4], [sflag:$0x3], $0x80, s24, s13, $0xb8;
	[tilespmem:$0x1C980] =	vst v63  }
0x232: {  	_ =	swait.ge [sflag:s10], $0x3E80  }
0x233: {  	[sflag:s10] =	ssyncset.done $0x0  }
0x234: {  	[sflag:s10] =	ssyncadd.s32 $0xFFFFC180  }
0x235: {  	_ =	swait.ge [sflag:s16], $0x3E80  }
0x236: {  	[sflag:s16] =	ssyncset.done $0x0  }
0x237: {  	[sflag:s16] =	ssyncadd.s32 $0xFFFFC180  }
0x238: {  	[tilespmem:s4], [sflag:$0x1] =	stream.indirect.gather [hbm4b:s1+s13], $0x80, s25, s13, $0xb8;
	[tilespmem:$0x1C980] =	vst v63  }
0x239: {  	_ = 	snop  }
0x23a: {  	[spmem:s3] =	stream.indirect.scatter.add.f32 [tilespmem:s15], [sflag:$0x3], $0x80, s26, s13, $0xb8;
	[tilespmem:$0x1C980] =	vst v63  }
0x23b: {  	_ =	swait.ge [sflag:s10], $0x3E80  }
0x23c: {  	[sflag:s10] =	ssyncset.done $0x0  }
0x23d: {  	[sflag:s10] =	ssyncadd.s32 $0xFFFFC180  }
0x23e: {  	_ =	swait.ge [sflag:s14], $0x3E80  }
0x23f: {  	[sflag:s14] =	ssyncset.done $0x0  }
0x240: {  	[sflag:s14] =	ssyncadd.s32 $0xFFFFC180  }
0x241: {  	[tilespmem:s15], [sflag:$0x2] =	stream.indirect.gather [hbm4b:s1+s13], $0x80, s28, s13, $0xb8;
	[tilespmem:$0x1C980] =	vst v63  }
0x242: {  	_ = 	snop  }
0x243: {  	[spmem:s3] =	stream.indirect.scatter.add.f32 [tilespmem:s4], [sflag:$0x3], $0x80, s29, s13, $0xb8;
	[tilespmem:$0x1C980] =	vst v63  }
0x244: {  	_ =	swait.ge [sflag:s10], $0x3E80  }
0x245: {  	[sflag:s10] =	ssyncset.done $0x0  }
0x246: {  	[sflag:s10] =	ssyncadd.s32 $0xFFFFC180  }
0x247: {  	_ =	swait.ge [sflag:s16], $0x3E80  }
0x248: {  	[sflag:s16] =	ssyncset.done $0x0  }
0x249: {  	[sflag:s16] =	ssyncadd.s32 $0xFFFFC180  }
0x24a: {  	[tilespmem:s4], [sflag:$0x1] =	stream.indirect.gather [hbm4b:s1+s13], $0x80, s30, s13, $0xb8;
	[tilespmem:$0x1C980] =	vst v63  }
0x24b: {  	_ = 	snop  }
0x24c: {  	[spmem:s3] =	stream.indirect.scatter.add.f32 [tilespmem:s15], [sflag:$0x3], $0x80, s31, s13, $0xb8;
	[tilespmem:$0x1C980] =	vst v63  }
0x24d: {  	_ =	swait.ge [sflag:s10], $0x3E80  }
0x24e: {  	[sflag:s10] =	ssyncset.done $0x0  }
0x24f: {  	[sflag:s10] =	ssyncadd.s32 $0xFFFFC180  }
0x250: {  	_ =	swait.ge [sflag:s14], $0x3E80  }
0x251: {  	[sflag:s14] =	ssyncset.done $0x0  }
0x252: {  	[sflag:s14] =	ssyncadd.s32 $0xFFFFC180  }
0x253: {  	[tilespmem:s15], [sflag:$0x2] =	stream.indirect.gather [hbm4b:s1+s13], $0x80, s2, s13, $0xb8;
	[tilespmem:$0x1C980] =	vst v63  }
0x254: {  	_ = 	snop  }
0x255: {  	[spmem:s3] =	stream.indirect.scatter.add.f32 [tilespmem:s4], [sflag:$0x3], $0x80, s0, s13, $0xb8;
	[tilespmem:$0x1C980] =	vst v63  }
0x256: {  	_ =	swait.ge [sflag:s10], $0x3E80  }
0x257: {  	[sflag:s10] =	ssyncset.done $0x0  }
0x258: {  	[sflag:s10] =	ssyncadd.s32 $0xFFFFC180  }
0x259: {  	_ =	swait.ge [sflag:s16], $0x3E80  }
0x25a: {  	[sflag:s16] =	ssyncset.done $0x0  }
0x25b: {  	[sflag:s16] =	ssyncadd.s32 $0xFFFFC180  }
0x25c: {  	[spmem:s3] =	stream.indirect.scatter.add.f32 [tilespmem:s15], [sflag:$0x3], $0x80, s5, s13, $0xb8;
	[tilespmem:$0x1C980] =	vst v63  }
0x25d: {  	_ =	swait.ge [sflag:s10], $0x3E80  }
0x25e: {  	[sflag:s10] =	ssyncset.done $0x0  }
0x25f: {  	[sflag:s10] =	ssyncadd.s32 $0xFFFFC180  }
0x260: {  	[bflag:$0x0] =	sbarrier.arrive $0xFFFF  }
0x261: {  	s7 =	sld [smem:$0x7FD]  }
0x262: {  	s8 =	rddreg [dreg:$0x1d]  }
0x263: {  	s9 =	rddreg [dreg:$0x1e]  }
0x264: {  	[hbm:s9], [sflag:s8] =	dma.local [spmem:s7], $0x2710  }
0x265: {  	_ =	swait.ge [sflag:s10], $0x2710  }
0x266: {  	s6 =	sld [smem:$0x7FC];
	_ =	sdelay $0x2  }
0x267: {  	s9 =	sadd.s32 $0x1, s6;
	s6 =	rddreg [dreg:$0x1f]  }
0x268: {  	p0 =	sne.s32 s9, s6  }
.Ltmp1:
0x269: {  	_ = 	snop;
	(pc) =	sbr.rel @p0 .LBB2_1-.Ltmp1, $3  }
0x26a: {  	_ =	sdelay $0x1  }
0x26b: {  	[sflag:s10] =	ssyncset.done $0x0  }
0x26c: {  	[sflag:s10] =	ssyncadd.s32 $0xFFFFD8F0  }
0x26d: {  	_ =	sfence.sel $0x180000  }
0x26e: {  	[bflag:$0x0] =	sbarrier.arrive $0xFFFF  }
0x26f: {  	_ =	strace $0x9000004A  }
0x270: {  	s0 =	stileid.u32;
	[bflag:$0x2] =	sbarrier.arrive $0xFFFF  }
0x271: {  	p0 =	sne.s32 s0, $0x0;
	s0 =	rddreg [dreg:$0x4]  }
0x272: {  	s0 =	sadd.s32 @!p0 $0x100000, s0  }
0x273: {  	[sflag:s0] =	ssyncadd.tile.s32 @!p0 $0x1;
	_ =	shalt  }
.Lfunc_end2:
_tile_overlayer_lowered:
.L_overlay_start_2:
0x274: {  	(tag) =	ssettag $0x2  }
0x275: {  	s0 =	rddreg [dreg:$0x0];
	s2 =	stileid.u32  }
0x276: {  	s1 =	rddreg [dreg:$0x1];
	p0 =	sne.s32 s2, $0x0  }
0x277: {  	s3 =	rddreg [dreg:$0x2];
	[bflag:$0x3] =	sbarrier.arrive $0xFFFF;
	s2 =	simm.s32 @!p0 $0x1C03  }
0x278: {  	[timem:s3], [sflag:s2] =	dma.local @!p0 [hbm:s0], s1  }
0x279: {  	s0 =	simm.s32 @!p0 $0x3  }
0x27a: {  	_ =	swait.ge @!p0 [sflag:s0], s1  }
0x27b: {  	s1 =	ssub.s32 @!p0 $0x0, s1;
	[sflag:s0] =	ssyncset.done @!p0 $0x0  }
0x27c: {  	[sflag:s0] =	ssyncadd.s32 @!p0 s1  }
0x27d: {  	[bflag:$0x3] =	sbarrier.arrive $0xFFFF  }
0x27e: {  	_ =	shalt  }

</sc_bundles>
